<compile_context>
chip_gen: v7x
topology: tpu7x:2x2x1
jax: 0.10.2.dev20260603
libtpu: 0.0.44.dev20260713+nightly
codegen_flags: <defaults>
</compile_context>

<pallas_src>
import functools

import jax
import jax.numpy as jnp
from jax import lax
from jax.experimental import pallas as pl
from jax.experimental.pallas import tpu as pltpu
from jax.experimental.pallas import tpu_sc as plsc

_NC = 2
_NS = 16
_NW = _NC * _NS
_CHUNK = 128
_NBUF = 4
_NPOS = 3
_LANES = 16


def _emb_body(nchunk, bsz, seq_len, dim, ids_hbm, table_hbm, pos_hbm, out_hbm,
              idx_v, buf0, buf1, buf2, buf3, pp0, pp1, pp2, pos_sh,
              gs0, gs1, gs2, gs3, os0, os1, os2, os3, ps0, ps1, ps2):
    c = lax.axis_index("c")
    s = lax.axis_index("s")
    wid = s * _NC + c
    base = wid * nchunk * _CHUNK
    seqs_per_w = (nchunk * _CHUNK) // seq_len
    chunks_per_seq = seq_len // _CHUNK

    pltpu.sync_copy(ids_hbm.at[pl.ds(wid * seqs_per_w, seqs_per_w)], idx_v)

    def idx_slice(cidx):
        return idx_v.at[cidx // chunks_per_seq,
                        pl.ds((cidx % chunks_per_seq) * _CHUNK, _CHUNK)]

    bufs = (buf0, buf1, buf2, buf3)
    gsems = (gs0, gs1, gs2, gs3)
    osems = (os0, os1, os2, os3)
    pbufs = (pp0, pp1, pp2)
    psems = (ps0, ps1, ps2)

    gathers = [None] * _NBUF
    out_copies = [None] * _NBUF
    pos_pulls = [None] * _NPOS

    for c0 in range(min(_NBUF - 1, nchunk)):
        gathers[c0] = pltpu.async_copy(
            table_hbm.at[idx_slice(c0)], bufs[c0], gsems[c0])

    rows_per_stager = seq_len // _NS
    pltpu.sync_copy(pos_hbm.at[pl.ds(s * rows_per_stager, rows_per_stager)],
                    pos_sh.at[pl.ds(s * rows_per_stager, rows_per_stager)])

    plsc.subcore_barrier()

    def start_pos_pull(cidx, q):
        sl = pos_sh.at[pl.ds(((cidx * _CHUNK) % seq_len), _CHUNK)]
        return pltpu.async_copy(sl, pbufs[q], psems[q])

    for c0 in range(min(_NPOS - 1, nchunk)):
        pos_pulls[c0] = start_pos_pull(c0, c0)

    for cidx in range(nchunk):
        p = cidx % _NBUF
        pq = cidx % _NPOS
        buf = bufs[p]
        gathers[p].wait()
        nxt = cidx + _NBUF - 1
        if nxt < nchunk:
            q = nxt % _NBUF
            if out_copies[q] is not None:
                out_copies[q].wait()
                out_copies[q] = None
            gathers[q] = pltpu.async_copy(
                table_hbm.at[idx_slice(nxt)], bufs[q], gsems[q])

        if cidx + _NPOS - 1 < nchunk:
            nq = (cidx + _NPOS - 1) % _NPOS
            pos_pulls[nq] = start_pos_pull(cidx + _NPOS - 1, nq)
        pos_pulls[pq].wait()
        pos_v = pbufs[pq]

        def add_rows(i, carry, buf=buf, pos_v=pos_v):
            for u in range(4):
                r = i * 4 + u
                for d in range(dim // _LANES):
                    v = pos_v[r, pl.ds(d * _LANES, _LANES)]
                    plsc.addupdate(buf.at[r, pl.ds(d * _LANES, _LANES)], v)
            return carry

        lax.fori_loop(0, _CHUNK // 4, add_rows, 0)

        out_copies[p] = pltpu.async_copy(
            buf, out_hbm.at[pl.ds(base + cidx * _CHUNK, _CHUNK)], osems[p])

    for cp in out_copies:
        if cp is not None:
            cp.wait()


def kernel(input_ids, char_table, pos_table):
    bsz, seq_len = input_ids.shape
    vocab, dim = char_table.shape
    total = bsz * seq_len
    rows_per_w = total // _NW
    nchunk = rows_per_w // _CHUNK

    mesh = plsc.VectorSubcoreMesh(core_axis_name="c", subcore_axis_name="s")
    body = functools.partial(_emb_body, nchunk, bsz, seq_len, dim)
    out = pl.kernel(
        body,
        out_type=jax.ShapeDtypeStruct((total, dim), jnp.float32),
        mesh=mesh,
        scratch_types=[
            pltpu.VMEM((total // _NW // seq_len, seq_len), jnp.int32),
            pltpu.VMEM((_CHUNK, dim), jnp.float32),
            pltpu.VMEM((_CHUNK, dim), jnp.float32),
            pltpu.VMEM((_CHUNK, dim), jnp.float32),
            pltpu.VMEM((_CHUNK, dim), jnp.float32),
            pltpu.VMEM((_CHUNK, dim), jnp.float32),
            pltpu.VMEM((_CHUNK, dim), jnp.float32),
            pltpu.VMEM((_CHUNK, dim), jnp.float32),
            pltpu.VMEM_SHARED((seq_len, dim), jnp.float32),
            pltpu.SemaphoreType.DMA,
            pltpu.SemaphoreType.DMA,
            pltpu.SemaphoreType.DMA,
            pltpu.SemaphoreType.DMA,
            pltpu.SemaphoreType.DMA,
            pltpu.SemaphoreType.DMA,
            pltpu.SemaphoreType.DMA,
            pltpu.SemaphoreType.DMA,
            pltpu.SemaphoreType.DMA,
            pltpu.SemaphoreType.DMA,
            pltpu.SemaphoreType.DMA,
        ],
    )(input_ids, char_table, pos_table)
    return out.reshape(bsz, seq_len, dim)

# --- scband reference (transcript-rebuilt; emitter-appended) ---
"""Pipeline reference for scband-embedding-layer-58480274702931 (READ-ONLY COPY).

The authoritative reference and input builder live on the scoring server;
editing this copy changes nothing except your own understanding.
"""

import jax, jax.numpy as jnp
import numpy as np

VOCAB = 100000
DIM = 128
BLOCK = 512
B = 64
S = 512


def _sinusoidal_pos_table():
    pos = np.arange(BLOCK)[:, None].astype(np.float64)
    j = np.arange(DIM)[None, :]
    enc = pos / np.power(10000.0, 2 * (j // 2) / DIM)
    tab = np.zeros((BLOCK, DIM), dtype=np.float32)
    tab[:, 0::2] = np.sin(enc[:, 0::2]).astype(np.float32)
    tab[:, 1::2] = np.cos(enc[:, 1::2]).astype(np.float32)
    return jnp.asarray(tab)


def setup_inputs(seed: int = 0) -> dict:
    key = jax.random.key(seed)
    k1, k2 = jax.random.split(key)
    input_ids = jax.random.randint(k1, (B, S), 0, VOCAB, dtype=jnp.int32)
    char_table = jax.random.normal(k2, (VOCAB, DIM), dtype=jnp.float32) * 0.02
    pos_table = _sinusoidal_pos_table()
    return {"input_ids": input_ids, "char_table": char_table, "pos_table": pos_table}


def reference(input_ids, char_table, pos_table):
    # char embedding lookup (gather)
    char_emb = jnp.take(char_table, input_ids, axis=0)  # [B, S, DIM]
    # position ids: arange(S) broadcast over batch, then pos embedding lookup
    seq_len = input_ids.shape[1]
    pos_emb = pos_table[:seq_len][None, :, :]  # [1, S, DIM] broadcasts over B
    embeddings = char_emb + pos_emb
    # dropout(p=0.2) is identity in eval mode
    return embeddings

if __name__ == "__main__":
    import jax
    _d = setup_inputs()
    print(jax.jit(kernel)(*tuple(_d.values())))

</pallas_src>

<mosaic_0001>
#map = affine_map<(d0, d1) -> (0, 0)>
module attributes {stable_mosaic.version = 14 : i64} {
  func.func @_emb_body(%arg0: i32, %arg1: i32, %arg2: memref<64x512xi32, #tpu.memory_space<hbm>>, %arg3: memref<100000x128xf32, #tpu.memory_space<hbm>>, %arg4: memref<512x128xf32, #tpu.memory_space<hbm>>, %arg5: memref<32768x128xf32, #tpu.memory_space<hbm>>, %arg6: memref<2x512xi32, #tpu.memory_space<vmem>>, %arg7: memref<128x128xf32, #tpu.memory_space<vmem>>, %arg8: memref<128x128xf32, #tpu.memory_space<vmem>>, %arg9: memref<128x128xf32, #tpu.memory_space<vmem>>, %arg10: memref<128x128xf32, #tpu.memory_space<vmem>>, %arg11: memref<128x128xf32, #tpu.memory_space<vmem>>, %arg12: memref<128x128xf32, #tpu.memory_space<vmem>>, %arg13: memref<128x128xf32, #tpu.memory_space<vmem>>, %arg14: memref<512x128xf32, #tpu.memory_space<vmem_shared>>, %arg15: memref<!tpu.dma_semaphore, #tpu.memory_space<semaphore_mem>>, %arg16: memref<!tpu.dma_semaphore, #tpu.memory_space<semaphore_mem>>, %arg17: memref<!tpu.dma_semaphore, #tpu.memory_space<semaphore_mem>>, %arg18: memref<!tpu.dma_semaphore, #tpu.memory_space<semaphore_mem>>, %arg19: memref<!tpu.dma_semaphore, #tpu.memory_space<semaphore_mem>>, %arg20: memref<!tpu.dma_semaphore, #tpu.memory_space<semaphore_mem>>, %arg21: memref<!tpu.dma_semaphore, #tpu.memory_space<semaphore_mem>>, %arg22: memref<!tpu.dma_semaphore, #tpu.memory_space<semaphore_mem>>, %arg23: memref<!tpu.dma_semaphore, #tpu.memory_space<semaphore_mem>>, %arg24: memref<!tpu.dma_semaphore, #tpu.memory_space<semaphore_mem>>, %arg25: memref<!tpu.dma_semaphore, #tpu.memory_space<semaphore_mem>>) attributes {dimension_semantics = [#tpu.dimension_semantics<core_parallel>, #tpu.dimension_semantics<subcore_parallel>], iteration_bounds = array<i64: 2, 16>, scalar_prefetch = 0 : i64, scratch_operands = 20 : i64, tpu.core_type = #tpu.core_type<sc_vector_subcore>, window_params = [{transform_indices = #map}, {transform_indices = #map}, {transform_indices = #map}, {transform_indices = #map}]} {
    %mul3A = arith.constant 2 : i32
    %mul3A_0 = arith.muli %arg1, %mul3A : i32
    %add3A = arith.addi %mul3A_0, %arg0 : i32
    %mul3A_1 = arith.constant 8 : i32
    %mul3A_2 = arith.muli %add3A, %mul3A_1 : i32
    %mul3A_3 = arith.constant 128 : i32
    %mul3A_4 = arith.muli %mul3A_2, %mul3A_3 : i32
    %mul3A_5 = arith.constant 2 : i32
    %mul3A_6 = arith.muli %add3A, %mul3A_5 : i32
    "tpu.region"() ({
      %run_scoped3A = tpu.sem_alloc : memref<!tpu.dma_semaphore, #tpu.memory_space<semaphore_mem>>
      %dma_start3A_344 = arith.constant 0 : i32
      %dma_start3A_345 = tpu.memref_slice %arg2[%mul3A_6, %dma_start3A_344] : memref<64x512xi32, #tpu.memory_space<hbm>> -> memref<2x512xi32, #tpu.memory_space<hbm>>
      %dma_start3A_346 = arith.constant 0 : i32
      %dma_start3A_347 = tpu.memref_slice %arg2[%mul3A_6, %dma_start3A_346] : memref<64x512xi32, #tpu.memory_space<hbm>> -> memref<2x512xi32, #tpu.memory_space<hbm>>
      tpu.enqueue_dma source(%dma_start3A_347 : memref<2x512xi32, #tpu.memory_space<hbm>>) target(%arg6 : memref<2x512xi32, #tpu.memory_space<vmem>>) target_semaphore(%run_scoped3A : memref<!tpu.dma_semaphore, #tpu.memory_space<semaphore_mem>>)
      %dma_wait3A_348 = arith.constant 0 : i32
      %dma_wait3A_349 = tpu.memref_slice %arg2[%mul3A_6, %dma_wait3A_348] : memref<64x512xi32, #tpu.memory_space<hbm>> -> memref<2x512xi32, #tpu.memory_space<hbm>>
      %dma_wait3A_350 = arith.constant 0 : i32
      %dma_wait3A_351 = tpu.memref_slice %arg2[%mul3A_6, %dma_wait3A_350] : memref<64x512xi32, #tpu.memory_space<hbm>> -> memref<2x512xi32, #tpu.memory_space<hbm>>
      tpu.wait_dma2 semaphore(%run_scoped3A : memref<!tpu.dma_semaphore, #tpu.memory_space<semaphore_mem>>) src(%dma_wait3A_351 : memref<2x512xi32, #tpu.memory_space<hbm>>) dst(%arg6 : memref<2x512xi32, #tpu.memory_space<vmem>>)
      tpu.yield
    }) : () -> ()
    %dma_start3A = arith.constant 0 : i32
    %dma_start3A_7 = arith.constant 0 : i32
    %dma_start3A_8 = tpu.memref_slice %arg6[%dma_start3A, %dma_start3A_7] : memref<2x512xi32, #tpu.memory_space<vmem>> -> memref<1x128xi32, #tpu.memory_space<vmem>>
    %dma_start3A_9 = tpu.memref_squeeze %dma_start3A_8 : memref<1x128xi32, #tpu.memory_space<vmem>> -> memref<128xi32, #tpu.memory_space<vmem>>
    %dma_start3A_10 = arith.constant 0 : i32
    %dma_start3A_11 = arith.constant 0 : i32
    %dma_start3A_12 = tpu.memref_slice %arg3[%dma_start3A_10, %dma_start3A_11] : memref<100000x128xf32, #tpu.memory_space<hbm>> -> memref<100000x128xf32, #tpu.memory_space<hbm>>
    tpu.enqueue_indirect_dma source(%dma_start3A_12 : memref<100000x128xf32, #tpu.memory_space<hbm>>) target(%arg7 : memref<128x128xf32, #tpu.memory_space<vmem>>) offsets(%dma_start3A_9 : memref<128xi32, #tpu.memory_space<vmem>>) semaphore(%arg15 : memref<!tpu.dma_semaphore, #tpu.memory_space<semaphore_mem>>)
    %dma_start3A_13 = arith.constant 0 : i32
    %dma_start3A_14 = arith.constant 128 : i32
    %dma_start3A_15 = tpu.memref_slice %arg6[%dma_start3A_13, %dma_start3A_14] : memref<2x512xi32, #tpu.memory_space<vmem>> -> memref<1x128xi32, #tpu.memory_space<vmem>>
    %dma_start3A_16 = tpu.memref_squeeze %dma_start3A_15 : memref<1x128xi32, #tpu.memory_space<vmem>> -> memref<128xi32, #tpu.memory_space<vmem>>
    %dma_start3A_17 = arith.constant 0 : i32
    %dma_start3A_18 = arith.constant 0 : i32
    %dma_start3A_19 = tpu.memref_slice %arg3[%dma_start3A_17, %dma_start3A_18] : memref<100000x128xf32, #tpu.memory_space<hbm>> -> memref<100000x128xf32, #tpu.memory_space<hbm>>
    tpu.enqueue_indirect_dma source(%dma_start3A_19 : memref<100000x128xf32, #tpu.memory_space<hbm>>) target(%arg8 : memref<128x128xf32, #tpu.memory_space<vmem>>) offsets(%dma_start3A_16 : memref<128xi32, #tpu.memory_space<vmem>>) semaphore(%arg16 : memref<!tpu.dma_semaphore, #tpu.memory_space<semaphore_mem>>)
    %dma_start3A_20 = arith.constant 0 : i32
    %dma_start3A_21 = arith.constant 256 : i32
    %dma_start3A_22 = tpu.memref_slice %arg6[%dma_start3A_20, %dma_start3A_21] : memref<2x512xi32, #tpu.memory_space<vmem>> -> memref<1x128xi32, #tpu.memory_space<vmem>>
    %dma_start3A_23 = tpu.memref_squeeze %dma_start3A_22 : memref<1x128xi32, #tpu.memory_space<vmem>> -> memref<128xi32, #tpu.memory_space<vmem>>
    %dma_start3A_24 = arith.constant 0 : i32
    %dma_start3A_25 = arith.constant 0 : i32
    %dma_start3A_26 = tpu.memref_slice %arg3[%dma_start3A_24, %dma_start3A_25] : memref<100000x128xf32, #tpu.memory_space<hbm>> -> memref<100000x128xf32, #tpu.memory_space<hbm>>
    tpu.enqueue_indirect_dma source(%dma_start3A_26 : memref<100000x128xf32, #tpu.memory_space<hbm>>) target(%arg9 : memref<128x128xf32, #tpu.memory_space<vmem>>) offsets(%dma_start3A_23 : memref<128xi32, #tpu.memory_space<vmem>>) semaphore(%arg17 : memref<!tpu.dma_semaphore, #tpu.memory_space<semaphore_mem>>)
    %mul3A_27 = arith.constant 32 : i32
    %mul3A_28 = arith.muli %arg1, %mul3A_27 : i32
    %mul3A_29 = arith.constant 32 : i32
    %mul3A_30 = arith.muli %arg1, %mul3A_29 : i32
    "tpu.region"() ({
      %run_scoped3A = tpu.sem_alloc : memref<!tpu.dma_semaphore, #tpu.memory_space<semaphore_mem>>
      %dma_start3A_344 = arith.constant 0 : i32
      %dma_start3A_345 = tpu.memref_slice %arg14[%mul3A_30, %dma_start3A_344] : memref<512x128xf32, #tpu.memory_space<vmem_shared>> -> memref<32x128xf32, #tpu.memory_space<vmem_shared>>
      %dma_start3A_346 = arith.constant 0 : i32
      %dma_start3A_347 = tpu.memref_slice %arg4[%mul3A_28, %dma_start3A_346] : memref<512x128xf32, #tpu.memory_space<hbm>> -> memref<32x128xf32, #tpu.memory_space<hbm>>
      tpu.enqueue_dma source(%dma_start3A_347 : memref<32x128xf32, #tpu.memory_space<hbm>>) target(%dma_start3A_345 : memref<32x128xf32, #tpu.memory_space<vmem_shared>>) target_semaphore(%run_scoped3A : memref<!tpu.dma_semaphore, #tpu.memory_space<semaphore_mem>>)
      %dma_wait3A_348 = arith.constant 0 : i32
      %dma_wait3A_349 = tpu.memref_slice %arg14[%mul3A_30, %dma_wait3A_348] : memref<512x128xf32, #tpu.memory_space<vmem_shared>> -> memref<32x128xf32, #tpu.memory_space<vmem_shared>>
      %dma_wait3A_350 = arith.constant 0 : i32
      %dma_wait3A_351 = tpu.memref_slice %arg4[%mul3A_28, %dma_wait3A_350] : memref<512x128xf32, #tpu.memory_space<hbm>> -> memref<32x128xf32, #tpu.memory_space<hbm>>
      tpu.wait_dma2 semaphore(%run_scoped3A : memref<!tpu.dma_semaphore, #tpu.memory_space<semaphore_mem>>) src(%dma_wait3A_351 : memref<32x128xf32, #tpu.memory_space<hbm>>) dst(%dma_wait3A_349 : memref<32x128xf32, #tpu.memory_space<vmem_shared>>)
      tpu.yield
    }) : () -> ()
    %barrier3A = arith.constant 0 : index
    tpu.barrier barrier_id(%barrier3A)
    %dma_start3A_31 = arith.constant 0 : i32
    %dma_start3A_32 = arith.constant 0 : i32
    %dma_start3A_33 = tpu.memref_slice %arg14[%dma_start3A_31, %dma_start3A_32] : memref<512x128xf32, #tpu.memory_space<vmem_shared>> -> memref<128x128xf32, #tpu.memory_space<vmem_shared>>
    %dma_start3A_34 = arith.constant 0 : i32
    %dma_start3A_35 = arith.constant 0 : i32
    %dma_start3A_36 = tpu.memref_slice %arg14[%dma_start3A_34, %dma_start3A_35] : memref<512x128xf32, #tpu.memory_space<vmem_shared>> -> memref<128x128xf32, #tpu.memory_space<vmem_shared>>
    tpu.enqueue_dma source(%dma_start3A_36 : memref<128x128xf32, #tpu.memory_space<vmem_shared>>) target(%arg11 : memref<128x128xf32, #tpu.memory_space<vmem>>) target_semaphore(%arg23 : memref<!tpu.dma_semaphore, #tpu.memory_space<semaphore_mem>>)
    %dma_start3A_37 = arith.constant 128 : i32
    %dma_start3A_38 = arith.constant 0 : i32
    %dma_start3A_39 = tpu.memref_slice %arg14[%dma_start3A_37, %dma_start3A_38] : memref<512x128xf32, #tpu.memory_space<vmem_shared>> -> memref<128x128xf32, #tpu.memory_space<vmem_shared>>
    %dma_start3A_40 = arith.constant 128 : i32
    %dma_start3A_41 = arith.constant 0 : i32
    %dma_start3A_42 = tpu.memref_slice %arg14[%dma_start3A_40, %dma_start3A_41] : memref<512x128xf32, #tpu.memory_space<vmem_shared>> -> memref<128x128xf32, #tpu.memory_space<vmem_shared>>
    tpu.enqueue_dma source(%dma_start3A_42 : memref<128x128xf32, #tpu.memory_space<vmem_shared>>) target(%arg12 : memref<128x128xf32, #tpu.memory_space<vmem>>) target_semaphore(%arg24 : memref<!tpu.dma_semaphore, #tpu.memory_space<semaphore_mem>>)
    %dma_wait3A = arith.constant 0 : i32
    %dma_wait3A_43 = arith.constant 0 : i32
    %dma_wait3A_44 = tpu.memref_slice %arg6[%dma_wait3A, %dma_wait3A_43] : memref<2x512xi32, #tpu.memory_space<vmem>> -> memref<1x128xi32, #tpu.memory_space<vmem>>
    %dma_wait3A_45 = tpu.memref_squeeze %dma_wait3A_44 : memref<1x128xi32, #tpu.memory_space<vmem>> -> memref<128xi32, #tpu.memory_space<vmem>>
    %dma_wait3A_46 = arith.constant 0 : i32
    %dma_wait3A_47 = arith.constant 0 : i32
    %dma_wait3A_48 = tpu.memref_slice %arg3[%dma_wait3A_46, %dma_wait3A_47] : memref<100000x128xf32, #tpu.memory_space<hbm>> -> memref<100000x128xf32, #tpu.memory_space<hbm>>
    tpu.wait_indirect_dma semaphore(%arg15 : memref<!tpu.dma_semaphore, #tpu.memory_space<semaphore_mem>>) src(%dma_wait3A_48 : memref<100000x128xf32, #tpu.memory_space<hbm>>) dst(%arg7 : memref<128x128xf32, #tpu.memory_space<vmem>>)
    %dma_start3A_49 = arith.constant 0 : i32
    %dma_start3A_50 = arith.constant 384 : i32
    %dma_start3A_51 = tpu.memref_slice %arg6[%dma_start3A_49, %dma_start3A_50] : memref<2x512xi32, #tpu.memory_space<vmem>> -> memref<1x128xi32, #tpu.memory_space<vmem>>
    %dma_start3A_52 = tpu.memref_squeeze %dma_start3A_51 : memref<1x128xi32, #tpu.memory_space<vmem>> -> memref<128xi32, #tpu.memory_space<vmem>>
    %dma_start3A_53 = arith.constant 0 : i32
    %dma_start3A_54 = arith.constant 0 : i32
    %dma_start3A_55 = tpu.memref_slice %arg3[%dma_start3A_53, %dma_start3A_54] : memref<100000x128xf32, #tpu.memory_space<hbm>> -> memref<100000x128xf32, #tpu.memory_space<hbm>>
    tpu.enqueue_indirect_dma source(%dma_start3A_55 : memref<100000x128xf32, #tpu.memory_space<hbm>>) target(%arg10 : memref<128x128xf32, #tpu.memory_space<vmem>>) offsets(%dma_start3A_52 : memref<128xi32, #tpu.memory_space<vmem>>) semaphore(%arg18 : memref<!tpu.dma_semaphore, #tpu.memory_space<semaphore_mem>>)
    %dma_start3A_56 = arith.constant 256 : i32
    %dma_start3A_57 = arith.constant 0 : i32
    %dma_start3A_58 = tpu.memref_slice %arg14[%dma_start3A_56, %dma_start3A_57] : memref<512x128xf32, #tpu.memory_space<vmem_shared>> -> memref<128x128xf32, #tpu.memory_space<vmem_shared>>
    %dma_start3A_59 = arith.constant 256 : i32
    %dma_start3A_60 = arith.constant 0 : i32
    %dma_start3A_61 = tpu.memref_slice %arg14[%dma_start3A_59, %dma_start3A_60] : memref<512x128xf32, #tpu.memory_space<vmem_shared>> -> memref<128x128xf32, #tpu.memory_space<vmem_shared>>
    tpu.enqueue_dma source(%dma_start3A_61 : memref<128x128xf32, #tpu.memory_space<vmem_shared>>) target(%arg13 : memref<128x128xf32, #tpu.memory_space<vmem>>) target_semaphore(%arg25 : memref<!tpu.dma_semaphore, #tpu.memory_space<semaphore_mem>>)
    %dma_wait3A_62 = arith.constant 0 : i32
    %dma_wait3A_63 = arith.constant 0 : i32
    %dma_wait3A_64 = tpu.memref_slice %arg14[%dma_wait3A_62, %dma_wait3A_63] : memref<512x128xf32, #tpu.memory_space<vmem_shared>> -> memref<128x128xf32, #tpu.memory_space<vmem_shared>>
    %dma_wait3A_65 = arith.constant 0 : i32
    %dma_wait3A_66 = arith.constant 0 : i32
    %dma_wait3A_67 = tpu.memref_slice %arg14[%dma_wait3A_65, %dma_wait3A_66] : memref<512x128xf32, #tpu.memory_space<vmem_shared>> -> memref<128x128xf32, #tpu.memory_space<vmem_shared>>
    tpu.wait_dma2 semaphore(%arg23 : memref<!tpu.dma_semaphore, #tpu.memory_space<semaphore_mem>>) src(%dma_wait3A_67 : memref<128x128xf32, #tpu.memory_space<vmem_shared>>) dst(%arg11 : memref<128x128xf32, #tpu.memory_space<vmem>>)
    %scan3A = arith.constant 0 : i32
    %scan3A_68 = arith.constant 0 : i32
    %scan3A_69 = arith.constant 32 : i32
    %scan3A_70 = arith.addi %scan3A_68, %scan3A_69 : i32
    %scan3A_71 = arith.constant 1 : i32
    scf.for %scan3A_344 = %scan3A_68 to %scan3A_70 step %scan3A_71  : i32 {
      %mul3A_345 = arith.constant 4 : i32
      %mul3A_346 = arith.muli %scan3A_344, %mul3A_345 : i32
      %add3A_347 = arith.constant 0 : i32
      %add3A_348 = arith.addi %mul3A_346, %add3A_347 : i32
      %get3A = arith.index_cast %add3A_348 : i32 to index
      %get3A_349 = arith.constant 0 : index
      %get3A_350 = tpu.vector_load %arg11[%get3A, %get3A_349] {strides = array<i32>} : memref<128x128xf32, #tpu.memory_space<vmem>>, vector<1x16xf32>,
      %get3A_351 = vector.shape_cast %get3A_350 : vector<1x16xf32> to vector<16xf32>
      %swap3A = arith.index_cast %add3A_348 : i32 to index
      %swap3A_352 = arith.constant 0 : index
      %swap3A_353 = tpu.vector_load %arg7[%swap3A, %swap3A_352] {strides = array<i32>} : memref<128x128xf32, #tpu.memory_space<vmem>>, vector<1x16xf32>,
      %swap3A_354 = vector.shape_cast %swap3A_353 : vector<1x16xf32> to vector<16xf32>
      %swap3A_355 = vector.shape_cast %get3A_351 : vector<16xf32> to vector<1x16xf32>
      tpu.vector_store %arg7[%swap3A, %swap3A_352], %swap3A_355 {add = true, strides = array<i32>} : memref<128x128xf32, #tpu.memory_space<vmem>>, vector<1x16xf32>,
      %get3A_356 = arith.index_cast %add3A_348 : i32 to index
      %get3A_357 = arith.constant 16 : index
      %get3A_358 = tpu.vector_load %arg11[%get3A_356, %get3A_357] {strides = array<i32>} : memref<128x128xf32, #tpu.memory_space<vmem>>, vector<1x16xf32>,
      %get3A_359 = vector.shape_cast %get3A_358 : vector<1x16xf32> to vector<16xf32>
      %swap3A_360 = arith.index_cast %add3A_348 : i32 to index
      %swap3A_361 = arith.constant 16 : index
      %swap3A_362 = tpu.vector_load %arg7[%swap3A_360, %swap3A_361] {strides = array<i32>} : memref<128x128xf32, #tpu.memory_space<vmem>>, vector<1x16xf32>,
      %swap3A_363 = vector.shape_cast %swap3A_362 : vector<1x16xf32> to vector<16xf32>
      %swap3A_364 = vector.shape_cast %get3A_359 : vector<16xf32> to vector<1x16xf32>
      tpu.vector_store %arg7[%swap3A_360, %swap3A_361], %swap3A_364 {add = true, strides = array<i32>} : memref<128x128xf32, #tpu.memory_space<vmem>>, vector<1x16xf32>,
      %get3A_365 = arith.index_cast %add3A_348 : i32 to index
      %get3A_366 = arith.constant 32 : index
      %get3A_367 = tpu.vector_load %arg11[%get3A_365, %get3A_366] {strides = array<i32>} : memref<128x128xf32, #tpu.memory_space<vmem>>, vector<1x16xf32>,
      %get3A_368 = vector.shape_cast %get3A_367 : vector<1x16xf32> to vector<16xf32>
      %swap3A_369 = arith.index_cast %add3A_348 : i32 to index
      %swap3A_370 = arith.constant 32 : index
      %swap3A_371 = tpu.vector_load %arg7[%swap3A_369, %swap3A_370] {strides = array<i32>} : memref<128x128xf32, #tpu.memory_space<vmem>>, vector<1x16xf32>,
      %swap3A_372 = vector.shape_cast %swap3A_371 : vector<1x16xf32> to vector<16xf32>
      %swap3A_373 = vector.shape_cast %get3A_368 : vector<16xf32> to vector<1x16xf32>
      tpu.vector_store %arg7[%swap3A_369, %swap3A_370], %swap3A_373 {add = true, strides = array<i32>} : memref<128x128xf32, #tpu.memory_space<vmem>>, vector<1x16xf32>,
      %get3A_374 = arith.index_cast %add3A_348 : i32 to index
      %get3A_375 = arith.constant 48 : index
      %get3A_376 = tpu.vector_load %arg11[%get3A_374, %get3A_375] {strides = array<i32>} : memref<128x128xf32, #tpu.memory_space<vmem>>, vector<1x16xf32>,
      %get3A_377 = vector.shape_cast %get3A_376 : vector<1x16xf32> to vector<16xf32>
      %swap3A_378 = arith.index_cast %add3A_348 : i32 to index
      %swap3A_379 = arith.constant 48 : index
      %swap3A_380 = tpu.vector_load %arg7[%swap3A_378, %swap3A_379] {strides = array<i32>} : memref<128x128xf32, #tpu.memory_space<vmem>>, vector<1x16xf32>,
      %swap3A_381 = vector.shape_cast %swap3A_380 : vector<1x16xf32> to vector<16xf32>
      %swap3A_382 = vector.shape_cast %get3A_377 : vector<16xf32> to vector<1x16xf32>
      tpu.vector_store %arg7[%swap3A_378, %swap3A_379], %swap3A_382 {add = true, strides = array<i32>} : memref<128x128xf32, #tpu.memory_space<vmem>>, vector<1x16xf32>,
      %get3A_383 = arith.index_cast %add3A_348 : i32 to index
      %get3A_384 = arith.constant 64 : index
      %get3A_385 = tpu.vector_load %arg11[%get3A_383, %get3A_384] {strides = array<i32>} : memref<128x128xf32, #tpu.memory_space<vmem>>, vector<1x16xf32>,
      %get3A_386 = vector.shape_cast %get3A_385 : vector<1x16xf32> to vector<16xf32>
      %swap3A_387 = arith.index_cast %add3A_348 : i32 to index
      %swap3A_388 = arith.constant 64 : index
      %swap3A_389 = tpu.vector_load %arg7[%swap3A_387, %swap3A_388] {strides = array<i32>} : memref<128x128xf32, #tpu.memory_space<vmem>>, vector<1x16xf32>,
      %swap3A_390 = vector.shape_cast %swap3A_389 : vector<1x16xf32> to vector<16xf32>
      %swap3A_391 = vector.shape_cast %get3A_386 : vector<16xf32> to vector<1x16xf32>
      tpu.vector_store %arg7[%swap3A_387, %swap3A_388], %swap3A_391 {add = true, strides = array<i32>} : memref<128x128xf32, #tpu.memory_space<vmem>>, vector<1x16xf32>,
      %get3A_392 = arith.index_cast %add3A_348 : i32 to index
      %get3A_393 = arith.constant 80 : index
      %get3A_394 = tpu.vector_load %arg11[%get3A_392, %get3A_393] {strides = array<i32>} : memref<128x128xf32, #tpu.memory_space<vmem>>, vector<1x16xf32>,
      %get3A_395 = vector.shape_cast %get3A_394 : vector<1x16xf32> to vector<16xf32>
      %swap3A_396 = arith.index_cast %add3A_348 : i32 to index
      %swap3A_397 = arith.constant 80 : index
      %swap3A_398 = tpu.vector_load %arg7[%swap3A_396, %swap3A_397] {strides = array<i32>} : memref<128x128xf32, #tpu.memory_space<vmem>>, vector<1x16xf32>,
      %swap3A_399 = vector.shape_cast %swap3A_398 : vector<1x16xf32> to vector<16xf32>
      %swap3A_400 = vector.shape_cast %get3A_395 : vector<16xf32> to vector<1x16xf32>
      tpu.vector_store %arg7[%swap3A_396, %swap3A_397], %swap3A_400 {add = true, strides = array<i32>} : memref<128x128xf32, #tpu.memory_space<vmem>>, vector<1x16xf32>,
      %get3A_401 = arith.index_cast %add3A_348 : i32 to index
      %get3A_402 = arith.constant 96 : index
      %get3A_403 = tpu.vector_load %arg11[%get3A_401, %get3A_402] {strides = array<i32>} : memref<128x128xf32, #tpu.memory_space<vmem>>, vector<1x16xf32>,
      %get3A_404 = vector.shape_cast %get3A_403 : vector<1x16xf32> to vector<16xf32>
      %swap3A_405 = arith.index_cast %add3A_348 : i32 to index
      %swap3A_406 = arith.constant 96 : index
      %swap3A_407 = tpu.vector_load %arg7[%swap3A_405, %swap3A_406] {strides = array<i32>} : memref<128x128xf32, #tpu.memory_space<vmem>>, vector<1x16xf32>,
      %swap3A_408 = vector.shape_cast %swap3A_407 : vector<1x16xf32> to vector<16xf32>
      %swap3A_409 = vector.shape_cast %get3A_404 : vector<16xf32> to vector<1x16xf32>
      tpu.vector_store %arg7[%swap3A_405, %swap3A_406], %swap3A_409 {add = true, strides = array<i32>} : memref<128x128xf32, #tpu.memory_space<vmem>>, vector<1x16xf32>,
      %get3A_410 = arith.index_cast %add3A_348 : i32 to index
      %get3A_411 = arith.constant 112 : index
      %get3A_412 = tpu.vector_load %arg11[%get3A_410, %get3A_411] {strides = array<i32>} : memref<128x128xf32, #tpu.memory_space<vmem>>, vector<1x16xf32>,
      %get3A_413 = vector.shape_cast %get3A_412 : vector<1x16xf32> to vector<16xf32>
      %swap3A_414 = arith.index_cast %add3A_348 : i32 to index
      %swap3A_415 = arith.constant 112 : index
      %swap3A_416 = tpu.vector_load %arg7[%swap3A_414, %swap3A_415] {strides = array<i32>} : memref<128x128xf32, #tpu.memory_space<vmem>>, vector<1x16xf32>,
      %swap3A_417 = vector.shape_cast %swap3A_416 : vector<1x16xf32> to vector<16xf32>
      %swap3A_418 = vector.shape_cast %get3A_413 : vector<16xf32> to vector<1x16xf32>
      tpu.vector_store %arg7[%swap3A_414, %swap3A_415], %swap3A_418 {add = true, strides = array<i32>} : memref<128x128xf32, #tpu.memory_space<vmem>>, vector<1x16xf32>,
      %mul3A_419 = arith.constant 4 : i32
      %mul3A_420 = arith.muli %scan3A_344, %mul3A_419 : i32
      %add3A_421 = arith.constant 1 : i32
      %add3A_422 = arith.addi %mul3A_420, %add3A_421 : i32
      %get3A_423 = arith.index_cast %add3A_422 : i32 to index
      %get3A_424 = arith.constant 0 : index
      %get3A_425 = tpu.vector_load %arg11[%get3A_423, %get3A_424] {strides = array<i32>} : memref<128x128xf32, #tpu.memory_space<vmem>>, vector<1x16xf32>,
      %get3A_426 = vector.shape_cast %get3A_425 : vector<1x16xf32> to vector<16xf32>
      %swap3A_427 = arith.index_cast %add3A_422 : i32 to index
      %swap3A_428 = arith.constant 0 : index
      %swap3A_429 = tpu.vector_load %arg7[%swap3A_427, %swap3A_428] {strides = array<i32>} : memref<128x128xf32, #tpu.memory_space<vmem>>, vector<1x16xf32>,
      %swap3A_430 = vector.shape_cast %swap3A_429 : vector<1x16xf32> to vector<16xf32>
      %swap3A_431 = vector.shape_cast %get3A_426 : vector<16xf32> to vector<1x16xf32>
      tpu.vector_store %arg7[%swap3A_427, %swap3A_428], %swap3A_431 {add = true, strides = array<i32>} : memref<128x128xf32, #tpu.memory_space<vmem>>, vector<1x16xf32>,
      %get3A_432 = arith.index_cast %add3A_422 : i32 to index
      %get3A_433 = arith.constant 16 : index
      %get3A_434 = tpu.vector_load %arg11[%get3A_432, %get3A_433] {strides = array<i32>} : memref<128x128xf32, #tpu.memory_space<vmem>>, vector<1x16xf32>,
      %get3A_435 = vector.shape_cast %get3A_434 : vector<1x16xf32> to vector<16xf32>
      %swap3A_436 = arith.index_cast %add3A_422 : i32 to index
      %swap3A_437 = arith.constant 16 : index
      %swap3A_438 = tpu.vector_load %arg7[%swap3A_436, %swap3A_437] {strides = array<i32>} : memref<128x128xf32, #tpu.memory_space<vmem>>, vector<1x16xf32>,
      %swap3A_439 = vector.shape_cast %swap3A_438 : vector<1x16xf32> to vector<16xf32>
      %swap3A_440 = vector.shape_cast %get3A_435 : vector<16xf32> to vector<1x16xf32>
      tpu.vector_store %arg7[%swap3A_436, %swap3A_437], %swap3A_440 {add = true, strides = array<i32>} : memref<128x128xf32, #tpu.memory_space<vmem>>, vector<1x16xf32>,
      %get3A_441 = arith.index_cast %add3A_422 : i32 to index
      %get3A_442 = arith.constant 32 : index
      %get3A_443 = tpu.vector_load %arg11[%get3A_441, %get3A_442] {strides = array<i32>} : memref<128x128xf32, #tpu.memory_space<vmem>>, vector<1x16xf32>,
      %get3A_444 = vector.shape_cast %get3A_443 : vector<1x16xf32> to vector<16xf32>
      %swap3A_445 = arith.index_cast %add3A_422 : i32 to index
      %swap3A_446 = arith.constant 32 : index
      %swap3A_447 = tpu.vector_load %arg7[%swap3A_445, %swap3A_446] {strides = array<i32>} : memref<128x128xf32, #tpu.memory_space<vmem>>, vector<1x16xf32>,
      %swap3A_448 = vector.shape_cast %swap3A_447 : vector<1x16xf32> to vector<16xf32>
      %swap3A_449 = vector.shape_cast %get3A_444 : vector<16xf32> to vector<1x16xf32>
      tpu.vector_store %arg7[%swap3A_445, %swap3A_446], %swap3A_449 {add = true, strides = array<i32>} : memref<128x128xf32, #tpu.memory_space<vmem>>, vector<1x16xf32>,
      %get3A_450 = arith.index_cast %add3A_422 : i32 to index
      %get3A_451 = arith.constant 48 : index
      %get3A_452 = tpu.vector_load %arg11[%get3A_450, %get3A_451] {strides = array<i32>} : memref<128x128xf32, #tpu.memory_space<vmem>>, vector<1x16xf32>,
      %get3A_453 = vector.shape_cast %get3A_452 : vector<1x16xf32> to vector<16xf32>
      %swap3A_454 = arith.index_cast %add3A_422 : i32 to index
      %swap3A_455 = arith.constant 48 : index
      %swap3A_456 = tpu.vector_load %arg7[%swap3A_454, %swap3A_455] {strides = array<i32>} : memref<128x128xf32, #tpu.memory_space<vmem>>, vector<1x16xf32>,
      %swap3A_457 = vector.shape_cast %swap3A_456 : vector<1x16xf32> to vector<16xf32>
      %swap3A_458 = vector.shape_cast %get3A_453 : vector<16xf32> to vector<1x16xf32>
      tpu.vector_store %arg7[%swap3A_454, %swap3A_455], %swap3A_458 {add = true, strides = array<i32>} : memref<128x128xf32, #tpu.memory_space<vmem>>, vector<1x16xf32>,
      %get3A_459 = arith.index_cast %add3A_422 : i32 to index
      %get3A_460 = arith.constant 64 : index
      %get3A_461 = tpu.vector_load %arg11[%get3A_459, %get3A_460] {strides = array<i32>} : memref<128x128xf32, #tpu.memory_space<vmem>>, vector<1x16xf32>,
      %get3A_462 = vector.shape_cast %get3A_461 : vector<1x16xf32> to vector<16xf32>
      %swap3A_463 = arith.index_cast %add3A_422 : i32 to index
      %swap3A_464 = arith.constant 64 : index
      %swap3A_465 = tpu.vector_load %arg7[%swap3A_463, %swap3A_464] {strides = array<i32>} : memref<128x128xf32, #tpu.memory_space<vmem>>, vector<1x16xf32>,
      %swap3A_466 = vector.shape_cast %swap3A_465 : vector<1x16xf32> to vector<16xf32>
      %swap3A_467 = vector.shape_cast %get3A_462 : vector<16xf32> to vector<1x16xf32>
      tpu.vector_store %arg7[%swap3A_463, %swap3A_464], %swap3A_467 {add = true, strides = array<i32>} : memref<128x128xf32, #tpu.memory_space<vmem>>, vector<1x16xf32>,
      %get3A_468 = arith.index_cast %add3A_422 : i32 to index
      %get3A_469 = arith.constant 80 : index
      %get3A_470 = tpu.vector_load %arg11[%get3A_468, %get3A_469] {strides = array<i32>} : memref<128x128xf32, #tpu.memory_space<vmem>>, vector<1x16xf32>,
      %get3A_471 = vector.shape_cast %get3A_470 : vector<1x16xf32> to vector<16xf32>
      %swap3A_472 = arith.index_cast %add3A_422 : i32 to index
      %swap3A_473 = arith.constant 80 : index
      %swap3A_474 = tpu.vector_load %arg7[%swap3A_472, %swap3A_473] {strides = array<i32>} : memref<128x128xf32, #tpu.memory_space<vmem>>, vector<1x16xf32>,
      %swap3A_475 = vector.shape_cast %swap3A_474 : vector<1x16xf32> to vector<16xf32>
      %swap3A_476 = vector.shape_cast %get3A_471 : vector<16xf32> to vector<1x16xf32>
      tpu.vector_store %arg7[%swap3A_472, %swap3A_473], %swap3A_476 {add = true, strides = array<i32>} : memref<128x128xf32, #tpu.memory_space<vmem>>, vector<1x16xf32>,
      %get3A_477 = arith.index_cast %add3A_422 : i32 to index
      %get3A_478 = arith.constant 96 : index
      %get3A_479 = tpu.vector_load %arg11[%get3A_477, %get3A_478] {strides = array<i32>} : memref<128x128xf32, #tpu.memory_space<vmem>>, vector<1x16xf32>,
      %get3A_480 = vector.shape_cast %get3A_479 : vector<1x16xf32> to vector<16xf32>
      %swap3A_481 = arith.index_cast %add3A_422 : i32 to index
      %swap3A_482 = arith.constant 96 : index
      %swap3A_483 = tpu.vector_load %arg7[%swap3A_481, %swap3A_482] {strides = array<i32>} : memref<128x128xf32, #tpu.memory_space<vmem>>, vector<1x16xf32>,
      %swap3A_484 = vector.shape_cast %swap3A_483 : vector<1x16xf32> to vector<16xf32>
      %swap3A_485 = vector.shape_cast %get3A_480 : vector<16xf32> to vector<1x16xf32>
      tpu.vector_store %arg7[%swap3A_481, %swap3A_482], %swap3A_485 {add = true, strides = array<i32>} : memref<128x128xf32, #tpu.memory_space<vmem>>, vector<1x16xf32>,
      %get3A_486 = arith.index_cast %add3A_422 : i32 to index
      %get3A_487 = arith.constant 112 : index
      %get3A_488 = tpu.vector_load %arg11[%get3A_486, %get3A_487] {strides = array<i32>} : memref<128x128xf32, #tpu.memory_space<vmem>>, vector<1x16xf32>,
      %get3A_489 = vector.shape_cast %get3A_488 : vector<1x16xf32> to vector<16xf32>
      %swap3A_490 = arith.index_cast %add3A_422 : i32 to index
      %swap3A_491 = arith.constant 112 : index
      %swap3A_492 = tpu.vector_load %arg7[%swap3A_490, %swap3A_491] {strides = array<i32>} : memref<128x128xf32, #tpu.memory_space<vmem>>, vector<1x16xf32>,
      %swap3A_493 = vector.shape_cast %swap3A_492 : vector<1x16xf32> to vector<16xf32>
      %swap3A_494 = vector.shape_cast %get3A_489 : vector<16xf32> to vector<1x16xf32>
      tpu.vector_store %arg7[%swap3A_490, %swap3A_491], %swap3A_494 {add = true, strides = array<i32>} : memref<128x128xf32, #tpu.memory_space<vmem>>, vector<1x16xf32>,
      %mul3A_495 = arith.constant 4 : i32
      %mul3A_496 = arith.muli %scan3A_344, %mul3A_495 : i32
      %add3A_497 = arith.constant 2 : i32
      %add3A_498 = arith.addi %mul3A_496, %add3A_497 : i32
      %get3A_499 = arith.index_cast %add3A_498 : i32 to index
      %get3A_500 = arith.constant 0 : index
      %get3A_501 = tpu.vector_load %arg11[%get3A_499, %get3A_500] {strides = array<i32>} : memref<128x128xf32, #tpu.memory_space<vmem>>, vector<1x16xf32>,
      %get3A_502 = vector.shape_cast %get3A_501 : vector<1x16xf32> to vector<16xf32>
      %swap3A_503 = arith.index_cast %add3A_498 : i32 to index
      %swap3A_504 = arith.constant 0 : index
      %swap3A_505 = tpu.vector_load %arg7[%swap3A_503, %swap3A_504] {strides = array<i32>} : memref<128x128xf32, #tpu.memory_space<vmem>>, vector<1x16xf32>,
      %swap3A_506 = vector.shape_cast %swap3A_505 : vector<1x16xf32> to vector<16xf32>
      %swap3A_507 = vector.shape_cast %get3A_502 : vector<16xf32> to vector<1x16xf32>
      tpu.vector_store %arg7[%swap3A_503, %swap3A_504], %swap3A_507 {add = true, strides = array<i32>} : memref<128x128xf32, #tpu.memory_space<vmem>>, vector<1x16xf32>,
      %get3A_508 = arith.index_cast %add3A_498 : i32 to index
      %get3A_509 = arith.constant 16 : index
      %get3A_510 = tpu.vector_load %arg11[%get3A_508, %get3A_509] {strides = array<i32>} : memref<128x128xf32, #tpu.memory_space<vmem>>, vector<1x16xf32>,
      %get3A_511 = vector.shape_cast %get3A_510 : vector<1x16xf32> to vector<16xf32>
      %swap3A_512 = arith.index_cast %add3A_498 : i32 to index
      %swap3A_513 = arith.constant 16 : index
      %swap3A_514 = tpu.vector_load %arg7[%swap3A_512, %swap3A_513] {strides = array<i32>} : memref<128x128xf32, #tpu.memory_space<vmem>>, vector<1x16xf32>,
      %swap3A_515 = vector.shape_cast %swap3A_514 : vector<1x16xf32> to vector<16xf32>
      %swap3A_516 = vector.shape_cast %get3A_511 : vector<16xf32> to vector<1x16xf32>
      tpu.vector_store %arg7[%swap3A_512, %swap3A_513], %swap3A_516 {add = true, strides = array<i32>} : memref<128x128xf32, #tpu.memory_space<vmem>>, vector<1x16xf32>,
      %get3A_517 = arith.index_cast %add3A_498 : i32 to index
      %get3A_518 = arith.constant 32 : index
      %get3A_519 = tpu.vector_load %arg11[%get3A_517, %get3A_518] {strides = array<i32>} : memref<128x128xf32, #tpu.memory_space<vmem>>, vector<1x16xf32>,
      %get3A_520 = vector.shape_cast %get3A_519 : vector<1x16xf32> to vector<16xf32>
      %swap3A_521 = arith.index_cast %add3A_498 : i32 to index
      %swap3A_522 = arith.constant 32 : index
      %swap3A_523 = tpu.vector_load %arg7[%swap3A_521, %swap3A_522] {strides = array<i32>} : memref<128x128xf32, #tpu.memory_space<vmem>>, vector<1x16xf32>,
      %swap3A_524 = vector.shape_cast %swap3A_523 : vector<1x16xf32> to vector<16xf32>
      %swap3A_525 = vector.shape_cast %get3A_520 : vector<16xf32> to vector<1x16xf32>
      tpu.vector_store %arg7[%swap3A_521, %swap3A_522], %swap3A_525 {add = true, strides = array<i32>} : memref<128x128xf32, #tpu.memory_space<vmem>>, vector<1x16xf32>,
      %get3A_526 = arith.index_cast %add3A_498 : i32 to index
      %get3A_527 = arith.constant 48 : index
      %get3A_528 = tpu.vector_load %arg11[%get3A_526, %get3A_527] {strides = array<i32>} : memref<128x128xf32, #tpu.memory_space<vmem>>, vector<1x16xf32>,
      %get3A_529 = vector.shape_cast %get3A_528 : vector<1x16xf32> to vector<16xf32>
      %swap3A_530 = arith.index_cast %add3A_498 : i32 to index
      %swap3A_531 = arith.constant 48 : index
      %swap3A_532 = tpu.vector_load %arg7[%swap3A_530, %swap3A_531] {strides = array<i32>} : memref<128x128xf32, #tpu.memory_space<vmem>>, vector<1x16xf32>,
      %swap3A_533 = vector.shape_cast %swap3A_532 : vector<1x16xf32> to vector<16xf32>
      %swap3A_534 = vector.shape_cast %get3A_529 : vector<16xf32> to vector<1x16xf32>
      tpu.vector_store %arg7[%swap3A_530, %swap3A_531], %swap3A_534 {add = true, strides = array<i32>} : memref<128x128xf32, #tpu.memory_space<vmem>>, vector<1x16xf32>,
      %get3A_535 = arith.index_cast %add3A_498 : i32 to index
      %get3A_536 = arith.constant 64 : index
      %get3A_537 = tpu.vector_load %arg11[%get3A_535, %get3A_536] {strides = array<i32>} : memref<128x128xf32, #tpu.memory_space<vmem>>, vector<1x16xf32>,
      %get3A_538 = vector.shape_cast %get3A_537 : vector<1x16xf32> to vector<16xf32>
      %swap3A_539 = arith.index_cast %add3A_498 : i32 to index
      %swap3A_540 = arith.constant 64 : index
      %swap3A_541 = tpu.vector_load %arg7[%swap3A_539, %swap3A_540] {strides = array<i32>} : memref<128x128xf32, #tpu.memory_space<vmem>>, vector<1x16xf32>,
      %swap3A_542 = vector.shape_cast %swap3A_541 : vector<1x16xf32> to vector<16xf32>
      %swap3A_543 = vector.shape_cast %get3A_538 : vector<16xf32> to vector<1x16xf32>
      tpu.vector_store %arg7[%swap3A_539, %swap3A_540], %swap3A_543 {add = true, strides = array<i32>} : memref<128x128xf32, #tpu.memory_space<vmem>>, vector<1x16xf32>,
      %get3A_544 = arith.index_cast %add3A_498 : i32 to index
      %get3A_545 = arith.constant 80 : index
      %get3A_546 = tpu.vector_load %arg11[%get3A_544, %get3A_545] {strides = array<i32>} : memref<128x128xf32, #tpu.memory_space<vmem>>, vector<1x16xf32>,
      %get3A_547 = vector.shape_cast %get3A_546 : vector<1x16xf32> to vector<16xf32>
      %swap3A_548 = arith.index_cast %add3A_498 : i32 to index
      %swap3A_549 = arith.constant 80 : index
      %swap3A_550 = tpu.vector_load %arg7[%swap3A_548, %swap3A_549] {strides = array<i32>} : memref<128x128xf32, #tpu.memory_space<vmem>>, vector<1x16xf32>,
      %swap3A_551 = vector.shape_cast %swap3A_550 : vector<1x16xf32> to vector<16xf32>
      %swap3A_552 = vector.shape_cast %get3A_547 : vector<16xf32> to vector<1x16xf32>
      tpu.vector_store %arg7[%swap3A_548, %swap3A_549], %swap3A_552 {add = true, strides = array<i32>} : memref<128x128xf32, #tpu.memory_space<vmem>>, vector<1x16xf32>,
      %get3A_553 = arith.index_cast %add3A_498 : i32 to index
      %get3A_554 = arith.constant 96 : index
      %get3A_555 = tpu.vector_load %arg11[%get3A_553, %get3A_554] {strides = array<i32>} : memref<128x128xf32, #tpu.memory_space<vmem>>, vector<1x16xf32>,
      %get3A_556 = vector.shape_cast %get3A_555 : vector<1x16xf32> to vector<16xf32>
      %swap3A_557 = arith.index_cast %add3A_498 : i32 to index
      %swap3A_558 = arith.constant 96 : index
      %swap3A_559 = tpu.vector_load %arg7[%swap3A_557, %swap3A_558] {strides = array<i32>} : memref<128x128xf32, #tpu.memory_space<vmem>>, vector<1x16xf32>,
      %swap3A_560 = vector.shape_cast %swap3A_559 : vector<1x16xf32> to vector<16xf32>
      %swap3A_561 = vector.shape_cast %get3A_556 : vector<16xf32> to vector<1x16xf32>
      tpu.vector_store %arg7[%swap3A_557, %swap3A_558], %swap3A_561 {add = true, strides = array<i32>} : memref<128x128xf32, #tpu.memory_space<vmem>>, vector<1x16xf32>,
      %get3A_562 = arith.index_cast %add3A_498 : i32 to index
      %get3A_563 = arith.constant 112 : index
      %get3A_564 = tpu.vector_load %arg11[%get3A_562, %get3A_563] {strides = array<i32>} : memref<128x128xf32, #tpu.memory_space<vmem>>, vector<1x16xf32>,
      %get3A_565 = vector.shape_cast %get3A_564 : vector<1x16xf32> to vector<16xf32>
      %swap3A_566 = arith.index_cast %add3A_498 : i32 to index
      %swap3A_567 = arith.constant 112 : index
      %swap3A_568 = tpu.vector_load %arg7[%swap3A_566, %swap3A_567] {strides = array<i32>} : memref<128x128xf32, #tpu.memory_space<vmem>>, vector<1x16xf32>,
      %swap3A_569 = vector.shape_cast %swap3A_568 : vector<1x16xf32> to vector<16xf32>
      %swap3A_570 = vector.shape_cast %get3A_565 : vector<16xf32> to vector<1x16xf32>
      tpu.vector_store %arg7[%swap3A_566, %swap3A_567], %swap3A_570 {add = true, strides = array<i32>} : memref<128x128xf32, #tpu.memory_space<vmem>>, vector<1x16xf32>,
      %mul3A_571 = arith.constant 4 : i32
      %mul3A_572 = arith.muli %scan3A_344, %mul3A_571 : i32
      %add3A_573 = arith.constant 3 : i32
      %add3A_574 = arith.addi %mul3A_572, %add3A_573 : i32
      %get3A_575 = arith.index_cast %add3A_574 : i32 to index
      %get3A_576 = arith.constant 0 : index
      %get3A_577 = tpu.vector_load %arg11[%get3A_575, %get3A_576] {strides = array<i32>} : memref<128x128xf32, #tpu.memory_space<vmem>>, vector<1x16xf32>,
      %get3A_578 = vector.shape_cast %get3A_577 : vector<1x16xf32> to vector<16xf32>
      %swap3A_579 = arith.index_cast %add3A_574 : i32 to index
      %swap3A_580 = arith.constant 0 : index
      %swap3A_581 = tpu.vector_load %arg7[%swap3A_579, %swap3A_580] {strides = array<i32>} : memref<128x128xf32, #tpu.memory_space<vmem>>, vector<1x16xf32>,
      %swap3A_582 = vector.shape_cast %swap3A_581 : vector<1x16xf32> to vector<16xf32>
      %swap3A_583 = vector.shape_cast %get3A_578 : vector<16xf32> to vector<1x16xf32>
      tpu.vector_store %arg7[%swap3A_579, %swap3A_580], %swap3A_583 {add = true, strides = array<i32>} : memref<128x128xf32, #tpu.memory_space<vmem>>, vector<1x16xf32>,
      %get3A_584 = arith.index_cast %add3A_574 : i32 to index
      %get3A_585 = arith.constant 16 : index
      %get3A_586 = tpu.vector_load %arg11[%get3A_584, %get3A_585] {strides = array<i32>} : memref<128x128xf32, #tpu.memory_space<vmem>>, vector<1x16xf32>,
      %get3A_587 = vector.shape_cast %get3A_586 : vector<1x16xf32> to vector<16xf32>
      %swap3A_588 = arith.index_cast %add3A_574 : i32 to index
      %swap3A_589 = arith.constant 16 : index
      %swap3A_590 = tpu.vector_load %arg7[%swap3A_588, %swap3A_589] {strides = array<i32>} : memref<128x128xf32, #tpu.memory_space<vmem>>, vector<1x16xf32>,
      %swap3A_591 = vector.shape_cast %swap3A_590 : vector<1x16xf32> to vector<16xf32>
      %swap3A_592 = vector.shape_cast %get3A_587 : vector<16xf32> to vector<1x16xf32>
      tpu.vector_store %arg7[%swap3A_588, %swap3A_589], %swap3A_592 {add = true, strides = array<i32>} : memref<128x128xf32, #tpu.memory_space<vmem>>, vector<1x16xf32>,
      %get3A_593 = arith.index_cast %add3A_574 : i32 to index
      %get3A_594 = arith.constant 32 : index
      %get3A_595 = tpu.vector_load %arg11[%get3A_593, %get3A_594] {strides = array<i32>} : memref<128x128xf32, #tpu.memory_space<vmem>>, vector<1x16xf32>,
      %get3A_596 = vector.shape_cast %get3A_595 : vector<1x16xf32> to vector<16xf32>
      %swap3A_597 = arith.index_cast %add3A_574 : i32 to index
      %swap3A_598 = arith.constant 32 : index
      %swap3A_599 = tpu.vector_load %arg7[%swap3A_597, %swap3A_598] {strides = array<i32>} : memref<128x128xf32, #tpu.memory_space<vmem>>, vector<1x16xf32>,
      %swap3A_600 = vector.shape_cast %swap3A_599 : vector<1x16xf32> to vector<16xf32>
      %swap3A_601 = vector.shape_cast %get3A_596 : vector<16xf32> to vector<1x16xf32>
      tpu.vector_store %arg7[%swap3A_597, %swap3A_598], %swap3A_601 {add = true, strides = array<i32>} : memref<128x128xf32, #tpu.memory_space<vmem>>, vector<1x16xf32>,
      %get3A_602 = arith.index_cast %add3A_574 : i32 to index
      %get3A_603 = arith.constant 48 : index
      %get3A_604 = tpu.vector_load %arg11[%get3A_602, %get3A_603] {strides = array<i32>} : memref<128x128xf32, #tpu.memory_space<vmem>>, vector<1x16xf32>,
      %get3A_605 = vector.shape_cast %get3A_604 : vector<1x16xf32> to vector<16xf32>
      %swap3A_606 = arith.index_cast %add3A_574 : i32 to index
      %swap3A_607 = arith.constant 48 : index
      %swap3A_608 = tpu.vector_load %arg7[%swap3A_606, %swap3A_607] {strides = array<i32>} : memref<128x128xf32, #tpu.memory_space<vmem>>, vector<1x16xf32>,
      %swap3A_609 = vector.shape_cast %swap3A_608 : vector<1x16xf32> to vector<16xf32>
      %swap3A_610 = vector.shape_cast %get3A_605 : vector<16xf32> to vector<1x16xf32>
      tpu.vector_store %arg7[%swap3A_606, %swap3A_607], %swap3A_610 {add = true, strides = array<i32>} : memref<128x128xf32, #tpu.memory_space<vmem>>, vector<1x16xf32>,
      %get3A_611 = arith.index_cast %add3A_574 : i32 to index
      %get3A_612 = arith.constant 64 : index
      %get3A_613 = tpu.vector_load %arg11[%get3A_611, %get3A_612] {strides = array<i32>} : memref<128x128xf32, #tpu.memory_space<vmem>>, vector<1x16xf32>,
      %get3A_614 = vector.shape_cast %get3A_613 : vector<1x16xf32> to vector<16xf32>
      %swap3A_615 = arith.index_cast %add3A_574 : i32 to index
      %swap3A_616 = arith.constant 64 : index
      %swap3A_617 = tpu.vector_load %arg7[%swap3A_615, %swap3A_616] {strides = array<i32>} : memref<128x128xf32, #tpu.memory_space<vmem>>, vector<1x16xf32>,
      %swap3A_618 = vector.shape_cast %swap3A_617 : vector<1x16xf32> to vector<16xf32>
      %swap3A_619 = vector.shape_cast %get3A_614 : vector<16xf32> to vector<1x16xf32>
      tpu.vector_store %arg7[%swap3A_615, %swap3A_616], %swap3A_619 {add = true, strides = array<i32>} : memref<128x128xf32, #tpu.memory_space<vmem>>, vector<1x16xf32>,
      %get3A_620 = arith.index_cast %add3A_574 : i32 to index
      %get3A_621 = arith.constant 80 : index
      %get3A_622 = tpu.vector_load %arg11[%get3A_620, %get3A_621] {strides = array<i32>} : memref<128x128xf32, #tpu.memory_space<vmem>>, vector<1x16xf32>,
      %get3A_623 = vector.shape_cast %get3A_622 : vector<1x16xf32> to vector<16xf32>
      %swap3A_624 = arith.index_cast %add3A_574 : i32 to index
      %swap3A_625 = arith.constant 80 : index
      %swap3A_626 = tpu.vector_load %arg7[%swap3A_624, %swap3A_625] {strides = array<i32>} : memref<128x128xf32, #tpu.memory_space<vmem>>, vector<1x16xf32>,
      %swap3A_627 = vector.shape_cast %swap3A_626 : vector<1x16xf32> to vector<16xf32>
      %swap3A_628 = vector.shape_cast %get3A_623 : vector<16xf32> to vector<1x16xf32>
      tpu.vector_store %arg7[%swap3A_624, %swap3A_625], %swap3A_628 {add = true, strides = array<i32>} : memref<128x128xf32, #tpu.memory_space<vmem>>, vector<1x16xf32>,
      %get3A_629 = arith.index_cast %add3A_574 : i32 to index
      %get3A_630 = arith.constant 96 : index
      %get3A_631 = tpu.vector_load %arg11[%get3A_629, %get3A_630] {strides = array<i32>} : memref<128x128xf32, #tpu.memory_space<vmem>>, vector<1x16xf32>,
      %get3A_632 = vector.shape_cast %get3A_631 : vector<1x16xf32> to vector<16xf32>
      %swap3A_633 = arith.index_cast %add3A_574 : i32 to index
      %swap3A_634 = arith.constant 96 : index
      %swap3A_635 = tpu.vector_load %arg7[%swap3A_633, %swap3A_634] {strides = array<i32>} : memref<128x128xf32, #tpu.memory_space<vmem>>, vector<1x16xf32>,
      %swap3A_636 = vector.shape_cast %swap3A_635 : vector<1x16xf32> to vector<16xf32>
      %swap3A_637 = vector.shape_cast %get3A_632 : vector<16xf32> to vector<1x16xf32>
      tpu.vector_store %arg7[%swap3A_633, %swap3A_634], %swap3A_637 {add = true, strides = array<i32>} : memref<128x128xf32, #tpu.memory_space<vmem>>, vector<1x16xf32>,
      %get3A_638 = arith.index_cast %add3A_574 : i32 to index
      %get3A_639 = arith.constant 112 : index
      %get3A_640 = tpu.vector_load %arg11[%get3A_638, %get3A_639] {strides = array<i32>} : memref<128x128xf32, #tpu.memory_space<vmem>>, vector<1x16xf32>,
      %get3A_641 = vector.shape_cast %get3A_640 : vector<1x16xf32> to vector<16xf32>
      %swap3A_642 = arith.index_cast %add3A_574 : i32 to index
      %swap3A_643 = arith.constant 112 : index
      %swap3A_644 = tpu.vector_load %arg7[%swap3A_642, %swap3A_643] {strides = array<i32>} : memref<128x128xf32, #tpu.memory_space<vmem>>, vector<1x16xf32>,
      %swap3A_645 = vector.shape_cast %swap3A_644 : vector<1x16xf32> to vector<16xf32>
      %swap3A_646 = vector.shape_cast %get3A_641 : vector<16xf32> to vector<1x16xf32>
      tpu.vector_store %arg7[%swap3A_642, %swap3A_643], %swap3A_646 {add = true, strides = array<i32>} : memref<128x128xf32, #tpu.memory_space<vmem>>, vector<1x16xf32>,
    }
    %scan3A_72 = arith.constant 32 : i32
    %add3A_73 = arith.constant 0 : i32
    %add3A_74 = arith.addi %mul3A_4, %add3A_73 : i32
    %dma_start3A_75 = arith.constant 0 : i32
    %dma_start3A_76 = tpu.memref_slice %arg5[%add3A_74, %dma_start3A_75] : memref<32768x128xf32, #tpu.memory_space<hbm>> -> memref<128x128xf32, #tpu.memory_space<hbm>>
    %dma_start3A_77 = arith.constant 0 : i32
    %dma_start3A_78 = tpu.memref_slice %arg5[%add3A_74, %dma_start3A_77] : memref<32768x128xf32, #tpu.memory_space<hbm>> -> memref<128x128xf32, #tpu.memory_space<hbm>>
    tpu.enqueue_dma source(%arg7 : memref<128x128xf32, #tpu.memory_space<vmem>>) target(%dma_start3A_78 : memref<128x128xf32, #tpu.memory_space<hbm>>) target_semaphore(%arg19 : memref<!tpu.dma_semaphore, #tpu.memory_space<semaphore_mem>>)
    %dma_wait3A_79 = arith.constant 0 : i32
    %dma_wait3A_80 = arith.constant 128 : i32
    %dma_wait3A_81 = tpu.memref_slice %arg6[%dma_wait3A_79, %dma_wait3A_80] : memref<2x512xi32, #tpu.memory_space<vmem>> -> memref<1x128xi32, #tpu.memory_space<vmem>>
    %dma_wait3A_82 = tpu.memref_squeeze %dma_wait3A_81 : memref<1x128xi32, #tpu.memory_space<vmem>> -> memref<128xi32, #tpu.memory_space<vmem>>
    %dma_wait3A_83 = arith.constant 0 : i32
    %dma_wait3A_84 = arith.constant 0 : i32
    %dma_wait3A_85 = tpu.memref_slice %arg3[%dma_wait3A_83, %dma_wait3A_84] : memref<100000x128xf32, #tpu.memory_space<hbm>> -> memref<100000x128xf32, #tpu.memory_space<hbm>>
    tpu.wait_indirect_dma semaphore(%arg16 : memref<!tpu.dma_semaphore, #tpu.memory_space<semaphore_mem>>) src(%dma_wait3A_85 : memref<100000x128xf32, #tpu.memory_space<hbm>>) dst(%arg8 : memref<128x128xf32, #tpu.memory_space<vmem>>)
    %dma_wait3A_86 = arith.constant 0 : i32
    %dma_wait3A_87 = tpu.memref_slice %arg5[%add3A_74, %dma_wait3A_86] : memref<32768x128xf32, #tpu.memory_space<hbm>> -> memref<128x128xf32, #tpu.memory_space<hbm>>
    %dma_wait3A_88 = arith.constant 0 : i32
    %dma_wait3A_89 = tpu.memref_slice %arg5[%add3A_74, %dma_wait3A_88] : memref<32768x128xf32, #tpu.memory_space<hbm>> -> memref<128x128xf32, #tpu.memory_space<hbm>>
    tpu.wait_dma2 semaphore(%arg19 : memref<!tpu.dma_semaphore, #tpu.memory_space<semaphore_mem>>) src(%arg7 : memref<128x128xf32, #tpu.memory_space<vmem>>) dst(%dma_wait3A_89 : memref<128x128xf32, #tpu.memory_space<hbm>>)
    %dma_start3A_90 = arith.constant 1 : i32
    %dma_start3A_91 = arith.constant 0 : i32
    %dma_start3A_92 = tpu.memref_slice %arg6[%dma_start3A_90, %dma_start3A_91] : memref<2x512xi32, #tpu.memory_space<vmem>> -> memref<1x128xi32, #tpu.memory_space<vmem>>
    %dma_start3A_93 = tpu.memref_squeeze %dma_start3A_92 : memref<1x128xi32, #tpu.memory_space<vmem>> -> memref<128xi32, #tpu.memory_space<vmem>>
    %dma_start3A_94 = arith.constant 0 : i32
    %dma_start3A_95 = arith.constant 0 : i32
    %dma_start3A_96 = tpu.memref_slice %arg3[%dma_start3A_94, %dma_start3A_95] : memref<100000x128xf32, #tpu.memory_space<hbm>> -> memref<100000x128xf32, #tpu.memory_space<hbm>>
    tpu.enqueue_indirect_dma source(%dma_start3A_96 : memref<100000x128xf32, #tpu.memory_space<hbm>>) target(%arg7 : memref<128x128xf32, #tpu.memory_space<vmem>>) offsets(%dma_start3A_93 : memref<128xi32, #tpu.memory_space<vmem>>) semaphore(%arg15 : memref<!tpu.dma_semaphore, #tpu.memory_space<semaphore_mem>>)
    %dma_start3A_97 = arith.constant 384 : i32
    %dma_start3A_98 = arith.constant 0 : i32
    %dma_start3A_99 = tpu.memref_slice %arg14[%dma_start3A_97, %dma_start3A_98] : memref<512x128xf32, #tpu.memory_space<vmem_shared>> -> memref<128x128xf32, #tpu.memory_space<vmem_shared>>
    %dma_start3A_100 = arith.constant 384 : i32
    %dma_start3A_101 = arith.constant 0 : i32
    %dma_start3A_102 = tpu.memref_slice %arg14[%dma_start3A_100, %dma_start3A_101] : memref<512x128xf32, #tpu.memory_space<vmem_shared>> -> memref<128x128xf32, #tpu.memory_space<vmem_shared>>
    tpu.enqueue_dma source(%dma_start3A_102 : memref<128x128xf32, #tpu.memory_space<vmem_shared>>) target(%arg11 : memref<128x128xf32, #tpu.memory_space<vmem>>) target_semaphore(%arg23 : memref<!tpu.dma_semaphore, #tpu.memory_space<semaphore_mem>>)
    %dma_wait3A_103 = arith.constant 128 : i32
    %dma_wait3A_104 = arith.constant 0 : i32
    %dma_wait3A_105 = tpu.memref_slice %arg14[%dma_wait3A_103, %dma_wait3A_104] : memref<512x128xf32, #tpu.memory_space<vmem_shared>> -> memref<128x128xf32, #tpu.memory_space<vmem_shared>>
    %dma_wait3A_106 = arith.constant 128 : i32
    %dma_wait3A_107 = arith.constant 0 : i32
    %dma_wait3A_108 = tpu.memref_slice %arg14[%dma_wait3A_106, %dma_wait3A_107] : memref<512x128xf32, #tpu.memory_space<vmem_shared>> -> memref<128x128xf32, #tpu.memory_space<vmem_shared>>
    tpu.wait_dma2 semaphore(%arg24 : memref<!tpu.dma_semaphore, #tpu.memory_space<semaphore_mem>>) src(%dma_wait3A_108 : memref<128x128xf32, #tpu.memory_space<vmem_shared>>) dst(%arg12 : memref<128x128xf32, #tpu.memory_space<vmem>>)
    %scan3A_109 = arith.constant 0 : i32
    %scan3A_110 = arith.constant 0 : i32
    %scan3A_111 = arith.constant 32 : i32
    %scan3A_112 = arith.addi %scan3A_110, %scan3A_111 : i32
    %scan3A_113 = arith.constant 1 : i32
    scf.for %scan3A_344 = %scan3A_110 to %scan3A_112 step %scan3A_113  : i32 {
      %mul3A_345 = arith.constant 4 : i32
      %mul3A_346 = arith.muli %scan3A_344, %mul3A_345 : i32
      %add3A_347 = arith.constant 0 : i32
      %add3A_348 = arith.addi %mul3A_346, %add3A_347 : i32
      %get3A = arith.index_cast %add3A_348 : i32 to index
      %get3A_349 = arith.constant 0 : index
      %get3A_350 = tpu.vector_load %arg12[%get3A, %get3A_349] {strides = array<i32>} : memref<128x128xf32, #tpu.memory_space<vmem>>, vector<1x16xf32>,
      %get3A_351 = vector.shape_cast %get3A_350 : vector<1x16xf32> to vector<16xf32>
      %swap3A = arith.index_cast %add3A_348 : i32 to index
      %swap3A_352 = arith.constant 0 : index
      %swap3A_353 = tpu.vector_load %arg8[%swap3A, %swap3A_352] {strides = array<i32>} : memref<128x128xf32, #tpu.memory_space<vmem>>, vector<1x16xf32>,
      %swap3A_354 = vector.shape_cast %swap3A_353 : vector<1x16xf32> to vector<16xf32>
      %swap3A_355 = vector.shape_cast %get3A_351 : vector<16xf32> to vector<1x16xf32>
      tpu.vector_store %arg8[%swap3A, %swap3A_352], %swap3A_355 {add = true, strides = array<i32>} : memref<128x128xf32, #tpu.memory_space<vmem>>, vector<1x16xf32>,
      %get3A_356 = arith.index_cast %add3A_348 : i32 to index
      %get3A_357 = arith.constant 16 : index
      %get3A_358 = tpu.vector_load %arg12[%get3A_356, %get3A_357] {strides = array<i32>} : memref<128x128xf32, #tpu.memory_space<vmem>>, vector<1x16xf32>,
      %get3A_359 = vector.shape_cast %get3A_358 : vector<1x16xf32> to vector<16xf32>
      %swap3A_360 = arith.index_cast %add3A_348 : i32 to index
      %swap3A_361 = arith.constant 16 : index
      %swap3A_362 = tpu.vector_load %arg8[%swap3A_360, %swap3A_361] {strides = array<i32>} : memref<128x128xf32, #tpu.memory_space<vmem>>, vector<1x16xf32>,
      %swap3A_363 = vector.shape_cast %swap3A_362 : vector<1x16xf32> to vector<16xf32>
      %swap3A_364 = vector.shape_cast %get3A_359 : vector<16xf32> to vector<1x16xf32>
      tpu.vector_store %arg8[%swap3A_360, %swap3A_361], %swap3A_364 {add = true, strides = array<i32>} : memref<128x128xf32, #tpu.memory_space<vmem>>, vector<1x16xf32>,
      %get3A_365 = arith.index_cast %add3A_348 : i32 to index
      %get3A_366 = arith.constant 32 : index
      %get3A_367 = tpu.vector_load %arg12[%get3A_365, %get3A_366] {strides = array<i32>} : memref<128x128xf32, #tpu.memory_space<vmem>>, vector<1x16xf32>,
      %get3A_368 = vector.shape_cast %get3A_367 : vector<1x16xf32> to vector<16xf32>
      %swap3A_369 = arith.index_cast %add3A_348 : i32 to index
      %swap3A_370 = arith.constant 32 : index
      %swap3A_371 = tpu.vector_load %arg8[%swap3A_369, %swap3A_370] {strides = array<i32>} : memref<128x128xf32, #tpu.memory_space<vmem>>, vector<1x16xf32>,
      %swap3A_372 = vector.shape_cast %swap3A_371 : vector<1x16xf32> to vector<16xf32>
      %swap3A_373 = vector.shape_cast %get3A_368 : vector<16xf32> to vector<1x16xf32>
      tpu.vector_store %arg8[%swap3A_369, %swap3A_370], %swap3A_373 {add = true, strides = array<i32>} : memref<128x128xf32, #tpu.memory_space<vmem>>, vector<1x16xf32>,
      %get3A_374 = arith.index_cast %add3A_348 : i32 to index
      %get3A_375 = arith.constant 48 : index
      %get3A_376 = tpu.vector_load %arg12[%get3A_374, %get3A_375] {strides = array<i32>} : memref<128x128xf32, #tpu.memory_space<vmem>>, vector<1x16xf32>,
      %get3A_377 = vector.shape_cast %get3A_376 : vector<1x16xf32> to vector<16xf32>
      %swap3A_378 = arith.index_cast %add3A_348 : i32 to index
      %swap3A_379 = arith.constant 48 : index
      %swap3A_380 = tpu.vector_load %arg8[%swap3A_378, %swap3A_379] {strides = array<i32>} : memref<128x128xf32, #tpu.memory_space<vmem>>, vector<1x16xf32>,
      %swap3A_381 = vector.shape_cast %swap3A_380 : vector<1x16xf32> to vector<16xf32>
      %swap3A_382 = vector.shape_cast %get3A_377 : vector<16xf32> to vector<1x16xf32>
      tpu.vector_store %arg8[%swap3A_378, %swap3A_379], %swap3A_382 {add = true, strides = array<i32>} : memref<128x128xf32, #tpu.memory_space<vmem>>, vector<1x16xf32>,
      %get3A_383 = arith.index_cast %add3A_348 : i32 to index
      %get3A_384 = arith.constant 64 : index
      %get3A_385 = tpu.vector_load %arg12[%get3A_383, %get3A_384] {strides = array<i32>} : memref<128x128xf32, #tpu.memory_space<vmem>>, vector<1x16xf32>,
      %get3A_386 = vector.shape_cast %get3A_385 : vector<1x16xf32> to vector<16xf32>
      %swap3A_387 = arith.index_cast %add3A_348 : i32 to index
      %swap3A_388 = arith.constant 64 : index
      %swap3A_389 = tpu.vector_load %arg8[%swap3A_387, %swap3A_388] {strides = array<i32>} : memref<128x128xf32, #tpu.memory_space<vmem>>, vector<1x16xf32>,
      %swap3A_390 = vector.shape_cast %swap3A_389 : vector<1x16xf32> to vector<16xf32>
      %swap3A_391 = vector.shape_cast %get3A_386 : vector<16xf32> to vector<1x16xf32>
      tpu.vector_store %arg8[%swap3A_387, %swap3A_388], %swap3A_391 {add = true, strides = array<i32>} : memref<128x128xf32, #tpu.memory_space<vmem>>, vector<1x16xf32>,
      %get3A_392 = arith.index_cast %add3A_348 : i32 to index
      %get3A_393 = arith.constant 80 : index
      %get3A_394 = tpu.vector_load %arg12[%get3A_392, %get3A_393] {strides = array<i32>} : memref<128x128xf32, #tpu.memory_space<vmem>>, vector<1x16xf32>,
      %get3A_395 = vector.shape_cast %get3A_394 : vector<1x16xf32> to vector<16xf32>
      %swap3A_396 = arith.index_cast %add3A_348 : i32 to index
      %swap3A_397 = arith.constant 80 : index
      %swap3A_398 = tpu.vector_load %arg8[%swap3A_396, %swap3A_397] {strides = array<i32>} : memref<128x128xf32, #tpu.memory_space<vmem>>, vector<1x16xf32>,
      %swap3A_399 = vector.shape_cast %swap3A_398 : vector<1x16xf32> to vector<16xf32>
      %swap3A_400 = vector.shape_cast %get3A_395 : vector<16xf32> to vector<1x16xf32>
      tpu.vector_store %arg8[%swap3A_396, %swap3A_397], %swap3A_400 {add = true, strides = array<i32>} : memref<128x128xf32, #tpu.memory_space<vmem>>, vector<1x16xf32>,
      %get3A_401 = arith.index_cast %add3A_348 : i32 to index
      %get3A_402 = arith.constant 96 : index
      %get3A_403 = tpu.vector_load %arg12[%get3A_401, %get3A_402] {strides = array<i32>} : memref<128x128xf32, #tpu.memory_space<vmem>>, vector<1x16xf32>,
      %get3A_404 = vector.shape_cast %get3A_403 : vector<1x16xf32> to vector<16xf32>
      %swap3A_405 = arith.index_cast %add3A_348 : i32 to index
      %swap3A_406 = arith.constant 96 : index
      %swap3A_407 = tpu.vector_load %arg8[%swap3A_405, %swap3A_406] {strides = array<i32>} : memref<128x128xf32, #tpu.memory_space<vmem>>, vector<1x16xf32>,
      %swap3A_408 = vector.shape_cast %swap3A_407 : vector<1x16xf32> to vector<16xf32>
      %swap3A_409 = vector.shape_cast %get3A_404 : vector<16xf32> to vector<1x16xf32>
      tpu.vector_store %arg8[%swap3A_405, %swap3A_406], %swap3A_409 {add = true, strides = array<i32>} : memref<128x128xf32, #tpu.memory_space<vmem>>, vector<1x16xf32>,
      %get3A_410 = arith.index_cast %add3A_348 : i32 to index
      %get3A_411 = arith.constant 112 : index
      %get3A_412 = tpu.vector_load %arg12[%get3A_410, %get3A_411] {strides = array<i32>} : memref<128x128xf32, #tpu.memory_space<vmem>>, vector<1x16xf32>,
      %get3A_413 = vector.shape_cast %get3A_412 : vector<1x16xf32> to vector<16xf32>
      %swap3A_414 = arith.index_cast %add3A_348 : i32 to index
      %swap3A_415 = arith.constant 112 : index
      %swap3A_416 = tpu.vector_load %arg8[%swap3A_414, %swap3A_415] {strides = array<i32>} : memref<128x128xf32, #tpu.memory_space<vmem>>, vector<1x16xf32>,
      %swap3A_417 = vector.shape_cast %swap3A_416 : vector<1x16xf32> to vector<16xf32>
      %swap3A_418 = vector.shape_cast %get3A_413 : vector<16xf32> to vector<1x16xf32>
      tpu.vector_store %arg8[%swap3A_414, %swap3A_415], %swap3A_418 {add = true, strides = array<i32>} : memref<128x128xf32, #tpu.memory_space<vmem>>, vector<1x16xf32>,
      %mul3A_419 = arith.constant 4 : i32
      %mul3A_420 = arith.muli %scan3A_344, %mul3A_419 : i32
      %add3A_421 = arith.constant 1 : i32
      %add3A_422 = arith.addi %mul3A_420, %add3A_421 : i32
      %get3A_423 = arith.index_cast %add3A_422 : i32 to index
      %get3A_424 = arith.constant 0 : index
      %get3A_425 = tpu.vector_load %arg12[%get3A_423, %get3A_424] {strides = array<i32>} : memref<128x128xf32, #tpu.memory_space<vmem>>, vector<1x16xf32>,
      %get3A_426 = vector.shape_cast %get3A_425 : vector<1x16xf32> to vector<16xf32>
      %swap3A_427 = arith.index_cast %add3A_422 : i32 to index
      %swap3A_428 = arith.constant 0 : index
      %swap3A_429 = tpu.vector_load %arg8[%swap3A_427, %swap3A_428] {strides = array<i32>} : memref<128x128xf32, #tpu.memory_space<vmem>>, vector<1x16xf32>,
      %swap3A_430 = vector.shape_cast %swap3A_429 : vector<1x16xf32> to vector<16xf32>
      %swap3A_431 = vector.shape_cast %get3A_426 : vector<16xf32> to vector<1x16xf32>
      tpu.vector_store %arg8[%swap3A_427, %swap3A_428], %swap3A_431 {add = true, strides = array<i32>} : memref<128x128xf32, #tpu.memory_space<vmem>>, vector<1x16xf32>,
      %get3A_432 = arith.index_cast %add3A_422 : i32 to index
      %get3A_433 = arith.constant 16 : index
      %get3A_434 = tpu.vector_load %arg12[%get3A_432, %get3A_433] {strides = array<i32>} : memref<128x128xf32, #tpu.memory_space<vmem>>, vector<1x16xf32>,
      %get3A_435 = vector.shape_cast %get3A_434 : vector<1x16xf32> to vector<16xf32>
      %swap3A_436 = arith.index_cast %add3A_422 : i32 to index
      %swap3A_437 = arith.constant 16 : index
      %swap3A_438 = tpu.vector_load %arg8[%swap3A_436, %swap3A_437] {strides = array<i32>} : memref<128x128xf32, #tpu.memory_space<vmem>>, vector<1x16xf32>,
      %swap3A_439 = vector.shape_cast %swap3A_438 : vector<1x16xf32> to vector<16xf32>
      %swap3A_440 = vector.shape_cast %get3A_435 : vector<16xf32> to vector<1x16xf32>
      tpu.vector_store %arg8[%swap3A_436, %swap3A_437], %swap3A_440 {add = true, strides = array<i32>} : memref<128x128xf32, #tpu.memory_space<vmem>>, vector<1x16xf32>,
      %get3A_441 = arith.index_cast %add3A_422 : i32 to index
      %get3A_442 = arith.constant 32 : index
      %get3A_443 = tpu.vector_load %arg12[%get3A_441, %get3A_442] {strides = array<i32>} : memref<128x128xf32, #tpu.memory_space<vmem>>, vector<1x16xf32>,
      %get3A_444 = vector.shape_cast %get3A_443 : vector<1x16xf32> to vector<16xf32>
      %swap3A_445 = arith.index_cast %add3A_422 : i32 to index
      %swap3A_446 = arith.constant 32 : index
      %swap3A_447 = tpu.vector_load %arg8[%swap3A_445, %swap3A_446] {strides = array<i32>} : memref<128x128xf32, #tpu.memory_space<vmem>>, vector<1x16xf32>,
      %swap3A_448 = vector.shape_cast %swap3A_447 : vector<1x16xf32> to vector<16xf32>
      %swap3A_449 = vector.shape_cast %get3A_444 : vector<16xf32> to vector<1x16xf32>
      tpu.vector_store %arg8[%swap3A_445, %swap3A_446], %swap3A_449 {add = true, strides = array<i32>} : memref<128x128xf32, #tpu.memory_space<vmem>>, vector<1x16xf32>,
      %get3A_450 = arith.index_cast %add3A_422 : i32 to index
      %get3A_451 = arith.constant 48 : index
      %get3A_452 = tpu.vector_load %arg12[%get3A_450, %get3A_451] {strides = array<i32>} : memref<128x128xf32, #tpu.memory_space<vmem>>, vector<1x16xf32>,
      %get3A_453 = vector.shape_cast %get3A_452 : vector<1x16xf32> to vector<16xf32>
      %swap3A_454 = arith.index_cast %add3A_422 : i32 to index
      %swap3A_455 = arith.constant 48 : index
      %swap3A_456 = tpu.vector_load %arg8[%swap3A_454, %swap3A_455] {strides = array<i32>} : memref<128x128xf32, #tpu.memory_space<vmem>>, vector<1x16xf32>,
      %swap3A_457 = vector.shape_cast %swap3A_456 : vector<1x16xf32> to vector<16xf32>
      %swap3A_458 = vector.shape_cast %get3A_453 : vector<16xf32> to vector<1x16xf32>
      tpu.vector_store %arg8[%swap3A_454, %swap3A_455], %swap3A_458 {add = true, strides = array<i32>} : memref<128x128xf32, #tpu.memory_space<vmem>>, vector<1x16xf32>,
      %get3A_459 = arith.index_cast %add3A_422 : i32 to index
      %get3A_460 = arith.constant 64 : index
      %get3A_461 = tpu.vector_load %arg12[%get3A_459, %get3A_460] {strides = array<i32>} : memref<128x128xf32, #tpu.memory_space<vmem>>, vector<1x16xf32>,
      %get3A_462 = vector.shape_cast %get3A_461 : vector<1x16xf32> to vector<16xf32>
      %swap3A_463 = arith.index_cast %add3A_422 : i32 to index
      %swap3A_464 = arith.constant 64 : index
      %swap3A_465 = tpu.vector_load %arg8[%swap3A_463, %swap3A_464] {strides = array<i32>} : memref<128x128xf32, #tpu.memory_space<vmem>>, vector<1x16xf32>,
      %swap3A_466 = vector.shape_cast %swap3A_465 : vector<1x16xf32> to vector<16xf32>
      %swap3A_467 = vector.shape_cast %get3A_462 : vector<16xf32> to vector<1x16xf32>
      tpu.vector_store %arg8[%swap3A_463, %swap3A_464], %swap3A_467 {add = true, strides = array<i32>} : memref<128x128xf32, #tpu.memory_space<vmem>>, vector<1x16xf32>,
      %get3A_468 = arith.index_cast %add3A_422 : i32 to index
      %get3A_469 = arith.constant 80 : index
      %get3A_470 = tpu.vector_load %arg12[%get3A_468, %get3A_469] {strides = array<i32>} : memref<128x128xf32, #tpu.memory_space<vmem>>, vector<1x16xf32>,
      %get3A_471 = vector.shape_cast %get3A_470 : vector<1x16xf32> to vector<16xf32>
      %swap3A_472 = arith.index_cast %add3A_422 : i32 to index
      %swap3A_473 = arith.constant 80 : index
      %swap3A_474 = tpu.vector_load %arg8[%swap3A_472, %swap3A_473] {strides = array<i32>} : memref<128x128xf32, #tpu.memory_space<vmem>>, vector<1x16xf32>,
      %swap3A_475 = vector.shape_cast %swap3A_474 : vector<1x16xf32> to vector<16xf32>
      %swap3A_476 = vector.shape_cast %get3A_471 : vector<16xf32> to vector<1x16xf32>
      tpu.vector_store %arg8[%swap3A_472, %swap3A_473], %swap3A_476 {add = true, strides = array<i32>} : memref<128x128xf32, #tpu.memory_space<vmem>>, vector<1x16xf32>,
      %get3A_477 = arith.index_cast %add3A_422 : i32 to index
      %get3A_478 = arith.constant 96 : index
      %get3A_479 = tpu.vector_load %arg12[%get3A_477, %get3A_478] {strides = array<i32>} : memref<128x128xf32, #tpu.memory_space<vmem>>, vector<1x16xf32>,
      %get3A_480 = vector.shape_cast %get3A_479 : vector<1x16xf32> to vector<16xf32>
      %swap3A_481 = arith.index_cast %add3A_422 : i32 to index
      %swap3A_482 = arith.constant 96 : index
      %swap3A_483 = tpu.vector_load %arg8[%swap3A_481, %swap3A_482] {strides = array<i32>} : memref<128x128xf32, #tpu.memory_space<vmem>>, vector<1x16xf32>,
      %swap3A_484 = vector.shape_cast %swap3A_483 : vector<1x16xf32> to vector<16xf32>
      %swap3A_485 = vector.shape_cast %get3A_480 : vector<16xf32> to vector<1x16xf32>
      tpu.vector_store %arg8[%swap3A_481, %swap3A_482], %swap3A_485 {add = true, strides = array<i32>} : memref<128x128xf32, #tpu.memory_space<vmem>>, vector<1x16xf32>,
      %get3A_486 = arith.index_cast %add3A_422 : i32 to index
      %get3A_487 = arith.constant 112 : index
      %get3A_488 = tpu.vector_load %arg12[%get3A_486, %get3A_487] {strides = array<i32>} : memref<128x128xf32, #tpu.memory_space<vmem>>, vector<1x16xf32>,
      %get3A_489 = vector.shape_cast %get3A_488 : vector<1x16xf32> to vector<16xf32>
      %swap3A_490 = arith.index_cast %add3A_422 : i32 to index
      %swap3A_491 = arith.constant 112 : index
      %swap3A_492 = tpu.vector_load %arg8[%swap3A_490, %swap3A_491] {strides = array<i32>} : memref<128x128xf32, #tpu.memory_space<vmem>>, vector<1x16xf32>,
      %swap3A_493 = vector.shape_cast %swap3A_492 : vector<1x16xf32> to vector<16xf32>
      %swap3A_494 = vector.shape_cast %get3A_489 : vector<16xf32> to vector<1x16xf32>
      tpu.vector_store %arg8[%swap3A_490, %swap3A_491], %swap3A_494 {add = true, strides = array<i32>} : memref<128x128xf32, #tpu.memory_space<vmem>>, vector<1x16xf32>,
      %mul3A_495 = arith.constant 4 : i32
      %mul3A_496 = arith.muli %scan3A_344, %mul3A_495 : i32
      %add3A_497 = arith.constant 2 : i32
      %add3A_498 = arith.addi %mul3A_496, %add3A_497 : i32
      %get3A_499 = arith.index_cast %add3A_498 : i32 to index
      %get3A_500 = arith.constant 0 : index
      %get3A_501 = tpu.vector_load %arg12[%get3A_499, %get3A_500] {strides = array<i32>} : memref<128x128xf32, #tpu.memory_space<vmem>>, vector<1x16xf32>,
      %get3A_502 = vector.shape_cast %get3A_501 : vector<1x16xf32> to vector<16xf32>
      %swap3A_503 = arith.index_cast %add3A_498 : i32 to index
      %swap3A_504 = arith.constant 0 : index
      %swap3A_505 = tpu.vector_load %arg8[%swap3A_503, %swap3A_504] {strides = array<i32>} : memref<128x128xf32, #tpu.memory_space<vmem>>, vector<1x16xf32>,
      %swap3A_506 = vector.shape_cast %swap3A_505 : vector<1x16xf32> to vector<16xf32>
      %swap3A_507 = vector.shape_cast %get3A_502 : vector<16xf32> to vector<1x16xf32>
      tpu.vector_store %arg8[%swap3A_503, %swap3A_504], %swap3A_507 {add = true, strides = array<i32>} : memref<128x128xf32, #tpu.memory_space<vmem>>, vector<1x16xf32>,
      %get3A_508 = arith.index_cast %add3A_498 : i32 to index
      %get3A_509 = arith.constant 16 : index
      %get3A_510 = tpu.vector_load %arg12[%get3A_508, %get3A_509] {strides = array<i32>} : memref<128x128xf32, #tpu.memory_space<vmem>>, vector<1x16xf32>,
      %get3A_511 = vector.shape_cast %get3A_510 : vector<1x16xf32> to vector<16xf32>
      %swap3A_512 = arith.index_cast %add3A_498 : i32 to index
      %swap3A_513 = arith.constant 16 : index
      %swap3A_514 = tpu.vector_load %arg8[%swap3A_512, %swap3A_513] {strides = array<i32>} : memref<128x128xf32, #tpu.memory_space<vmem>>, vector<1x16xf32>,
      %swap3A_515 = vector.shape_cast %swap3A_514 : vector<1x16xf32> to vector<16xf32>
      %swap3A_516 = vector.shape_cast %get3A_511 : vector<16xf32> to vector<1x16xf32>
      tpu.vector_store %arg8[%swap3A_512, %swap3A_513], %swap3A_516 {add = true, strides = array<i32>} : memref<128x128xf32, #tpu.memory_space<vmem>>, vector<1x16xf32>,
      %get3A_517 = arith.index_cast %add3A_498 : i32 to index
      %get3A_518 = arith.constant 32 : index
      %get3A_519 = tpu.vector_load %arg12[%get3A_517, %get3A_518] {strides = array<i32>} : memref<128x128xf32, #tpu.memory_space<vmem>>, vector<1x16xf32>,
      %get3A_520 = vector.shape_cast %get3A_519 : vector<1x16xf32> to vector<16xf32>
      %swap3A_521 = arith.index_cast %add3A_498 : i32 to index
      %swap3A_522 = arith.constant 32 : index
      %swap3A_523 = tpu.vector_load %arg8[%swap3A_521, %swap3A_522] {strides = array<i32>} : memref<128x128xf32, #tpu.memory_space<vmem>>, vector<1x16xf32>,
      %swap3A_524 = vector.shape_cast %swap3A_523 : vector<1x16xf32> to vector<16xf32>
      %swap3A_525 = vector.shape_cast %get3A_520 : vector<16xf32> to vector<1x16xf32>
      tpu.vector_store %arg8[%swap3A_521, %swap3A_522], %swap3A_525 {add = true, strides = array<i32>} : memref<128x128xf32, #tpu.memory_space<vmem>>, vector<1x16xf32>,
      %get3A_526 = arith.index_cast %add3A_498 : i32 to index
      %get3A_527 = arith.constant 48 : index
      %get3A_528 = tpu.vector_load %arg12[%get3A_526, %get3A_527] {strides = array<i32>} : memref<128x128xf32, #tpu.memory_space<vmem>>, vector<1x16xf32>,
      %get3A_529 = vector.shape_cast %get3A_528 : vector<1x16xf32> to vector<16xf32>
      %swap3A_530 = arith.index_cast %add3A_498 : i32 to index
      %swap3A_531 = arith.constant 48 : index
      %swap3A_532 = tpu.vector_load %arg8[%swap3A_530, %swap3A_531] {strides = array<i32>} : memref<128x128xf32, #tpu.memory_space<vmem>>, vector<1x16xf32>,
      %swap3A_533 = vector.shape_cast %swap3A_532 : vector<1x16xf32> to vector<16xf32>
      %swap3A_534 = vector.shape_cast %get3A_529 : vector<16xf32> to vector<1x16xf32>
      tpu.vector_store %arg8[%swap3A_530, %swap3A_531], %swap3A_534 {add = true, strides = array<i32>} : memref<128x128xf32, #tpu.memory_space<vmem>>, vector<1x16xf32>,
      %get3A_535 = arith.index_cast %add3A_498 : i32 to index
      %get3A_536 = arith.constant 64 : index
      %get3A_537 = tpu.vector_load %arg12[%get3A_535, %get3A_536] {strides = array<i32>} : memref<128x128xf32, #tpu.memory_space<vmem>>, vector<1x16xf32>,
      %get3A_538 = vector.shape_cast %get3A_537 : vector<1x16xf32> to vector<16xf32>
      %swap3A_539 = arith.index_cast %add3A_498 : i32 to index
      %swap3A_540 = arith.constant 64 : index
      %swap3A_541 = tpu.vector_load %arg8[%swap3A_539, %swap3A_540] {strides = array<i32>} : memref<128x128xf32, #tpu.memory_space<vmem>>, vector<1x16xf32>,
      %swap3A_542 = vector.shape_cast %swap3A_541 : vector<1x16xf32> to vector<16xf32>
      %swap3A_543 = vector.shape_cast %get3A_538 : vector<16xf32> to vector<1x16xf32>
      tpu.vector_store %arg8[%swap3A_539, %swap3A_540], %swap3A_543 {add = true, strides = array<i32>} : memref<128x128xf32, #tpu.memory_space<vmem>>, vector<1x16xf32>,
      %get3A_544 = arith.index_cast %add3A_498 : i32 to index
      %get3A_545 = arith.constant 80 : index
      %get3A_546 = tpu.vector_load %arg12[%get3A_544, %get3A_545] {strides = array<i32>} : memref<128x128xf32, #tpu.memory_space<vmem>>, vector<1x16xf32>,
      %get3A_547 = vector.shape_cast %get3A_546 : vector<1x16xf32> to vector<16xf32>
      %swap3A_548 = arith.index_cast %add3A_498 : i32 to index
      %swap3A_549 = arith.constant 80 : index
      %swap3A_550 = tpu.vector_load %arg8[%swap3A_548, %swap3A_549] {strides = array<i32>} : memref<128x128xf32, #tpu.memory_space<vmem>>, vector<1x16xf32>,
      %swap3A_551 = vector.shape_cast %swap3A_550 : vector<1x16xf32> to vector<16xf32>
      %swap3A_552 = vector.shape_cast %get3A_547 : vector<16xf32> to vector<1x16xf32>
      tpu.vector_store %arg8[%swap3A_548, %swap3A_549], %swap3A_552 {add = true, strides = array<i32>} : memref<128x128xf32, #tpu.memory_space<vmem>>, vector<1x16xf32>,
      %get3A_553 = arith.index_cast %add3A_498 : i32 to index
      %get3A_554 = arith.constant 96 : index
      %get3A_555 = tpu.vector_load %arg12[%get3A_553, %get3A_554] {strides = array<i32>} : memref<128x128xf32, #tpu.memory_space<vmem>>, vector<1x16xf32>,
      %get3A_556 = vector.shape_cast %get3A_555 : vector<1x16xf32> to vector<16xf32>
      %swap3A_557 = arith.index_cast %add3A_498 : i32 to index
      %swap3A_558 = arith.constant 96 : index
      %swap3A_559 = tpu.vector_load %arg8[%swap3A_557, %swap3A_558] {strides = array<i32>} : memref<128x128xf32, #tpu.memory_space<vmem>>, vector<1x16xf32>,
      %swap3A_560 = vector.shape_cast %swap3A_559 : vector<1x16xf32> to vector<16xf32>
      %swap3A_561 = vector.shape_cast %get3A_556 : vector<16xf32> to vector<1x16xf32>
      tpu.vector_store %arg8[%swap3A_557, %swap3A_558], %swap3A_561 {add = true, strides = array<i32>} : memref<128x128xf32, #tpu.memory_space<vmem>>, vector<1x16xf32>,
      %get3A_562 = arith.index_cast %add3A_498 : i32 to index
      %get3A_563 = arith.constant 112 : index
      %get3A_564 = tpu.vector_load %arg12[%get3A_562, %get3A_563] {strides = array<i32>} : memref<128x128xf32, #tpu.memory_space<vmem>>, vector<1x16xf32>,
      %get3A_565 = vector.shape_cast %get3A_564 : vector<1x16xf32> to vector<16xf32>
      %swap3A_566 = arith.index_cast %add3A_498 : i32 to index
      %swap3A_567 = arith.constant 112 : index
      %swap3A_568 = tpu.vector_load %arg8[%swap3A_566, %swap3A_567] {strides = array<i32>} : memref<128x128xf32, #tpu.memory_space<vmem>>, vector<1x16xf32>,
      %swap3A_569 = vector.shape_cast %swap3A_568 : vector<1x16xf32> to vector<16xf32>
      %swap3A_570 = vector.shape_cast %get3A_565 : vector<16xf32> to vector<1x16xf32>
      tpu.vector_store %arg8[%swap3A_566, %swap3A_567], %swap3A_570 {add = true, strides = array<i32>} : memref<128x128xf32, #tpu.memory_space<vmem>>, vector<1x16xf32>,
      %mul3A_571 = arith.constant 4 : i32
      %mul3A_572 = arith.muli %scan3A_344, %mul3A_571 : i32
      %add3A_573 = arith.constant 3 : i32
      %add3A_574 = arith.addi %mul3A_572, %add3A_573 : i32
      %get3A_575 = arith.index_cast %add3A_574 : i32 to index
      %get3A_576 = arith.constant 0 : index
      %get3A_577 = tpu.vector_load %arg12[%get3A_575, %get3A_576] {strides = array<i32>} : memref<128x128xf32, #tpu.memory_space<vmem>>, vector<1x16xf32>,
      %get3A_578 = vector.shape_cast %get3A_577 : vector<1x16xf32> to vector<16xf32>
      %swap3A_579 = arith.index_cast %add3A_574 : i32 to index
      %swap3A_580 = arith.constant 0 : index
      %swap3A_581 = tpu.vector_load %arg8[%swap3A_579, %swap3A_580] {strides = array<i32>} : memref<128x128xf32, #tpu.memory_space<vmem>>, vector<1x16xf32>,
      %swap3A_582 = vector.shape_cast %swap3A_581 : vector<1x16xf32> to vector<16xf32>
      %swap3A_583 = vector.shape_cast %get3A_578 : vector<16xf32> to vector<1x16xf32>
      tpu.vector_store %arg8[%swap3A_579, %swap3A_580], %swap3A_583 {add = true, strides = array<i32>} : memref<128x128xf32, #tpu.memory_space<vmem>>, vector<1x16xf32>,
      %get3A_584 = arith.index_cast %add3A_574 : i32 to index
      %get3A_585 = arith.constant 16 : index
      %get3A_586 = tpu.vector_load %arg12[%get3A_584, %get3A_585] {strides = array<i32>} : memref<128x128xf32, #tpu.memory_space<vmem>>, vector<1x16xf32>,
      %get3A_587 = vector.shape_cast %get3A_586 : vector<1x16xf32> to vector<16xf32>
      %swap3A_588 = arith.index_cast %add3A_574 : i32 to index
      %swap3A_589 = arith.constant 16 : index
      %swap3A_590 = tpu.vector_load %arg8[%swap3A_588, %swap3A_589] {strides = array<i32>} : memref<128x128xf32, #tpu.memory_space<vmem>>, vector<1x16xf32>,
      %swap3A_591 = vector.shape_cast %swap3A_590 : vector<1x16xf32> to vector<16xf32>
      %swap3A_592 = vector.shape_cast %get3A_587 : vector<16xf32> to vector<1x16xf32>
      tpu.vector_store %arg8[%swap3A_588, %swap3A_589], %swap3A_592 {add = true, strides = array<i32>} : memref<128x128xf32, #tpu.memory_space<vmem>>, vector<1x16xf32>,
      %get3A_593 = arith.index_cast %add3A_574 : i32 to index
      %get3A_594 = arith.constant 32 : index
      %get3A_595 = tpu.vector_load %arg12[%get3A_593, %get3A_594] {strides = array<i32>} : memref<128x128xf32, #tpu.memory_space<vmem>>, vector<1x16xf32>,
      %get3A_596 = vector.shape_cast %get3A_595 : vector<1x16xf32> to vector<16xf32>
      %swap3A_597 = arith.index_cast %add3A_574 : i32 to index
      %swap3A_598 = arith.constant 32 : index
      %swap3A_599 = tpu.vector_load %arg8[%swap3A_597, %swap3A_598] {strides = array<i32>} : memref<128x128xf32, #tpu.memory_space<vmem>>, vector<1x16xf32>,
      %swap3A_600 = vector.shape_cast %swap3A_599 : vector<1x16xf32> to vector<16xf32>
      %swap3A_601 = vector.shape_cast %get3A_596 : vector<16xf32> to vector<1x16xf32>
      tpu.vector_store %arg8[%swap3A_597, %swap3A_598], %swap3A_601 {add = true, strides = array<i32>} : memref<128x128xf32, #tpu.memory_space<vmem>>, vector<1x16xf32>,
      %get3A_602 = arith.index_cast %add3A_574 : i32 to index
      %get3A_603 = arith.constant 48 : index
      %get3A_604 = tpu.vector_load %arg12[%get3A_602, %get3A_603] {strides = array<i32>} : memref<128x128xf32, #tpu.memory_space<vmem>>, vector<1x16xf32>,
      %get3A_605 = vector.shape_cast %get3A_604 : vector<1x16xf32> to vector<16xf32>
      %swap3A_606 = arith.index_cast %add3A_574 : i32 to index
      %swap3A_607 = arith.constant 48 : index
      %swap3A_608 = tpu.vector_load %arg8[%swap3A_606, %swap3A_607] {strides = array<i32>} : memref<128x128xf32, #tpu.memory_space<vmem>>, vector<1x16xf32>,
      %swap3A_609 = vector.shape_cast %swap3A_608 : vector<1x16xf32> to vector<16xf32>
      %swap3A_610 = vector.shape_cast %get3A_605 : vector<16xf32> to vector<1x16xf32>
      tpu.vector_store %arg8[%swap3A_606, %swap3A_607], %swap3A_610 {add = true, strides = array<i32>} : memref<128x128xf32, #tpu.memory_space<vmem>>, vector<1x16xf32>,
      %get3A_611 = arith.index_cast %add3A_574 : i32 to index
      %get3A_612 = arith.constant 64 : index
      %get3A_613 = tpu.vector_load %arg12[%get3A_611, %get3A_612] {strides = array<i32>} : memref<128x128xf32, #tpu.memory_space<vmem>>, vector<1x16xf32>,
      %get3A_614 = vector.shape_cast %get3A_613 : vector<1x16xf32> to vector<16xf32>
      %swap3A_615 = arith.index_cast %add3A_574 : i32 to index
      %swap3A_616 = arith.constant 64 : index
      %swap3A_617 = tpu.vector_load %arg8[%swap3A_615, %swap3A_616] {strides = array<i32>} : memref<128x128xf32, #tpu.memory_space<vmem>>, vector<1x16xf32>,
      %swap3A_618 = vector.shape_cast %swap3A_617 : vector<1x16xf32> to vector<16xf32>
      %swap3A_619 = vector.shape_cast %get3A_614 : vector<16xf32> to vector<1x16xf32>
      tpu.vector_store %arg8[%swap3A_615, %swap3A_616], %swap3A_619 {add = true, strides = array<i32>} : memref<128x128xf32, #tpu.memory_space<vmem>>, vector<1x16xf32>,
      %get3A_620 = arith.index_cast %add3A_574 : i32 to index
      %get3A_621 = arith.constant 80 : index
      %get3A_622 = tpu.vector_load %arg12[%get3A_620, %get3A_621] {strides = array<i32>} : memref<128x128xf32, #tpu.memory_space<vmem>>, vector<1x16xf32>,
      %get3A_623 = vector.shape_cast %get3A_622 : vector<1x16xf32> to vector<16xf32>
      %swap3A_624 = arith.index_cast %add3A_574 : i32 to index
      %swap3A_625 = arith.constant 80 : index
      %swap3A_626 = tpu.vector_load %arg8[%swap3A_624, %swap3A_625] {strides = array<i32>} : memref<128x128xf32, #tpu.memory_space<vmem>>, vector<1x16xf32>,
      %swap3A_627 = vector.shape_cast %swap3A_626 : vector<1x16xf32> to vector<16xf32>
      %swap3A_628 = vector.shape_cast %get3A_623 : vector<16xf32> to vector<1x16xf32>
      tpu.vector_store %arg8[%swap3A_624, %swap3A_625], %swap3A_628 {add = true, strides = array<i32>} : memref<128x128xf32, #tpu.memory_space<vmem>>, vector<1x16xf32>,
      %get3A_629 = arith.index_cast %add3A_574 : i32 to index
      %get3A_630 = arith.constant 96 : index
      %get3A_631 = tpu.vector_load %arg12[%get3A_629, %get3A_630] {strides = array<i32>} : memref<128x128xf32, #tpu.memory_space<vmem>>, vector<1x16xf32>,
      %get3A_632 = vector.shape_cast %get3A_631 : vector<1x16xf32> to vector<16xf32>
      %swap3A_633 = arith.index_cast %add3A_574 : i32 to index
      %swap3A_634 = arith.constant 96 : index
      %swap3A_635 = tpu.vector_load %arg8[%swap3A_633, %swap3A_634] {strides = array<i32>} : memref<128x128xf32, #tpu.memory_space<vmem>>, vector<1x16xf32>,
      %swap3A_636 = vector.shape_cast %swap3A_635 : vector<1x16xf32> to vector<16xf32>
      %swap3A_637 = vector.shape_cast %get3A_632 : vector<16xf32> to vector<1x16xf32>
      tpu.vector_store %arg8[%swap3A_633, %swap3A_634], %swap3A_637 {add = true, strides = array<i32>} : memref<128x128xf32, #tpu.memory_space<vmem>>, vector<1x16xf32>,
      %get3A_638 = arith.index_cast %add3A_574 : i32 to index
      %get3A_639 = arith.constant 112 : index
      %get3A_640 = tpu.vector_load %arg12[%get3A_638, %get3A_639] {strides = array<i32>} : memref<128x128xf32, #tpu.memory_space<vmem>>, vector<1x16xf32>,
      %get3A_641 = vector.shape_cast %get3A_640 : vector<1x16xf32> to vector<16xf32>
      %swap3A_642 = arith.index_cast %add3A_574 : i32 to index
      %swap3A_643 = arith.constant 112 : index
      %swap3A_644 = tpu.vector_load %arg8[%swap3A_642, %swap3A_643] {strides = array<i32>} : memref<128x128xf32, #tpu.memory_space<vmem>>, vector<1x16xf32>,
      %swap3A_645 = vector.shape_cast %swap3A_644 : vector<1x16xf32> to vector<16xf32>
      %swap3A_646 = vector.shape_cast %get3A_641 : vector<16xf32> to vector<1x16xf32>
      tpu.vector_store %arg8[%swap3A_642, %swap3A_643], %swap3A_646 {add = true, strides = array<i32>} : memref<128x128xf32, #tpu.memory_space<vmem>>, vector<1x16xf32>,
    }
    %scan3A_114 = arith.constant 32 : i32
    %add3A_115 = arith.constant 128 : i32
    %add3A_116 = arith.addi %mul3A_4, %add3A_115 : i32
    %dma_start3A_117 = arith.constant 0 : i32
    %dma_start3A_118 = tpu.memref_slice %arg5[%add3A_116, %dma_start3A_117] : memref<32768x128xf32, #tpu.memory_space<hbm>> -> memref<128x128xf32, #tpu.memory_space<hbm>>
    %dma_start3A_119 = arith.constant 0 : i32
    %dma_start3A_120 = tpu.memref_slice %arg5[%add3A_116, %dma_start3A_119] : memref<32768x128xf32, #tpu.memory_space<hbm>> -> memref<128x128xf32, #tpu.memory_space<hbm>>
    tpu.enqueue_dma source(%arg8 : memref<128x128xf32, #tpu.memory_space<vmem>>) target(%dma_start3A_120 : memref<128x128xf32, #tpu.memory_space<hbm>>) target_semaphore(%arg20 : memref<!tpu.dma_semaphore, #tpu.memory_space<semaphore_mem>>)
    %dma_wait3A_121 = arith.constant 0 : i32
    %dma_wait3A_122 = arith.constant 256 : i32
    %dma_wait3A_123 = tpu.memref_slice %arg6[%dma_wait3A_121, %dma_wait3A_122] : memref<2x512xi32, #tpu.memory_space<vmem>> -> memref<1x128xi32, #tpu.memory_space<vmem>>
    %dma_wait3A_124 = tpu.memref_squeeze %dma_wait3A_123 : memref<1x128xi32, #tpu.memory_space<vmem>> -> memref<128xi32, #tpu.memory_space<vmem>>
    %dma_wait3A_125 = arith.constant 0 : i32
    %dma_wait3A_126 = arith.constant 0 : i32
    %dma_wait3A_127 = tpu.memref_slice %arg3[%dma_wait3A_125, %dma_wait3A_126] : memref<100000x128xf32, #tpu.memory_space<hbm>> -> memref<100000x128xf32, #tpu.memory_space<hbm>>
    tpu.wait_indirect_dma semaphore(%arg17 : memref<!tpu.dma_semaphore, #tpu.memory_space<semaphore_mem>>) src(%dma_wait3A_127 : memref<100000x128xf32, #tpu.memory_space<hbm>>) dst(%arg9 : memref<128x128xf32, #tpu.memory_space<vmem>>)
    %dma_wait3A_128 = arith.constant 0 : i32
    %dma_wait3A_129 = tpu.memref_slice %arg5[%add3A_116, %dma_wait3A_128] : memref<32768x128xf32, #tpu.memory_space<hbm>> -> memref<128x128xf32, #tpu.memory_space<hbm>>
    %dma_wait3A_130 = arith.constant 0 : i32
    %dma_wait3A_131 = tpu.memref_slice %arg5[%add3A_116, %dma_wait3A_130] : memref<32768x128xf32, #tpu.memory_space<hbm>> -> memref<128x128xf32, #tpu.memory_space<hbm>>
    tpu.wait_dma2 semaphore(%arg20 : memref<!tpu.dma_semaphore, #tpu.memory_space<semaphore_mem>>) src(%arg8 : memref<128x128xf32, #tpu.memory_space<vmem>>) dst(%dma_wait3A_131 : memref<128x128xf32, #tpu.memory_space<hbm>>)
    %dma_start3A_132 = arith.constant 1 : i32
    %dma_start3A_133 = arith.constant 128 : i32
    %dma_start3A_134 = tpu.memref_slice %arg6[%dma_start3A_132, %dma_start3A_133] : memref<2x512xi32, #tpu.memory_space<vmem>> -> memref<1x128xi32, #tpu.memory_space<vmem>>
    %dma_start3A_135 = tpu.memref_squeeze %dma_start3A_134 : memref<1x128xi32, #tpu.memory_space<vmem>> -> memref<128xi32, #tpu.memory_space<vmem>>
    %dma_start3A_136 = arith.constant 0 : i32
    %dma_start3A_137 = arith.constant 0 : i32
    %dma_start3A_138 = tpu.memref_slice %arg3[%dma_start3A_136, %dma_start3A_137] : memref<100000x128xf32, #tpu.memory_space<hbm>> -> memref<100000x128xf32, #tpu.memory_space<hbm>>
    tpu.enqueue_indirect_dma source(%dma_start3A_138 : memref<100000x128xf32, #tpu.memory_space<hbm>>) target(%arg8 : memref<128x128xf32, #tpu.memory_space<vmem>>) offsets(%dma_start3A_135 : memref<128xi32, #tpu.memory_space<vmem>>) semaphore(%arg16 : memref<!tpu.dma_semaphore, #tpu.memory_space<semaphore_mem>>)
    %dma_start3A_139 = arith.constant 0 : i32
    %dma_start3A_140 = arith.constant 0 : i32
    %dma_start3A_141 = tpu.memref_slice %arg14[%dma_start3A_139, %dma_start3A_140] : memref<512x128xf32, #tpu.memory_space<vmem_shared>> -> memref<128x128xf32, #tpu.memory_space<vmem_shared>>
    %dma_start3A_142 = arith.constant 0 : i32
    %dma_start3A_143 = arith.constant 0 : i32
    %dma_start3A_144 = tpu.memref_slice %arg14[%dma_start3A_142, %dma_start3A_143] : memref<512x128xf32, #tpu.memory_space<vmem_shared>> -> memref<128x128xf32, #tpu.memory_space<vmem_shared>>
    tpu.enqueue_dma source(%dma_start3A_144 : memref<128x128xf32, #tpu.memory_space<vmem_shared>>) target(%arg12 : memref<128x128xf32, #tpu.memory_space<vmem>>) target_semaphore(%arg24 : memref<!tpu.dma_semaphore, #tpu.memory_space<semaphore_mem>>)
    %dma_wait3A_145 = arith.constant 256 : i32
    %dma_wait3A_146 = arith.constant 0 : i32
    %dma_wait3A_147 = tpu.memref_slice %arg14[%dma_wait3A_145, %dma_wait3A_146] : memref<512x128xf32, #tpu.memory_space<vmem_shared>> -> memref<128x128xf32, #tpu.memory_space<vmem_shared>>
    %dma_wait3A_148 = arith.constant 256 : i32
    %dma_wait3A_149 = arith.constant 0 : i32
    %dma_wait3A_150 = tpu.memref_slice %arg14[%dma_wait3A_148, %dma_wait3A_149] : memref<512x128xf32, #tpu.memory_space<vmem_shared>> -> memref<128x128xf32, #tpu.memory_space<vmem_shared>>
    tpu.wait_dma2 semaphore(%arg25 : memref<!tpu.dma_semaphore, #tpu.memory_space<semaphore_mem>>) src(%dma_wait3A_150 : memref<128x128xf32, #tpu.memory_space<vmem_shared>>) dst(%arg13 : memref<128x128xf32, #tpu.memory_space<vmem>>)
    %scan3A_151 = arith.constant 0 : i32
    %scan3A_152 = arith.constant 0 : i32
    %scan3A_153 = arith.constant 32 : i32
    %scan3A_154 = arith.addi %scan3A_152, %scan3A_153 : i32
    %scan3A_155 = arith.constant 1 : i32
    scf.for %scan3A_344 = %scan3A_152 to %scan3A_154 step %scan3A_155  : i32 {
      %mul3A_345 = arith.constant 4 : i32
      %mul3A_346 = arith.muli %scan3A_344, %mul3A_345 : i32
      %add3A_347 = arith.constant 0 : i32
      %add3A_348 = arith.addi %mul3A_346, %add3A_347 : i32
      %get3A = arith.index_cast %add3A_348 : i32 to index
      %get3A_349 = arith.constant 0 : index
      %get3A_350 = tpu.vector_load %arg13[%get3A, %get3A_349] {strides = array<i32>} : memref<128x128xf32, #tpu.memory_space<vmem>>, vector<1x16xf32>,
      %get3A_351 = vector.shape_cast %get3A_350 : vector<1x16xf32> to vector<16xf32>
      %swap3A = arith.index_cast %add3A_348 : i32 to index
      %swap3A_352 = arith.constant 0 : index
      %swap3A_353 = tpu.vector_load %arg9[%swap3A, %swap3A_352] {strides = array<i32>} : memref<128x128xf32, #tpu.memory_space<vmem>>, vector<1x16xf32>,
      %swap3A_354 = vector.shape_cast %swap3A_353 : vector<1x16xf32> to vector<16xf32>
      %swap3A_355 = vector.shape_cast %get3A_351 : vector<16xf32> to vector<1x16xf32>
      tpu.vector_store %arg9[%swap3A, %swap3A_352], %swap3A_355 {add = true, strides = array<i32>} : memref<128x128xf32, #tpu.memory_space<vmem>>, vector<1x16xf32>,
      %get3A_356 = arith.index_cast %add3A_348 : i32 to index
      %get3A_357 = arith.constant 16 : index
      %get3A_358 = tpu.vector_load %arg13[%get3A_356, %get3A_357] {strides = array<i32>} : memref<128x128xf32, #tpu.memory_space<vmem>>, vector<1x16xf32>,
      %get3A_359 = vector.shape_cast %get3A_358 : vector<1x16xf32> to vector<16xf32>
      %swap3A_360 = arith.index_cast %add3A_348 : i32 to index
      %swap3A_361 = arith.constant 16 : index
      %swap3A_362 = tpu.vector_load %arg9[%swap3A_360, %swap3A_361] {strides = array<i32>} : memref<128x128xf32, #tpu.memory_space<vmem>>, vector<1x16xf32>,
      %swap3A_363 = vector.shape_cast %swap3A_362 : vector<1x16xf32> to vector<16xf32>
      %swap3A_364 = vector.shape_cast %get3A_359 : vector<16xf32> to vector<1x16xf32>
      tpu.vector_store %arg9[%swap3A_360, %swap3A_361], %swap3A_364 {add = true, strides = array<i32>} : memref<128x128xf32, #tpu.memory_space<vmem>>, vector<1x16xf32>,
      %get3A_365 = arith.index_cast %add3A_348 : i32 to index
      %get3A_366 = arith.constant 32 : index
      %get3A_367 = tpu.vector_load %arg13[%get3A_365, %get3A_366] {strides = array<i32>} : memref<128x128xf32, #tpu.memory_space<vmem>>, vector<1x16xf32>,
      %get3A_368 = vector.shape_cast %get3A_367 : vector<1x16xf32> to vector<16xf32>
      %swap3A_369 = arith.index_cast %add3A_348 : i32 to index
      %swap3A_370 = arith.constant 32 : index
      %swap3A_371 = tpu.vector_load %arg9[%swap3A_369, %swap3A_370] {strides = array<i32>} : memref<128x128xf32, #tpu.memory_space<vmem>>, vector<1x16xf32>,
      %swap3A_372 = vector.shape_cast %swap3A_371 : vector<1x16xf32> to vector<16xf32>
      %swap3A_373 = vector.shape_cast %get3A_368 : vector<16xf32> to vector<1x16xf32>
      tpu.vector_store %arg9[%swap3A_369, %swap3A_370], %swap3A_373 {add = true, strides = array<i32>} : memref<128x128xf32, #tpu.memory_space<vmem>>, vector<1x16xf32>,
      %get3A_374 = arith.index_cast %add3A_348 : i32 to index
      %get3A_375 = arith.constant 48 : index
      %get3A_376 = tpu.vector_load %arg13[%get3A_374, %get3A_375] {strides = array<i32>} : memref<128x128xf32, #tpu.memory_space<vmem>>, vector<1x16xf32>,
      %get3A_377 = vector.shape_cast %get3A_376 : vector<1x16xf32> to vector<16xf32>
      %swap3A_378 = arith.index_cast %add3A_348 : i32 to index
      %swap3A_379 = arith.constant 48 : index
      %swap3A_380 = tpu.vector_load %arg9[%swap3A_378, %swap3A_379] {strides = array<i32>} : memref<128x128xf32, #tpu.memory_space<vmem>>, vector<1x16xf32>,
      %swap3A_381 = vector.shape_cast %swap3A_380 : vector<1x16xf32> to vector<16xf32>
      %swap3A_382 = vector.shape_cast %get3A_377 : vector<16xf32> to vector<1x16xf32>
      tpu.vector_store %arg9[%swap3A_378, %swap3A_379], %swap3A_382 {add = true, strides = array<i32>} : memref<128x128xf32, #tpu.memory_space<vmem>>, vector<1x16xf32>,
      %get3A_383 = arith.index_cast %add3A_348 : i32 to index
      %get3A_384 = arith.constant 64 : index
      %get3A_385 = tpu.vector_load %arg13[%get3A_383, %get3A_384] {strides = array<i32>} : memref<128x128xf32, #tpu.memory_space<vmem>>, vector<1x16xf32>,
      %get3A_386 = vector.shape_cast %get3A_385 : vector<1x16xf32> to vector<16xf32>
      %swap3A_387 = arith.index_cast %add3A_348 : i32 to index
      %swap3A_388 = arith.constant 64 : index
      %swap3A_389 = tpu.vector_load %arg9[%swap3A_387, %swap3A_388] {strides = array<i32>} : memref<128x128xf32, #tpu.memory_space<vmem>>, vector<1x16xf32>,
      %swap3A_390 = vector.shape_cast %swap3A_389 : vector<1x16xf32> to vector<16xf32>
      %swap3A_391 = vector.shape_cast %get3A_386 : vector<16xf32> to vector<1x16xf32>
      tpu.vector_store %arg9[%swap3A_387, %swap3A_388], %swap3A_391 {add = true, strides = array<i32>} : memref<128x128xf32, #tpu.memory_space<vmem>>, vector<1x16xf32>,
      %get3A_392 = arith.index_cast %add3A_348 : i32 to index
      %get3A_393 = arith.constant 80 : index
      %get3A_394 = tpu.vector_load %arg13[%get3A_392, %get3A_393] {strides = array<i32>} : memref<128x128xf32, #tpu.memory_space<vmem>>, vector<1x16xf32>,
      %get3A_395 = vector.shape_cast %get3A_394 : vector<1x16xf32> to vector<16xf32>
      %swap3A_396 = arith.index_cast %add3A_348 : i32 to index
      %swap3A_397 = arith.constant 80 : index
      %swap3A_398 = tpu.vector_load %arg9[%swap3A_396, %swap3A_397] {strides = array<i32>} : memref<128x128xf32, #tpu.memory_space<vmem>>, vector<1x16xf32>,
      %swap3A_399 = vector.shape_cast %swap3A_398 : vector<1x16xf32> to vector<16xf32>
      %swap3A_400 = vector.shape_cast %get3A_395 : vector<16xf32> to vector<1x16xf32>
      tpu.vector_store %arg9[%swap3A_396, %swap3A_397], %swap3A_400 {add = true, strides = array<i32>} : memref<128x128xf32, #tpu.memory_space<vmem>>, vector<1x16xf32>,
      %get3A_401 = arith.index_cast %add3A_348 : i32 to index
      %get3A_402 = arith.constant 96 : index
      %get3A_403 = tpu.vector_load %arg13[%get3A_401, %get3A_402] {strides = array<i32>} : memref<128x128xf32, #tpu.memory_space<vmem>>, vector<1x16xf32>,
      %get3A_404 = vector.shape_cast %get3A_403 : vector<1x16xf32> to vector<16xf32>
      %swap3A_405 = arith.index_cast %add3A_348 : i32 to index
      %swap3A_406 = arith.constant 96 : index
      %swap3A_407 = tpu.vector_load %arg9[%swap3A_405, %swap3A_406] {strides = array<i32>} : memref<128x128xf32, #tpu.memory_space<vmem>>, vector<1x16xf32>,
      %swap3A_408 = vector.shape_cast %swap3A_407 : vector<1x16xf32> to vector<16xf32>
      %swap3A_409 = vector.shape_cast %get3A_404 : vector<16xf32> to vector<1x16xf32>
      tpu.vector_store %arg9[%swap3A_405, %swap3A_406], %swap3A_409 {add = true, strides = array<i32>} : memref<128x128xf32, #tpu.memory_space<vmem>>, vector<1x16xf32>,
      %get3A_410 = arith.index_cast %add3A_348 : i32 to index
      %get3A_411 = arith.constant 112 : index
      %get3A_412 = tpu.vector_load %arg13[%get3A_410, %get3A_411] {strides = array<i32>} : memref<128x128xf32, #tpu.memory_space<vmem>>, vector<1x16xf32>,
      %get3A_413 = vector.shape_cast %get3A_412 : vector<1x16xf32> to vector<16xf32>
      %swap3A_414 = arith.index_cast %add3A_348 : i32 to index
      %swap3A_415 = arith.constant 112 : index
      %swap3A_416 = tpu.vector_load %arg9[%swap3A_414, %swap3A_415] {strides = array<i32>} : memref<128x128xf32, #tpu.memory_space<vmem>>, vector<1x16xf32>,
      %swap3A_417 = vector.shape_cast %swap3A_416 : vector<1x16xf32> to vector<16xf32>
      %swap3A_418 = vector.shape_cast %get3A_413 : vector<16xf32> to vector<1x16xf32>
      tpu.vector_store %arg9[%swap3A_414, %swap3A_415], %swap3A_418 {add = true, strides = array<i32>} : memref<128x128xf32, #tpu.memory_space<vmem>>, vector<1x16xf32>,
      %mul3A_419 = arith.constant 4 : i32
      %mul3A_420 = arith.muli %scan3A_344, %mul3A_419 : i32
      %add3A_421 = arith.constant 1 : i32
      %add3A_422 = arith.addi %mul3A_420, %add3A_421 : i32
      %get3A_423 = arith.index_cast %add3A_422 : i32 to index
      %get3A_424 = arith.constant 0 : index
      %get3A_425 = tpu.vector_load %arg13[%get3A_423, %get3A_424] {strides = array<i32>} : memref<128x128xf32, #tpu.memory_space<vmem>>, vector<1x16xf32>,
      %get3A_426 = vector.shape_cast %get3A_425 : vector<1x16xf32> to vector<16xf32>
      %swap3A_427 = arith.index_cast %add3A_422 : i32 to index
      %swap3A_428 = arith.constant 0 : index
      %swap3A_429 = tpu.vector_load %arg9[%swap3A_427, %swap3A_428] {strides = array<i32>} : memref<128x128xf32, #tpu.memory_space<vmem>>, vector<1x16xf32>,
      %swap3A_430 = vector.shape_cast %swap3A_429 : vector<1x16xf32> to vector<16xf32>
      %swap3A_431 = vector.shape_cast %get3A_426 : vector<16xf32> to vector<1x16xf32>
      tpu.vector_store %arg9[%swap3A_427, %swap3A_428], %swap3A_431 {add = true, strides = array<i32>} : memref<128x128xf32, #tpu.memory_space<vmem>>, vector<1x16xf32>,
      %get3A_432 = arith.index_cast %add3A_422 : i32 to index
      %get3A_433 = arith.constant 16 : index
      %get3A_434 = tpu.vector_load %arg13[%get3A_432, %get3A_433] {strides = array<i32>} : memref<128x128xf32, #tpu.memory_space<vmem>>, vector<1x16xf32>,
      %get3A_435 = vector.shape_cast %get3A_434 : vector<1x16xf32> to vector<16xf32>
      %swap3A_436 = arith.index_cast %add3A_422 : i32 to index
      %swap3A_437 = arith.constant 16 : index
      %swap3A_438 = tpu.vector_load %arg9[%swap3A_436, %swap3A_437] {strides = array<i32>} : memref<128x128xf32, #tpu.memory_space<vmem>>, vector<1x16xf32>,
      %swap3A_439 = vector.shape_cast %swap3A_438 : vector<1x16xf32> to vector<16xf32>
      %swap3A_440 = vector.shape_cast %get3A_435 : vector<16xf32> to vector<1x16xf32>
      tpu.vector_store %arg9[%swap3A_436, %swap3A_437], %swap3A_440 {add = true, strides = array<i32>} : memref<128x128xf32, #tpu.memory_space<vmem>>, vector<1x16xf32>,
      %get3A_441 = arith.index_cast %add3A_422 : i32 to index
      %get3A_442 = arith.constant 32 : index
      %get3A_443 = tpu.vector_load %arg13[%get3A_441, %get3A_442] {strides = array<i32>} : memref<128x128xf32, #tpu.memory_space<vmem>>, vector<1x16xf32>,
      %get3A_444 = vector.shape_cast %get3A_443 : vector<1x16xf32> to vector<16xf32>
      %swap3A_445 = arith.index_cast %add3A_422 : i32 to index
      %swap3A_446 = arith.constant 32 : index
      %swap3A_447 = tpu.vector_load %arg9[%swap3A_445, %swap3A_446] {strides = array<i32>} : memref<128x128xf32, #tpu.memory_space<vmem>>, vector<1x16xf32>,
      %swap3A_448 = vector.shape_cast %swap3A_447 : vector<1x16xf32> to vector<16xf32>
      %swap3A_449 = vector.shape_cast %get3A_444 : vector<16xf32> to vector<1x16xf32>
      tpu.vector_store %arg9[%swap3A_445, %swap3A_446], %swap3A_449 {add = true, strides = array<i32>} : memref<128x128xf32, #tpu.memory_space<vmem>>, vector<1x16xf32>,
      %get3A_450 = arith.index_cast %add3A_422 : i32 to index
      %get3A_451 = arith.constant 48 : index
      %get3A_452 = tpu.vector_load %arg13[%get3A_450, %get3A_451] {strides = array<i32>} : memref<128x128xf32, #tpu.memory_space<vmem>>, vector<1x16xf32>,
      %get3A_453 = vector.shape_cast %get3A_452 : vector<1x16xf32> to vector<16xf32>
      %swap3A_454 = arith.index_cast %add3A_422 : i32 to index
      %swap3A_455 = arith.constant 48 : index
      %swap3A_456 = tpu.vector_load %arg9[%swap3A_454, %swap3A_455] {strides = array<i32>} : memref<128x128xf32, #tpu.memory_space<vmem>>, vector<1x16xf32>,
      %swap3A_457 = vector.shape_cast %swap3A_456 : vector<1x16xf32> to vector<16xf32>
      %swap3A_458 = vector.shape_cast %get3A_453 : vector<16xf32> to vector<1x16xf32>
      tpu.vector_store %arg9[%swap3A_454, %swap3A_455], %swap3A_458 {add = true, strides = array<i32>} : memref<128x128xf32, #tpu.memory_space<vmem>>, vector<1x16xf32>,
      %get3A_459 = arith.index_cast %add3A_422 : i32 to index
      %get3A_460 = arith.constant 64 : index
      %get3A_461 = tpu.vector_load %arg13[%get3A_459, %get3A_460] {strides = array<i32>} : memref<128x128xf32, #tpu.memory_space<vmem>>, vector<1x16xf32>,
      %get3A_462 = vector.shape_cast %get3A_461 : vector<1x16xf32> to vector<16xf32>
      %swap3A_463 = arith.index_cast %add3A_422 : i32 to index
      %swap3A_464 = arith.constant 64 : index
      %swap3A_465 = tpu.vector_load %arg9[%swap3A_463, %swap3A_464] {strides = array<i32>} : memref<128x128xf32, #tpu.memory_space<vmem>>, vector<1x16xf32>,
      %swap3A_466 = vector.shape_cast %swap3A_465 : vector<1x16xf32> to vector<16xf32>
      %swap3A_467 = vector.shape_cast %get3A_462 : vector<16xf32> to vector<1x16xf32>
      tpu.vector_store %arg9[%swap3A_463, %swap3A_464], %swap3A_467 {add = true, strides = array<i32>} : memref<128x128xf32, #tpu.memory_space<vmem>>, vector<1x16xf32>,
      %get3A_468 = arith.index_cast %add3A_422 : i32 to index
      %get3A_469 = arith.constant 80 : index
      %get3A_470 = tpu.vector_load %arg13[%get3A_468, %get3A_469] {strides = array<i32>} : memref<128x128xf32, #tpu.memory_space<vmem>>, vector<1x16xf32>,
      %get3A_471 = vector.shape_cast %get3A_470 : vector<1x16xf32> to vector<16xf32>
      %swap3A_472 = arith.index_cast %add3A_422 : i32 to index
      %swap3A_473 = arith.constant 80 : index
      %swap3A_474 = tpu.vector_load %arg9[%swap3A_472, %swap3A_473] {strides = array<i32>} : memref<128x128xf32, #tpu.memory_space<vmem>>, vector<1x16xf32>,
      %swap3A_475 = vector.shape_cast %swap3A_474 : vector<1x16xf32> to vector<16xf32>
      %swap3A_476 = vector.shape_cast %get3A_471 : vector<16xf32> to vector<1x16xf32>
      tpu.vector_store %arg9[%swap3A_472, %swap3A_473], %swap3A_476 {add = true, strides = array<i32>} : memref<128x128xf32, #tpu.memory_space<vmem>>, vector<1x16xf32>,
      %get3A_477 = arith.index_cast %add3A_422 : i32 to index
      %get3A_478 = arith.constant 96 : index
      %get3A_479 = tpu.vector_load %arg13[%get3A_477, %get3A_478] {strides = array<i32>} : memref<128x128xf32, #tpu.memory_space<vmem>>, vector<1x16xf32>,
      %get3A_480 = vector.shape_cast %get3A_479 : vector<1x16xf32> to vector<16xf32>
      %swap3A_481 = arith.index_cast %add3A_422 : i32 to index
      %swap3A_482 = arith.constant 96 : index
      %swap3A_483 = tpu.vector_load %arg9[%swap3A_481, %swap3A_482] {strides = array<i32>} : memref<128x128xf32, #tpu.memory_space<vmem>>, vector<1x16xf32>,
      %swap3A_484 = vector.shape_cast %swap3A_483 : vector<1x16xf32> to vector<16xf32>
      %swap3A_485 = vector.shape_cast %get3A_480 : vector<16xf32> to vector<1x16xf32>
      tpu.vector_store %arg9[%swap3A_481, %swap3A_482], %swap3A_485 {add = true, strides = array<i32>} : memref<128x128xf32, #tpu.memory_space<vmem>>, vector<1x16xf32>,
      %get3A_486 = arith.index_cast %add3A_422 : i32 to index
      %get3A_487 = arith.constant 112 : index
      %get3A_488 = tpu.vector_load %arg13[%get3A_486, %get3A_487] {strides = array<i32>} : memref<128x128xf32, #tpu.memory_space<vmem>>, vector<1x16xf32>,
      %get3A_489 = vector.shape_cast %get3A_488 : vector<1x16xf32> to vector<16xf32>
      %swap3A_490 = arith.index_cast %add3A_422 : i32 to index
      %swap3A_491 = arith.constant 112 : index
      %swap3A_492 = tpu.vector_load %arg9[%swap3A_490, %swap3A_491] {strides = array<i32>} : memref<128x128xf32, #tpu.memory_space<vmem>>, vector<1x16xf32>,
      %swap3A_493 = vector.shape_cast %swap3A_492 : vector<1x16xf32> to vector<16xf32>
      %swap3A_494 = vector.shape_cast %get3A_489 : vector<16xf32> to vector<1x16xf32>
      tpu.vector_store %arg9[%swap3A_490, %swap3A_491], %swap3A_494 {add = true, strides = array<i32>} : memref<128x128xf32, #tpu.memory_space<vmem>>, vector<1x16xf32>,
      %mul3A_495 = arith.constant 4 : i32
      %mul3A_496 = arith.muli %scan3A_344, %mul3A_495 : i32
      %add3A_497 = arith.constant 2 : i32
      %add3A_498 = arith.addi %mul3A_496, %add3A_497 : i32
      %get3A_499 = arith.index_cast %add3A_498 : i32 to index
      %get3A_500 = arith.constant 0 : index
      %get3A_501 = tpu.vector_load %arg13[%get3A_499, %get3A_500] {strides = array<i32>} : memref<128x128xf32, #tpu.memory_space<vmem>>, vector<1x16xf32>,
      %get3A_502 = vector.shape_cast %get3A_501 : vector<1x16xf32> to vector<16xf32>
      %swap3A_503 = arith.index_cast %add3A_498 : i32 to index
      %swap3A_504 = arith.constant 0 : index
      %swap3A_505 = tpu.vector_load %arg9[%swap3A_503, %swap3A_504] {strides = array<i32>} : memref<128x128xf32, #tpu.memory_space<vmem>>, vector<1x16xf32>,
      %swap3A_506 = vector.shape_cast %swap3A_505 : vector<1x16xf32> to vector<16xf32>
      %swap3A_507 = vector.shape_cast %get3A_502 : vector<16xf32> to vector<1x16xf32>
      tpu.vector_store %arg9[%swap3A_503, %swap3A_504], %swap3A_507 {add = true, strides = array<i32>} : memref<128x128xf32, #tpu.memory_space<vmem>>, vector<1x16xf32>,
      %get3A_508 = arith.index_cast %add3A_498 : i32 to index
      %get3A_509 = arith.constant 16 : index
      %get3A_510 = tpu.vector_load %arg13[%get3A_508, %get3A_509] {strides = array<i32>} : memref<128x128xf32, #tpu.memory_space<vmem>>, vector<1x16xf32>,
      %get3A_511 = vector.shape_cast %get3A_510 : vector<1x16xf32> to vector<16xf32>
      %swap3A_512 = arith.index_cast %add3A_498 : i32 to index
      %swap3A_513 = arith.constant 16 : index
      %swap3A_514 = tpu.vector_load %arg9[%swap3A_512, %swap3A_513] {strides = array<i32>} : memref<128x128xf32, #tpu.memory_space<vmem>>, vector<1x16xf32>,
      %swap3A_515 = vector.shape_cast %swap3A_514 : vector<1x16xf32> to vector<16xf32>
      %swap3A_516 = vector.shape_cast %get3A_511 : vector<16xf32> to vector<1x16xf32>
      tpu.vector_store %arg9[%swap3A_512, %swap3A_513], %swap3A_516 {add = true, strides = array<i32>} : memref<128x128xf32, #tpu.memory_space<vmem>>, vector<1x16xf32>,
      %get3A_517 = arith.index_cast %add3A_498 : i32 to index
      %get3A_518 = arith.constant 32 : index
      %get3A_519 = tpu.vector_load %arg13[%get3A_517, %get3A_518] {strides = array<i32>} : memref<128x128xf32, #tpu.memory_space<vmem>>, vector<1x16xf32>,
      %get3A_520 = vector.shape_cast %get3A_519 : vector<1x16xf32> to vector<16xf32>
      %swap3A_521 = arith.index_cast %add3A_498 : i32 to index
      %swap3A_522 = arith.constant 32 : index
      %swap3A_523 = tpu.vector_load %arg9[%swap3A_521, %swap3A_522] {strides = array<i32>} : memref<128x128xf32, #tpu.memory_space<vmem>>, vector<1x16xf32>,
      %swap3A_524 = vector.shape_cast %swap3A_523 : vector<1x16xf32> to vector<16xf32>
      %swap3A_525 = vector.shape_cast %get3A_520 : vector<16xf32> to vector<1x16xf32>
      tpu.vector_store %arg9[%swap3A_521, %swap3A_522], %swap3A_525 {add = true, strides = array<i32>} : memref<128x128xf32, #tpu.memory_space<vmem>>, vector<1x16xf32>,
      %get3A_526 = arith.index_cast %add3A_498 : i32 to index
      %get3A_527 = arith.constant 48 : index
      %get3A_528 = tpu.vector_load %arg13[%get3A_526, %get3A_527] {strides = array<i32>} : memref<128x128xf32, #tpu.memory_space<vmem>>, vector<1x16xf32>,
      %get3A_529 = vector.shape_cast %get3A_528 : vector<1x16xf32> to vector<16xf32>
      %swap3A_530 = arith.index_cast %add3A_498 : i32 to index
      %swap3A_531 = arith.constant 48 : index
      %swap3A_532 = tpu.vector_load %arg9[%swap3A_530, %swap3A_531] {strides = array<i32>} : memref<128x128xf32, #tpu.memory_space<vmem>>, vector<1x16xf32>,
      %swap3A_533 = vector.shape_cast %swap3A_532 : vector<1x16xf32> to vector<16xf32>
      %swap3A_534 = vector.shape_cast %get3A_529 : vector<16xf32> to vector<1x16xf32>
      tpu.vector_store %arg9[%swap3A_530, %swap3A_531], %swap3A_534 {add = true, strides = array<i32>} : memref<128x128xf32, #tpu.memory_space<vmem>>, vector<1x16xf32>,
      %get3A_535 = arith.index_cast %add3A_498 : i32 to index
      %get3A_536 = arith.constant 64 : index
      %get3A_537 = tpu.vector_load %arg13[%get3A_535, %get3A_536] {strides = array<i32>} : memref<128x128xf32, #tpu.memory_space<vmem>>, vector<1x16xf32>,
      %get3A_538 = vector.shape_cast %get3A_537 : vector<1x16xf32> to vector<16xf32>
      %swap3A_539 = arith.index_cast %add3A_498 : i32 to index
      %swap3A_540 = arith.constant 64 : index
      %swap3A_541 = tpu.vector_load %arg9[%swap3A_539, %swap3A_540] {strides = array<i32>} : memref<128x128xf32, #tpu.memory_space<vmem>>, vector<1x16xf32>,
      %swap3A_542 = vector.shape_cast %swap3A_541 : vector<1x16xf32> to vector<16xf32>
      %swap3A_543 = vector.shape_cast %get3A_538 : vector<16xf32> to vector<1x16xf32>
      tpu.vector_store %arg9[%swap3A_539, %swap3A_540], %swap3A_543 {add = true, strides = array<i32>} : memref<128x128xf32, #tpu.memory_space<vmem>>, vector<1x16xf32>,
      %get3A_544 = arith.index_cast %add3A_498 : i32 to index
      %get3A_545 = arith.constant 80 : index
      %get3A_546 = tpu.vector_load %arg13[%get3A_544, %get3A_545] {strides = array<i32>} : memref<128x128xf32, #tpu.memory_space<vmem>>, vector<1x16xf32>,
      %get3A_547 = vector.shape_cast %get3A_546 : vector<1x16xf32> to vector<16xf32>
      %swap3A_548 = arith.index_cast %add3A_498 : i32 to index
      %swap3A_549 = arith.constant 80 : index
      %swap3A_550 = tpu.vector_load %arg9[%swap3A_548, %swap3A_549] {strides = array<i32>} : memref<128x128xf32, #tpu.memory_space<vmem>>, vector<1x16xf32>,
      %swap3A_551 = vector.shape_cast %swap3A_550 : vector<1x16xf32> to vector<16xf32>
      %swap3A_552 = vector.shape_cast %get3A_547 : vector<16xf32> to vector<1x16xf32>
      tpu.vector_store %arg9[%swap3A_548, %swap3A_549], %swap3A_552 {add = true, strides = array<i32>} : memref<128x128xf32, #tpu.memory_space<vmem>>, vector<1x16xf32>,
      %get3A_553 = arith.index_cast %add3A_498 : i32 to index
      %get3A_554 = arith.constant 96 : index
      %get3A_555 = tpu.vector_load %arg13[%get3A_553, %get3A_554] {strides = array<i32>} : memref<128x128xf32, #tpu.memory_space<vmem>>, vector<1x16xf32>,
      %get3A_556 = vector.shape_cast %get3A_555 : vector<1x16xf32> to vector<16xf32>
      %swap3A_557 = arith.index_cast %add3A_498 : i32 to index
      %swap3A_558 = arith.constant 96 : index
      %swap3A_559 = tpu.vector_load %arg9[%swap3A_557, %swap3A_558] {strides = array<i32>} : memref<128x128xf32, #tpu.memory_space<vmem>>, vector<1x16xf32>,
      %swap3A_560 = vector.shape_cast %swap3A_559 : vector<1x16xf32> to vector<16xf32>
      %swap3A_561 = vector.shape_cast %get3A_556 : vector<16xf32> to vector<1x16xf32>
      tpu.vector_store %arg9[%swap3A_557, %swap3A_558], %swap3A_561 {add = true, strides = array<i32>} : memref<128x128xf32, #tpu.memory_space<vmem>>, vector<1x16xf32>,
      %get3A_562 = arith.index_cast %add3A_498 : i32 to index
      %get3A_563 = arith.constant 112 : index
      %get3A_564 = tpu.vector_load %arg13[%get3A_562, %get3A_563] {strides = array<i32>} : memref<128x128xf32, #tpu.memory_space<vmem>>, vector<1x16xf32>,
      %get3A_565 = vector.shape_cast %get3A_564 : vector<1x16xf32> to vector<16xf32>
      %swap3A_566 = arith.index_cast %add3A_498 : i32 to index
      %swap3A_567 = arith.constant 112 : index
      %swap3A_568 = tpu.vector_load %arg9[%swap3A_566, %swap3A_567] {strides = array<i32>} : memref<128x128xf32, #tpu.memory_space<vmem>>, vector<1x16xf32>,
      %swap3A_569 = vector.shape_cast %swap3A_568 : vector<1x16xf32> to vector<16xf32>
      %swap3A_570 = vector.shape_cast %get3A_565 : vector<16xf32> to vector<1x16xf32>
      tpu.vector_store %arg9[%swap3A_566, %swap3A_567], %swap3A_570 {add = true, strides = array<i32>} : memref<128x128xf32, #tpu.memory_space<vmem>>, vector<1x16xf32>,
      %mul3A_571 = arith.constant 4 : i32
      %mul3A_572 = arith.muli %scan3A_344, %mul3A_571 : i32
      %add3A_573 = arith.constant 3 : i32
      %add3A_574 = arith.addi %mul3A_572, %add3A_573 : i32
      %get3A_575 = arith.index_cast %add3A_574 : i32 to index
      %get3A_576 = arith.constant 0 : index
      %get3A_577 = tpu.vector_load %arg13[%get3A_575, %get3A_576] {strides = array<i32>} : memref<128x128xf32, #tpu.memory_space<vmem>>, vector<1x16xf32>,
      %get3A_578 = vector.shape_cast %get3A_577 : vector<1x16xf32> to vector<16xf32>
      %swap3A_579 = arith.index_cast %add3A_574 : i32 to index
      %swap3A_580 = arith.constant 0 : index
      %swap3A_581 = tpu.vector_load %arg9[%swap3A_579, %swap3A_580] {strides = array<i32>} : memref<128x128xf32, #tpu.memory_space<vmem>>, vector<1x16xf32>,
      %swap3A_582 = vector.shape_cast %swap3A_581 : vector<1x16xf32> to vector<16xf32>
      %swap3A_583 = vector.shape_cast %get3A_578 : vector<16xf32> to vector<1x16xf32>
      tpu.vector_store %arg9[%swap3A_579, %swap3A_580], %swap3A_583 {add = true, strides = array<i32>} : memref<128x128xf32, #tpu.memory_space<vmem>>, vector<1x16xf32>,
      %get3A_584 = arith.index_cast %add3A_574 : i32 to index
      %get3A_585 = arith.constant 16 : index
      %get3A_586 = tpu.vector_load %arg13[%get3A_584, %get3A_585] {strides = array<i32>} : memref<128x128xf32, #tpu.memory_space<vmem>>, vector<1x16xf32>,
      %get3A_587 = vector.shape_cast %get3A_586 : vector<1x16xf32> to vector<16xf32>
      %swap3A_588 = arith.index_cast %add3A_574 : i32 to index
      %swap3A_589 = arith.constant 16 : index
      %swap3A_590 = tpu.vector_load %arg9[%swap3A_588, %swap3A_589] {strides = array<i32>} : memref<128x128xf32, #tpu.memory_space<vmem>>, vector<1x16xf32>,
      %swap3A_591 = vector.shape_cast %swap3A_590 : vector<1x16xf32> to vector<16xf32>
      %swap3A_592 = vector.shape_cast %get3A_587 : vector<16xf32> to vector<1x16xf32>
      tpu.vector_store %arg9[%swap3A_588, %swap3A_589], %swap3A_592 {add = true, strides = array<i32>} : memref<128x128xf32, #tpu.memory_space<vmem>>, vector<1x16xf32>,
      %get3A_593 = arith.index_cast %add3A_574 : i32 to index
      %get3A_594 = arith.constant 32 : index
      %get3A_595 = tpu.vector_load %arg13[%get3A_593, %get3A_594] {strides = array<i32>} : memref<128x128xf32, #tpu.memory_space<vmem>>, vector<1x16xf32>,
      %get3A_596 = vector.shape_cast %get3A_595 : vector<1x16xf32> to vector<16xf32>
      %swap3A_597 = arith.index_cast %add3A_574 : i32 to index
      %swap3A_598 = arith.constant 32 : index
      %swap3A_599 = tpu.vector_load %arg9[%swap3A_597, %swap3A_598] {strides = array<i32>} : memref<128x128xf32, #tpu.memory_space<vmem>>, vector<1x16xf32>,
      %swap3A_600 = vector.shape_cast %swap3A_599 : vector<1x16xf32> to vector<16xf32>
      %swap3A_601 = vector.shape_cast %get3A_596 : vector<16xf32> to vector<1x16xf32>
      tpu.vector_store %arg9[%swap3A_597, %swap3A_598], %swap3A_601 {add = true, strides = array<i32>} : memref<128x128xf32, #tpu.memory_space<vmem>>, vector<1x16xf32>,
      %get3A_602 = arith.index_cast %add3A_574 : i32 to index
      %get3A_603 = arith.constant 48 : index
      %get3A_604 = tpu.vector_load %arg13[%get3A_602, %get3A_603] {strides = array<i32>} : memref<128x128xf32, #tpu.memory_space<vmem>>, vector<1x16xf32>,
      %get3A_605 = vector.shape_cast %get3A_604 : vector<1x16xf32> to vector<16xf32>
      %swap3A_606 = arith.index_cast %add3A_574 : i32 to index
      %swap3A_607 = arith.constant 48 : index
      %swap3A_608 = tpu.vector_load %arg9[%swap3A_606, %swap3A_607] {strides = array<i32>} : memref<128x128xf32, #tpu.memory_space<vmem>>, vector<1x16xf32>,
      %swap3A_609 = vector.shape_cast %swap3A_608 : vector<1x16xf32> to vector<16xf32>
      %swap3A_610 = vector.shape_cast %get3A_605 : vector<16xf32> to vector<1x16xf32>
      tpu.vector_store %arg9[%swap3A_606, %swap3A_607], %swap3A_610 {add = true, strides = array<i32>} : memref<128x128xf32, #tpu.memory_space<vmem>>, vector<1x16xf32>,
      %get3A_611 = arith.index_cast %add3A_574 : i32 to index
      %get3A_612 = arith.constant 64 : index
      %get3A_613 = tpu.vector_load %arg13[%get3A_611, %get3A_612] {strides = array<i32>} : memref<128x128xf32, #tpu.memory_space<vmem>>, vector<1x16xf32>,
      %get3A_614 = vector.shape_cast %get3A_613 : vector<1x16xf32> to vector<16xf32>
      %swap3A_615 = arith.index_cast %add3A_574 : i32 to index
      %swap3A_616 = arith.constant 64 : index
      %swap3A_617 = tpu.vector_load %arg9[%swap3A_615, %swap3A_616] {strides = array<i32>} : memref<128x128xf32, #tpu.memory_space<vmem>>, vector<1x16xf32>,
      %swap3A_618 = vector.shape_cast %swap3A_617 : vector<1x16xf32> to vector<16xf32>
      %swap3A_619 = vector.shape_cast %get3A_614 : vector<16xf32> to vector<1x16xf32>
      tpu.vector_store %arg9[%swap3A_615, %swap3A_616], %swap3A_619 {add = true, strides = array<i32>} : memref<128x128xf32, #tpu.memory_space<vmem>>, vector<1x16xf32>,
      %get3A_620 = arith.index_cast %add3A_574 : i32 to index
      %get3A_621 = arith.constant 80 : index
      %get3A_622 = tpu.vector_load %arg13[%get3A_620, %get3A_621] {strides = array<i32>} : memref<128x128xf32, #tpu.memory_space<vmem>>, vector<1x16xf32>,
      %get3A_623 = vector.shape_cast %get3A_622 : vector<1x16xf32> to vector<16xf32>
      %swap3A_624 = arith.index_cast %add3A_574 : i32 to index
      %swap3A_625 = arith.constant 80 : index
      %swap3A_626 = tpu.vector_load %arg9[%swap3A_624, %swap3A_625] {strides = array<i32>} : memref<128x128xf32, #tpu.memory_space<vmem>>, vector<1x16xf32>,
      %swap3A_627 = vector.shape_cast %swap3A_626 : vector<1x16xf32> to vector<16xf32>
      %swap3A_628 = vector.shape_cast %get3A_623 : vector<16xf32> to vector<1x16xf32>
      tpu.vector_store %arg9[%swap3A_624, %swap3A_625], %swap3A_628 {add = true, strides = array<i32>} : memref<128x128xf32, #tpu.memory_space<vmem>>, vector<1x16xf32>,
      %get3A_629 = arith.index_cast %add3A_574 : i32 to index
      %get3A_630 = arith.constant 96 : index
      %get3A_631 = tpu.vector_load %arg13[%get3A_629, %get3A_630] {strides = array<i32>} : memref<128x128xf32, #tpu.memory_space<vmem>>, vector<1x16xf32>,
      %get3A_632 = vector.shape_cast %get3A_631 : vector<1x16xf32> to vector<16xf32>
      %swap3A_633 = arith.index_cast %add3A_574 : i32 to index
      %swap3A_634 = arith.constant 96 : index
      %swap3A_635 = tpu.vector_load %arg9[%swap3A_633, %swap3A_634] {strides = array<i32>} : memref<128x128xf32, #tpu.memory_space<vmem>>, vector<1x16xf32>,
      %swap3A_636 = vector.shape_cast %swap3A_635 : vector<1x16xf32> to vector<16xf32>
      %swap3A_637 = vector.shape_cast %get3A_632 : vector<16xf32> to vector<1x16xf32>
      tpu.vector_store %arg9[%swap3A_633, %swap3A_634], %swap3A_637 {add = true, strides = array<i32>} : memref<128x128xf32, #tpu.memory_space<vmem>>, vector<1x16xf32>,
      %get3A_638 = arith.index_cast %add3A_574 : i32 to index
      %get3A_639 = arith.constant 112 : index
      %get3A_640 = tpu.vector_load %arg13[%get3A_638, %get3A_639] {strides = array<i32>} : memref<128x128xf32, #tpu.memory_space<vmem>>, vector<1x16xf32>,
      %get3A_641 = vector.shape_cast %get3A_640 : vector<1x16xf32> to vector<16xf32>
      %swap3A_642 = arith.index_cast %add3A_574 : i32 to index
      %swap3A_643 = arith.constant 112 : index
      %swap3A_644 = tpu.vector_load %arg9[%swap3A_642, %swap3A_643] {strides = array<i32>} : memref<128x128xf32, #tpu.memory_space<vmem>>, vector<1x16xf32>,
      %swap3A_645 = vector.shape_cast %swap3A_644 : vector<1x16xf32> to vector<16xf32>
      %swap3A_646 = vector.shape_cast %get3A_641 : vector<16xf32> to vector<1x16xf32>
      tpu.vector_store %arg9[%swap3A_642, %swap3A_643], %swap3A_646 {add = true, strides = array<i32>} : memref<128x128xf32, #tpu.memory_space<vmem>>, vector<1x16xf32>,
    }
    %scan3A_156 = arith.constant 32 : i32
    %add3A_157 = arith.constant 256 : i32
    %add3A_158 = arith.addi %mul3A_4, %add3A_157 : i32
    %dma_start3A_159 = arith.constant 0 : i32
    %dma_start3A_160 = tpu.memref_slice %arg5[%add3A_158, %dma_start3A_159] : memref<32768x128xf32, #tpu.memory_space<hbm>> -> memref<128x128xf32, #tpu.memory_space<hbm>>
    %dma_start3A_161 = arith.constant 0 : i32
    %dma_start3A_162 = tpu.memref_slice %arg5[%add3A_158, %dma_start3A_161] : memref<32768x128xf32, #tpu.memory_space<hbm>> -> memref<128x128xf32, #tpu.memory_space<hbm>>
    tpu.enqueue_dma source(%arg9 : memref<128x128xf32, #tpu.memory_space<vmem>>) target(%dma_start3A_162 : memref<128x128xf32, #tpu.memory_space<hbm>>) target_semaphore(%arg21 : memref<!tpu.dma_semaphore, #tpu.memory_space<semaphore_mem>>)
    %dma_wait3A_163 = arith.constant 0 : i32
    %dma_wait3A_164 = arith.constant 384 : i32
    %dma_wait3A_165 = tpu.memref_slice %arg6[%dma_wait3A_163, %dma_wait3A_164] : memref<2x512xi32, #tpu.memory_space<vmem>> -> memref<1x128xi32, #tpu.memory_space<vmem>>
    %dma_wait3A_166 = tpu.memref_squeeze %dma_wait3A_165 : memref<1x128xi32, #tpu.memory_space<vmem>> -> memref<128xi32, #tpu.memory_space<vmem>>
    %dma_wait3A_167 = arith.constant 0 : i32
    %dma_wait3A_168 = arith.constant 0 : i32
    %dma_wait3A_169 = tpu.memref_slice %arg3[%dma_wait3A_167, %dma_wait3A_168] : memref<100000x128xf32, #tpu.memory_space<hbm>> -> memref<100000x128xf32, #tpu.memory_space<hbm>>
    tpu.wait_indirect_dma semaphore(%arg18 : memref<!tpu.dma_semaphore, #tpu.memory_space<semaphore_mem>>) src(%dma_wait3A_169 : memref<100000x128xf32, #tpu.memory_space<hbm>>) dst(%arg10 : memref<128x128xf32, #tpu.memory_space<vmem>>)
    %dma_wait3A_170 = arith.constant 0 : i32
    %dma_wait3A_171 = tpu.memref_slice %arg5[%add3A_158, %dma_wait3A_170] : memref<32768x128xf32, #tpu.memory_space<hbm>> -> memref<128x128xf32, #tpu.memory_space<hbm>>
    %dma_wait3A_172 = arith.constant 0 : i32
    %dma_wait3A_173 = tpu.memref_slice %arg5[%add3A_158, %dma_wait3A_172] : memref<32768x128xf32, #tpu.memory_space<hbm>> -> memref<128x128xf32, #tpu.memory_space<hbm>>
    tpu.wait_dma2 semaphore(%arg21 : memref<!tpu.dma_semaphore, #tpu.memory_space<semaphore_mem>>) src(%arg9 : memref<128x128xf32, #tpu.memory_space<vmem>>) dst(%dma_wait3A_173 : memref<128x128xf32, #tpu.memory_space<hbm>>)
    %dma_start3A_174 = arith.constant 1 : i32
    %dma_start3A_175 = arith.constant 256 : i32
    %dma_start3A_176 = tpu.memref_slice %arg6[%dma_start3A_174, %dma_start3A_175] : memref<2x512xi32, #tpu.memory_space<vmem>> -> memref<1x128xi32, #tpu.memory_space<vmem>>
    %dma_start3A_177 = tpu.memref_squeeze %dma_start3A_176 : memref<1x128xi32, #tpu.memory_space<vmem>> -> memref<128xi32, #tpu.memory_space<vmem>>
    %dma_start3A_178 = arith.constant 0 : i32
    %dma_start3A_179 = arith.constant 0 : i32
    %dma_start3A_180 = tpu.memref_slice %arg3[%dma_start3A_178, %dma_start3A_179] : memref<100000x128xf32, #tpu.memory_space<hbm>> -> memref<100000x128xf32, #tpu.memory_space<hbm>>
    tpu.enqueue_indirect_dma source(%dma_start3A_180 : memref<100000x128xf32, #tpu.memory_space<hbm>>) target(%arg9 : memref<128x128xf32, #tpu.memory_space<vmem>>) offsets(%dma_start3A_177 : memref<128xi32, #tpu.memory_space<vmem>>) semaphore(%arg17 : memref<!tpu.dma_semaphore, #tpu.memory_space<semaphore_mem>>)
    %dma_start3A_181 = arith.constant 128 : i32
    %dma_start3A_182 = arith.constant 0 : i32
    %dma_start3A_183 = tpu.memref_slice %arg14[%dma_start3A_181, %dma_start3A_182] : memref<512x128xf32, #tpu.memory_space<vmem_shared>> -> memref<128x128xf32, #tpu.memory_space<vmem_shared>>
    %dma_start3A_184 = arith.constant 128 : i32
    %dma_start3A_185 = arith.constant 0 : i32
    %dma_start3A_186 = tpu.memref_slice %arg14[%dma_start3A_184, %dma_start3A_185] : memref<512x128xf32, #tpu.memory_space<vmem_shared>> -> memref<128x128xf32, #tpu.memory_space<vmem_shared>>
    tpu.enqueue_dma source(%dma_start3A_186 : memref<128x128xf32, #tpu.memory_space<vmem_shared>>) target(%arg13 : memref<128x128xf32, #tpu.memory_space<vmem>>) target_semaphore(%arg25 : memref<!tpu.dma_semaphore, #tpu.memory_space<semaphore_mem>>)
    %dma_wait3A_187 = arith.constant 384 : i32
    %dma_wait3A_188 = arith.constant 0 : i32
    %dma_wait3A_189 = tpu.memref_slice %arg14[%dma_wait3A_187, %dma_wait3A_188] : memref<512x128xf32, #tpu.memory_space<vmem_shared>> -> memref<128x128xf32, #tpu.memory_space<vmem_shared>>
    %dma_wait3A_190 = arith.constant 384 : i32
    %dma_wait3A_191 = arith.constant 0 : i32
    %dma_wait3A_192 = tpu.memref_slice %arg14[%dma_wait3A_190, %dma_wait3A_191] : memref<512x128xf32, #tpu.memory_space<vmem_shared>> -> memref<128x128xf32, #tpu.memory_space<vmem_shared>>
    tpu.wait_dma2 semaphore(%arg23 : memref<!tpu.dma_semaphore, #tpu.memory_space<semaphore_mem>>) src(%dma_wait3A_192 : memref<128x128xf32, #tpu.memory_space<vmem_shared>>) dst(%arg11 : memref<128x128xf32, #tpu.memory_space<vmem>>)
    %scan3A_193 = arith.constant 0 : i32
    %scan3A_194 = arith.constant 0 : i32
    %scan3A_195 = arith.constant 32 : i32
    %scan3A_196 = arith.addi %scan3A_194, %scan3A_195 : i32
    %scan3A_197 = arith.constant 1 : i32
    scf.for %scan3A_344 = %scan3A_194 to %scan3A_196 step %scan3A_197  : i32 {
      %mul3A_345 = arith.constant 4 : i32
      %mul3A_346 = arith.muli %scan3A_344, %mul3A_345 : i32
      %add3A_347 = arith.constant 0 : i32
      %add3A_348 = arith.addi %mul3A_346, %add3A_347 : i32
      %get3A = arith.index_cast %add3A_348 : i32 to index
      %get3A_349 = arith.constant 0 : index
      %get3A_350 = tpu.vector_load %arg11[%get3A, %get3A_349] {strides = array<i32>} : memref<128x128xf32, #tpu.memory_space<vmem>>, vector<1x16xf32>,
      %get3A_351 = vector.shape_cast %get3A_350 : vector<1x16xf32> to vector<16xf32>
      %swap3A = arith.index_cast %add3A_348 : i32 to index
      %swap3A_352 = arith.constant 0 : index
      %swap3A_353 = tpu.vector_load %arg10[%swap3A, %swap3A_352] {strides = array<i32>} : memref<128x128xf32, #tpu.memory_space<vmem>>, vector<1x16xf32>,
      %swap3A_354 = vector.shape_cast %swap3A_353 : vector<1x16xf32> to vector<16xf32>
      %swap3A_355 = vector.shape_cast %get3A_351 : vector<16xf32> to vector<1x16xf32>
      tpu.vector_store %arg10[%swap3A, %swap3A_352], %swap3A_355 {add = true, strides = array<i32>} : memref<128x128xf32, #tpu.memory_space<vmem>>, vector<1x16xf32>,
      %get3A_356 = arith.index_cast %add3A_348 : i32 to index
      %get3A_357 = arith.constant 16 : index
      %get3A_358 = tpu.vector_load %arg11[%get3A_356, %get3A_357] {strides = array<i32>} : memref<128x128xf32, #tpu.memory_space<vmem>>, vector<1x16xf32>,
      %get3A_359 = vector.shape_cast %get3A_358 : vector<1x16xf32> to vector<16xf32>
      %swap3A_360 = arith.index_cast %add3A_348 : i32 to index
      %swap3A_361 = arith.constant 16 : index
      %swap3A_362 = tpu.vector_load %arg10[%swap3A_360, %swap3A_361] {strides = array<i32>} : memref<128x128xf32, #tpu.memory_space<vmem>>, vector<1x16xf32>,
      %swap3A_363 = vector.shape_cast %swap3A_362 : vector<1x16xf32> to vector<16xf32>
      %swap3A_364 = vector.shape_cast %get3A_359 : vector<16xf32> to vector<1x16xf32>
      tpu.vector_store %arg10[%swap3A_360, %swap3A_361], %swap3A_364 {add = true, strides = array<i32>} : memref<128x128xf32, #tpu.memory_space<vmem>>, vector<1x16xf32>,
      %get3A_365 = arith.index_cast %add3A_348 : i32 to index
      %get3A_366 = arith.constant 32 : index
      %get3A_367 = tpu.vector_load %arg11[%get3A_365, %get3A_366] {strides = array<i32>} : memref<128x128xf32, #tpu.memory_space<vmem>>, vector<1x16xf32>,
      %get3A_368 = vector.shape_cast %get3A_367 : vector<1x16xf32> to vector<16xf32>
      %swap3A_369 = arith.index_cast %add3A_348 : i32 to index
      %swap3A_370 = arith.constant 32 : index
      %swap3A_371 = tpu.vector_load %arg10[%swap3A_369, %swap3A_370] {strides = array<i32>} : memref<128x128xf32, #tpu.memory_space<vmem>>, vector<1x16xf32>,
      %swap3A_372 = vector.shape_cast %swap3A_371 : vector<1x16xf32> to vector<16xf32>
      %swap3A_373 = vector.shape_cast %get3A_368 : vector<16xf32> to vector<1x16xf32>
      tpu.vector_store %arg10[%swap3A_369, %swap3A_370], %swap3A_373 {add = true, strides = array<i32>} : memref<128x128xf32, #tpu.memory_space<vmem>>, vector<1x16xf32>,
      %get3A_374 = arith.index_cast %add3A_348 : i32 to index
      %get3A_375 = arith.constant 48 : index
      %get3A_376 = tpu.vector_load %arg11[%get3A_374, %get3A_375] {strides = array<i32>} : memref<128x128xf32, #tpu.memory_space<vmem>>, vector<1x16xf32>,
      %get3A_377 = vector.shape_cast %get3A_376 : vector<1x16xf32> to vector<16xf32>
      %swap3A_378 = arith.index_cast %add3A_348 : i32 to index
      %swap3A_379 = arith.constant 48 : index
      %swap3A_380 = tpu.vector_load %arg10[%swap3A_378, %swap3A_379] {strides = array<i32>} : memref<128x128xf32, #tpu.memory_space<vmem>>, vector<1x16xf32>,
      %swap3A_381 = vector.shape_cast %swap3A_380 : vector<1x16xf32> to vector<16xf32>
      %swap3A_382 = vector.shape_cast %get3A_377 : vector<16xf32> to vector<1x16xf32>
      tpu.vector_store %arg10[%swap3A_378, %swap3A_379], %swap3A_382 {add = true, strides = array<i32>} : memref<128x128xf32, #tpu.memory_space<vmem>>, vector<1x16xf32>,
      %get3A_383 = arith.index_cast %add3A_348 : i32 to index
      %get3A_384 = arith.constant 64 : index
      %get3A_385 = tpu.vector_load %arg11[%get3A_383, %get3A_384] {strides = array<i32>} : memref<128x128xf32, #tpu.memory_space<vmem>>, vector<1x16xf32>,
      %get3A_386 = vector.shape_cast %get3A_385 : vector<1x16xf32> to vector<16xf32>
      %swap3A_387 = arith.index_cast %add3A_348 : i32 to index
      %swap3A_388 = arith.constant 64 : index
      %swap3A_389 = tpu.vector_load %arg10[%swap3A_387, %swap3A_388] {strides = array<i32>} : memref<128x128xf32, #tpu.memory_space<vmem>>, vector<1x16xf32>,
      %swap3A_390 = vector.shape_cast %swap3A_389 : vector<1x16xf32> to vector<16xf32>
      %swap3A_391 = vector.shape_cast %get3A_386 : vector<16xf32> to vector<1x16xf32>
      tpu.vector_store %arg10[%swap3A_387, %swap3A_388], %swap3A_391 {add = true, strides = array<i32>} : memref<128x128xf32, #tpu.memory_space<vmem>>, vector<1x16xf32>,
      %get3A_392 = arith.index_cast %add3A_348 : i32 to index
      %get3A_393 = arith.constant 80 : index
      %get3A_394 = tpu.vector_load %arg11[%get3A_392, %get3A_393] {strides = array<i32>} : memref<128x128xf32, #tpu.memory_space<vmem>>, vector<1x16xf32>,
      %get3A_395 = vector.shape_cast %get3A_394 : vector<1x16xf32> to vector<16xf32>
      %swap3A_396 = arith.index_cast %add3A_348 : i32 to index
      %swap3A_397 = arith.constant 80 : index
      %swap3A_398 = tpu.vector_load %arg10[%swap3A_396, %swap3A_397] {strides = array<i32>} : memref<128x128xf32, #tpu.memory_space<vmem>>, vector<1x16xf32>,
      %swap3A_399 = vector.shape_cast %swap3A_398 : vector<1x16xf32> to vector<16xf32>
      %swap3A_400 = vector.shape_cast %get3A_395 : vector<16xf32> to vector<1x16xf32>
      tpu.vector_store %arg10[%swap3A_396, %swap3A_397], %swap3A_400 {add = true, strides = array<i32>} : memref<128x128xf32, #tpu.memory_space<vmem>>, vector<1x16xf32>,
      %get3A_401 = arith.index_cast %add3A_348 : i32 to index
      %get3A_402 = arith.constant 96 : index
      %get3A_403 = tpu.vector_load %arg11[%get3A_401, %get3A_402] {strides = array<i32>} : memref<128x128xf32, #tpu.memory_space<vmem>>, vector<1x16xf32>,
      %get3A_404 = vector.shape_cast %get3A_403 : vector<1x16xf32> to vector<16xf32>
      %swap3A_405 = arith.index_cast %add3A_348 : i32 to index
      %swap3A_406 = arith.constant 96 : index
      %swap3A_407 = tpu.vector_load %arg10[%swap3A_405, %swap3A_406] {strides = array<i32>} : memref<128x128xf32, #tpu.memory_space<vmem>>, vector<1x16xf32>,
      %swap3A_408 = vector.shape_cast %swap3A_407 : vector<1x16xf32> to vector<16xf32>
      %swap3A_409 = vector.shape_cast %get3A_404 : vector<16xf32> to vector<1x16xf32>
      tpu.vector_store %arg10[%swap3A_405, %swap3A_406], %swap3A_409 {add = true, strides = array<i32>} : memref<128x128xf32, #tpu.memory_space<vmem>>, vector<1x16xf32>,
      %get3A_410 = arith.index_cast %add3A_348 : i32 to index
      %get3A_411 = arith.constant 112 : index
      %get3A_412 = tpu.vector_load %arg11[%get3A_410, %get3A_411] {strides = array<i32>} : memref<128x128xf32, #tpu.memory_space<vmem>>, vector<1x16xf32>,
      %get3A_413 = vector.shape_cast %get3A_412 : vector<1x16xf32> to vector<16xf32>
      %swap3A_414 = arith.index_cast %add3A_348 : i32 to index
      %swap3A_415 = arith.constant 112 : index
      %swap3A_416 = tpu.vector_load %arg10[%swap3A_414, %swap3A_415] {strides = array<i32>} : memref<128x128xf32, #tpu.memory_space<vmem>>, vector<1x16xf32>,
      %swap3A_417 = vector.shape_cast %swap3A_416 : vector<1x16xf32> to vector<16xf32>
      %swap3A_418 = vector.shape_cast %get3A_413 : vector<16xf32> to vector<1x16xf32>
      tpu.vector_store %arg10[%swap3A_414, %swap3A_415], %swap3A_418 {add = true, strides = array<i32>} : memref<128x128xf32, #tpu.memory_space<vmem>>, vector<1x16xf32>,
      %mul3A_419 = arith.constant 4 : i32
      %mul3A_420 = arith.muli %scan3A_344, %mul3A_419 : i32
      %add3A_421 = arith.constant 1 : i32
      %add3A_422 = arith.addi %mul3A_420, %add3A_421 : i32
      %get3A_423 = arith.index_cast %add3A_422 : i32 to index
      %get3A_424 = arith.constant 0 : index
      %get3A_425 = tpu.vector_load %arg11[%get3A_423, %get3A_424] {strides = array<i32>} : memref<128x128xf32, #tpu.memory_space<vmem>>, vector<1x16xf32>,
      %get3A_426 = vector.shape_cast %get3A_425 : vector<1x16xf32> to vector<16xf32>
      %swap3A_427 = arith.index_cast %add3A_422 : i32 to index
      %swap3A_428 = arith.constant 0 : index
      %swap3A_429 = tpu.vector_load %arg10[%swap3A_427, %swap3A_428] {strides = array<i32>} : memref<128x128xf32, #tpu.memory_space<vmem>>, vector<1x16xf32>,
      %swap3A_430 = vector.shape_cast %swap3A_429 : vector<1x16xf32> to vector<16xf32>
      %swap3A_431 = vector.shape_cast %get3A_426 : vector<16xf32> to vector<1x16xf32>
      tpu.vector_store %arg10[%swap3A_427, %swap3A_428], %swap3A_431 {add = true, strides = array<i32>} : memref<128x128xf32, #tpu.memory_space<vmem>>, vector<1x16xf32>,
      %get3A_432 = arith.index_cast %add3A_422 : i32 to index
      %get3A_433 = arith.constant 16 : index
      %get3A_434 = tpu.vector_load %arg11[%get3A_432, %get3A_433] {strides = array<i32>} : memref<128x128xf32, #tpu.memory_space<vmem>>, vector<1x16xf32>,
      %get3A_435 = vector.shape_cast %get3A_434 : vector<1x16xf32> to vector<16xf32>
      %swap3A_436 = arith.index_cast %add3A_422 : i32 to index
      %swap3A_437 = arith.constant 16 : index
      %swap3A_438 = tpu.vector_load %arg10[%swap3A_436, %swap3A_437] {strides = array<i32>} : memref<128x128xf32, #tpu.memory_space<vmem>>, vector<1x16xf32>,
      %swap3A_439 = vector.shape_cast %swap3A_438 : vector<1x16xf32> to vector<16xf32>
      %swap3A_440 = vector.shape_cast %get3A_435 : vector<16xf32> to vector<1x16xf32>
      tpu.vector_store %arg10[%swap3A_436, %swap3A_437], %swap3A_440 {add = true, strides = array<i32>} : memref<128x128xf32, #tpu.memory_space<vmem>>, vector<1x16xf32>,
      %get3A_441 = arith.index_cast %add3A_422 : i32 to index
      %get3A_442 = arith.constant 32 : index
      %get3A_443 = tpu.vector_load %arg11[%get3A_441, %get3A_442] {strides = array<i32>} : memref<128x128xf32, #tpu.memory_space<vmem>>, vector<1x16xf32>,
      %get3A_444 = vector.shape_cast %get3A_443 : vector<1x16xf32> to vector<16xf32>
      %swap3A_445 = arith.index_cast %add3A_422 : i32 to index
      %swap3A_446 = arith.constant 32 : index
      %swap3A_447 = tpu.vector_load %arg10[%swap3A_445, %swap3A_446] {strides = array<i32>} : memref<128x128xf32, #tpu.memory_space<vmem>>, vector<1x16xf32>,
      %swap3A_448 = vector.shape_cast %swap3A_447 : vector<1x16xf32> to vector<16xf32>
      %swap3A_449 = vector.shape_cast %get3A_444 : vector<16xf32> to vector<1x16xf32>
      tpu.vector_store %arg10[%swap3A_445, %swap3A_446], %swap3A_449 {add = true, strides = array<i32>} : memref<128x128xf32, #tpu.memory_space<vmem>>, vector<1x16xf32>,
      %get3A_450 = arith.index_cast %add3A_422 : i32 to index
      %get3A_451 = arith.constant 48 : index
      %get3A_452 = tpu.vector_load %arg11[%get3A_450, %get3A_451] {strides = array<i32>} : memref<128x128xf32, #tpu.memory_space<vmem>>, vector<1x16xf32>,
      %get3A_453 = vector.shape_cast %get3A_452 : vector<1x16xf32> to vector<16xf32>
      %swap3A_454 = arith.index_cast %add3A_422 : i32 to index
      %swap3A_455 = arith.constant 48 : index
      %swap3A_456 = tpu.vector_load %arg10[%swap3A_454, %swap3A_455] {strides = array<i32>} : memref<128x128xf32, #tpu.memory_space<vmem>>, vector<1x16xf32>,
      %swap3A_457 = vector.shape_cast %swap3A_456 : vector<1x16xf32> to vector<16xf32>
      %swap3A_458 = vector.shape_cast %get3A_453 : vector<16xf32> to vector<1x16xf32>
      tpu.vector_store %arg10[%swap3A_454, %swap3A_455], %swap3A_458 {add = true, strides = array<i32>} : memref<128x128xf32, #tpu.memory_space<vmem>>, vector<1x16xf32>,
      %get3A_459 = arith.index_cast %add3A_422 : i32 to index
      %get3A_460 = arith.constant 64 : index
      %get3A_461 = tpu.vector_load %arg11[%get3A_459, %get3A_460] {strides = array<i32>} : memref<128x128xf32, #tpu.memory_space<vmem>>, vector<1x16xf32>,
      %get3A_462 = vector.shape_cast %get3A_461 : vector<1x16xf32> to vector<16xf32>
      %swap3A_463 = arith.index_cast %add3A_422 : i32 to index
      %swap3A_464 = arith.constant 64 : index
      %swap3A_465 = tpu.vector_load %arg10[%swap3A_463, %swap3A_464] {strides = array<i32>} : memref<128x128xf32, #tpu.memory_space<vmem>>, vector<1x16xf32>,
      %swap3A_466 = vector.shape_cast %swap3A_465 : vector<1x16xf32> to vector<16xf32>
      %swap3A_467 = vector.shape_cast %get3A_462 : vector<16xf32> to vector<1x16xf32>
      tpu.vector_store %arg10[%swap3A_463, %swap3A_464], %swap3A_467 {add = true, strides = array<i32>} : memref<128x128xf32, #tpu.memory_space<vmem>>, vector<1x16xf32>,
      %get3A_468 = arith.index_cast %add3A_422 : i32 to index
      %get3A_469 = arith.constant 80 : index
      %get3A_470 = tpu.vector_load %arg11[%get3A_468, %get3A_469] {strides = array<i32>} : memref<128x128xf32, #tpu.memory_space<vmem>>, vector<1x16xf32>,
      %get3A_471 = vector.shape_cast %get3A_470 : vector<1x16xf32> to vector<16xf32>
      %swap3A_472 = arith.index_cast %add3A_422 : i32 to index
      %swap3A_473 = arith.constant 80 : index
      %swap3A_474 = tpu.vector_load %arg10[%swap3A_472, %swap3A_473] {strides = array<i32>} : memref<128x128xf32, #tpu.memory_space<vmem>>, vector<1x16xf32>,
      %swap3A_475 = vector.shape_cast %swap3A_474 : vector<1x16xf32> to vector<16xf32>
      %swap3A_476 = vector.shape_cast %get3A_471 : vector<16xf32> to vector<1x16xf32>
      tpu.vector_store %arg10[%swap3A_472, %swap3A_473], %swap3A_476 {add = true, strides = array<i32>} : memref<128x128xf32, #tpu.memory_space<vmem>>, vector<1x16xf32>,
      %get3A_477 = arith.index_cast %add3A_422 : i32 to index
      %get3A_478 = arith.constant 96 : index
      %get3A_479 = tpu.vector_load %arg11[%get3A_477, %get3A_478] {strides = array<i32>} : memref<128x128xf32, #tpu.memory_space<vmem>>, vector<1x16xf32>,
      %get3A_480 = vector.shape_cast %get3A_479 : vector<1x16xf32> to vector<16xf32>
      %swap3A_481 = arith.index_cast %add3A_422 : i32 to index
      %swap3A_482 = arith.constant 96 : index
      %swap3A_483 = tpu.vector_load %arg10[%swap3A_481, %swap3A_482] {strides = array<i32>} : memref<128x128xf32, #tpu.memory_space<vmem>>, vector<1x16xf32>,
      %swap3A_484 = vector.shape_cast %swap3A_483 : vector<1x16xf32> to vector<16xf32>
      %swap3A_485 = vector.shape_cast %get3A_480 : vector<16xf32> to vector<1x16xf32>
      tpu.vector_store %arg10[%swap3A_481, %swap3A_482], %swap3A_485 {add = true, strides = array<i32>} : memref<128x128xf32, #tpu.memory_space<vmem>>, vector<1x16xf32>,
      %get3A_486 = arith.index_cast %add3A_422 : i32 to index
      %get3A_487 = arith.constant 112 : index
      %get3A_488 = tpu.vector_load %arg11[%get3A_486, %get3A_487] {strides = array<i32>} : memref<128x128xf32, #tpu.memory_space<vmem>>, vector<1x16xf32>,
      %get3A_489 = vector.shape_cast %get3A_488 : vector<1x16xf32> to vector<16xf32>
      %swap3A_490 = arith.index_cast %add3A_422 : i32 to index
      %swap3A_491 = arith.constant 112 : index
      %swap3A_492 = tpu.vector_load %arg10[%swap3A_490, %swap3A_491] {strides = array<i32>} : memref<128x128xf32, #tpu.memory_space<vmem>>, vector<1x16xf32>,
      %swap3A_493 = vector.shape_cast %swap3A_492 : vector<1x16xf32> to vector<16xf32>
      %swap3A_494 = vector.shape_cast %get3A_489 : vector<16xf32> to vector<1x16xf32>
      tpu.vector_store %arg10[%swap3A_490, %swap3A_491], %swap3A_494 {add = true, strides = array<i32>} : memref<128x128xf32, #tpu.memory_space<vmem>>, vector<1x16xf32>,
      %mul3A_495 = arith.constant 4 : i32
      %mul3A_496 = arith.muli %scan3A_344, %mul3A_495 : i32
      %add3A_497 = arith.constant 2 : i32
      %add3A_498 = arith.addi %mul3A_496, %add3A_497 : i32
      %get3A_499 = arith.index_cast %add3A_498 : i32 to index
      %get3A_500 = arith.constant 0 : index
      %get3A_501 = tpu.vector_load %arg11[%get3A_499, %get3A_500] {strides = array<i32>} : memref<128x128xf32, #tpu.memory_space<vmem>>, vector<1x16xf32>,
      %get3A_502 = vector.shape_cast %get3A_501 : vector<1x16xf32> to vector<16xf32>
      %swap3A_503 = arith.index_cast %add3A_498 : i32 to index
      %swap3A_504 = arith.constant 0 : index
      %swap3A_505 = tpu.vector_load %arg10[%swap3A_503, %swap3A_504] {strides = array<i32>} : memref<128x128xf32, #tpu.memory_space<vmem>>, vector<1x16xf32>,
      %swap3A_506 = vector.shape_cast %swap3A_505 : vector<1x16xf32> to vector<16xf32>
      %swap3A_507 = vector.shape_cast %get3A_502 : vector<16xf32> to vector<1x16xf32>
      tpu.vector_store %arg10[%swap3A_503, %swap3A_504], %swap3A_507 {add = true, strides = array<i32>} : memref<128x128xf32, #tpu.memory_space<vmem>>, vector<1x16xf32>,
      %get3A_508 = arith.index_cast %add3A_498 : i32 to index
      %get3A_509 = arith.constant 16 : index
      %get3A_510 = tpu.vector_load %arg11[%get3A_508, %get3A_509] {strides = array<i32>} : memref<128x128xf32, #tpu.memory_space<vmem>>, vector<1x16xf32>,
      %get3A_511 = vector.shape_cast %get3A_510 : vector<1x16xf32> to vector<16xf32>
      %swap3A_512 = arith.index_cast %add3A_498 : i32 to index
      %swap3A_513 = arith.constant 16 : index
      %swap3A_514 = tpu.vector_load %arg10[%swap3A_512, %swap3A_513] {strides = array<i32>} : memref<128x128xf32, #tpu.memory_space<vmem>>, vector<1x16xf32>,
      %swap3A_515 = vector.shape_cast %swap3A_514 : vector<1x16xf32> to vector<16xf32>
      %swap3A_516 = vector.shape_cast %get3A_511 : vector<16xf32> to vector<1x16xf32>
      tpu.vector_store %arg10[%swap3A_512, %swap3A_513], %swap3A_516 {add = true, strides = array<i32>} : memref<128x128xf32, #tpu.memory_space<vmem>>, vector<1x16xf32>,
      %get3A_517 = arith.index_cast %add3A_498 : i32 to index
      %get3A_518 = arith.constant 32 : index
      %get3A_519 = tpu.vector_load %arg11[%get3A_517, %get3A_518] {strides = array<i32>} : memref<128x128xf32, #tpu.memory_space<vmem>>, vector<1x16xf32>,
      %get3A_520 = vector.shape_cast %get3A_519 : vector<1x16xf32> to vector<16xf32>
      %swap3A_521 = arith.index_cast %add3A_498 : i32 to index
      %swap3A_522 = arith.constant 32 : index
      %swap3A_523 = tpu.vector_load %arg10[%swap3A_521, %swap3A_522] {strides = array<i32>} : memref<128x128xf32, #tpu.memory_space<vmem>>, vector<1x16xf32>,
      %swap3A_524 = vector.shape_cast %swap3A_523 : vector<1x16xf32> to vector<16xf32>
      %swap3A_525 = vector.shape_cast %get3A_520 : vector<16xf32> to vector<1x16xf32>
      tpu.vector_store %arg10[%swap3A_521, %swap3A_522], %swap3A_525 {add = true, strides = array<i32>} : memref<128x128xf32, #tpu.memory_space<vmem>>, vector<1x16xf32>,
      %get3A_526 = arith.index_cast %add3A_498 : i32 to index
      %get3A_527 = arith.constant 48 : index
      %get3A_528 = tpu.vector_load %arg11[%get3A_526, %get3A_527] {strides = array<i32>} : memref<128x128xf32, #tpu.memory_space<vmem>>, vector<1x16xf32>,
      %get3A_529 = vector.shape_cast %get3A_528 : vector<1x16xf32> to vector<16xf32>
      %swap3A_530 = arith.index_cast %add3A_498 : i32 to index
      %swap3A_531 = arith.constant 48 : index
      %swap3A_532 = tpu.vector_load %arg10[%swap3A_530, %swap3A_531] {strides = array<i32>} : memref<128x128xf32, #tpu.memory_space<vmem>>, vector<1x16xf32>,
      %swap3A_533 = vector.shape_cast %swap3A_532 : vector<1x16xf32> to vector<16xf32>
      %swap3A_534 = vector.shape_cast %get3A_529 : vector<16xf32> to vector<1x16xf32>
      tpu.vector_store %arg10[%swap3A_530, %swap3A_531], %swap3A_534 {add = true, strides = array<i32>} : memref<128x128xf32, #tpu.memory_space<vmem>>, vector<1x16xf32>,
      %get3A_535 = arith.index_cast %add3A_498 : i32 to index
      %get3A_536 = arith.constant 64 : index
      %get3A_537 = tpu.vector_load %arg11[%get3A_535, %get3A_536] {strides = array<i32>} : memref<128x128xf32, #tpu.memory_space<vmem>>, vector<1x16xf32>,
      %get3A_538 = vector.shape_cast %get3A_537 : vector<1x16xf32> to vector<16xf32>
      %swap3A_539 = arith.index_cast %add3A_498 : i32 to index
      %swap3A_540 = arith.constant 64 : index
      %swap3A_541 = tpu.vector_load %arg10[%swap3A_539, %swap3A_540] {strides = array<i32>} : memref<128x128xf32, #tpu.memory_space<vmem>>, vector<1x16xf32>,
      %swap3A_542 = vector.shape_cast %swap3A_541 : vector<1x16xf32> to vector<16xf32>
      %swap3A_543 = vector.shape_cast %get3A_538 : vector<16xf32> to vector<1x16xf32>
      tpu.vector_store %arg10[%swap3A_539, %swap3A_540], %swap3A_543 {add = true, strides = array<i32>} : memref<128x128xf32, #tpu.memory_space<vmem>>, vector<1x16xf32>,
      %get3A_544 = arith.index_cast %add3A_498 : i32 to index
      %get3A_545 = arith.constant 80 : index
      %get3A_546 = tpu.vector_load %arg11[%get3A_544, %get3A_545] {strides = array<i32>} : memref<128x128xf32, #tpu.memory_space<vmem>>, vector<1x16xf32>,
      %get3A_547 = vector.shape_cast %get3A_546 : vector<1x16xf32> to vector<16xf32>
      %swap3A_548 = arith.index_cast %add3A_498 : i32 to index
      %swap3A_549 = arith.constant 80 : index
      %swap3A_550 = tpu.vector_load %arg10[%swap3A_548, %swap3A_549] {strides = array<i32>} : memref<128x128xf32, #tpu.memory_space<vmem>>, vector<1x16xf32>,
      %swap3A_551 = vector.shape_cast %swap3A_550 : vector<1x16xf32> to vector<16xf32>
      %swap3A_552 = vector.shape_cast %get3A_547 : vector<16xf32> to vector<1x16xf32>
      tpu.vector_store %arg10[%swap3A_548, %swap3A_549], %swap3A_552 {add = true, strides = array<i32>} : memref<128x128xf32, #tpu.memory_space<vmem>>, vector<1x16xf32>,
      %get3A_553 = arith.index_cast %add3A_498 : i32 to index
      %get3A_554 = arith.constant 96 : index
      %get3A_555 = tpu.vector_load %arg11[%get3A_553, %get3A_554] {strides = array<i32>} : memref<128x128xf32, #tpu.memory_space<vmem>>, vector<1x16xf32>,
      %get3A_556 = vector.shape_cast %get3A_555 : vector<1x16xf32> to vector<16xf32>
      %swap3A_557 = arith.index_cast %add3A_498 : i32 to index
      %swap3A_558 = arith.constant 96 : index
      %swap3A_559 = tpu.vector_load %arg10[%swap3A_557, %swap3A_558] {strides = array<i32>} : memref<128x128xf32, #tpu.memory_space<vmem>>, vector<1x16xf32>,
      %swap3A_560 = vector.shape_cast %swap3A_559 : vector<1x16xf32> to vector<16xf32>
      %swap3A_561 = vector.shape_cast %get3A_556 : vector<16xf32> to vector<1x16xf32>
      tpu.vector_store %arg10[%swap3A_557, %swap3A_558], %swap3A_561 {add = true, strides = array<i32>} : memref<128x128xf32, #tpu.memory_space<vmem>>, vector<1x16xf32>,
      %get3A_562 = arith.index_cast %add3A_498 : i32 to index
      %get3A_563 = arith.constant 112 : index
      %get3A_564 = tpu.vector_load %arg11[%get3A_562, %get3A_563] {strides = array<i32>} : memref<128x128xf32, #tpu.memory_space<vmem>>, vector<1x16xf32>,
      %get3A_565 = vector.shape_cast %get3A_564 : vector<1x16xf32> to vector<16xf32>
      %swap3A_566 = arith.index_cast %add3A_498 : i32 to index
      %swap3A_567 = arith.constant 112 : index
      %swap3A_568 = tpu.vector_load %arg10[%swap3A_566, %swap3A_567] {strides = array<i32>} : memref<128x128xf32, #tpu.memory_space<vmem>>, vector<1x16xf32>,
      %swap3A_569 = vector.shape_cast %swap3A_568 : vector<1x16xf32> to vector<16xf32>
      %swap3A_570 = vector.shape_cast %get3A_565 : vector<16xf32> to vector<1x16xf32>
      tpu.vector_store %arg10[%swap3A_566, %swap3A_567], %swap3A_570 {add = true, strides = array<i32>} : memref<128x128xf32, #tpu.memory_space<vmem>>, vector<1x16xf32>,
      %mul3A_571 = arith.constant 4 : i32
      %mul3A_572 = arith.muli %scan3A_344, %mul3A_571 : i32
      %add3A_573 = arith.constant 3 : i32
      %add3A_574 = arith.addi %mul3A_572, %add3A_573 : i32
      %get3A_575 = arith.index_cast %add3A_574 : i32 to index
      %get3A_576 = arith.constant 0 : index
      %get3A_577 = tpu.vector_load %arg11[%get3A_575, %get3A_576] {strides = array<i32>} : memref<128x128xf32, #tpu.memory_space<vmem>>, vector<1x16xf32>,
      %get3A_578 = vector.shape_cast %get3A_577 : vector<1x16xf32> to vector<16xf32>
      %swap3A_579 = arith.index_cast %add3A_574 : i32 to index
      %swap3A_580 = arith.constant 0 : index
      %swap3A_581 = tpu.vector_load %arg10[%swap3A_579, %swap3A_580] {strides = array<i32>} : memref<128x128xf32, #tpu.memory_space<vmem>>, vector<1x16xf32>,
      %swap3A_582 = vector.shape_cast %swap3A_581 : vector<1x16xf32> to vector<16xf32>
      %swap3A_583 = vector.shape_cast %get3A_578 : vector<16xf32> to vector<1x16xf32>
      tpu.vector_store %arg10[%swap3A_579, %swap3A_580], %swap3A_583 {add = true, strides = array<i32>} : memref<128x128xf32, #tpu.memory_space<vmem>>, vector<1x16xf32>,
      %get3A_584 = arith.index_cast %add3A_574 : i32 to index
      %get3A_585 = arith.constant 16 : index
      %get3A_586 = tpu.vector_load %arg11[%get3A_584, %get3A_585] {strides = array<i32>} : memref<128x128xf32, #tpu.memory_space<vmem>>, vector<1x16xf32>,
      %get3A_587 = vector.shape_cast %get3A_586 : vector<1x16xf32> to vector<16xf32>
      %swap3A_588 = arith.index_cast %add3A_574 : i32 to index
      %swap3A_589 = arith.constant 16 : index
      %swap3A_590 = tpu.vector_load %arg10[%swap3A_588, %swap3A_589] {strides = array<i32>} : memref<128x128xf32, #tpu.memory_space<vmem>>, vector<1x16xf32>,
      %swap3A_591 = vector.shape_cast %swap3A_590 : vector<1x16xf32> to vector<16xf32>
      %swap3A_592 = vector.shape_cast %get3A_587 : vector<16xf32> to vector<1x16xf32>
      tpu.vector_store %arg10[%swap3A_588, %swap3A_589], %swap3A_592 {add = true, strides = array<i32>} : memref<128x128xf32, #tpu.memory_space<vmem>>, vector<1x16xf32>,
      %get3A_593 = arith.index_cast %add3A_574 : i32 to index
      %get3A_594 = arith.constant 32 : index
      %get3A_595 = tpu.vector_load %arg11[%get3A_593, %get3A_594] {strides = array<i32>} : memref<128x128xf32, #tpu.memory_space<vmem>>, vector<1x16xf32>,
      %get3A_596 = vector.shape_cast %get3A_595 : vector<1x16xf32> to vector<16xf32>
      %swap3A_597 = arith.index_cast %add3A_574 : i32 to index
      %swap3A_598 = arith.constant 32 : index
      %swap3A_599 = tpu.vector_load %arg10[%swap3A_597, %swap3A_598] {strides = array<i32>} : memref<128x128xf32, #tpu.memory_space<vmem>>, vector<1x16xf32>,
      %swap3A_600 = vector.shape_cast %swap3A_599 : vector<1x16xf32> to vector<16xf32>
      %swap3A_601 = vector.shape_cast %get3A_596 : vector<16xf32> to vector<1x16xf32>
      tpu.vector_store %arg10[%swap3A_597, %swap3A_598], %swap3A_601 {add = true, strides = array<i32>} : memref<128x128xf32, #tpu.memory_space<vmem>>, vector<1x16xf32>,
      %get3A_602 = arith.index_cast %add3A_574 : i32 to index
      %get3A_603 = arith.constant 48 : index
      %get3A_604 = tpu.vector_load %arg11[%get3A_602, %get3A_603] {strides = array<i32>} : memref<128x128xf32, #tpu.memory_space<vmem>>, vector<1x16xf32>,
      %get3A_605 = vector.shape_cast %get3A_604 : vector<1x16xf32> to vector<16xf32>
      %swap3A_606 = arith.index_cast %add3A_574 : i32 to index
      %swap3A_607 = arith.constant 48 : index
      %swap3A_608 = tpu.vector_load %arg10[%swap3A_606, %swap3A_607] {strides = array<i32>} : memref<128x128xf32, #tpu.memory_space<vmem>>, vector<1x16xf32>,
      %swap3A_609 = vector.shape_cast %swap3A_608 : vector<1x16xf32> to vector<16xf32>
      %swap3A_610 = vector.shape_cast %get3A_605 : vector<16xf32> to vector<1x16xf32>
      tpu.vector_store %arg10[%swap3A_606, %swap3A_607], %swap3A_610 {add = true, strides = array<i32>} : memref<128x128xf32, #tpu.memory_space<vmem>>, vector<1x16xf32>,
      %get3A_611 = arith.index_cast %add3A_574 : i32 to index
      %get3A_612 = arith.constant 64 : index
      %get3A_613 = tpu.vector_load %arg11[%get3A_611, %get3A_612] {strides = array<i32>} : memref<128x128xf32, #tpu.memory_space<vmem>>, vector<1x16xf32>,
      %get3A_614 = vector.shape_cast %get3A_613 : vector<1x16xf32> to vector<16xf32>
      %swap3A_615 = arith.index_cast %add3A_574 : i32 to index
      %swap3A_616 = arith.constant 64 : index
      %swap3A_617 = tpu.vector_load %arg10[%swap3A_615, %swap3A_616] {strides = array<i32>} : memref<128x128xf32, #tpu.memory_space<vmem>>, vector<1x16xf32>,
      %swap3A_618 = vector.shape_cast %swap3A_617 : vector<1x16xf32> to vector<16xf32>
      %swap3A_619 = vector.shape_cast %get3A_614 : vector<16xf32> to vector<1x16xf32>
      tpu.vector_store %arg10[%swap3A_615, %swap3A_616], %swap3A_619 {add = true, strides = array<i32>} : memref<128x128xf32, #tpu.memory_space<vmem>>, vector<1x16xf32>,
      %get3A_620 = arith.index_cast %add3A_574 : i32 to index
      %get3A_621 = arith.constant 80 : index
      %get3A_622 = tpu.vector_load %arg11[%get3A_620, %get3A_621] {strides = array<i32>} : memref<128x128xf32, #tpu.memory_space<vmem>>, vector<1x16xf32>,
      %get3A_623 = vector.shape_cast %get3A_622 : vector<1x16xf32> to vector<16xf32>
      %swap3A_624 = arith.index_cast %add3A_574 : i32 to index
      %swap3A_625 = arith.constant 80 : index
      %swap3A_626 = tpu.vector_load %arg10[%swap3A_624, %swap3A_625] {strides = array<i32>} : memref<128x128xf32, #tpu.memory_space<vmem>>, vector<1x16xf32>,
      %swap3A_627 = vector.shape_cast %swap3A_626 : vector<1x16xf32> to vector<16xf32>
      %swap3A_628 = vector.shape_cast %get3A_623 : vector<16xf32> to vector<1x16xf32>
      tpu.vector_store %arg10[%swap3A_624, %swap3A_625], %swap3A_628 {add = true, strides = array<i32>} : memref<128x128xf32, #tpu.memory_space<vmem>>, vector<1x16xf32>,
      %get3A_629 = arith.index_cast %add3A_574 : i32 to index
      %get3A_630 = arith.constant 96 : index
      %get3A_631 = tpu.vector_load %arg11[%get3A_629, %get3A_630] {strides = array<i32>} : memref<128x128xf32, #tpu.memory_space<vmem>>, vector<1x16xf32>,
      %get3A_632 = vector.shape_cast %get3A_631 : vector<1x16xf32> to vector<16xf32>
      %swap3A_633 = arith.index_cast %add3A_574 : i32 to index
      %swap3A_634 = arith.constant 96 : index
      %swap3A_635 = tpu.vector_load %arg10[%swap3A_633, %swap3A_634] {strides = array<i32>} : memref<128x128xf32, #tpu.memory_space<vmem>>, vector<1x16xf32>,
      %swap3A_636 = vector.shape_cast %swap3A_635 : vector<1x16xf32> to vector<16xf32>
      %swap3A_637 = vector.shape_cast %get3A_632 : vector<16xf32> to vector<1x16xf32>
      tpu.vector_store %arg10[%swap3A_633, %swap3A_634], %swap3A_637 {add = true, strides = array<i32>} : memref<128x128xf32, #tpu.memory_space<vmem>>, vector<1x16xf32>,
      %get3A_638 = arith.index_cast %add3A_574 : i32 to index
      %get3A_639 = arith.constant 112 : index
      %get3A_640 = tpu.vector_load %arg11[%get3A_638, %get3A_639] {strides = array<i32>} : memref<128x128xf32, #tpu.memory_space<vmem>>, vector<1x16xf32>,
      %get3A_641 = vector.shape_cast %get3A_640 : vector<1x16xf32> to vector<16xf32>
      %swap3A_642 = arith.index_cast %add3A_574 : i32 to index
      %swap3A_643 = arith.constant 112 : index
      %swap3A_644 = tpu.vector_load %arg10[%swap3A_642, %swap3A_643] {strides = array<i32>} : memref<128x128xf32, #tpu.memory_space<vmem>>, vector<1x16xf32>,
      %swap3A_645 = vector.shape_cast %swap3A_644 : vector<1x16xf32> to vector<16xf32>
      %swap3A_646 = vector.shape_cast %get3A_641 : vector<16xf32> to vector<1x16xf32>
      tpu.vector_store %arg10[%swap3A_642, %swap3A_643], %swap3A_646 {add = true, strides = array<i32>} : memref<128x128xf32, #tpu.memory_space<vmem>>, vector<1x16xf32>,
    }
    %scan3A_198 = arith.constant 32 : i32
    %add3A_199 = arith.constant 384 : i32
    %add3A_200 = arith.addi %mul3A_4, %add3A_199 : i32
    %dma_start3A_201 = arith.constant 0 : i32
    %dma_start3A_202 = tpu.memref_slice %arg5[%add3A_200, %dma_start3A_201] : memref<32768x128xf32, #tpu.memory_space<hbm>> -> memref<128x128xf32, #tpu.memory_space<hbm>>
    %dma_start3A_203 = arith.constant 0 : i32
    %dma_start3A_204 = tpu.memref_slice %arg5[%add3A_200, %dma_start3A_203] : memref<32768x128xf32, #tpu.memory_space<hbm>> -> memref<128x128xf32, #tpu.memory_space<hbm>>
    tpu.enqueue_dma source(%arg10 : memref<128x128xf32, #tpu.memory_space<vmem>>) target(%dma_start3A_204 : memref<128x128xf32, #tpu.memory_space<hbm>>) target_semaphore(%arg22 : memref<!tpu.dma_semaphore, #tpu.memory_space<semaphore_mem>>)
    %dma_wait3A_205 = arith.constant 1 : i32
    %dma_wait3A_206 = arith.constant 0 : i32
    %dma_wait3A_207 = tpu.memref_slice %arg6[%dma_wait3A_205, %dma_wait3A_206] : memref<2x512xi32, #tpu.memory_space<vmem>> -> memref<1x128xi32, #tpu.memory_space<vmem>>
    %dma_wait3A_208 = tpu.memref_squeeze %dma_wait3A_207 : memref<1x128xi32, #tpu.memory_space<vmem>> -> memref<128xi32, #tpu.memory_space<vmem>>
    %dma_wait3A_209 = arith.constant 0 : i32
    %dma_wait3A_210 = arith.constant 0 : i32
    %dma_wait3A_211 = tpu.memref_slice %arg3[%dma_wait3A_209, %dma_wait3A_210] : memref<100000x128xf32, #tpu.memory_space<hbm>> -> memref<100000x128xf32, #tpu.memory_space<hbm>>
    tpu.wait_indirect_dma semaphore(%arg15 : memref<!tpu.dma_semaphore, #tpu.memory_space<semaphore_mem>>) src(%dma_wait3A_211 : memref<100000x128xf32, #tpu.memory_space<hbm>>) dst(%arg7 : memref<128x128xf32, #tpu.memory_space<vmem>>)
    %dma_wait3A_212 = arith.constant 0 : i32
    %dma_wait3A_213 = tpu.memref_slice %arg5[%add3A_200, %dma_wait3A_212] : memref<32768x128xf32, #tpu.memory_space<hbm>> -> memref<128x128xf32, #tpu.memory_space<hbm>>
    %dma_wait3A_214 = arith.constant 0 : i32
    %dma_wait3A_215 = tpu.memref_slice %arg5[%add3A_200, %dma_wait3A_214] : memref<32768x128xf32, #tpu.memory_space<hbm>> -> memref<128x128xf32, #tpu.memory_space<hbm>>
    tpu.wait_dma2 semaphore(%arg22 : memref<!tpu.dma_semaphore, #tpu.memory_space<semaphore_mem>>) src(%arg10 : memref<128x128xf32, #tpu.memory_space<vmem>>) dst(%dma_wait3A_215 : memref<128x128xf32, #tpu.memory_space<hbm>>)
    %dma_start3A_216 = arith.constant 1 : i32
    %dma_start3A_217 = arith.constant 384 : i32
    %dma_start3A_218 = tpu.memref_slice %arg6[%dma_start3A_216, %dma_start3A_217] : memref<2x512xi32, #tpu.memory_space<vmem>> -> memref<1x128xi32, #tpu.memory_space<vmem>>
    %dma_start3A_219 = tpu.memref_squeeze %dma_start3A_218 : memref<1x128xi32, #tpu.memory_space<vmem>> -> memref<128xi32, #tpu.memory_space<vmem>>
    %dma_start3A_220 = arith.constant 0 : i32
    %dma_start3A_221 = arith.constant 0 : i32
    %dma_start3A_222 = tpu.memref_slice %arg3[%dma_start3A_220, %dma_start3A_221] : memref<100000x128xf32, #tpu.memory_space<hbm>> -> memref<100000x128xf32, #tpu.memory_space<hbm>>
    tpu.enqueue_indirect_dma source(%dma_start3A_222 : memref<100000x128xf32, #tpu.memory_space<hbm>>) target(%arg10 : memref<128x128xf32, #tpu.memory_space<vmem>>) offsets(%dma_start3A_219 : memref<128xi32, #tpu.memory_space<vmem>>) semaphore(%arg18 : memref<!tpu.dma_semaphore, #tpu.memory_space<semaphore_mem>>)
    %dma_start3A_223 = arith.constant 256 : i32
    %dma_start3A_224 = arith.constant 0 : i32
    %dma_start3A_225 = tpu.memref_slice %arg14[%dma_start3A_223, %dma_start3A_224] : memref<512x128xf32, #tpu.memory_space<vmem_shared>> -> memref<128x128xf32, #tpu.memory_space<vmem_shared>>
    %dma_start3A_226 = arith.constant 256 : i32
    %dma_start3A_227 = arith.constant 0 : i32
    %dma_start3A_228 = tpu.memref_slice %arg14[%dma_start3A_226, %dma_start3A_227] : memref<512x128xf32, #tpu.memory_space<vmem_shared>> -> memref<128x128xf32, #tpu.memory_space<vmem_shared>>
    tpu.enqueue_dma source(%dma_start3A_228 : memref<128x128xf32, #tpu.memory_space<vmem_shared>>) target(%arg11 : memref<128x128xf32, #tpu.memory_space<vmem>>) target_semaphore(%arg23 : memref<!tpu.dma_semaphore, #tpu.memory_space<semaphore_mem>>)
    %dma_wait3A_229 = arith.constant 0 : i32
    %dma_wait3A_230 = arith.constant 0 : i32
    %dma_wait3A_231 = tpu.memref_slice %arg14[%dma_wait3A_229, %dma_wait3A_230] : memref<512x128xf32, #tpu.memory_space<vmem_shared>> -> memref<128x128xf32, #tpu.memory_space<vmem_shared>>
    %dma_wait3A_232 = arith.constant 0 : i32
    %dma_wait3A_233 = arith.constant 0 : i32
    %dma_wait3A_234 = tpu.memref_slice %arg14[%dma_wait3A_232, %dma_wait3A_233] : memref<512x128xf32, #tpu.memory_space<vmem_shared>> -> memref<128x128xf32, #tpu.memory_space<vmem_shared>>
    tpu.wait_dma2 semaphore(%arg24 : memref<!tpu.dma_semaphore, #tpu.memory_space<semaphore_mem>>) src(%dma_wait3A_234 : memref<128x128xf32, #tpu.memory_space<vmem_shared>>) dst(%arg12 : memref<128x128xf32, #tpu.memory_space<vmem>>)
    %scan3A_235 = arith.constant 0 : i32
    %scan3A_236 = arith.constant 0 : i32
    %scan3A_237 = arith.constant 32 : i32
    %scan3A_238 = arith.addi %scan3A_236, %scan3A_237 : i32
    %scan3A_239 = arith.constant 1 : i32
    scf.for %scan3A_344 = %scan3A_236 to %scan3A_238 step %scan3A_239  : i32 {
      %mul3A_345 = arith.constant 4 : i32
      %mul3A_346 = arith.muli %scan3A_344, %mul3A_345 : i32
      %add3A_347 = arith.constant 0 : i32
      %add3A_348 = arith.addi %mul3A_346, %add3A_347 : i32
      %get3A = arith.index_cast %add3A_348 : i32 to index
      %get3A_349 = arith.constant 0 : index
      %get3A_350 = tpu.vector_load %arg12[%get3A, %get3A_349] {strides = array<i32>} : memref<128x128xf32, #tpu.memory_space<vmem>>, vector<1x16xf32>,
      %get3A_351 = vector.shape_cast %get3A_350 : vector<1x16xf32> to vector<16xf32>
      %swap3A = arith.index_cast %add3A_348 : i32 to index
      %swap3A_352 = arith.constant 0 : index
      %swap3A_353 = tpu.vector_load %arg7[%swap3A, %swap3A_352] {strides = array<i32>} : memref<128x128xf32, #tpu.memory_space<vmem>>, vector<1x16xf32>,
      %swap3A_354 = vector.shape_cast %swap3A_353 : vector<1x16xf32> to vector<16xf32>
      %swap3A_355 = vector.shape_cast %get3A_351 : vector<16xf32> to vector<1x16xf32>
      tpu.vector_store %arg7[%swap3A, %swap3A_352], %swap3A_355 {add = true, strides = array<i32>} : memref<128x128xf32, #tpu.memory_space<vmem>>, vector<1x16xf32>,
      %get3A_356 = arith.index_cast %add3A_348 : i32 to index
      %get3A_357 = arith.constant 16 : index
      %get3A_358 = tpu.vector_load %arg12[%get3A_356, %get3A_357] {strides = array<i32>} : memref<128x128xf32, #tpu.memory_space<vmem>>, vector<1x16xf32>,
      %get3A_359 = vector.shape_cast %get3A_358 : vector<1x16xf32> to vector<16xf32>
      %swap3A_360 = arith.index_cast %add3A_348 : i32 to index
      %swap3A_361 = arith.constant 16 : index
      %swap3A_362 = tpu.vector_load %arg7[%swap3A_360, %swap3A_361] {strides = array<i32>} : memref<128x128xf32, #tpu.memory_space<vmem>>, vector<1x16xf32>,
      %swap3A_363 = vector.shape_cast %swap3A_362 : vector<1x16xf32> to vector<16xf32>
      %swap3A_364 = vector.shape_cast %get3A_359 : vector<16xf32> to vector<1x16xf32>
      tpu.vector_store %arg7[%swap3A_360, %swap3A_361], %swap3A_364 {add = true, strides = array<i32>} : memref<128x128xf32, #tpu.memory_space<vmem>>, vector<1x16xf32>,
      %get3A_365 = arith.index_cast %add3A_348 : i32 to index
      %get3A_366 = arith.constant 32 : index
      %get3A_367 = tpu.vector_load %arg12[%get3A_365, %get3A_366] {strides = array<i32>} : memref<128x128xf32, #tpu.memory_space<vmem>>, vector<1x16xf32>,
      %get3A_368 = vector.shape_cast %get3A_367 : vector<1x16xf32> to vector<16xf32>
      %swap3A_369 = arith.index_cast %add3A_348 : i32 to index
      %swap3A_370 = arith.constant 32 : index
      %swap3A_371 = tpu.vector_load %arg7[%swap3A_369, %swap3A_370] {strides = array<i32>} : memref<128x128xf32, #tpu.memory_space<vmem>>, vector<1x16xf32>,
      %swap3A_372 = vector.shape_cast %swap3A_371 : vector<1x16xf32> to vector<16xf32>
      %swap3A_373 = vector.shape_cast %get3A_368 : vector<16xf32> to vector<1x16xf32>
      tpu.vector_store %arg7[%swap3A_369, %swap3A_370], %swap3A_373 {add = true, strides = array<i32>} : memref<128x128xf32, #tpu.memory_space<vmem>>, vector<1x16xf32>,
      %get3A_374 = arith.index_cast %add3A_348 : i32 to index
      %get3A_375 = arith.constant 48 : index
      %get3A_376 = tpu.vector_load %arg12[%get3A_374, %get3A_375] {strides = array<i32>} : memref<128x128xf32, #tpu.memory_space<vmem>>, vector<1x16xf32>,
      %get3A_377 = vector.shape_cast %get3A_376 : vector<1x16xf32> to vector<16xf32>
      %swap3A_378 = arith.index_cast %add3A_348 : i32 to index
      %swap3A_379 = arith.constant 48 : index
      %swap3A_380 = tpu.vector_load %arg7[%swap3A_378, %swap3A_379] {strides = array<i32>} : memref<128x128xf32, #tpu.memory_space<vmem>>, vector<1x16xf32>,
      %swap3A_381 = vector.shape_cast %swap3A_380 : vector<1x16xf32> to vector<16xf32>
      %swap3A_382 = vector.shape_cast %get3A_377 : vector<16xf32> to vector<1x16xf32>
      tpu.vector_store %arg7[%swap3A_378, %swap3A_379], %swap3A_382 {add = true, strides = array<i32>} : memref<128x128xf32, #tpu.memory_space<vmem>>, vector<1x16xf32>,
      %get3A_383 = arith.index_cast %add3A_348 : i32 to index
      %get3A_384 = arith.constant 64 : index
      %get3A_385 = tpu.vector_load %arg12[%get3A_383, %get3A_384] {strides = array<i32>} : memref<128x128xf32, #tpu.memory_space<vmem>>, vector<1x16xf32>,
      %get3A_386 = vector.shape_cast %get3A_385 : vector<1x16xf32> to vector<16xf32>
      %swap3A_387 = arith.index_cast %add3A_348 : i32 to index
      %swap3A_388 = arith.constant 64 : index
      %swap3A_389 = tpu.vector_load %arg7[%swap3A_387, %swap3A_388] {strides = array<i32>} : memref<128x128xf32, #tpu.memory_space<vmem>>, vector<1x16xf32>,
      %swap3A_390 = vector.shape_cast %swap3A_389 : vector<1x16xf32> to vector<16xf32>
      %swap3A_391 = vector.shape_cast %get3A_386 : vector<16xf32> to vector<1x16xf32>
      tpu.vector_store %arg7[%swap3A_387, %swap3A_388], %swap3A_391 {add = true, strides = array<i32>} : memref<128x128xf32, #tpu.memory_space<vmem>>, vector<1x16xf32>,
      %get3A_392 = arith.index_cast %add3A_348 : i32 to index
      %get3A_393 = arith.constant 80 : index
      %get3A_394 = tpu.vector_load %arg12[%get3A_392, %get3A_393] {strides = array<i32>} : memref<128x128xf32, #tpu.memory_space<vmem>>, vector<1x16xf32>,
      %get3A_395 = vector.shape_cast %get3A_394 : vector<1x16xf32> to vector<16xf32>
      %swap3A_396 = arith.index_cast %add3A_348 : i32 to index
      %swap3A_397 = arith.constant 80 : index
      %swap3A_398 = tpu.vector_load %arg7[%swap3A_396, %swap3A_397] {strides = array<i32>} : memref<128x128xf32, #tpu.memory_space<vmem>>, vector<1x16xf32>,
      %swap3A_399 = vector.shape_cast %swap3A_398 : vector<1x16xf32> to vector<16xf32>
      %swap3A_400 = vector.shape_cast %get3A_395 : vector<16xf32> to vector<1x16xf32>
      tpu.vector_store %arg7[%swap3A_396, %swap3A_397], %swap3A_400 {add = true, strides = array<i32>} : memref<128x128xf32, #tpu.memory_space<vmem>>, vector<1x16xf32>,
      %get3A_401 = arith.index_cast %add3A_348 : i32 to index
      %get3A_402 = arith.constant 96 : index
      %get3A_403 = tpu.vector_load %arg12[%get3A_401, %get3A_402] {strides = array<i32>} : memref<128x128xf32, #tpu.memory_space<vmem>>, vector<1x16xf32>,
      %get3A_404 = vector.shape_cast %get3A_403 : vector<1x16xf32> to vector<16xf32>
      %swap3A_405 = arith.index_cast %add3A_348 : i32 to index
      %swap3A_406 = arith.constant 96 : index
      %swap3A_407 = tpu.vector_load %arg7[%swap3A_405, %swap3A_406] {strides = array<i32>} : memref<128x128xf32, #tpu.memory_space<vmem>>, vector<1x16xf32>,
      %swap3A_408 = vector.shape_cast %swap3A_407 : vector<1x16xf32> to vector<16xf32>
      %swap3A_409 = vector.shape_cast %get3A_404 : vector<16xf32> to vector<1x16xf32>
      tpu.vector_store %arg7[%swap3A_405, %swap3A_406], %swap3A_409 {add = true, strides = array<i32>} : memref<128x128xf32, #tpu.memory_space<vmem>>, vector<1x16xf32>,
      %get3A_410 = arith.index_cast %add3A_348 : i32 to index
      %get3A_411 = arith.constant 112 : index
      %get3A_412 = tpu.vector_load %arg12[%get3A_410, %get3A_411] {strides = array<i32>} : memref<128x128xf32, #tpu.memory_space<vmem>>, vector<1x16xf32>,
      %get3A_413 = vector.shape_cast %get3A_412 : vector<1x16xf32> to vector<16xf32>
      %swap3A_414 = arith.index_cast %add3A_348 : i32 to index
      %swap3A_415 = arith.constant 112 : index
      %swap3A_416 = tpu.vector_load %arg7[%swap3A_414, %swap3A_415] {strides = array<i32>} : memref<128x128xf32, #tpu.memory_space<vmem>>, vector<1x16xf32>,
      %swap3A_417 = vector.shape_cast %swap3A_416 : vector<1x16xf32> to vector<16xf32>
      %swap3A_418 = vector.shape_cast %get3A_413 : vector<16xf32> to vector<1x16xf32>
      tpu.vector_store %arg7[%swap3A_414, %swap3A_415], %swap3A_418 {add = true, strides = array<i32>} : memref<128x128xf32, #tpu.memory_space<vmem>>, vector<1x16xf32>,
      %mul3A_419 = arith.constant 4 : i32
      %mul3A_420 = arith.muli %scan3A_344, %mul3A_419 : i32
      %add3A_421 = arith.constant 1 : i32
      %add3A_422 = arith.addi %mul3A_420, %add3A_421 : i32
      %get3A_423 = arith.index_cast %add3A_422 : i32 to index
      %get3A_424 = arith.constant 0 : index
      %get3A_425 = tpu.vector_load %arg12[%get3A_423, %get3A_424] {strides = array<i32>} : memref<128x128xf32, #tpu.memory_space<vmem>>, vector<1x16xf32>,
      %get3A_426 = vector.shape_cast %get3A_425 : vector<1x16xf32> to vector<16xf32>
      %swap3A_427 = arith.index_cast %add3A_422 : i32 to index
      %swap3A_428 = arith.constant 0 : index
      %swap3A_429 = tpu.vector_load %arg7[%swap3A_427, %swap3A_428] {strides = array<i32>} : memref<128x128xf32, #tpu.memory_space<vmem>>, vector<1x16xf32>,
      %swap3A_430 = vector.shape_cast %swap3A_429 : vector<1x16xf32> to vector<16xf32>
      %swap3A_431 = vector.shape_cast %get3A_426 : vector<16xf32> to vector<1x16xf32>
      tpu.vector_store %arg7[%swap3A_427, %swap3A_428], %swap3A_431 {add = true, strides = array<i32>} : memref<128x128xf32, #tpu.memory_space<vmem>>, vector<1x16xf32>,
      %get3A_432 = arith.index_cast %add3A_422 : i32 to index
      %get3A_433 = arith.constant 16 : index
      %get3A_434 = tpu.vector_load %arg12[%get3A_432, %get3A_433] {strides = array<i32>} : memref<128x128xf32, #tpu.memory_space<vmem>>, vector<1x16xf32>,
      %get3A_435 = vector.shape_cast %get3A_434 : vector<1x16xf32> to vector<16xf32>
      %swap3A_436 = arith.index_cast %add3A_422 : i32 to index
      %swap3A_437 = arith.constant 16 : index
      %swap3A_438 = tpu.vector_load %arg7[%swap3A_436, %swap3A_437] {strides = array<i32>} : memref<128x128xf32, #tpu.memory_space<vmem>>, vector<1x16xf32>,
      %swap3A_439 = vector.shape_cast %swap3A_438 : vector<1x16xf32> to vector<16xf32>
      %swap3A_440 = vector.shape_cast %get3A_435 : vector<16xf32> to vector<1x16xf32>
      tpu.vector_store %arg7[%swap3A_436, %swap3A_437], %swap3A_440 {add = true, strides = array<i32>} : memref<128x128xf32, #tpu.memory_space<vmem>>, vector<1x16xf32>,
      %get3A_441 = arith.index_cast %add3A_422 : i32 to index
      %get3A_442 = arith.constant 32 : index
      %get3A_443 = tpu.vector_load %arg12[%get3A_441, %get3A_442] {strides = array<i32>} : memref<128x128xf32, #tpu.memory_space<vmem>>, vector<1x16xf32>,
      %get3A_444 = vector.shape_cast %get3A_443 : vector<1x16xf32> to vector<16xf32>
      %swap3A_445 = arith.index_cast %add3A_422 : i32 to index
      %swap3A_446 = arith.constant 32 : index
      %swap3A_447 = tpu.vector_load %arg7[%swap3A_445, %swap3A_446] {strides = array<i32>} : memref<128x128xf32, #tpu.memory_space<vmem>>, vector<1x16xf32>,
      %swap3A_448 = vector.shape_cast %swap3A_447 : vector<1x16xf32> to vector<16xf32>
      %swap3A_449 = vector.shape_cast %get3A_444 : vector<16xf32> to vector<1x16xf32>
      tpu.vector_store %arg7[%swap3A_445, %swap3A_446], %swap3A_449 {add = true, strides = array<i32>} : memref<128x128xf32, #tpu.memory_space<vmem>>, vector<1x16xf32>,
      %get3A_450 = arith.index_cast %add3A_422 : i32 to index
      %get3A_451 = arith.constant 48 : index
      %get3A_452 = tpu.vector_load %arg12[%get3A_450, %get3A_451] {strides = array<i32>} : memref<128x128xf32, #tpu.memory_space<vmem>>, vector<1x16xf32>,
      %get3A_453 = vector.shape_cast %get3A_452 : vector<1x16xf32> to vector<16xf32>
      %swap3A_454 = arith.index_cast %add3A_422 : i32 to index
      %swap3A_455 = arith.constant 48 : index
      %swap3A_456 = tpu.vector_load %arg7[%swap3A_454, %swap3A_455] {strides = array<i32>} : memref<128x128xf32, #tpu.memory_space<vmem>>, vector<1x16xf32>,
      %swap3A_457 = vector.shape_cast %swap3A_456 : vector<1x16xf32> to vector<16xf32>
      %swap3A_458 = vector.shape_cast %get3A_453 : vector<16xf32> to vector<1x16xf32>
      tpu.vector_store %arg7[%swap3A_454, %swap3A_455], %swap3A_458 {add = true, strides = array<i32>} : memref<128x128xf32, #tpu.memory_space<vmem>>, vector<1x16xf32>,
      %get3A_459 = arith.index_cast %add3A_422 : i32 to index
      %get3A_460 = arith.constant 64 : index
      %get3A_461 = tpu.vector_load %arg12[%get3A_459, %get3A_460] {strides = array<i32>} : memref<128x128xf32, #tpu.memory_space<vmem>>, vector<1x16xf32>,
      %get3A_462 = vector.shape_cast %get3A_461 : vector<1x16xf32> to vector<16xf32>
      %swap3A_463 = arith.index_cast %add3A_422 : i32 to index
      %swap3A_464 = arith.constant 64 : index
      %swap3A_465 = tpu.vector_load %arg7[%swap3A_463, %swap3A_464] {strides = array<i32>} : memref<128x128xf32, #tpu.memory_space<vmem>>, vector<1x16xf32>,
      %swap3A_466 = vector.shape_cast %swap3A_465 : vector<1x16xf32> to vector<16xf32>
      %swap3A_467 = vector.shape_cast %get3A_462 : vector<16xf32> to vector<1x16xf32>
      tpu.vector_store %arg7[%swap3A_463, %swap3A_464], %swap3A_467 {add = true, strides = array<i32>} : memref<128x128xf32, #tpu.memory_space<vmem>>, vector<1x16xf32>,
      %get3A_468 = arith.index_cast %add3A_422 : i32 to index
      %get3A_469 = arith.constant 80 : index
      %get3A_470 = tpu.vector_load %arg12[%get3A_468, %get3A_469] {strides = array<i32>} : memref<128x128xf32, #tpu.memory_space<vmem>>, vector<1x16xf32>,
      %get3A_471 = vector.shape_cast %get3A_470 : vector<1x16xf32> to vector<16xf32>
      %swap3A_472 = arith.index_cast %add3A_422 : i32 to index
      %swap3A_473 = arith.constant 80 : index
      %swap3A_474 = tpu.vector_load %arg7[%swap3A_472, %swap3A_473] {strides = array<i32>} : memref<128x128xf32, #tpu.memory_space<vmem>>, vector<1x16xf32>,
      %swap3A_475 = vector.shape_cast %swap3A_474 : vector<1x16xf32> to vector<16xf32>
      %swap3A_476 = vector.shape_cast %get3A_471 : vector<16xf32> to vector<1x16xf32>
      tpu.vector_store %arg7[%swap3A_472, %swap3A_473], %swap3A_476 {add = true, strides = array<i32>} : memref<128x128xf32, #tpu.memory_space<vmem>>, vector<1x16xf32>,
      %get3A_477 = arith.index_cast %add3A_422 : i32 to index
      %get3A_478 = arith.constant 96 : index
      %get3A_479 = tpu.vector_load %arg12[%get3A_477, %get3A_478] {strides = array<i32>} : memref<128x128xf32, #tpu.memory_space<vmem>>, vector<1x16xf32>,
      %get3A_480 = vector.shape_cast %get3A_479 : vector<1x16xf32> to vector<16xf32>
      %swap3A_481 = arith.index_cast %add3A_422 : i32 to index
      %swap3A_482 = arith.constant 96 : index
      %swap3A_483 = tpu.vector_load %arg7[%swap3A_481, %swap3A_482] {strides = array<i32>} : memref<128x128xf32, #tpu.memory_space<vmem>>, vector<1x16xf32>,
      %swap3A_484 = vector.shape_cast %swap3A_483 : vector<1x16xf32> to vector<16xf32>
      %swap3A_485 = vector.shape_cast %get3A_480 : vector<16xf32> to vector<1x16xf32>
      tpu.vector_store %arg7[%swap3A_481, %swap3A_482], %swap3A_485 {add = true, strides = array<i32>} : memref<128x128xf32, #tpu.memory_space<vmem>>, vector<1x16xf32>,
      %get3A_486 = arith.index_cast %add3A_422 : i32 to index
      %get3A_487 = arith.constant 112 : index
      %get3A_488 = tpu.vector_load %arg12[%get3A_486, %get3A_487] {strides = array<i32>} : memref<128x128xf32, #tpu.memory_space<vmem>>, vector<1x16xf32>,
      %get3A_489 = vector.shape_cast %get3A_488 : vector<1x16xf32> to vector<16xf32>
      %swap3A_490 = arith.index_cast %add3A_422 : i32 to index
      %swap3A_491 = arith.constant 112 : index
      %swap3A_492 = tpu.vector_load %arg7[%swap3A_490, %swap3A_491] {strides = array<i32>} : memref<128x128xf32, #tpu.memory_space<vmem>>, vector<1x16xf32>,
      %swap3A_493 = vector.shape_cast %swap3A_492 : vector<1x16xf32> to vector<16xf32>
      %swap3A_494 = vector.shape_cast %get3A_489 : vector<16xf32> to vector<1x16xf32>
      tpu.vector_store %arg7[%swap3A_490, %swap3A_491], %swap3A_494 {add = true, strides = array<i32>} : memref<128x128xf32, #tpu.memory_space<vmem>>, vector<1x16xf32>,
      %mul3A_495 = arith.constant 4 : i32
      %mul3A_496 = arith.muli %scan3A_344, %mul3A_495 : i32
      %add3A_497 = arith.constant 2 : i32
      %add3A_498 = arith.addi %mul3A_496, %add3A_497 : i32
      %get3A_499 = arith.index_cast %add3A_498 : i32 to index
      %get3A_500 = arith.constant 0 : index
      %get3A_501 = tpu.vector_load %arg12[%get3A_499, %get3A_500] {strides = array<i32>} : memref<128x128xf32, #tpu.memory_space<vmem>>, vector<1x16xf32>,
      %get3A_502 = vector.shape_cast %get3A_501 : vector<1x16xf32> to vector<16xf32>
      %swap3A_503 = arith.index_cast %add3A_498 : i32 to index
      %swap3A_504 = arith.constant 0 : index
      %swap3A_505 = tpu.vector_load %arg7[%swap3A_503, %swap3A_504] {strides = array<i32>} : memref<128x128xf32, #tpu.memory_space<vmem>>, vector<1x16xf32>,
      %swap3A_506 = vector.shape_cast %swap3A_505 : vector<1x16xf32> to vector<16xf32>
      %swap3A_507 = vector.shape_cast %get3A_502 : vector<16xf32> to vector<1x16xf32>
      tpu.vector_store %arg7[%swap3A_503, %swap3A_504], %swap3A_507 {add = true, strides = array<i32>} : memref<128x128xf32, #tpu.memory_space<vmem>>, vector<1x16xf32>,
      %get3A_508 = arith.index_cast %add3A_498 : i32 to index
      %get3A_509 = arith.constant 16 : index
      %get3A_510 = tpu.vector_load %arg12[%get3A_508, %get3A_509] {strides = array<i32>} : memref<128x128xf32, #tpu.memory_space<vmem>>, vector<1x16xf32>,
      %get3A_511 = vector.shape_cast %get3A_510 : vector<1x16xf32> to vector<16xf32>
      %swap3A_512 = arith.index_cast %add3A_498 : i32 to index
      %swap3A_513 = arith.constant 16 : index
      %swap3A_514 = tpu.vector_load %arg7[%swap3A_512, %swap3A_513] {strides = array<i32>} : memref<128x128xf32, #tpu.memory_space<vmem>>, vector<1x16xf32>,
      %swap3A_515 = vector.shape_cast %swap3A_514 : vector<1x16xf32> to vector<16xf32>
      %swap3A_516 = vector.shape_cast %get3A_511 : vector<16xf32> to vector<1x16xf32>
      tpu.vector_store %arg7[%swap3A_512, %swap3A_513], %swap3A_516 {add = true, strides = array<i32>} : memref<128x128xf32, #tpu.memory_space<vmem>>, vector<1x16xf32>,
      %get3A_517 = arith.index_cast %add3A_498 : i32 to index
      %get3A_518 = arith.constant 32 : index
      %get3A_519 = tpu.vector_load %arg12[%get3A_517, %get3A_518] {strides = array<i32>} : memref<128x128xf32, #tpu.memory_space<vmem>>, vector<1x16xf32>,
      %get3A_520 = vector.shape_cast %get3A_519 : vector<1x16xf32> to vector<16xf32>
      %swap3A_521 = arith.index_cast %add3A_498 : i32 to index
      %swap3A_522 = arith.constant 32 : index
      %swap3A_523 = tpu.vector_load %arg7[%swap3A_521, %swap3A_522] {strides = array<i32>} : memref<128x128xf32, #tpu.memory_space<vmem>>, vector<1x16xf32>,
      %swap3A_524 = vector.shape_cast %swap3A_523 : vector<1x16xf32> to vector<16xf32>
      %swap3A_525 = vector.shape_cast %get3A_520 : vector<16xf32> to vector<1x16xf32>
      tpu.vector_store %arg7[%swap3A_521, %swap3A_522], %swap3A_525 {add = true, strides = array<i32>} : memref<128x128xf32, #tpu.memory_space<vmem>>, vector<1x16xf32>,
      %get3A_526 = arith.index_cast %add3A_498 : i32 to index
      %get3A_527 = arith.constant 48 : index
      %get3A_528 = tpu.vector_load %arg12[%get3A_526, %get3A_527] {strides = array<i32>} : memref<128x128xf32, #tpu.memory_space<vmem>>, vector<1x16xf32>,
      %get3A_529 = vector.shape_cast %get3A_528 : vector<1x16xf32> to vector<16xf32>
      %swap3A_530 = arith.index_cast %add3A_498 : i32 to index
      %swap3A_531 = arith.constant 48 : index
      %swap3A_532 = tpu.vector_load %arg7[%swap3A_530, %swap3A_531] {strides = array<i32>} : memref<128x128xf32, #tpu.memory_space<vmem>>, vector<1x16xf32>,
      %swap3A_533 = vector.shape_cast %swap3A_532 : vector<1x16xf32> to vector<16xf32>
      %swap3A_534 = vector.shape_cast %get3A_529 : vector<16xf32> to vector<1x16xf32>
      tpu.vector_store %arg7[%swap3A_530, %swap3A_531], %swap3A_534 {add = true, strides = array<i32>} : memref<128x128xf32, #tpu.memory_space<vmem>>, vector<1x16xf32>,
      %get3A_535 = arith.index_cast %add3A_498 : i32 to index
      %get3A_536 = arith.constant 64 : index
      %get3A_537 = tpu.vector_load %arg12[%get3A_535, %get3A_536] {strides = array<i32>} : memref<128x128xf32, #tpu.memory_space<vmem>>, vector<1x16xf32>,
      %get3A_538 = vector.shape_cast %get3A_537 : vector<1x16xf32> to vector<16xf32>
      %swap3A_539 = arith.index_cast %add3A_498 : i32 to index
      %swap3A_540 = arith.constant 64 : index
      %swap3A_541 = tpu.vector_load %arg7[%swap3A_539, %swap3A_540] {strides = array<i32>} : memref<128x128xf32, #tpu.memory_space<vmem>>, vector<1x16xf32>,
      %swap3A_542 = vector.shape_cast %swap3A_541 : vector<1x16xf32> to vector<16xf32>
      %swap3A_543 = vector.shape_cast %get3A_538 : vector<16xf32> to vector<1x16xf32>
      tpu.vector_store %arg7[%swap3A_539, %swap3A_540], %swap3A_543 {add = true, strides = array<i32>} : memref<128x128xf32, #tpu.memory_space<vmem>>, vector<1x16xf32>,
      %get3A_544 = arith.index_cast %add3A_498 : i32 to index
      %get3A_545 = arith.constant 80 : index
      %get3A_546 = tpu.vector_load %arg12[%get3A_544, %get3A_545] {strides = array<i32>} : memref<128x128xf32, #tpu.memory_space<vmem>>, vector<1x16xf32>,
      %get3A_547 = vector.shape_cast %get3A_546 : vector<1x16xf32> to vector<16xf32>
      %swap3A_548 = arith.index_cast %add3A_498 : i32 to index
      %swap3A_549 = arith.constant 80 : index
      %swap3A_550 = tpu.vector_load %arg7[%swap3A_548, %swap3A_549] {strides = array<i32>} : memref<128x128xf32, #tpu.memory_space<vmem>>, vector<1x16xf32>,
      %swap3A_551 = vector.shape_cast %swap3A_550 : vector<1x16xf32> to vector<16xf32>
      %swap3A_552 = vector.shape_cast %get3A_547 : vector<16xf32> to vector<1x16xf32>
      tpu.vector_store %arg7[%swap3A_548, %swap3A_549], %swap3A_552 {add = true, strides = array<i32>} : memref<128x128xf32, #tpu.memory_space<vmem>>, vector<1x16xf32>,
      %get3A_553 = arith.index_cast %add3A_498 : i32 to index
      %get3A_554 = arith.constant 96 : index
      %get3A_555 = tpu.vector_load %arg12[%get3A_553, %get3A_554] {strides = array<i32>} : memref<128x128xf32, #tpu.memory_space<vmem>>, vector<1x16xf32>,
      %get3A_556 = vector.shape_cast %get3A_555 : vector<1x16xf32> to vector<16xf32>
      %swap3A_557 = arith.index_cast %add3A_498 : i32 to index
      %swap3A_558 = arith.constant 96 : index
      %swap3A_559 = tpu.vector_load %arg7[%swap3A_557, %swap3A_558] {strides = array<i32>} : memref<128x128xf32, #tpu.memory_space<vmem>>, vector<1x16xf32>,
      %swap3A_560 = vector.shape_cast %swap3A_559 : vector<1x16xf32> to vector<16xf32>
      %swap3A_561 = vector.shape_cast %get3A_556 : vector<16xf32> to vector<1x16xf32>
      tpu.vector_store %arg7[%swap3A_557, %swap3A_558], %swap3A_561 {add = true, strides = array<i32>} : memref<128x128xf32, #tpu.memory_space<vmem>>, vector<1x16xf32>,
      %get3A_562 = arith.index_cast %add3A_498 : i32 to index
      %get3A_563 = arith.constant 112 : index
      %get3A_564 = tpu.vector_load %arg12[%get3A_562, %get3A_563] {strides = array<i32>} : memref<128x128xf32, #tpu.memory_space<vmem>>, vector<1x16xf32>,
      %get3A_565 = vector.shape_cast %get3A_564 : vector<1x16xf32> to vector<16xf32>
      %swap3A_566 = arith.index_cast %add3A_498 : i32 to index
      %swap3A_567 = arith.constant 112 : index
      %swap3A_568 = tpu.vector_load %arg7[%swap3A_566, %swap3A_567] {strides = array<i32>} : memref<128x128xf32, #tpu.memory_space<vmem>>, vector<1x16xf32>,
      %swap3A_569 = vector.shape_cast %swap3A_568 : vector<1x16xf32> to vector<16xf32>
      %swap3A_570 = vector.shape_cast %get3A_565 : vector<16xf32> to vector<1x16xf32>
      tpu.vector_store %arg7[%swap3A_566, %swap3A_567], %swap3A_570 {add = true, strides = array<i32>} : memref<128x128xf32, #tpu.memory_space<vmem>>, vector<1x16xf32>,
      %mul3A_571 = arith.constant 4 : i32
      %mul3A_572 = arith.muli %scan3A_344, %mul3A_571 : i32
      %add3A_573 = arith.constant 3 : i32
      %add3A_574 = arith.addi %mul3A_572, %add3A_573 : i32
      %get3A_575 = arith.index_cast %add3A_574 : i32 to index
      %get3A_576 = arith.constant 0 : index
      %get3A_577 = tpu.vector_load %arg12[%get3A_575, %get3A_576] {strides = array<i32>} : memref<128x128xf32, #tpu.memory_space<vmem>>, vector<1x16xf32>,
      %get3A_578 = vector.shape_cast %get3A_577 : vector<1x16xf32> to vector<16xf32>
      %swap3A_579 = arith.index_cast %add3A_574 : i32 to index
      %swap3A_580 = arith.constant 0 : index
      %swap3A_581 = tpu.vector_load %arg7[%swap3A_579, %swap3A_580] {strides = array<i32>} : memref<128x128xf32, #tpu.memory_space<vmem>>, vector<1x16xf32>,
      %swap3A_582 = vector.shape_cast %swap3A_581 : vector<1x16xf32> to vector<16xf32>
      %swap3A_583 = vector.shape_cast %get3A_578 : vector<16xf32> to vector<1x16xf32>
      tpu.vector_store %arg7[%swap3A_579, %swap3A_580], %swap3A_583 {add = true, strides = array<i32>} : memref<128x128xf32, #tpu.memory_space<vmem>>, vector<1x16xf32>,
      %get3A_584 = arith.index_cast %add3A_574 : i32 to index
      %get3A_585 = arith.constant 16 : index
      %get3A_586 = tpu.vector_load %arg12[%get3A_584, %get3A_585] {strides = array<i32>} : memref<128x128xf32, #tpu.memory_space<vmem>>, vector<1x16xf32>,
      %get3A_587 = vector.shape_cast %get3A_586 : vector<1x16xf32> to vector<16xf32>
      %swap3A_588 = arith.index_cast %add3A_574 : i32 to index
      %swap3A_589 = arith.constant 16 : index
      %swap3A_590 = tpu.vector_load %arg7[%swap3A_588, %swap3A_589] {strides = array<i32>} : memref<128x128xf32, #tpu.memory_space<vmem>>, vector<1x16xf32>,
      %swap3A_591 = vector.shape_cast %swap3A_590 : vector<1x16xf32> to vector<16xf32>
      %swap3A_592 = vector.shape_cast %get3A_587 : vector<16xf32> to vector<1x16xf32>
      tpu.vector_store %arg7[%swap3A_588, %swap3A_589], %swap3A_592 {add = true, strides = array<i32>} : memref<128x128xf32, #tpu.memory_space<vmem>>, vector<1x16xf32>,
      %get3A_593 = arith.index_cast %add3A_574 : i32 to index
      %get3A_594 = arith.constant 32 : index
      %get3A_595 = tpu.vector_load %arg12[%get3A_593, %get3A_594] {strides = array<i32>} : memref<128x128xf32, #tpu.memory_space<vmem>>, vector<1x16xf32>,
      %get3A_596 = vector.shape_cast %get3A_595 : vector<1x16xf32> to vector<16xf32>
      %swap3A_597 = arith.index_cast %add3A_574 : i32 to index
      %swap3A_598 = arith.constant 32 : index
      %swap3A_599 = tpu.vector_load %arg7[%swap3A_597, %swap3A_598] {strides = array<i32>} : memref<128x128xf32, #tpu.memory_space<vmem>>, vector<1x16xf32>,
      %swap3A_600 = vector.shape_cast %swap3A_599 : vector<1x16xf32> to vector<16xf32>
      %swap3A_601 = vector.shape_cast %get3A_596 : vector<16xf32> to vector<1x16xf32>
      tpu.vector_store %arg7[%swap3A_597, %swap3A_598], %swap3A_601 {add = true, strides = array<i32>} : memref<128x128xf32, #tpu.memory_space<vmem>>, vector<1x16xf32>,
      %get3A_602 = arith.index_cast %add3A_574 : i32 to index
      %get3A_603 = arith.constant 48 : index
      %get3A_604 = tpu.vector_load %arg12[%get3A_602, %get3A_603] {strides = array<i32>} : memref<128x128xf32, #tpu.memory_space<vmem>>, vector<1x16xf32>,
      %get3A_605 = vector.shape_cast %get3A_604 : vector<1x16xf32> to vector<16xf32>
      %swap3A_606 = arith.index_cast %add3A_574 : i32 to index
      %swap3A_607 = arith.constant 48 : index
      %swap3A_608 = tpu.vector_load %arg7[%swap3A_606, %swap3A_607] {strides = array<i32>} : memref<128x128xf32, #tpu.memory_space<vmem>>, vector<1x16xf32>,
      %swap3A_609 = vector.shape_cast %swap3A_608 : vector<1x16xf32> to vector<16xf32>
      %swap3A_610 = vector.shape_cast %get3A_605 : vector<16xf32> to vector<1x16xf32>
      tpu.vector_store %arg7[%swap3A_606, %swap3A_607], %swap3A_610 {add = true, strides = array<i32>} : memref<128x128xf32, #tpu.memory_space<vmem>>, vector<1x16xf32>,
      %get3A_611 = arith.index_cast %add3A_574 : i32 to index
      %get3A_612 = arith.constant 64 : index
      %get3A_613 = tpu.vector_load %arg12[%get3A_611, %get3A_612] {strides = array<i32>} : memref<128x128xf32, #tpu.memory_space<vmem>>, vector<1x16xf32>,
      %get3A_614 = vector.shape_cast %get3A_613 : vector<1x16xf32> to vector<16xf32>
      %swap3A_615 = arith.index_cast %add3A_574 : i32 to index
      %swap3A_616 = arith.constant 64 : index
      %swap3A_617 = tpu.vector_load %arg7[%swap3A_615, %swap3A_616] {strides = array<i32>} : memref<128x128xf32, #tpu.memory_space<vmem>>, vector<1x16xf32>,
      %swap3A_618 = vector.shape_cast %swap3A_617 : vector<1x16xf32> to vector<16xf32>
      %swap3A_619 = vector.shape_cast %get3A_614 : vector<16xf32> to vector<1x16xf32>
      tpu.vector_store %arg7[%swap3A_615, %swap3A_616], %swap3A_619 {add = true, strides = array<i32>} : memref<128x128xf32, #tpu.memory_space<vmem>>, vector<1x16xf32>,
      %get3A_620 = arith.index_cast %add3A_574 : i32 to index
      %get3A_621 = arith.constant 80 : index
      %get3A_622 = tpu.vector_load %arg12[%get3A_620, %get3A_621] {strides = array<i32>} : memref<128x128xf32, #tpu.memory_space<vmem>>, vector<1x16xf32>,
      %get3A_623 = vector.shape_cast %get3A_622 : vector<1x16xf32> to vector<16xf32>
      %swap3A_624 = arith.index_cast %add3A_574 : i32 to index
      %swap3A_625 = arith.constant 80 : index
      %swap3A_626 = tpu.vector_load %arg7[%swap3A_624, %swap3A_625] {strides = array<i32>} : memref<128x128xf32, #tpu.memory_space<vmem>>, vector<1x16xf32>,
      %swap3A_627 = vector.shape_cast %swap3A_626 : vector<1x16xf32> to vector<16xf32>
      %swap3A_628 = vector.shape_cast %get3A_623 : vector<16xf32> to vector<1x16xf32>
      tpu.vector_store %arg7[%swap3A_624, %swap3A_625], %swap3A_628 {add = true, strides = array<i32>} : memref<128x128xf32, #tpu.memory_space<vmem>>, vector<1x16xf32>,
      %get3A_629 = arith.index_cast %add3A_574 : i32 to index
      %get3A_630 = arith.constant 96 : index
      %get3A_631 = tpu.vector_load %arg12[%get3A_629, %get3A_630] {strides = array<i32>} : memref<128x128xf32, #tpu.memory_space<vmem>>, vector<1x16xf32>,
      %get3A_632 = vector.shape_cast %get3A_631 : vector<1x16xf32> to vector<16xf32>
      %swap3A_633 = arith.index_cast %add3A_574 : i32 to index
      %swap3A_634 = arith.constant 96 : index
      %swap3A_635 = tpu.vector_load %arg7[%swap3A_633, %swap3A_634] {strides = array<i32>} : memref<128x128xf32, #tpu.memory_space<vmem>>, vector<1x16xf32>,
      %swap3A_636 = vector.shape_cast %swap3A_635 : vector<1x16xf32> to vector<16xf32>
      %swap3A_637 = vector.shape_cast %get3A_632 : vector<16xf32> to vector<1x16xf32>
      tpu.vector_store %arg7[%swap3A_633, %swap3A_634], %swap3A_637 {add = true, strides = array<i32>} : memref<128x128xf32, #tpu.memory_space<vmem>>, vector<1x16xf32>,
      %get3A_638 = arith.index_cast %add3A_574 : i32 to index
      %get3A_639 = arith.constant 112 : index
      %get3A_640 = tpu.vector_load %arg12[%get3A_638, %get3A_639] {strides = array<i32>} : memref<128x128xf32, #tpu.memory_space<vmem>>, vector<1x16xf32>,
      %get3A_641 = vector.shape_cast %get3A_640 : vector<1x16xf32> to vector<16xf32>
      %swap3A_642 = arith.index_cast %add3A_574 : i32 to index
      %swap3A_643 = arith.constant 112 : index
      %swap3A_644 = tpu.vector_load %arg7[%swap3A_642, %swap3A_643] {strides = array<i32>} : memref<128x128xf32, #tpu.memory_space<vmem>>, vector<1x16xf32>,
      %swap3A_645 = vector.shape_cast %swap3A_644 : vector<1x16xf32> to vector<16xf32>
      %swap3A_646 = vector.shape_cast %get3A_641 : vector<16xf32> to vector<1x16xf32>
      tpu.vector_store %arg7[%swap3A_642, %swap3A_643], %swap3A_646 {add = true, strides = array<i32>} : memref<128x128xf32, #tpu.memory_space<vmem>>, vector<1x16xf32>,
    }
    %scan3A_240 = arith.constant 32 : i32
    %add3A_241 = arith.constant 512 : i32
    %add3A_242 = arith.addi %mul3A_4, %add3A_241 : i32
    %dma_start3A_243 = arith.constant 0 : i32
    %dma_start3A_244 = tpu.memref_slice %arg5[%add3A_242, %dma_start3A_243] : memref<32768x128xf32, #tpu.memory_space<hbm>> -> memref<128x128xf32, #tpu.memory_space<hbm>>
    %dma_start3A_245 = arith.constant 0 : i32
    %dma_start3A_246 = tpu.memref_slice %arg5[%add3A_242, %dma_start3A_245] : memref<32768x128xf32, #tpu.memory_space<hbm>> -> memref<128x128xf32, #tpu.memory_space<hbm>>
    tpu.enqueue_dma source(%arg7 : memref<128x128xf32, #tpu.memory_space<vmem>>) target(%dma_start3A_246 : memref<128x128xf32, #tpu.memory_space<hbm>>) target_semaphore(%arg19 : memref<!tpu.dma_semaphore, #tpu.memory_space<semaphore_mem>>)
    %dma_wait3A_247 = arith.constant 1 : i32
    %dma_wait3A_248 = arith.constant 128 : i32
    %dma_wait3A_249 = tpu.memref_slice %arg6[%dma_wait3A_247, %dma_wait3A_248] : memref<2x512xi32, #tpu.memory_space<vmem>> -> memref<1x128xi32, #tpu.memory_space<vmem>>
    %dma_wait3A_250 = tpu.memref_squeeze %dma_wait3A_249 : memref<1x128xi32, #tpu.memory_space<vmem>> -> memref<128xi32, #tpu.memory_space<vmem>>
    %dma_wait3A_251 = arith.constant 0 : i32
    %dma_wait3A_252 = arith.constant 0 : i32
    %dma_wait3A_253 = tpu.memref_slice %arg3[%dma_wait3A_251, %dma_wait3A_252] : memref<100000x128xf32, #tpu.memory_space<hbm>> -> memref<100000x128xf32, #tpu.memory_space<hbm>>
    tpu.wait_indirect_dma semaphore(%arg16 : memref<!tpu.dma_semaphore, #tpu.memory_space<semaphore_mem>>) src(%dma_wait3A_253 : memref<100000x128xf32, #tpu.memory_space<hbm>>) dst(%arg8 : memref<128x128xf32, #tpu.memory_space<vmem>>)
    %dma_start3A_254 = arith.constant 384 : i32
    %dma_start3A_255 = arith.constant 0 : i32
    %dma_start3A_256 = tpu.memref_slice %arg14[%dma_start3A_254, %dma_start3A_255] : memref<512x128xf32, #tpu.memory_space<vmem_shared>> -> memref<128x128xf32, #tpu.memory_space<vmem_shared>>
    %dma_start3A_257 = arith.constant 384 : i32
    %dma_start3A_258 = arith.constant 0 : i32
    %dma_start3A_259 = tpu.memref_slice %arg14[%dma_start3A_257, %dma_start3A_258] : memref<512x128xf32, #tpu.memory_space<vmem_shared>> -> memref<128x128xf32, #tpu.memory_space<vmem_shared>>
    tpu.enqueue_dma source(%dma_start3A_259 : memref<128x128xf32, #tpu.memory_space<vmem_shared>>) target(%arg12 : memref<128x128xf32, #tpu.memory_space<vmem>>) target_semaphore(%arg24 : memref<!tpu.dma_semaphore, #tpu.memory_space<semaphore_mem>>)
    %dma_wait3A_260 = arith.constant 128 : i32
    %dma_wait3A_261 = arith.constant 0 : i32
    %dma_wait3A_262 = tpu.memref_slice %arg14[%dma_wait3A_260, %dma_wait3A_261] : memref<512x128xf32, #tpu.memory_space<vmem_shared>> -> memref<128x128xf32, #tpu.memory_space<vmem_shared>>
    %dma_wait3A_263 = arith.constant 128 : i32
    %dma_wait3A_264 = arith.constant 0 : i32
    %dma_wait3A_265 = tpu.memref_slice %arg14[%dma_wait3A_263, %dma_wait3A_264] : memref<512x128xf32, #tpu.memory_space<vmem_shared>> -> memref<128x128xf32, #tpu.memory_space<vmem_shared>>
    tpu.wait_dma2 semaphore(%arg25 : memref<!tpu.dma_semaphore, #tpu.memory_space<semaphore_mem>>) src(%dma_wait3A_265 : memref<128x128xf32, #tpu.memory_space<vmem_shared>>) dst(%arg13 : memref<128x128xf32, #tpu.memory_space<vmem>>)
    %scan3A_266 = arith.constant 0 : i32
    %scan3A_267 = arith.constant 0 : i32
    %scan3A_268 = arith.constant 32 : i32
    %scan3A_269 = arith.addi %scan3A_267, %scan3A_268 : i32
    %scan3A_270 = arith.constant 1 : i32
    scf.for %scan3A_344 = %scan3A_267 to %scan3A_269 step %scan3A_270  : i32 {
      %mul3A_345 = arith.constant 4 : i32
      %mul3A_346 = arith.muli %scan3A_344, %mul3A_345 : i32
      %add3A_347 = arith.constant 0 : i32
      %add3A_348 = arith.addi %mul3A_346, %add3A_347 : i32
      %get3A = arith.index_cast %add3A_348 : i32 to index
      %get3A_349 = arith.constant 0 : index
      %get3A_350 = tpu.vector_load %arg13[%get3A, %get3A_349] {strides = array<i32>} : memref<128x128xf32, #tpu.memory_space<vmem>>, vector<1x16xf32>,
      %get3A_351 = vector.shape_cast %get3A_350 : vector<1x16xf32> to vector<16xf32>
      %swap3A = arith.index_cast %add3A_348 : i32 to index
      %swap3A_352 = arith.constant 0 : index
      %swap3A_353 = tpu.vector_load %arg8[%swap3A, %swap3A_352] {strides = array<i32>} : memref<128x128xf32, #tpu.memory_space<vmem>>, vector<1x16xf32>,
      %swap3A_354 = vector.shape_cast %swap3A_353 : vector<1x16xf32> to vector<16xf32>
      %swap3A_355 = vector.shape_cast %get3A_351 : vector<16xf32> to vector<1x16xf32>
      tpu.vector_store %arg8[%swap3A, %swap3A_352], %swap3A_355 {add = true, strides = array<i32>} : memref<128x128xf32, #tpu.memory_space<vmem>>, vector<1x16xf32>,
      %get3A_356 = arith.index_cast %add3A_348 : i32 to index
      %get3A_357 = arith.constant 16 : index
      %get3A_358 = tpu.vector_load %arg13[%get3A_356, %get3A_357] {strides = array<i32>} : memref<128x128xf32, #tpu.memory_space<vmem>>, vector<1x16xf32>,
      %get3A_359 = vector.shape_cast %get3A_358 : vector<1x16xf32> to vector<16xf32>
      %swap3A_360 = arith.index_cast %add3A_348 : i32 to index
      %swap3A_361 = arith.constant 16 : index
      %swap3A_362 = tpu.vector_load %arg8[%swap3A_360, %swap3A_361] {strides = array<i32>} : memref<128x128xf32, #tpu.memory_space<vmem>>, vector<1x16xf32>,
      %swap3A_363 = vector.shape_cast %swap3A_362 : vector<1x16xf32> to vector<16xf32>
      %swap3A_364 = vector.shape_cast %get3A_359 : vector<16xf32> to vector<1x16xf32>
      tpu.vector_store %arg8[%swap3A_360, %swap3A_361], %swap3A_364 {add = true, strides = array<i32>} : memref<128x128xf32, #tpu.memory_space<vmem>>, vector<1x16xf32>,
      %get3A_365 = arith.index_cast %add3A_348 : i32 to index
      %get3A_366 = arith.constant 32 : index
      %get3A_367 = tpu.vector_load %arg13[%get3A_365, %get3A_366] {strides = array<i32>} : memref<128x128xf32, #tpu.memory_space<vmem>>, vector<1x16xf32>,
      %get3A_368 = vector.shape_cast %get3A_367 : vector<1x16xf32> to vector<16xf32>
      %swap3A_369 = arith.index_cast %add3A_348 : i32 to index
      %swap3A_370 = arith.constant 32 : index
      %swap3A_371 = tpu.vector_load %arg8[%swap3A_369, %swap3A_370] {strides = array<i32>} : memref<128x128xf32, #tpu.memory_space<vmem>>, vector<1x16xf32>,
      %swap3A_372 = vector.shape_cast %swap3A_371 : vector<1x16xf32> to vector<16xf32>
      %swap3A_373 = vector.shape_cast %get3A_368 : vector<16xf32> to vector<1x16xf32>
      tpu.vector_store %arg8[%swap3A_369, %swap3A_370], %swap3A_373 {add = true, strides = array<i32>} : memref<128x128xf32, #tpu.memory_space<vmem>>, vector<1x16xf32>,
      %get3A_374 = arith.index_cast %add3A_348 : i32 to index
      %get3A_375 = arith.constant 48 : index
      %get3A_376 = tpu.vector_load %arg13[%get3A_374, %get3A_375] {strides = array<i32>} : memref<128x128xf32, #tpu.memory_space<vmem>>, vector<1x16xf32>,
      %get3A_377 = vector.shape_cast %get3A_376 : vector<1x16xf32> to vector<16xf32>
      %swap3A_378 = arith.index_cast %add3A_348 : i32 to index
      %swap3A_379 = arith.constant 48 : index
      %swap3A_380 = tpu.vector_load %arg8[%swap3A_378, %swap3A_379] {strides = array<i32>} : memref<128x128xf32, #tpu.memory_space<vmem>>, vector<1x16xf32>,
      %swap3A_381 = vector.shape_cast %swap3A_380 : vector<1x16xf32> to vector<16xf32>
      %swap3A_382 = vector.shape_cast %get3A_377 : vector<16xf32> to vector<1x16xf32>
      tpu.vector_store %arg8[%swap3A_378, %swap3A_379], %swap3A_382 {add = true, strides = array<i32>} : memref<128x128xf32, #tpu.memory_space<vmem>>, vector<1x16xf32>,
      %get3A_383 = arith.index_cast %add3A_348 : i32 to index
      %get3A_384 = arith.constant 64 : index
      %get3A_385 = tpu.vector_load %arg13[%get3A_383, %get3A_384] {strides = array<i32>} : memref<128x128xf32, #tpu.memory_space<vmem>>, vector<1x16xf32>,
      %get3A_386 = vector.shape_cast %get3A_385 : vector<1x16xf32> to vector<16xf32>
      %swap3A_387 = arith.index_cast %add3A_348 : i32 to index
      %swap3A_388 = arith.constant 64 : index
      %swap3A_389 = tpu.vector_load %arg8[%swap3A_387, %swap3A_388] {strides = array<i32>} : memref<128x128xf32, #tpu.memory_space<vmem>>, vector<1x16xf32>,
      %swap3A_390 = vector.shape_cast %swap3A_389 : vector<1x16xf32> to vector<16xf32>
      %swap3A_391 = vector.shape_cast %get3A_386 : vector<16xf32> to vector<1x16xf32>
      tpu.vector_store %arg8[%swap3A_387, %swap3A_388], %swap3A_391 {add = true, strides = array<i32>} : memref<128x128xf32, #tpu.memory_space<vmem>>, vector<1x16xf32>,
      %get3A_392 = arith.index_cast %add3A_348 : i32 to index
      %get3A_393 = arith.constant 80 : index
      %get3A_394 = tpu.vector_load %arg13[%get3A_392, %get3A_393] {strides = array<i32>} : memref<128x128xf32, #tpu.memory_space<vmem>>, vector<1x16xf32>,
      %get3A_395 = vector.shape_cast %get3A_394 : vector<1x16xf32> to vector<16xf32>
      %swap3A_396 = arith.index_cast %add3A_348 : i32 to index
      %swap3A_397 = arith.constant 80 : index
      %swap3A_398 = tpu.vector_load %arg8[%swap3A_396, %swap3A_397] {strides = array<i32>} : memref<128x128xf32, #tpu.memory_space<vmem>>, vector<1x16xf32>,
      %swap3A_399 = vector.shape_cast %swap3A_398 : vector<1x16xf32> to vector<16xf32>
      %swap3A_400 = vector.shape_cast %get3A_395 : vector<16xf32> to vector<1x16xf32>
      tpu.vector_store %arg8[%swap3A_396, %swap3A_397], %swap3A_400 {add = true, strides = array<i32>} : memref<128x128xf32, #tpu.memory_space<vmem>>, vector<1x16xf32>,
      %get3A_401 = arith.index_cast %add3A_348 : i32 to index
      %get3A_402 = arith.constant 96 : index
      %get3A_403 = tpu.vector_load %arg13[%get3A_401, %get3A_402] {strides = array<i32>} : memref<128x128xf32, #tpu.memory_space<vmem>>, vector<1x16xf32>,
      %get3A_404 = vector.shape_cast %get3A_403 : vector<1x16xf32> to vector<16xf32>
      %swap3A_405 = arith.index_cast %add3A_348 : i32 to index
      %swap3A_406 = arith.constant 96 : index
      %swap3A_407 = tpu.vector_load %arg8[%swap3A_405, %swap3A_406] {strides = array<i32>} : memref<128x128xf32, #tpu.memory_space<vmem>>, vector<1x16xf32>,
      %swap3A_408 = vector.shape_cast %swap3A_407 : vector<1x16xf32> to vector<16xf32>
      %swap3A_409 = vector.shape_cast %get3A_404 : vector<16xf32> to vector<1x16xf32>
      tpu.vector_store %arg8[%swap3A_405, %swap3A_406], %swap3A_409 {add = true, strides = array<i32>} : memref<128x128xf32, #tpu.memory_space<vmem>>, vector<1x16xf32>,
      %get3A_410 = arith.index_cast %add3A_348 : i32 to index
      %get3A_411 = arith.constant 112 : index
      %get3A_412 = tpu.vector_load %arg13[%get3A_410, %get3A_411] {strides = array<i32>} : memref<128x128xf32, #tpu.memory_space<vmem>>, vector<1x16xf32>,
      %get3A_413 = vector.shape_cast %get3A_412 : vector<1x16xf32> to vector<16xf32>
      %swap3A_414 = arith.index_cast %add3A_348 : i32 to index
      %swap3A_415 = arith.constant 112 : index
      %swap3A_416 = tpu.vector_load %arg8[%swap3A_414, %swap3A_415] {strides = array<i32>} : memref<128x128xf32, #tpu.memory_space<vmem>>, vector<1x16xf32>,
      %swap3A_417 = vector.shape_cast %swap3A_416 : vector<1x16xf32> to vector<16xf32>
      %swap3A_418 = vector.shape_cast %get3A_413 : vector<16xf32> to vector<1x16xf32>
      tpu.vector_store %arg8[%swap3A_414, %swap3A_415], %swap3A_418 {add = true, strides = array<i32>} : memref<128x128xf32, #tpu.memory_space<vmem>>, vector<1x16xf32>,
      %mul3A_419 = arith.constant 4 : i32
      %mul3A_420 = arith.muli %scan3A_344, %mul3A_419 : i32
      %add3A_421 = arith.constant 1 : i32
      %add3A_422 = arith.addi %mul3A_420, %add3A_421 : i32
      %get3A_423 = arith.index_cast %add3A_422 : i32 to index
      %get3A_424 = arith.constant 0 : index
      %get3A_425 = tpu.vector_load %arg13[%get3A_423, %get3A_424] {strides = array<i32>} : memref<128x128xf32, #tpu.memory_space<vmem>>, vector<1x16xf32>,
      %get3A_426 = vector.shape_cast %get3A_425 : vector<1x16xf32> to vector<16xf32>
      %swap3A_427 = arith.index_cast %add3A_422 : i32 to index
      %swap3A_428 = arith.constant 0 : index
      %swap3A_429 = tpu.vector_load %arg8[%swap3A_427, %swap3A_428] {strides = array<i32>} : memref<128x128xf32, #tpu.memory_space<vmem>>, vector<1x16xf32>,
      %swap3A_430 = vector.shape_cast %swap3A_429 : vector<1x16xf32> to vector<16xf32>
      %swap3A_431 = vector.shape_cast %get3A_426 : vector<16xf32> to vector<1x16xf32>
      tpu.vector_store %arg8[%swap3A_427, %swap3A_428], %swap3A_431 {add = true, strides = array<i32>} : memref<128x128xf32, #tpu.memory_space<vmem>>, vector<1x16xf32>,
      %get3A_432 = arith.index_cast %add3A_422 : i32 to index
      %get3A_433 = arith.constant 16 : index
      %get3A_434 = tpu.vector_load %arg13[%get3A_432, %get3A_433] {strides = array<i32>} : memref<128x128xf32, #tpu.memory_space<vmem>>, vector<1x16xf32>,
      %get3A_435 = vector.shape_cast %get3A_434 : vector<1x16xf32> to vector<16xf32>
      %swap3A_436 = arith.index_cast %add3A_422 : i32 to index
      %swap3A_437 = arith.constant 16 : index
      %swap3A_438 = tpu.vector_load %arg8[%swap3A_436, %swap3A_437] {strides = array<i32>} : memref<128x128xf32, #tpu.memory_space<vmem>>, vector<1x16xf32>,
      %swap3A_439 = vector.shape_cast %swap3A_438 : vector<1x16xf32> to vector<16xf32>
      %swap3A_440 = vector.shape_cast %get3A_435 : vector<16xf32> to vector<1x16xf32>
      tpu.vector_store %arg8[%swap3A_436, %swap3A_437], %swap3A_440 {add = true, strides = array<i32>} : memref<128x128xf32, #tpu.memory_space<vmem>>, vector<1x16xf32>,
      %get3A_441 = arith.index_cast %add3A_422 : i32 to index
      %get3A_442 = arith.constant 32 : index
      %get3A_443 = tpu.vector_load %arg13[%get3A_441, %get3A_442] {strides = array<i32>} : memref<128x128xf32, #tpu.memory_space<vmem>>, vector<1x16xf32>,
      %get3A_444 = vector.shape_cast %get3A_443 : vector<1x16xf32> to vector<16xf32>
      %swap3A_445 = arith.index_cast %add3A_422 : i32 to index
      %swap3A_446 = arith.constant 32 : index
      %swap3A_447 = tpu.vector_load %arg8[%swap3A_445, %swap3A_446] {strides = array<i32>} : memref<128x128xf32, #tpu.memory_space<vmem>>, vector<1x16xf32>,
      %swap3A_448 = vector.shape_cast %swap3A_447 : vector<1x16xf32> to vector<16xf32>
      %swap3A_449 = vector.shape_cast %get3A_444 : vector<16xf32> to vector<1x16xf32>
      tpu.vector_store %arg8[%swap3A_445, %swap3A_446], %swap3A_449 {add = true, strides = array<i32>} : memref<128x128xf32, #tpu.memory_space<vmem>>, vector<1x16xf32>,
      %get3A_450 = arith.index_cast %add3A_422 : i32 to index
      %get3A_451 = arith.constant 48 : index
      %get3A_452 = tpu.vector_load %arg13[%get3A_450, %get3A_451] {strides = array<i32>} : memref<128x128xf32, #tpu.memory_space<vmem>>, vector<1x16xf32>,
      %get3A_453 = vector.shape_cast %get3A_452 : vector<1x16xf32> to vector<16xf32>
      %swap3A_454 = arith.index_cast %add3A_422 : i32 to index
      %swap3A_455 = arith.constant 48 : index
      %swap3A_456 = tpu.vector_load %arg8[%swap3A_454, %swap3A_455] {strides = array<i32>} : memref<128x128xf32, #tpu.memory_space<vmem>>, vector<1x16xf32>,
      %swap3A_457 = vector.shape_cast %swap3A_456 : vector<1x16xf32> to vector<16xf32>
      %swap3A_458 = vector.shape_cast %get3A_453 : vector<16xf32> to vector<1x16xf32>
      tpu.vector_store %arg8[%swap3A_454, %swap3A_455], %swap3A_458 {add = true, strides = array<i32>} : memref<128x128xf32, #tpu.memory_space<vmem>>, vector<1x16xf32>,
      %get3A_459 = arith.index_cast %add3A_422 : i32 to index
      %get3A_460 = arith.constant 64 : index
      %get3A_461 = tpu.vector_load %arg13[%get3A_459, %get3A_460] {strides = array<i32>} : memref<128x128xf32, #tpu.memory_space<vmem>>, vector<1x16xf32>,
      %get3A_462 = vector.shape_cast %get3A_461 : vector<1x16xf32> to vector<16xf32>
      %swap3A_463 = arith.index_cast %add3A_422 : i32 to index
      %swap3A_464 = arith.constant 64 : index
      %swap3A_465 = tpu.vector_load %arg8[%swap3A_463, %swap3A_464] {strides = array<i32>} : memref<128x128xf32, #tpu.memory_space<vmem>>, vector<1x16xf32>,
      %swap3A_466 = vector.shape_cast %swap3A_465 : vector<1x16xf32> to vector<16xf32>
      %swap3A_467 = vector.shape_cast %get3A_462 : vector<16xf32> to vector<1x16xf32>
      tpu.vector_store %arg8[%swap3A_463, %swap3A_464], %swap3A_467 {add = true, strides = array<i32>} : memref<128x128xf32, #tpu.memory_space<vmem>>, vector<1x16xf32>,
      %get3A_468 = arith.index_cast %add3A_422 : i32 to index
      %get3A_469 = arith.constant 80 : index
      %get3A_470 = tpu.vector_load %arg13[%get3A_468, %get3A_469] {strides = array<i32>} : memref<128x128xf32, #tpu.memory_space<vmem>>, vector<1x16xf32>,
      %get3A_471 = vector.shape_cast %get3A_470 : vector<1x16xf32> to vector<16xf32>
      %swap3A_472 = arith.index_cast %add3A_422 : i32 to index
      %swap3A_473 = arith.constant 80 : index
      %swap3A_474 = tpu.vector_load %arg8[%swap3A_472, %swap3A_473] {strides = array<i32>} : memref<128x128xf32, #tpu.memory_space<vmem>>, vector<1x16xf32>,
      %swap3A_475 = vector.shape_cast %swap3A_474 : vector<1x16xf32> to vector<16xf32>
      %swap3A_476 = vector.shape_cast %get3A_471 : vector<16xf32> to vector<1x16xf32>
      tpu.vector_store %arg8[%swap3A_472, %swap3A_473], %swap3A_476 {add = true, strides = array<i32>} : memref<128x128xf32, #tpu.memory_space<vmem>>, vector<1x16xf32>,
      %get3A_477 = arith.index_cast %add3A_422 : i32 to index
      %get3A_478 = arith.constant 96 : index
      %get3A_479 = tpu.vector_load %arg13[%get3A_477, %get3A_478] {strides = array<i32>} : memref<128x128xf32, #tpu.memory_space<vmem>>, vector<1x16xf32>,
      %get3A_480 = vector.shape_cast %get3A_479 : vector<1x16xf32> to vector<16xf32>
      %swap3A_481 = arith.index_cast %add3A_422 : i32 to index
      %swap3A_482 = arith.constant 96 : index
      %swap3A_483 = tpu.vector_load %arg8[%swap3A_481, %swap3A_482] {strides = array<i32>} : memref<128x128xf32, #tpu.memory_space<vmem>>, vector<1x16xf32>,
      %swap3A_484 = vector.shape_cast %swap3A_483 : vector<1x16xf32> to vector<16xf32>
      %swap3A_485 = vector.shape_cast %get3A_480 : vector<16xf32> to vector<1x16xf32>
      tpu.vector_store %arg8[%swap3A_481, %swap3A_482], %swap3A_485 {add = true, strides = array<i32>} : memref<128x128xf32, #tpu.memory_space<vmem>>, vector<1x16xf32>,
      %get3A_486 = arith.index_cast %add3A_422 : i32 to index
      %get3A_487 = arith.constant 112 : index
      %get3A_488 = tpu.vector_load %arg13[%get3A_486, %get3A_487] {strides = array<i32>} : memref<128x128xf32, #tpu.memory_space<vmem>>, vector<1x16xf32>,
      %get3A_489 = vector.shape_cast %get3A_488 : vector<1x16xf32> to vector<16xf32>
      %swap3A_490 = arith.index_cast %add3A_422 : i32 to index
      %swap3A_491 = arith.constant 112 : index
      %swap3A_492 = tpu.vector_load %arg8[%swap3A_490, %swap3A_491] {strides = array<i32>} : memref<128x128xf32, #tpu.memory_space<vmem>>, vector<1x16xf32>,
      %swap3A_493 = vector.shape_cast %swap3A_492 : vector<1x16xf32> to vector<16xf32>
      %swap3A_494 = vector.shape_cast %get3A_489 : vector<16xf32> to vector<1x16xf32>
      tpu.vector_store %arg8[%swap3A_490, %swap3A_491], %swap3A_494 {add = true, strides = array<i32>} : memref<128x128xf32, #tpu.memory_space<vmem>>, vector<1x16xf32>,
      %mul3A_495 = arith.constant 4 : i32
      %mul3A_496 = arith.muli %scan3A_344, %mul3A_495 : i32
      %add3A_497 = arith.constant 2 : i32
      %add3A_498 = arith.addi %mul3A_496, %add3A_497 : i32
      %get3A_499 = arith.index_cast %add3A_498 : i32 to index
      %get3A_500 = arith.constant 0 : index
      %get3A_501 = tpu.vector_load %arg13[%get3A_499, %get3A_500] {strides = array<i32>} : memref<128x128xf32, #tpu.memory_space<vmem>>, vector<1x16xf32>,
      %get3A_502 = vector.shape_cast %get3A_501 : vector<1x16xf32> to vector<16xf32>
      %swap3A_503 = arith.index_cast %add3A_498 : i32 to index
      %swap3A_504 = arith.constant 0 : index
      %swap3A_505 = tpu.vector_load %arg8[%swap3A_503, %swap3A_504] {strides = array<i32>} : memref<128x128xf32, #tpu.memory_space<vmem>>, vector<1x16xf32>,
      %swap3A_506 = vector.shape_cast %swap3A_505 : vector<1x16xf32> to vector<16xf32>
      %swap3A_507 = vector.shape_cast %get3A_502 : vector<16xf32> to vector<1x16xf32>
      tpu.vector_store %arg8[%swap3A_503, %swap3A_504], %swap3A_507 {add = true, strides = array<i32>} : memref<128x128xf32, #tpu.memory_space<vmem>>, vector<1x16xf32>,
      %get3A_508 = arith.index_cast %add3A_498 : i32 to index
      %get3A_509 = arith.constant 16 : index
      %get3A_510 = tpu.vector_load %arg13[%get3A_508, %get3A_509] {strides = array<i32>} : memref<128x128xf32, #tpu.memory_space<vmem>>, vector<1x16xf32>,
      %get3A_511 = vector.shape_cast %get3A_510 : vector<1x16xf32> to vector<16xf32>
      %swap3A_512 = arith.index_cast %add3A_498 : i32 to index
      %swap3A_513 = arith.constant 16 : index
      %swap3A_514 = tpu.vector_load %arg8[%swap3A_512, %swap3A_513] {strides = array<i32>} : memref<128x128xf32, #tpu.memory_space<vmem>>, vector<1x16xf32>,
      %swap3A_515 = vector.shape_cast %swap3A_514 : vector<1x16xf32> to vector<16xf32>
      %swap3A_516 = vector.shape_cast %get3A_511 : vector<16xf32> to vector<1x16xf32>
      tpu.vector_store %arg8[%swap3A_512, %swap3A_513], %swap3A_516 {add = true, strides = array<i32>} : memref<128x128xf32, #tpu.memory_space<vmem>>, vector<1x16xf32>,
      %get3A_517 = arith.index_cast %add3A_498 : i32 to index
      %get3A_518 = arith.constant 32 : index
      %get3A_519 = tpu.vector_load %arg13[%get3A_517, %get3A_518] {strides = array<i32>} : memref<128x128xf32, #tpu.memory_space<vmem>>, vector<1x16xf32>,
      %get3A_520 = vector.shape_cast %get3A_519 : vector<1x16xf32> to vector<16xf32>
      %swap3A_521 = arith.index_cast %add3A_498 : i32 to index
      %swap3A_522 = arith.constant 32 : index
      %swap3A_523 = tpu.vector_load %arg8[%swap3A_521, %swap3A_522] {strides = array<i32>} : memref<128x128xf32, #tpu.memory_space<vmem>>, vector<1x16xf32>,
      %swap3A_524 = vector.shape_cast %swap3A_523 : vector<1x16xf32> to vector<16xf32>
      %swap3A_525 = vector.shape_cast %get3A_520 : vector<16xf32> to vector<1x16xf32>
      tpu.vector_store %arg8[%swap3A_521, %swap3A_522], %swap3A_525 {add = true, strides = array<i32>} : memref<128x128xf32, #tpu.memory_space<vmem>>, vector<1x16xf32>,
      %get3A_526 = arith.index_cast %add3A_498 : i32 to index
      %get3A_527 = arith.constant 48 : index
      %get3A_528 = tpu.vector_load %arg13[%get3A_526, %get3A_527] {strides = array<i32>} : memref<128x128xf32, #tpu.memory_space<vmem>>, vector<1x16xf32>,
      %get3A_529 = vector.shape_cast %get3A_528 : vector<1x16xf32> to vector<16xf32>
      %swap3A_530 = arith.index_cast %add3A_498 : i32 to index
      %swap3A_531 = arith.constant 48 : index
      %swap3A_532 = tpu.vector_load %arg8[%swap3A_530, %swap3A_531] {strides = array<i32>} : memref<128x128xf32, #tpu.memory_space<vmem>>, vector<1x16xf32>,
      %swap3A_533 = vector.shape_cast %swap3A_532 : vector<1x16xf32> to vector<16xf32>
      %swap3A_534 = vector.shape_cast %get3A_529 : vector<16xf32> to vector<1x16xf32>
      tpu.vector_store %arg8[%swap3A_530, %swap3A_531], %swap3A_534 {add = true, strides = array<i32>} : memref<128x128xf32, #tpu.memory_space<vmem>>, vector<1x16xf32>,
      %get3A_535 = arith.index_cast %add3A_498 : i32 to index
      %get3A_536 = arith.constant 64 : index
      %get3A_537 = tpu.vector_load %arg13[%get3A_535, %get3A_536] {strides = array<i32>} : memref<128x128xf32, #tpu.memory_space<vmem>>, vector<1x16xf32>,
      %get3A_538 = vector.shape_cast %get3A_537 : vector<1x16xf32> to vector<16xf32>
      %swap3A_539 = arith.index_cast %add3A_498 : i32 to index
      %swap3A_540 = arith.constant 64 : index
      %swap3A_541 = tpu.vector_load %arg8[%swap3A_539, %swap3A_540] {strides = array<i32>} : memref<128x128xf32, #tpu.memory_space<vmem>>, vector<1x16xf32>,
      %swap3A_542 = vector.shape_cast %swap3A_541 : vector<1x16xf32> to vector<16xf32>
      %swap3A_543 = vector.shape_cast %get3A_538 : vector<16xf32> to vector<1x16xf32>
      tpu.vector_store %arg8[%swap3A_539, %swap3A_540], %swap3A_543 {add = true, strides = array<i32>} : memref<128x128xf32, #tpu.memory_space<vmem>>, vector<1x16xf32>,
      %get3A_544 = arith.index_cast %add3A_498 : i32 to index
      %get3A_545 = arith.constant 80 : index
      %get3A_546 = tpu.vector_load %arg13[%get3A_544, %get3A_545] {strides = array<i32>} : memref<128x128xf32, #tpu.memory_space<vmem>>, vector<1x16xf32>,
      %get3A_547 = vector.shape_cast %get3A_546 : vector<1x16xf32> to vector<16xf32>
      %swap3A_548 = arith.index_cast %add3A_498 : i32 to index
      %swap3A_549 = arith.constant 80 : index
      %swap3A_550 = tpu.vector_load %arg8[%swap3A_548, %swap3A_549] {strides = array<i32>} : memref<128x128xf32, #tpu.memory_space<vmem>>, vector<1x16xf32>,
      %swap3A_551 = vector.shape_cast %swap3A_550 : vector<1x16xf32> to vector<16xf32>
      %swap3A_552 = vector.shape_cast %get3A_547 : vector<16xf32> to vector<1x16xf32>
      tpu.vector_store %arg8[%swap3A_548, %swap3A_549], %swap3A_552 {add = true, strides = array<i32>} : memref<128x128xf32, #tpu.memory_space<vmem>>, vector<1x16xf32>,
      %get3A_553 = arith.index_cast %add3A_498 : i32 to index
      %get3A_554 = arith.constant 96 : index
      %get3A_555 = tpu.vector_load %arg13[%get3A_553, %get3A_554] {strides = array<i32>} : memref<128x128xf32, #tpu.memory_space<vmem>>, vector<1x16xf32>,
      %get3A_556 = vector.shape_cast %get3A_555 : vector<1x16xf32> to vector<16xf32>
      %swap3A_557 = arith.index_cast %add3A_498 : i32 to index
      %swap3A_558 = arith.constant 96 : index
      %swap3A_559 = tpu.vector_load %arg8[%swap3A_557, %swap3A_558] {strides = array<i32>} : memref<128x128xf32, #tpu.memory_space<vmem>>, vector<1x16xf32>,
      %swap3A_560 = vector.shape_cast %swap3A_559 : vector<1x16xf32> to vector<16xf32>
      %swap3A_561 = vector.shape_cast %get3A_556 : vector<16xf32> to vector<1x16xf32>
      tpu.vector_store %arg8[%swap3A_557, %swap3A_558], %swap3A_561 {add = true, strides = array<i32>} : memref<128x128xf32, #tpu.memory_space<vmem>>, vector<1x16xf32>,
      %get3A_562 = arith.index_cast %add3A_498 : i32 to index
      %get3A_563 = arith.constant 112 : index
      %get3A_564 = tpu.vector_load %arg13[%get3A_562, %get3A_563] {strides = array<i32>} : memref<128x128xf32, #tpu.memory_space<vmem>>, vector<1x16xf32>,
      %get3A_565 = vector.shape_cast %get3A_564 : vector<1x16xf32> to vector<16xf32>
      %swap3A_566 = arith.index_cast %add3A_498 : i32 to index
      %swap3A_567 = arith.constant 112 : index
      %swap3A_568 = tpu.vector_load %arg8[%swap3A_566, %swap3A_567] {strides = array<i32>} : memref<128x128xf32, #tpu.memory_space<vmem>>, vector<1x16xf32>,
      %swap3A_569 = vector.shape_cast %swap3A_568 : vector<1x16xf32> to vector<16xf32>
      %swap3A_570 = vector.shape_cast %get3A_565 : vector<16xf32> to vector<1x16xf32>
      tpu.vector_store %arg8[%swap3A_566, %swap3A_567], %swap3A_570 {add = true, strides = array<i32>} : memref<128x128xf32, #tpu.memory_space<vmem>>, vector<1x16xf32>,
      %mul3A_571 = arith.constant 4 : i32
      %mul3A_572 = arith.muli %scan3A_344, %mul3A_571 : i32
      %add3A_573 = arith.constant 3 : i32
      %add3A_574 = arith.addi %mul3A_572, %add3A_573 : i32
      %get3A_575 = arith.index_cast %add3A_574 : i32 to index
      %get3A_576 = arith.constant 0 : index
      %get3A_577 = tpu.vector_load %arg13[%get3A_575, %get3A_576] {strides = array<i32>} : memref<128x128xf32, #tpu.memory_space<vmem>>, vector<1x16xf32>,
      %get3A_578 = vector.shape_cast %get3A_577 : vector<1x16xf32> to vector<16xf32>
      %swap3A_579 = arith.index_cast %add3A_574 : i32 to index
      %swap3A_580 = arith.constant 0 : index
      %swap3A_581 = tpu.vector_load %arg8[%swap3A_579, %swap3A_580] {strides = array<i32>} : memref<128x128xf32, #tpu.memory_space<vmem>>, vector<1x16xf32>,
      %swap3A_582 = vector.shape_cast %swap3A_581 : vector<1x16xf32> to vector<16xf32>
      %swap3A_583 = vector.shape_cast %get3A_578 : vector<16xf32> to vector<1x16xf32>
      tpu.vector_store %arg8[%swap3A_579, %swap3A_580], %swap3A_583 {add = true, strides = array<i32>} : memref<128x128xf32, #tpu.memory_space<vmem>>, vector<1x16xf32>,
      %get3A_584 = arith.index_cast %add3A_574 : i32 to index
      %get3A_585 = arith.constant 16 : index
      %get3A_586 = tpu.vector_load %arg13[%get3A_584, %get3A_585] {strides = array<i32>} : memref<128x128xf32, #tpu.memory_space<vmem>>, vector<1x16xf32>,
      %get3A_587 = vector.shape_cast %get3A_586 : vector<1x16xf32> to vector<16xf32>
      %swap3A_588 = arith.index_cast %add3A_574 : i32 to index
      %swap3A_589 = arith.constant 16 : index
      %swap3A_590 = tpu.vector_load %arg8[%swap3A_588, %swap3A_589] {strides = array<i32>} : memref<128x128xf32, #tpu.memory_space<vmem>>, vector<1x16xf32>,
      %swap3A_591 = vector.shape_cast %swap3A_590 : vector<1x16xf32> to vector<16xf32>
      %swap3A_592 = vector.shape_cast %get3A_587 : vector<16xf32> to vector<1x16xf32>
      tpu.vector_store %arg8[%swap3A_588, %swap3A_589], %swap3A_592 {add = true, strides = array<i32>} : memref<128x128xf32, #tpu.memory_space<vmem>>, vector<1x16xf32>,
      %get3A_593 = arith.index_cast %add3A_574 : i32 to index
      %get3A_594 = arith.constant 32 : index
      %get3A_595 = tpu.vector_load %arg13[%get3A_593, %get3A_594] {strides = array<i32>} : memref<128x128xf32, #tpu.memory_space<vmem>>, vector<1x16xf32>,
      %get3A_596 = vector.shape_cast %get3A_595 : vector<1x16xf32> to vector<16xf32>
      %swap3A_597 = arith.index_cast %add3A_574 : i32 to index
      %swap3A_598 = arith.constant 32 : index
      %swap3A_599 = tpu.vector_load %arg8[%swap3A_597, %swap3A_598] {strides = array<i32>} : memref<128x128xf32, #tpu.memory_space<vmem>>, vector<1x16xf32>,
      %swap3A_600 = vector.shape_cast %swap3A_599 : vector<1x16xf32> to vector<16xf32>
      %swap3A_601 = vector.shape_cast %get3A_596 : vector<16xf32> to vector<1x16xf32>
      tpu.vector_store %arg8[%swap3A_597, %swap3A_598], %swap3A_601 {add = true, strides = array<i32>} : memref<128x128xf32, #tpu.memory_space<vmem>>, vector<1x16xf32>,
      %get3A_602 = arith.index_cast %add3A_574 : i32 to index
      %get3A_603 = arith.constant 48 : index
      %get3A_604 = tpu.vector_load %arg13[%get3A_602, %get3A_603] {strides = array<i32>} : memref<128x128xf32, #tpu.memory_space<vmem>>, vector<1x16xf32>,
      %get3A_605 = vector.shape_cast %get3A_604 : vector<1x16xf32> to vector<16xf32>
      %swap3A_606 = arith.index_cast %add3A_574 : i32 to index
      %swap3A_607 = arith.constant 48 : index
      %swap3A_608 = tpu.vector_load %arg8[%swap3A_606, %swap3A_607] {strides = array<i32>} : memref<128x128xf32, #tpu.memory_space<vmem>>, vector<1x16xf32>,
      %swap3A_609 = vector.shape_cast %swap3A_608 : vector<1x16xf32> to vector<16xf32>
      %swap3A_610 = vector.shape_cast %get3A_605 : vector<16xf32> to vector<1x16xf32>
      tpu.vector_store %arg8[%swap3A_606, %swap3A_607], %swap3A_610 {add = true, strides = array<i32>} : memref<128x128xf32, #tpu.memory_space<vmem>>, vector<1x16xf32>,
      %get3A_611 = arith.index_cast %add3A_574 : i32 to index
      %get3A_612 = arith.constant 64 : index
      %get3A_613 = tpu.vector_load %arg13[%get3A_611, %get3A_612] {strides = array<i32>} : memref<128x128xf32, #tpu.memory_space<vmem>>, vector<1x16xf32>,
      %get3A_614 = vector.shape_cast %get3A_613 : vector<1x16xf32> to vector<16xf32>
      %swap3A_615 = arith.index_cast %add3A_574 : i32 to index
      %swap3A_616 = arith.constant 64 : index
      %swap3A_617 = tpu.vector_load %arg8[%swap3A_615, %swap3A_616] {strides = array<i32>} : memref<128x128xf32, #tpu.memory_space<vmem>>, vector<1x16xf32>,
      %swap3A_618 = vector.shape_cast %swap3A_617 : vector<1x16xf32> to vector<16xf32>
      %swap3A_619 = vector.shape_cast %get3A_614 : vector<16xf32> to vector<1x16xf32>
      tpu.vector_store %arg8[%swap3A_615, %swap3A_616], %swap3A_619 {add = true, strides = array<i32>} : memref<128x128xf32, #tpu.memory_space<vmem>>, vector<1x16xf32>,
      %get3A_620 = arith.index_cast %add3A_574 : i32 to index
      %get3A_621 = arith.constant 80 : index
      %get3A_622 = tpu.vector_load %arg13[%get3A_620, %get3A_621] {strides = array<i32>} : memref<128x128xf32, #tpu.memory_space<vmem>>, vector<1x16xf32>,
      %get3A_623 = vector.shape_cast %get3A_622 : vector<1x16xf32> to vector<16xf32>
      %swap3A_624 = arith.index_cast %add3A_574 : i32 to index
      %swap3A_625 = arith.constant 80 : index
      %swap3A_626 = tpu.vector_load %arg8[%swap3A_624, %swap3A_625] {strides = array<i32>} : memref<128x128xf32, #tpu.memory_space<vmem>>, vector<1x16xf32>,
      %swap3A_627 = vector.shape_cast %swap3A_626 : vector<1x16xf32> to vector<16xf32>
      %swap3A_628 = vector.shape_cast %get3A_623 : vector<16xf32> to vector<1x16xf32>
      tpu.vector_store %arg8[%swap3A_624, %swap3A_625], %swap3A_628 {add = true, strides = array<i32>} : memref<128x128xf32, #tpu.memory_space<vmem>>, vector<1x16xf32>,
      %get3A_629 = arith.index_cast %add3A_574 : i32 to index
      %get3A_630 = arith.constant 96 : index
      %get3A_631 = tpu.vector_load %arg13[%get3A_629, %get3A_630] {strides = array<i32>} : memref<128x128xf32, #tpu.memory_space<vmem>>, vector<1x16xf32>,
      %get3A_632 = vector.shape_cast %get3A_631 : vector<1x16xf32> to vector<16xf32>
      %swap3A_633 = arith.index_cast %add3A_574 : i32 to index
      %swap3A_634 = arith.constant 96 : index
      %swap3A_635 = tpu.vector_load %arg8[%swap3A_633, %swap3A_634] {strides = array<i32>} : memref<128x128xf32, #tpu.memory_space<vmem>>, vector<1x16xf32>,
      %swap3A_636 = vector.shape_cast %swap3A_635 : vector<1x16xf32> to vector<16xf32>
      %swap3A_637 = vector.shape_cast %get3A_632 : vector<16xf32> to vector<1x16xf32>
      tpu.vector_store %arg8[%swap3A_633, %swap3A_634], %swap3A_637 {add = true, strides = array<i32>} : memref<128x128xf32, #tpu.memory_space<vmem>>, vector<1x16xf32>,
      %get3A_638 = arith.index_cast %add3A_574 : i32 to index
      %get3A_639 = arith.constant 112 : index
      %get3A_640 = tpu.vector_load %arg13[%get3A_638, %get3A_639] {strides = array<i32>} : memref<128x128xf32, #tpu.memory_space<vmem>>, vector<1x16xf32>,
      %get3A_641 = vector.shape_cast %get3A_640 : vector<1x16xf32> to vector<16xf32>
      %swap3A_642 = arith.index_cast %add3A_574 : i32 to index
      %swap3A_643 = arith.constant 112 : index
      %swap3A_644 = tpu.vector_load %arg8[%swap3A_642, %swap3A_643] {strides = array<i32>} : memref<128x128xf32, #tpu.memory_space<vmem>>, vector<1x16xf32>,
      %swap3A_645 = vector.shape_cast %swap3A_644 : vector<1x16xf32> to vector<16xf32>
      %swap3A_646 = vector.shape_cast %get3A_641 : vector<16xf32> to vector<1x16xf32>
      tpu.vector_store %arg8[%swap3A_642, %swap3A_643], %swap3A_646 {add = true, strides = array<i32>} : memref<128x128xf32, #tpu.memory_space<vmem>>, vector<1x16xf32>,
    }
    %scan3A_271 = arith.constant 32 : i32
    %add3A_272 = arith.constant 640 : i32
    %add3A_273 = arith.addi %mul3A_4, %add3A_272 : i32
    %dma_start3A_274 = arith.constant 0 : i32
    %dma_start3A_275 = tpu.memref_slice %arg5[%add3A_273, %dma_start3A_274] : memref<32768x128xf32, #tpu.memory_space<hbm>> -> memref<128x128xf32, #tpu.memory_space<hbm>>
    %dma_start3A_276 = arith.constant 0 : i32
    %dma_start3A_277 = tpu.memref_slice %arg5[%add3A_273, %dma_start3A_276] : memref<32768x128xf32, #tpu.memory_space<hbm>> -> memref<128x128xf32, #tpu.memory_space<hbm>>
    tpu.enqueue_dma source(%arg8 : memref<128x128xf32, #tpu.memory_space<vmem>>) target(%dma_start3A_277 : memref<128x128xf32, #tpu.memory_space<hbm>>) target_semaphore(%arg20 : memref<!tpu.dma_semaphore, #tpu.memory_space<semaphore_mem>>)
    %dma_wait3A_278 = arith.constant 1 : i32
    %dma_wait3A_279 = arith.constant 256 : i32
    %dma_wait3A_280 = tpu.memref_slice %arg6[%dma_wait3A_278, %dma_wait3A_279] : memref<2x512xi32, #tpu.memory_space<vmem>> -> memref<1x128xi32, #tpu.memory_space<vmem>>
    %dma_wait3A_281 = tpu.memref_squeeze %dma_wait3A_280 : memref<1x128xi32, #tpu.memory_space<vmem>> -> memref<128xi32, #tpu.memory_space<vmem>>
    %dma_wait3A_282 = arith.constant 0 : i32
    %dma_wait3A_283 = arith.constant 0 : i32
    %dma_wait3A_284 = tpu.memref_slice %arg3[%dma_wait3A_282, %dma_wait3A_283] : memref<100000x128xf32, #tpu.memory_space<hbm>> -> memref<100000x128xf32, #tpu.memory_space<hbm>>
    tpu.wait_indirect_dma semaphore(%arg17 : memref<!tpu.dma_semaphore, #tpu.memory_space<semaphore_mem>>) src(%dma_wait3A_284 : memref<100000x128xf32, #tpu.memory_space<hbm>>) dst(%arg9 : memref<128x128xf32, #tpu.memory_space<vmem>>)
    %dma_wait3A_285 = arith.constant 256 : i32
    %dma_wait3A_286 = arith.constant 0 : i32
    %dma_wait3A_287 = tpu.memref_slice %arg14[%dma_wait3A_285, %dma_wait3A_286] : memref<512x128xf32, #tpu.memory_space<vmem_shared>> -> memref<128x128xf32, #tpu.memory_space<vmem_shared>>
    %dma_wait3A_288 = arith.constant 256 : i32
    %dma_wait3A_289 = arith.constant 0 : i32
    %dma_wait3A_290 = tpu.memref_slice %arg14[%dma_wait3A_288, %dma_wait3A_289] : memref<512x128xf32, #tpu.memory_space<vmem_shared>> -> memref<128x128xf32, #tpu.memory_space<vmem_shared>>
    tpu.wait_dma2 semaphore(%arg23 : memref<!tpu.dma_semaphore, #tpu.memory_space<semaphore_mem>>) src(%dma_wait3A_290 : memref<128x128xf32, #tpu.memory_space<vmem_shared>>) dst(%arg11 : memref<128x128xf32, #tpu.memory_space<vmem>>)
    %scan3A_291 = arith.constant 0 : i32
    %scan3A_292 = arith.constant 0 : i32
    %scan3A_293 = arith.constant 32 : i32
    %scan3A_294 = arith.addi %scan3A_292, %scan3A_293 : i32
    %scan3A_295 = arith.constant 1 : i32
    scf.for %scan3A_344 = %scan3A_292 to %scan3A_294 step %scan3A_295  : i32 {
      %mul3A_345 = arith.constant 4 : i32
      %mul3A_346 = arith.muli %scan3A_344, %mul3A_345 : i32
      %add3A_347 = arith.constant 0 : i32
      %add3A_348 = arith.addi %mul3A_346, %add3A_347 : i32
      %get3A = arith.index_cast %add3A_348 : i32 to index
      %get3A_349 = arith.constant 0 : index
      %get3A_350 = tpu.vector_load %arg11[%get3A, %get3A_349] {strides = array<i32>} : memref<128x128xf32, #tpu.memory_space<vmem>>, vector<1x16xf32>,
      %get3A_351 = vector.shape_cast %get3A_350 : vector<1x16xf32> to vector<16xf32>
      %swap3A = arith.index_cast %add3A_348 : i32 to index
      %swap3A_352 = arith.constant 0 : index
      %swap3A_353 = tpu.vector_load %arg9[%swap3A, %swap3A_352] {strides = array<i32>} : memref<128x128xf32, #tpu.memory_space<vmem>>, vector<1x16xf32>,
      %swap3A_354 = vector.shape_cast %swap3A_353 : vector<1x16xf32> to vector<16xf32>
      %swap3A_355 = vector.shape_cast %get3A_351 : vector<16xf32> to vector<1x16xf32>
      tpu.vector_store %arg9[%swap3A, %swap3A_352], %swap3A_355 {add = true, strides = array<i32>} : memref<128x128xf32, #tpu.memory_space<vmem>>, vector<1x16xf32>,
      %get3A_356 = arith.index_cast %add3A_348 : i32 to index
      %get3A_357 = arith.constant 16 : index
      %get3A_358 = tpu.vector_load %arg11[%get3A_356, %get3A_357] {strides = array<i32>} : memref<128x128xf32, #tpu.memory_space<vmem>>, vector<1x16xf32>,
      %get3A_359 = vector.shape_cast %get3A_358 : vector<1x16xf32> to vector<16xf32>
      %swap3A_360 = arith.index_cast %add3A_348 : i32 to index
      %swap3A_361 = arith.constant 16 : index
      %swap3A_362 = tpu.vector_load %arg9[%swap3A_360, %swap3A_361] {strides = array<i32>} : memref<128x128xf32, #tpu.memory_space<vmem>>, vector<1x16xf32>,
      %swap3A_363 = vector.shape_cast %swap3A_362 : vector<1x16xf32> to vector<16xf32>
      %swap3A_364 = vector.shape_cast %get3A_359 : vector<16xf32> to vector<1x16xf32>
      tpu.vector_store %arg9[%swap3A_360, %swap3A_361], %swap3A_364 {add = true, strides = array<i32>} : memref<128x128xf32, #tpu.memory_space<vmem>>, vector<1x16xf32>,
      %get3A_365 = arith.index_cast %add3A_348 : i32 to index
      %get3A_366 = arith.constant 32 : index
      %get3A_367 = tpu.vector_load %arg11[%get3A_365, %get3A_366] {strides = array<i32>} : memref<128x128xf32, #tpu.memory_space<vmem>>, vector<1x16xf32>,
      %get3A_368 = vector.shape_cast %get3A_367 : vector<1x16xf32> to vector<16xf32>
      %swap3A_369 = arith.index_cast %add3A_348 : i32 to index
      %swap3A_370 = arith.constant 32 : index
      %swap3A_371 = tpu.vector_load %arg9[%swap3A_369, %swap3A_370] {strides = array<i32>} : memref<128x128xf32, #tpu.memory_space<vmem>>, vector<1x16xf32>,
      %swap3A_372 = vector.shape_cast %swap3A_371 : vector<1x16xf32> to vector<16xf32>
      %swap3A_373 = vector.shape_cast %get3A_368 : vector<16xf32> to vector<1x16xf32>
      tpu.vector_store %arg9[%swap3A_369, %swap3A_370], %swap3A_373 {add = true, strides = array<i32>} : memref<128x128xf32, #tpu.memory_space<vmem>>, vector<1x16xf32>,
      %get3A_374 = arith.index_cast %add3A_348 : i32 to index
      %get3A_375 = arith.constant 48 : index
      %get3A_376 = tpu.vector_load %arg11[%get3A_374, %get3A_375] {strides = array<i32>} : memref<128x128xf32, #tpu.memory_space<vmem>>, vector<1x16xf32>,
      %get3A_377 = vector.shape_cast %get3A_376 : vector<1x16xf32> to vector<16xf32>
      %swap3A_378 = arith.index_cast %add3A_348 : i32 to index
      %swap3A_379 = arith.constant 48 : index
      %swap3A_380 = tpu.vector_load %arg9[%swap3A_378, %swap3A_379] {strides = array<i32>} : memref<128x128xf32, #tpu.memory_space<vmem>>, vector<1x16xf32>,
      %swap3A_381 = vector.shape_cast %swap3A_380 : vector<1x16xf32> to vector<16xf32>
      %swap3A_382 = vector.shape_cast %get3A_377 : vector<16xf32> to vector<1x16xf32>
      tpu.vector_store %arg9[%swap3A_378, %swap3A_379], %swap3A_382 {add = true, strides = array<i32>} : memref<128x128xf32, #tpu.memory_space<vmem>>, vector<1x16xf32>,
      %get3A_383 = arith.index_cast %add3A_348 : i32 to index
      %get3A_384 = arith.constant 64 : index
      %get3A_385 = tpu.vector_load %arg11[%get3A_383, %get3A_384] {strides = array<i32>} : memref<128x128xf32, #tpu.memory_space<vmem>>, vector<1x16xf32>,
      %get3A_386 = vector.shape_cast %get3A_385 : vector<1x16xf32> to vector<16xf32>
      %swap3A_387 = arith.index_cast %add3A_348 : i32 to index
      %swap3A_388 = arith.constant 64 : index
      %swap3A_389 = tpu.vector_load %arg9[%swap3A_387, %swap3A_388] {strides = array<i32>} : memref<128x128xf32, #tpu.memory_space<vmem>>, vector<1x16xf32>,
      %swap3A_390 = vector.shape_cast %swap3A_389 : vector<1x16xf32> to vector<16xf32>
      %swap3A_391 = vector.shape_cast %get3A_386 : vector<16xf32> to vector<1x16xf32>
      tpu.vector_store %arg9[%swap3A_387, %swap3A_388], %swap3A_391 {add = true, strides = array<i32>} : memref<128x128xf32, #tpu.memory_space<vmem>>, vector<1x16xf32>,
      %get3A_392 = arith.index_cast %add3A_348 : i32 to index
      %get3A_393 = arith.constant 80 : index
      %get3A_394 = tpu.vector_load %arg11[%get3A_392, %get3A_393] {strides = array<i32>} : memref<128x128xf32, #tpu.memory_space<vmem>>, vector<1x16xf32>,
      %get3A_395 = vector.shape_cast %get3A_394 : vector<1x16xf32> to vector<16xf32>
      %swap3A_396 = arith.index_cast %add3A_348 : i32 to index
      %swap3A_397 = arith.constant 80 : index
      %swap3A_398 = tpu.vector_load %arg9[%swap3A_396, %swap3A_397] {strides = array<i32>} : memref<128x128xf32, #tpu.memory_space<vmem>>, vector<1x16xf32>,
      %swap3A_399 = vector.shape_cast %swap3A_398 : vector<1x16xf32> to vector<16xf32>
      %swap3A_400 = vector.shape_cast %get3A_395 : vector<16xf32> to vector<1x16xf32>
      tpu.vector_store %arg9[%swap3A_396, %swap3A_397], %swap3A_400 {add = true, strides = array<i32>} : memref<128x128xf32, #tpu.memory_space<vmem>>, vector<1x16xf32>,
      %get3A_401 = arith.index_cast %add3A_348 : i32 to index
      %get3A_402 = arith.constant 96 : index
      %get3A_403 = tpu.vector_load %arg11[%get3A_401, %get3A_402] {strides = array<i32>} : memref<128x128xf32, #tpu.memory_space<vmem>>, vector<1x16xf32>,
      %get3A_404 = vector.shape_cast %get3A_403 : vector<1x16xf32> to vector<16xf32>
      %swap3A_405 = arith.index_cast %add3A_348 : i32 to index
      %swap3A_406 = arith.constant 96 : index
      %swap3A_407 = tpu.vector_load %arg9[%swap3A_405, %swap3A_406] {strides = array<i32>} : memref<128x128xf32, #tpu.memory_space<vmem>>, vector<1x16xf32>,
      %swap3A_408 = vector.shape_cast %swap3A_407 : vector<1x16xf32> to vector<16xf32>
      %swap3A_409 = vector.shape_cast %get3A_404 : vector<16xf32> to vector<1x16xf32>
      tpu.vector_store %arg9[%swap3A_405, %swap3A_406], %swap3A_409 {add = true, strides = array<i32>} : memref<128x128xf32, #tpu.memory_space<vmem>>, vector<1x16xf32>,
      %get3A_410 = arith.index_cast %add3A_348 : i32 to index
      %get3A_411 = arith.constant 112 : index
      %get3A_412 = tpu.vector_load %arg11[%get3A_410, %get3A_411] {strides = array<i32>} : memref<128x128xf32, #tpu.memory_space<vmem>>, vector<1x16xf32>,
      %get3A_413 = vector.shape_cast %get3A_412 : vector<1x16xf32> to vector<16xf32>
      %swap3A_414 = arith.index_cast %add3A_348 : i32 to index
      %swap3A_415 = arith.constant 112 : index
      %swap3A_416 = tpu.vector_load %arg9[%swap3A_414, %swap3A_415] {strides = array<i32>} : memref<128x128xf32, #tpu.memory_space<vmem>>, vector<1x16xf32>,
      %swap3A_417 = vector.shape_cast %swap3A_416 : vector<1x16xf32> to vector<16xf32>
      %swap3A_418 = vector.shape_cast %get3A_413 : vector<16xf32> to vector<1x16xf32>
      tpu.vector_store %arg9[%swap3A_414, %swap3A_415], %swap3A_418 {add = true, strides = array<i32>} : memref<128x128xf32, #tpu.memory_space<vmem>>, vector<1x16xf32>,
      %mul3A_419 = arith.constant 4 : i32
      %mul3A_420 = arith.muli %scan3A_344, %mul3A_419 : i32
      %add3A_421 = arith.constant 1 : i32
      %add3A_422 = arith.addi %mul3A_420, %add3A_421 : i32
      %get3A_423 = arith.index_cast %add3A_422 : i32 to index
      %get3A_424 = arith.constant 0 : index
      %get3A_425 = tpu.vector_load %arg11[%get3A_423, %get3A_424] {strides = array<i32>} : memref<128x128xf32, #tpu.memory_space<vmem>>, vector<1x16xf32>,
      %get3A_426 = vector.shape_cast %get3A_425 : vector<1x16xf32> to vector<16xf32>
      %swap3A_427 = arith.index_cast %add3A_422 : i32 to index
      %swap3A_428 = arith.constant 0 : index
      %swap3A_429 = tpu.vector_load %arg9[%swap3A_427, %swap3A_428] {strides = array<i32>} : memref<128x128xf32, #tpu.memory_space<vmem>>, vector<1x16xf32>,
      %swap3A_430 = vector.shape_cast %swap3A_429 : vector<1x16xf32> to vector<16xf32>
      %swap3A_431 = vector.shape_cast %get3A_426 : vector<16xf32> to vector<1x16xf32>
      tpu.vector_store %arg9[%swap3A_427, %swap3A_428], %swap3A_431 {add = true, strides = array<i32>} : memref<128x128xf32, #tpu.memory_space<vmem>>, vector<1x16xf32>,
      %get3A_432 = arith.index_cast %add3A_422 : i32 to index
      %get3A_433 = arith.constant 16 : index
      %get3A_434 = tpu.vector_load %arg11[%get3A_432, %get3A_433] {strides = array<i32>} : memref<128x128xf32, #tpu.memory_space<vmem>>, vector<1x16xf32>,
      %get3A_435 = vector.shape_cast %get3A_434 : vector<1x16xf32> to vector<16xf32>
      %swap3A_436 = arith.index_cast %add3A_422 : i32 to index
      %swap3A_437 = arith.constant 16 : index
      %swap3A_438 = tpu.vector_load %arg9[%swap3A_436, %swap3A_437] {strides = array<i32>} : memref<128x128xf32, #tpu.memory_space<vmem>>, vector<1x16xf32>,
      %swap3A_439 = vector.shape_cast %swap3A_438 : vector<1x16xf32> to vector<16xf32>
      %swap3A_440 = vector.shape_cast %get3A_435 : vector<16xf32> to vector<1x16xf32>
      tpu.vector_store %arg9[%swap3A_436, %swap3A_437], %swap3A_440 {add = true, strides = array<i32>} : memref<128x128xf32, #tpu.memory_space<vmem>>, vector<1x16xf32>,
      %get3A_441 = arith.index_cast %add3A_422 : i32 to index
      %get3A_442 = arith.constant 32 : index
      %get3A_443 = tpu.vector_load %arg11[%get3A_441, %get3A_442] {strides = array<i32>} : memref<128x128xf32, #tpu.memory_space<vmem>>, vector<1x16xf32>,
      %get3A_444 = vector.shape_cast %get3A_443 : vector<1x16xf32> to vector<16xf32>
      %swap3A_445 = arith.index_cast %add3A_422 : i32 to index
      %swap3A_446 = arith.constant 32 : index
      %swap3A_447 = tpu.vector_load %arg9[%swap3A_445, %swap3A_446] {strides = array<i32>} : memref<128x128xf32, #tpu.memory_space<vmem>>, vector<1x16xf32>,
      %swap3A_448 = vector.shape_cast %swap3A_447 : vector<1x16xf32> to vector<16xf32>
      %swap3A_449 = vector.shape_cast %get3A_444 : vector<16xf32> to vector<1x16xf32>
      tpu.vector_store %arg9[%swap3A_445, %swap3A_446], %swap3A_449 {add = true, strides = array<i32>} : memref<128x128xf32, #tpu.memory_space<vmem>>, vector<1x16xf32>,
      %get3A_450 = arith.index_cast %add3A_422 : i32 to index
      %get3A_451 = arith.constant 48 : index
      %get3A_452 = tpu.vector_load %arg11[%get3A_450, %get3A_451] {strides = array<i32>} : memref<128x128xf32, #tpu.memory_space<vmem>>, vector<1x16xf32>,
      %get3A_453 = vector.shape_cast %get3A_452 : vector<1x16xf32> to vector<16xf32>
      %swap3A_454 = arith.index_cast %add3A_422 : i32 to index
      %swap3A_455 = arith.constant 48 : index
      %swap3A_456 = tpu.vector_load %arg9[%swap3A_454, %swap3A_455] {strides = array<i32>} : memref<128x128xf32, #tpu.memory_space<vmem>>, vector<1x16xf32>,
      %swap3A_457 = vector.shape_cast %swap3A_456 : vector<1x16xf32> to vector<16xf32>
      %swap3A_458 = vector.shape_cast %get3A_453 : vector<16xf32> to vector<1x16xf32>
      tpu.vector_store %arg9[%swap3A_454, %swap3A_455], %swap3A_458 {add = true, strides = array<i32>} : memref<128x128xf32, #tpu.memory_space<vmem>>, vector<1x16xf32>,
      %get3A_459 = arith.index_cast %add3A_422 : i32 to index
      %get3A_460 = arith.constant 64 : index
      %get3A_461 = tpu.vector_load %arg11[%get3A_459, %get3A_460] {strides = array<i32>} : memref<128x128xf32, #tpu.memory_space<vmem>>, vector<1x16xf32>,
      %get3A_462 = vector.shape_cast %get3A_461 : vector<1x16xf32> to vector<16xf32>
      %swap3A_463 = arith.index_cast %add3A_422 : i32 to index
      %swap3A_464 = arith.constant 64 : index
      %swap3A_465 = tpu.vector_load %arg9[%swap3A_463, %swap3A_464] {strides = array<i32>} : memref<128x128xf32, #tpu.memory_space<vmem>>, vector<1x16xf32>,
      %swap3A_466 = vector.shape_cast %swap3A_465 : vector<1x16xf32> to vector<16xf32>
      %swap3A_467 = vector.shape_cast %get3A_462 : vector<16xf32> to vector<1x16xf32>
      tpu.vector_store %arg9[%swap3A_463, %swap3A_464], %swap3A_467 {add = true, strides = array<i32>} : memref<128x128xf32, #tpu.memory_space<vmem>>, vector<1x16xf32>,
      %get3A_468 = arith.index_cast %add3A_422 : i32 to index
      %get3A_469 = arith.constant 80 : index
      %get3A_470 = tpu.vector_load %arg11[%get3A_468, %get3A_469] {strides = array<i32>} : memref<128x128xf32, #tpu.memory_space<vmem>>, vector<1x16xf32>,
      %get3A_471 = vector.shape_cast %get3A_470 : vector<1x16xf32> to vector<16xf32>
      %swap3A_472 = arith.index_cast %add3A_422 : i32 to index
      %swap3A_473 = arith.constant 80 : index
      %swap3A_474 = tpu.vector_load %arg9[%swap3A_472, %swap3A_473] {strides = array<i32>} : memref<128x128xf32, #tpu.memory_space<vmem>>, vector<1x16xf32>,
      %swap3A_475 = vector.shape_cast %swap3A_474 : vector<1x16xf32> to vector<16xf32>
      %swap3A_476 = vector.shape_cast %get3A_471 : vector<16xf32> to vector<1x16xf32>
      tpu.vector_store %arg9[%swap3A_472, %swap3A_473], %swap3A_476 {add = true, strides = array<i32>} : memref<128x128xf32, #tpu.memory_space<vmem>>, vector<1x16xf32>,
      %get3A_477 = arith.index_cast %add3A_422 : i32 to index
      %get3A_478 = arith.constant 96 : index
      %get3A_479 = tpu.vector_load %arg11[%get3A_477, %get3A_478] {strides = array<i32>} : memref<128x128xf32, #tpu.memory_space<vmem>>, vector<1x16xf32>,
      %get3A_480 = vector.shape_cast %get3A_479 : vector<1x16xf32> to vector<16xf32>
      %swap3A_481 = arith.index_cast %add3A_422 : i32 to index
      %swap3A_482 = arith.constant 96 : index
      %swap3A_483 = tpu.vector_load %arg9[%swap3A_481, %swap3A_482] {strides = array<i32>} : memref<128x128xf32, #tpu.memory_space<vmem>>, vector<1x16xf32>,
      %swap3A_484 = vector.shape_cast %swap3A_483 : vector<1x16xf32> to vector<16xf32>
      %swap3A_485 = vector.shape_cast %get3A_480 : vector<16xf32> to vector<1x16xf32>
      tpu.vector_store %arg9[%swap3A_481, %swap3A_482], %swap3A_485 {add = true, strides = array<i32>} : memref<128x128xf32, #tpu.memory_space<vmem>>, vector<1x16xf32>,
      %get3A_486 = arith.index_cast %add3A_422 : i32 to index
      %get3A_487 = arith.constant 112 : index
      %get3A_488 = tpu.vector_load %arg11[%get3A_486, %get3A_487] {strides = array<i32>} : memref<128x128xf32, #tpu.memory_space<vmem>>, vector<1x16xf32>,
      %get3A_489 = vector.shape_cast %get3A_488 : vector<1x16xf32> to vector<16xf32>
      %swap3A_490 = arith.index_cast %add3A_422 : i32 to index
      %swap3A_491 = arith.constant 112 : index
      %swap3A_492 = tpu.vector_load %arg9[%swap3A_490, %swap3A_491] {strides = array<i32>} : memref<128x128xf32, #tpu.memory_space<vmem>>, vector<1x16xf32>,
      %swap3A_493 = vector.shape_cast %swap3A_492 : vector<1x16xf32> to vector<16xf32>
      %swap3A_494 = vector.shape_cast %get3A_489 : vector<16xf32> to vector<1x16xf32>
      tpu.vector_store %arg9[%swap3A_490, %swap3A_491], %swap3A_494 {add = true, strides = array<i32>} : memref<128x128xf32, #tpu.memory_space<vmem>>, vector<1x16xf32>,
      %mul3A_495 = arith.constant 4 : i32
      %mul3A_496 = arith.muli %scan3A_344, %mul3A_495 : i32
      %add3A_497 = arith.constant 2 : i32
      %add3A_498 = arith.addi %mul3A_496, %add3A_497 : i32
      %get3A_499 = arith.index_cast %add3A_498 : i32 to index
      %get3A_500 = arith.constant 0 : index
      %get3A_501 = tpu.vector_load %arg11[%get3A_499, %get3A_500] {strides = array<i32>} : memref<128x128xf32, #tpu.memory_space<vmem>>, vector<1x16xf32>,
      %get3A_502 = vector.shape_cast %get3A_501 : vector<1x16xf32> to vector<16xf32>
      %swap3A_503 = arith.index_cast %add3A_498 : i32 to index
      %swap3A_504 = arith.constant 0 : index
      %swap3A_505 = tpu.vector_load %arg9[%swap3A_503, %swap3A_504] {strides = array<i32>} : memref<128x128xf32, #tpu.memory_space<vmem>>, vector<1x16xf32>,
      %swap3A_506 = vector.shape_cast %swap3A_505 : vector<1x16xf32> to vector<16xf32>
      %swap3A_507 = vector.shape_cast %get3A_502 : vector<16xf32> to vector<1x16xf32>
      tpu.vector_store %arg9[%swap3A_503, %swap3A_504], %swap3A_507 {add = true, strides = array<i32>} : memref<128x128xf32, #tpu.memory_space<vmem>>, vector<1x16xf32>,
      %get3A_508 = arith.index_cast %add3A_498 : i32 to index
      %get3A_509 = arith.constant 16 : index
      %get3A_510 = tpu.vector_load %arg11[%get3A_508, %get3A_509] {strides = array<i32>} : memref<128x128xf32, #tpu.memory_space<vmem>>, vector<1x16xf32>,
      %get3A_511 = vector.shape_cast %get3A_510 : vector<1x16xf32> to vector<16xf32>
      %swap3A_512 = arith.index_cast %add3A_498 : i32 to index
      %swap3A_513 = arith.constant 16 : index
      %swap3A_514 = tpu.vector_load %arg9[%swap3A_512, %swap3A_513] {strides = array<i32>} : memref<128x128xf32, #tpu.memory_space<vmem>>, vector<1x16xf32>,
      %swap3A_515 = vector.shape_cast %swap3A_514 : vector<1x16xf32> to vector<16xf32>
      %swap3A_516 = vector.shape_cast %get3A_511 : vector<16xf32> to vector<1x16xf32>
      tpu.vector_store %arg9[%swap3A_512, %swap3A_513], %swap3A_516 {add = true, strides = array<i32>} : memref<128x128xf32, #tpu.memory_space<vmem>>, vector<1x16xf32>,
      %get3A_517 = arith.index_cast %add3A_498 : i32 to index
      %get3A_518 = arith.constant 32 : index
      %get3A_519 = tpu.vector_load %arg11[%get3A_517, %get3A_518] {strides = array<i32>} : memref<128x128xf32, #tpu.memory_space<vmem>>, vector<1x16xf32>,
      %get3A_520 = vector.shape_cast %get3A_519 : vector<1x16xf32> to vector<16xf32>
      %swap3A_521 = arith.index_cast %add3A_498 : i32 to index
      %swap3A_522 = arith.constant 32 : index
      %swap3A_523 = tpu.vector_load %arg9[%swap3A_521, %swap3A_522] {strides = array<i32>} : memref<128x128xf32, #tpu.memory_space<vmem>>, vector<1x16xf32>,
      %swap3A_524 = vector.shape_cast %swap3A_523 : vector<1x16xf32> to vector<16xf32>
      %swap3A_525 = vector.shape_cast %get3A_520 : vector<16xf32> to vector<1x16xf32>
      tpu.vector_store %arg9[%swap3A_521, %swap3A_522], %swap3A_525 {add = true, strides = array<i32>} : memref<128x128xf32, #tpu.memory_space<vmem>>, vector<1x16xf32>,
      %get3A_526 = arith.index_cast %add3A_498 : i32 to index
      %get3A_527 = arith.constant 48 : index
      %get3A_528 = tpu.vector_load %arg11[%get3A_526, %get3A_527] {strides = array<i32>} : memref<128x128xf32, #tpu.memory_space<vmem>>, vector<1x16xf32>,
      %get3A_529 = vector.shape_cast %get3A_528 : vector<1x16xf32> to vector<16xf32>
      %swap3A_530 = arith.index_cast %add3A_498 : i32 to index
      %swap3A_531 = arith.constant 48 : index
      %swap3A_532 = tpu.vector_load %arg9[%swap3A_530, %swap3A_531] {strides = array<i32>} : memref<128x128xf32, #tpu.memory_space<vmem>>, vector<1x16xf32>,
      %swap3A_533 = vector.shape_cast %swap3A_532 : vector<1x16xf32> to vector<16xf32>
      %swap3A_534 = vector.shape_cast %get3A_529 : vector<16xf32> to vector<1x16xf32>
      tpu.vector_store %arg9[%swap3A_530, %swap3A_531], %swap3A_534 {add = true, strides = array<i32>} : memref<128x128xf32, #tpu.memory_space<vmem>>, vector<1x16xf32>,
      %get3A_535 = arith.index_cast %add3A_498 : i32 to index
      %get3A_536 = arith.constant 64 : index
      %get3A_537 = tpu.vector_load %arg11[%get3A_535, %get3A_536] {strides = array<i32>} : memref<128x128xf32, #tpu.memory_space<vmem>>, vector<1x16xf32>,
      %get3A_538 = vector.shape_cast %get3A_537 : vector<1x16xf32> to vector<16xf32>
      %swap3A_539 = arith.index_cast %add3A_498 : i32 to index
      %swap3A_540 = arith.constant 64 : index
      %swap3A_541 = tpu.vector_load %arg9[%swap3A_539, %swap3A_540] {strides = array<i32>} : memref<128x128xf32, #tpu.memory_space<vmem>>, vector<1x16xf32>,
      %swap3A_542 = vector.shape_cast %swap3A_541 : vector<1x16xf32> to vector<16xf32>
      %swap3A_543 = vector.shape_cast %get3A_538 : vector<16xf32> to vector<1x16xf32>
      tpu.vector_store %arg9[%swap3A_539, %swap3A_540], %swap3A_543 {add = true, strides = array<i32>} : memref<128x128xf32, #tpu.memory_space<vmem>>, vector<1x16xf32>,
      %get3A_544 = arith.index_cast %add3A_498 : i32 to index
      %get3A_545 = arith.constant 80 : index
      %get3A_546 = tpu.vector_load %arg11[%get3A_544, %get3A_545] {strides = array<i32>} : memref<128x128xf32, #tpu.memory_space<vmem>>, vector<1x16xf32>,
      %get3A_547 = vector.shape_cast %get3A_546 : vector<1x16xf32> to vector<16xf32>
      %swap3A_548 = arith.index_cast %add3A_498 : i32 to index
      %swap3A_549 = arith.constant 80 : index
      %swap3A_550 = tpu.vector_load %arg9[%swap3A_548, %swap3A_549] {strides = array<i32>} : memref<128x128xf32, #tpu.memory_space<vmem>>, vector<1x16xf32>,
      %swap3A_551 = vector.shape_cast %swap3A_550 : vector<1x16xf32> to vector<16xf32>
      %swap3A_552 = vector.shape_cast %get3A_547 : vector<16xf32> to vector<1x16xf32>
      tpu.vector_store %arg9[%swap3A_548, %swap3A_549], %swap3A_552 {add = true, strides = array<i32>} : memref<128x128xf32, #tpu.memory_space<vmem>>, vector<1x16xf32>,
      %get3A_553 = arith.index_cast %add3A_498 : i32 to index
      %get3A_554 = arith.constant 96 : index
      %get3A_555 = tpu.vector_load %arg11[%get3A_553, %get3A_554] {strides = array<i32>} : memref<128x128xf32, #tpu.memory_space<vmem>>, vector<1x16xf32>,
      %get3A_556 = vector.shape_cast %get3A_555 : vector<1x16xf32> to vector<16xf32>
      %swap3A_557 = arith.index_cast %add3A_498 : i32 to index
      %swap3A_558 = arith.constant 96 : index
      %swap3A_559 = tpu.vector_load %arg9[%swap3A_557, %swap3A_558] {strides = array<i32>} : memref<128x128xf32, #tpu.memory_space<vmem>>, vector<1x16xf32>,
      %swap3A_560 = vector.shape_cast %swap3A_559 : vector<1x16xf32> to vector<16xf32>
      %swap3A_561 = vector.shape_cast %get3A_556 : vector<16xf32> to vector<1x16xf32>
      tpu.vector_store %arg9[%swap3A_557, %swap3A_558], %swap3A_561 {add = true, strides = array<i32>} : memref<128x128xf32, #tpu.memory_space<vmem>>, vector<1x16xf32>,
      %get3A_562 = arith.index_cast %add3A_498 : i32 to index
      %get3A_563 = arith.constant 112 : index
      %get3A_564 = tpu.vector_load %arg11[%get3A_562, %get3A_563] {strides = array<i32>} : memref<128x128xf32, #tpu.memory_space<vmem>>, vector<1x16xf32>,
      %get3A_565 = vector.shape_cast %get3A_564 : vector<1x16xf32> to vector<16xf32>
      %swap3A_566 = arith.index_cast %add3A_498 : i32 to index
      %swap3A_567 = arith.constant 112 : index
      %swap3A_568 = tpu.vector_load %arg9[%swap3A_566, %swap3A_567] {strides = array<i32>} : memref<128x128xf32, #tpu.memory_space<vmem>>, vector<1x16xf32>,
      %swap3A_569 = vector.shape_cast %swap3A_568 : vector<1x16xf32> to vector<16xf32>
      %swap3A_570 = vector.shape_cast %get3A_565 : vector<16xf32> to vector<1x16xf32>
      tpu.vector_store %arg9[%swap3A_566, %swap3A_567], %swap3A_570 {add = true, strides = array<i32>} : memref<128x128xf32, #tpu.memory_space<vmem>>, vector<1x16xf32>,
      %mul3A_571 = arith.constant 4 : i32
      %mul3A_572 = arith.muli %scan3A_344, %mul3A_571 : i32
      %add3A_573 = arith.constant 3 : i32
      %add3A_574 = arith.addi %mul3A_572, %add3A_573 : i32
      %get3A_575 = arith.index_cast %add3A_574 : i32 to index
      %get3A_576 = arith.constant 0 : index
      %get3A_577 = tpu.vector_load %arg11[%get3A_575, %get3A_576] {strides = array<i32>} : memref<128x128xf32, #tpu.memory_space<vmem>>, vector<1x16xf32>,
      %get3A_578 = vector.shape_cast %get3A_577 : vector<1x16xf32> to vector<16xf32>
      %swap3A_579 = arith.index_cast %add3A_574 : i32 to index
      %swap3A_580 = arith.constant 0 : index
      %swap3A_581 = tpu.vector_load %arg9[%swap3A_579, %swap3A_580] {strides = array<i32>} : memref<128x128xf32, #tpu.memory_space<vmem>>, vector<1x16xf32>,
      %swap3A_582 = vector.shape_cast %swap3A_581 : vector<1x16xf32> to vector<16xf32>
      %swap3A_583 = vector.shape_cast %get3A_578 : vector<16xf32> to vector<1x16xf32>
      tpu.vector_store %arg9[%swap3A_579, %swap3A_580], %swap3A_583 {add = true, strides = array<i32>} : memref<128x128xf32, #tpu.memory_space<vmem>>, vector<1x16xf32>,
      %get3A_584 = arith.index_cast %add3A_574 : i32 to index
      %get3A_585 = arith.constant 16 : index
      %get3A_586 = tpu.vector_load %arg11[%get3A_584, %get3A_585] {strides = array<i32>} : memref<128x128xf32, #tpu.memory_space<vmem>>, vector<1x16xf32>,
      %get3A_587 = vector.shape_cast %get3A_586 : vector<1x16xf32> to vector<16xf32>
      %swap3A_588 = arith.index_cast %add3A_574 : i32 to index
      %swap3A_589 = arith.constant 16 : index
      %swap3A_590 = tpu.vector_load %arg9[%swap3A_588, %swap3A_589] {strides = array<i32>} : memref<128x128xf32, #tpu.memory_space<vmem>>, vector<1x16xf32>,
      %swap3A_591 = vector.shape_cast %swap3A_590 : vector<1x16xf32> to vector<16xf32>
      %swap3A_592 = vector.shape_cast %get3A_587 : vector<16xf32> to vector<1x16xf32>
      tpu.vector_store %arg9[%swap3A_588, %swap3A_589], %swap3A_592 {add = true, strides = array<i32>} : memref<128x128xf32, #tpu.memory_space<vmem>>, vector<1x16xf32>,
      %get3A_593 = arith.index_cast %add3A_574 : i32 to index
      %get3A_594 = arith.constant 32 : index
      %get3A_595 = tpu.vector_load %arg11[%get3A_593, %get3A_594] {strides = array<i32>} : memref<128x128xf32, #tpu.memory_space<vmem>>, vector<1x16xf32>,
      %get3A_596 = vector.shape_cast %get3A_595 : vector<1x16xf32> to vector<16xf32>
      %swap3A_597 = arith.index_cast %add3A_574 : i32 to index
      %swap3A_598 = arith.constant 32 : index
      %swap3A_599 = tpu.vector_load %arg9[%swap3A_597, %swap3A_598] {strides = array<i32>} : memref<128x128xf32, #tpu.memory_space<vmem>>, vector<1x16xf32>,
      %swap3A_600 = vector.shape_cast %swap3A_599 : vector<1x16xf32> to vector<16xf32>
      %swap3A_601 = vector.shape_cast %get3A_596 : vector<16xf32> to vector<1x16xf32>
      tpu.vector_store %arg9[%swap3A_597, %swap3A_598], %swap3A_601 {add = true, strides = array<i32>} : memref<128x128xf32, #tpu.memory_space<vmem>>, vector<1x16xf32>,
      %get3A_602 = arith.index_cast %add3A_574 : i32 to index
      %get3A_603 = arith.constant 48 : index
      %get3A_604 = tpu.vector_load %arg11[%get3A_602, %get3A_603] {strides = array<i32>} : memref<128x128xf32, #tpu.memory_space<vmem>>, vector<1x16xf32>,
      %get3A_605 = vector.shape_cast %get3A_604 : vector<1x16xf32> to vector<16xf32>
      %swap3A_606 = arith.index_cast %add3A_574 : i32 to index
      %swap3A_607 = arith.constant 48 : index
      %swap3A_608 = tpu.vector_load %arg9[%swap3A_606, %swap3A_607] {strides = array<i32>} : memref<128x128xf32, #tpu.memory_space<vmem>>, vector<1x16xf32>,
      %swap3A_609 = vector.shape_cast %swap3A_608 : vector<1x16xf32> to vector<16xf32>
      %swap3A_610 = vector.shape_cast %get3A_605 : vector<16xf32> to vector<1x16xf32>
      tpu.vector_store %arg9[%swap3A_606, %swap3A_607], %swap3A_610 {add = true, strides = array<i32>} : memref<128x128xf32, #tpu.memory_space<vmem>>, vector<1x16xf32>,
      %get3A_611 = arith.index_cast %add3A_574 : i32 to index
      %get3A_612 = arith.constant 64 : index
      %get3A_613 = tpu.vector_load %arg11[%get3A_611, %get3A_612] {strides = array<i32>} : memref<128x128xf32, #tpu.memory_space<vmem>>, vector<1x16xf32>,
      %get3A_614 = vector.shape_cast %get3A_613 : vector<1x16xf32> to vector<16xf32>
      %swap3A_615 = arith.index_cast %add3A_574 : i32 to index
      %swap3A_616 = arith.constant 64 : index
      %swap3A_617 = tpu.vector_load %arg9[%swap3A_615, %swap3A_616] {strides = array<i32>} : memref<128x128xf32, #tpu.memory_space<vmem>>, vector<1x16xf32>,
      %swap3A_618 = vector.shape_cast %swap3A_617 : vector<1x16xf32> to vector<16xf32>
      %swap3A_619 = vector.shape_cast %get3A_614 : vector<16xf32> to vector<1x16xf32>
      tpu.vector_store %arg9[%swap3A_615, %swap3A_616], %swap3A_619 {add = true, strides = array<i32>} : memref<128x128xf32, #tpu.memory_space<vmem>>, vector<1x16xf32>,
      %get3A_620 = arith.index_cast %add3A_574 : i32 to index
      %get3A_621 = arith.constant 80 : index
      %get3A_622 = tpu.vector_load %arg11[%get3A_620, %get3A_621] {strides = array<i32>} : memref<128x128xf32, #tpu.memory_space<vmem>>, vector<1x16xf32>,
      %get3A_623 = vector.shape_cast %get3A_622 : vector<1x16xf32> to vector<16xf32>
      %swap3A_624 = arith.index_cast %add3A_574 : i32 to index
      %swap3A_625 = arith.constant 80 : index
      %swap3A_626 = tpu.vector_load %arg9[%swap3A_624, %swap3A_625] {strides = array<i32>} : memref<128x128xf32, #tpu.memory_space<vmem>>, vector<1x16xf32>,
      %swap3A_627 = vector.shape_cast %swap3A_626 : vector<1x16xf32> to vector<16xf32>
      %swap3A_628 = vector.shape_cast %get3A_623 : vector<16xf32> to vector<1x16xf32>
      tpu.vector_store %arg9[%swap3A_624, %swap3A_625], %swap3A_628 {add = true, strides = array<i32>} : memref<128x128xf32, #tpu.memory_space<vmem>>, vector<1x16xf32>,
      %get3A_629 = arith.index_cast %add3A_574 : i32 to index
      %get3A_630 = arith.constant 96 : index
      %get3A_631 = tpu.vector_load %arg11[%get3A_629, %get3A_630] {strides = array<i32>} : memref<128x128xf32, #tpu.memory_space<vmem>>, vector<1x16xf32>,
      %get3A_632 = vector.shape_cast %get3A_631 : vector<1x16xf32> to vector<16xf32>
      %swap3A_633 = arith.index_cast %add3A_574 : i32 to index
      %swap3A_634 = arith.constant 96 : index
      %swap3A_635 = tpu.vector_load %arg9[%swap3A_633, %swap3A_634] {strides = array<i32>} : memref<128x128xf32, #tpu.memory_space<vmem>>, vector<1x16xf32>,
      %swap3A_636 = vector.shape_cast %swap3A_635 : vector<1x16xf32> to vector<16xf32>
      %swap3A_637 = vector.shape_cast %get3A_632 : vector<16xf32> to vector<1x16xf32>
      tpu.vector_store %arg9[%swap3A_633, %swap3A_634], %swap3A_637 {add = true, strides = array<i32>} : memref<128x128xf32, #tpu.memory_space<vmem>>, vector<1x16xf32>,
      %get3A_638 = arith.index_cast %add3A_574 : i32 to index
      %get3A_639 = arith.constant 112 : index
      %get3A_640 = tpu.vector_load %arg11[%get3A_638, %get3A_639] {strides = array<i32>} : memref<128x128xf32, #tpu.memory_space<vmem>>, vector<1x16xf32>,
      %get3A_641 = vector.shape_cast %get3A_640 : vector<1x16xf32> to vector<16xf32>
      %swap3A_642 = arith.index_cast %add3A_574 : i32 to index
      %swap3A_643 = arith.constant 112 : index
      %swap3A_644 = tpu.vector_load %arg9[%swap3A_642, %swap3A_643] {strides = array<i32>} : memref<128x128xf32, #tpu.memory_space<vmem>>, vector<1x16xf32>,
      %swap3A_645 = vector.shape_cast %swap3A_644 : vector<1x16xf32> to vector<16xf32>
      %swap3A_646 = vector.shape_cast %get3A_641 : vector<16xf32> to vector<1x16xf32>
      tpu.vector_store %arg9[%swap3A_642, %swap3A_643], %swap3A_646 {add = true, strides = array<i32>} : memref<128x128xf32, #tpu.memory_space<vmem>>, vector<1x16xf32>,
    }
    %scan3A_296 = arith.constant 32 : i32
    %add3A_297 = arith.constant 768 : i32
    %add3A_298 = arith.addi %mul3A_4, %add3A_297 : i32
    %dma_start3A_299 = arith.constant 0 : i32
    %dma_start3A_300 = tpu.memref_slice %arg5[%add3A_298, %dma_start3A_299] : memref<32768x128xf32, #tpu.memory_space<hbm>> -> memref<128x128xf32, #tpu.memory_space<hbm>>
    %dma_start3A_301 = arith.constant 0 : i32
    %dma_start3A_302 = tpu.memref_slice %arg5[%add3A_298, %dma_start3A_301] : memref<32768x128xf32, #tpu.memory_space<hbm>> -> memref<128x128xf32, #tpu.memory_space<hbm>>
    tpu.enqueue_dma source(%arg9 : memref<128x128xf32, #tpu.memory_space<vmem>>) target(%dma_start3A_302 : memref<128x128xf32, #tpu.memory_space<hbm>>) target_semaphore(%arg21 : memref<!tpu.dma_semaphore, #tpu.memory_space<semaphore_mem>>)
    %dma_wait3A_303 = arith.constant 1 : i32
    %dma_wait3A_304 = arith.constant 384 : i32
    %dma_wait3A_305 = tpu.memref_slice %arg6[%dma_wait3A_303, %dma_wait3A_304] : memref<2x512xi32, #tpu.memory_space<vmem>> -> memref<1x128xi32, #tpu.memory_space<vmem>>
    %dma_wait3A_306 = tpu.memref_squeeze %dma_wait3A_305 : memref<1x128xi32, #tpu.memory_space<vmem>> -> memref<128xi32, #tpu.memory_space<vmem>>
    %dma_wait3A_307 = arith.constant 0 : i32
    %dma_wait3A_308 = arith.constant 0 : i32
    %dma_wait3A_309 = tpu.memref_slice %arg3[%dma_wait3A_307, %dma_wait3A_308] : memref<100000x128xf32, #tpu.memory_space<hbm>> -> memref<100000x128xf32, #tpu.memory_space<hbm>>
    tpu.wait_indirect_dma semaphore(%arg18 : memref<!tpu.dma_semaphore, #tpu.memory_space<semaphore_mem>>) src(%dma_wait3A_309 : memref<100000x128xf32, #tpu.memory_space<hbm>>) dst(%arg10 : memref<128x128xf32, #tpu.memory_space<vmem>>)
    %dma_wait3A_310 = arith.constant 384 : i32
    %dma_wait3A_311 = arith.constant 0 : i32
    %dma_wait3A_312 = tpu.memref_slice %arg14[%dma_wait3A_310, %dma_wait3A_311] : memref<512x128xf32, #tpu.memory_space<vmem_shared>> -> memref<128x128xf32, #tpu.memory_space<vmem_shared>>
    %dma_wait3A_313 = arith.constant 384 : i32
    %dma_wait3A_314 = arith.constant 0 : i32
    %dma_wait3A_315 = tpu.memref_slice %arg14[%dma_wait3A_313, %dma_wait3A_314] : memref<512x128xf32, #tpu.memory_space<vmem_shared>> -> memref<128x128xf32, #tpu.memory_space<vmem_shared>>
    tpu.wait_dma2 semaphore(%arg24 : memref<!tpu.dma_semaphore, #tpu.memory_space<semaphore_mem>>) src(%dma_wait3A_315 : memref<128x128xf32, #tpu.memory_space<vmem_shared>>) dst(%arg12 : memref<128x128xf32, #tpu.memory_space<vmem>>)
    %scan3A_316 = arith.constant 0 : i32
    %scan3A_317 = arith.constant 0 : i32
    %scan3A_318 = arith.constant 32 : i32
    %scan3A_319 = arith.addi %scan3A_317, %scan3A_318 : i32
    %scan3A_320 = arith.constant 1 : i32
    scf.for %scan3A_344 = %scan3A_317 to %scan3A_319 step %scan3A_320  : i32 {
      %mul3A_345 = arith.constant 4 : i32
      %mul3A_346 = arith.muli %scan3A_344, %mul3A_345 : i32
      %add3A_347 = arith.constant 0 : i32
      %add3A_348 = arith.addi %mul3A_346, %add3A_347 : i32
      %get3A = arith.index_cast %add3A_348 : i32 to index
      %get3A_349 = arith.constant 0 : index
      %get3A_350 = tpu.vector_load %arg12[%get3A, %get3A_349] {strides = array<i32>} : memref<128x128xf32, #tpu.memory_space<vmem>>, vector<1x16xf32>,
      %get3A_351 = vector.shape_cast %get3A_350 : vector<1x16xf32> to vector<16xf32>
      %swap3A = arith.index_cast %add3A_348 : i32 to index
      %swap3A_352 = arith.constant 0 : index
      %swap3A_353 = tpu.vector_load %arg10[%swap3A, %swap3A_352] {strides = array<i32>} : memref<128x128xf32, #tpu.memory_space<vmem>>, vector<1x16xf32>,
      %swap3A_354 = vector.shape_cast %swap3A_353 : vector<1x16xf32> to vector<16xf32>
      %swap3A_355 = vector.shape_cast %get3A_351 : vector<16xf32> to vector<1x16xf32>
      tpu.vector_store %arg10[%swap3A, %swap3A_352], %swap3A_355 {add = true, strides = array<i32>} : memref<128x128xf32, #tpu.memory_space<vmem>>, vector<1x16xf32>,
      %get3A_356 = arith.index_cast %add3A_348 : i32 to index
      %get3A_357 = arith.constant 16 : index
      %get3A_358 = tpu.vector_load %arg12[%get3A_356, %get3A_357] {strides = array<i32>} : memref<128x128xf32, #tpu.memory_space<vmem>>, vector<1x16xf32>,
      %get3A_359 = vector.shape_cast %get3A_358 : vector<1x16xf32> to vector<16xf32>
      %swap3A_360 = arith.index_cast %add3A_348 : i32 to index
      %swap3A_361 = arith.constant 16 : index
      %swap3A_362 = tpu.vector_load %arg10[%swap3A_360, %swap3A_361] {strides = array<i32>} : memref<128x128xf32, #tpu.memory_space<vmem>>, vector<1x16xf32>,
      %swap3A_363 = vector.shape_cast %swap3A_362 : vector<1x16xf32> to vector<16xf32>
      %swap3A_364 = vector.shape_cast %get3A_359 : vector<16xf32> to vector<1x16xf32>
      tpu.vector_store %arg10[%swap3A_360, %swap3A_361], %swap3A_364 {add = true, strides = array<i32>} : memref<128x128xf32, #tpu.memory_space<vmem>>, vector<1x16xf32>,
      %get3A_365 = arith.index_cast %add3A_348 : i32 to index
      %get3A_366 = arith.constant 32 : index
      %get3A_367 = tpu.vector_load %arg12[%get3A_365, %get3A_366] {strides = array<i32>} : memref<128x128xf32, #tpu.memory_space<vmem>>, vector<1x16xf32>,
      %get3A_368 = vector.shape_cast %get3A_367 : vector<1x16xf32> to vector<16xf32>
      %swap3A_369 = arith.index_cast %add3A_348 : i32 to index
      %swap3A_370 = arith.constant 32 : index
      %swap3A_371 = tpu.vector_load %arg10[%swap3A_369, %swap3A_370] {strides = array<i32>} : memref<128x128xf32, #tpu.memory_space<vmem>>, vector<1x16xf32>,
      %swap3A_372 = vector.shape_cast %swap3A_371 : vector<1x16xf32> to vector<16xf32>
      %swap3A_373 = vector.shape_cast %get3A_368 : vector<16xf32> to vector<1x16xf32>
      tpu.vector_store %arg10[%swap3A_369, %swap3A_370], %swap3A_373 {add = true, strides = array<i32>} : memref<128x128xf32, #tpu.memory_space<vmem>>, vector<1x16xf32>,
      %get3A_374 = arith.index_cast %add3A_348 : i32 to index
      %get3A_375 = arith.constant 48 : index
      %get3A_376 = tpu.vector_load %arg12[%get3A_374, %get3A_375] {strides = array<i32>} : memref<128x128xf32, #tpu.memory_space<vmem>>, vector<1x16xf32>,
      %get3A_377 = vector.shape_cast %get3A_376 : vector<1x16xf32> to vector<16xf32>
      %swap3A_378 = arith.index_cast %add3A_348 : i32 to index
      %swap3A_379 = arith.constant 48 : index
      %swap3A_380 = tpu.vector_load %arg10[%swap3A_378, %swap3A_379] {strides = array<i32>} : memref<128x128xf32, #tpu.memory_space<vmem>>, vector<1x16xf32>,
      %swap3A_381 = vector.shape_cast %swap3A_380 : vector<1x16xf32> to vector<16xf32>
      %swap3A_382 = vector.shape_cast %get3A_377 : vector<16xf32> to vector<1x16xf32>
      tpu.vector_store %arg10[%swap3A_378, %swap3A_379], %swap3A_382 {add = true, strides = array<i32>} : memref<128x128xf32, #tpu.memory_space<vmem>>, vector<1x16xf32>,
      %get3A_383 = arith.index_cast %add3A_348 : i32 to index
      %get3A_384 = arith.constant 64 : index
      %get3A_385 = tpu.vector_load %arg12[%get3A_383, %get3A_384] {strides = array<i32>} : memref<128x128xf32, #tpu.memory_space<vmem>>, vector<1x16xf32>,
      %get3A_386 = vector.shape_cast %get3A_385 : vector<1x16xf32> to vector<16xf32>
      %swap3A_387 = arith.index_cast %add3A_348 : i32 to index
      %swap3A_388 = arith.constant 64 : index
      %swap3A_389 = tpu.vector_load %arg10[%swap3A_387, %swap3A_388] {strides = array<i32>} : memref<128x128xf32, #tpu.memory_space<vmem>>, vector<1x16xf32>,
      %swap3A_390 = vector.shape_cast %swap3A_389 : vector<1x16xf32> to vector<16xf32>
      %swap3A_391 = vector.shape_cast %get3A_386 : vector<16xf32> to vector<1x16xf32>
      tpu.vector_store %arg10[%swap3A_387, %swap3A_388], %swap3A_391 {add = true, strides = array<i32>} : memref<128x128xf32, #tpu.memory_space<vmem>>, vector<1x16xf32>,
      %get3A_392 = arith.index_cast %add3A_348 : i32 to index
      %get3A_393 = arith.constant 80 : index
      %get3A_394 = tpu.vector_load %arg12[%get3A_392, %get3A_393] {strides = array<i32>} : memref<128x128xf32, #tpu.memory_space<vmem>>, vector<1x16xf32>,
      %get3A_395 = vector.shape_cast %get3A_394 : vector<1x16xf32> to vector<16xf32>
      %swap3A_396 = arith.index_cast %add3A_348 : i32 to index
      %swap3A_397 = arith.constant 80 : index
      %swap3A_398 = tpu.vector_load %arg10[%swap3A_396, %swap3A_397] {strides = array<i32>} : memref<128x128xf32, #tpu.memory_space<vmem>>, vector<1x16xf32>,
      %swap3A_399 = vector.shape_cast %swap3A_398 : vector<1x16xf32> to vector<16xf32>
      %swap3A_400 = vector.shape_cast %get3A_395 : vector<16xf32> to vector<1x16xf32>
      tpu.vector_store %arg10[%swap3A_396, %swap3A_397], %swap3A_400 {add = true, strides = array<i32>} : memref<128x128xf32, #tpu.memory_space<vmem>>, vector<1x16xf32>,
      %get3A_401 = arith.index_cast %add3A_348 : i32 to index
      %get3A_402 = arith.constant 96 : index
      %get3A_403 = tpu.vector_load %arg12[%get3A_401, %get3A_402] {strides = array<i32>} : memref<128x128xf32, #tpu.memory_space<vmem>>, vector<1x16xf32>,
      %get3A_404 = vector.shape_cast %get3A_403 : vector<1x16xf32> to vector<16xf32>
      %swap3A_405 = arith.index_cast %add3A_348 : i32 to index
      %swap3A_406 = arith.constant 96 : index
      %swap3A_407 = tpu.vector_load %arg10[%swap3A_405, %swap3A_406] {strides = array<i32>} : memref<128x128xf32, #tpu.memory_space<vmem>>, vector<1x16xf32>,
      %swap3A_408 = vector.shape_cast %swap3A_407 : vector<1x16xf32> to vector<16xf32>
      %swap3A_409 = vector.shape_cast %get3A_404 : vector<16xf32> to vector<1x16xf32>
      tpu.vector_store %arg10[%swap3A_405, %swap3A_406], %swap3A_409 {add = true, strides = array<i32>} : memref<128x128xf32, #tpu.memory_space<vmem>>, vector<1x16xf32>,
      %get3A_410 = arith.index_cast %add3A_348 : i32 to index
      %get3A_411 = arith.constant 112 : index
      %get3A_412 = tpu.vector_load %arg12[%get3A_410, %get3A_411] {strides = array<i32>} : memref<128x128xf32, #tpu.memory_space<vmem>>, vector<1x16xf32>,
      %get3A_413 = vector.shape_cast %get3A_412 : vector<1x16xf32> to vector<16xf32>
      %swap3A_414 = arith.index_cast %add3A_348 : i32 to index
      %swap3A_415 = arith.constant 112 : index
      %swap3A_416 = tpu.vector_load %arg10[%swap3A_414, %swap3A_415] {strides = array<i32>} : memref<128x128xf32, #tpu.memory_space<vmem>>, vector<1x16xf32>,
      %swap3A_417 = vector.shape_cast %swap3A_416 : vector<1x16xf32> to vector<16xf32>
      %swap3A_418 = vector.shape_cast %get3A_413 : vector<16xf32> to vector<1x16xf32>
      tpu.vector_store %arg10[%swap3A_414, %swap3A_415], %swap3A_418 {add = true, strides = array<i32>} : memref<128x128xf32, #tpu.memory_space<vmem>>, vector<1x16xf32>,
      %mul3A_419 = arith.constant 4 : i32
      %mul3A_420 = arith.muli %scan3A_344, %mul3A_419 : i32
      %add3A_421 = arith.constant 1 : i32
      %add3A_422 = arith.addi %mul3A_420, %add3A_421 : i32
      %get3A_423 = arith.index_cast %add3A_422 : i32 to index
      %get3A_424 = arith.constant 0 : index
      %get3A_425 = tpu.vector_load %arg12[%get3A_423, %get3A_424] {strides = array<i32>} : memref<128x128xf32, #tpu.memory_space<vmem>>, vector<1x16xf32>,
      %get3A_426 = vector.shape_cast %get3A_425 : vector<1x16xf32> to vector<16xf32>
      %swap3A_427 = arith.index_cast %add3A_422 : i32 to index
      %swap3A_428 = arith.constant 0 : index
      %swap3A_429 = tpu.vector_load %arg10[%swap3A_427, %swap3A_428] {strides = array<i32>} : memref<128x128xf32, #tpu.memory_space<vmem>>, vector<1x16xf32>,
      %swap3A_430 = vector.shape_cast %swap3A_429 : vector<1x16xf32> to vector<16xf32>
      %swap3A_431 = vector.shape_cast %get3A_426 : vector<16xf32> to vector<1x16xf32>
      tpu.vector_store %arg10[%swap3A_427, %swap3A_428], %swap3A_431 {add = true, strides = array<i32>} : memref<128x128xf32, #tpu.memory_space<vmem>>, vector<1x16xf32>,
      %get3A_432 = arith.index_cast %add3A_422 : i32 to index
      %get3A_433 = arith.constant 16 : index
      %get3A_434 = tpu.vector_load %arg12[%get3A_432, %get3A_433] {strides = array<i32>} : memref<128x128xf32, #tpu.memory_space<vmem>>, vector<1x16xf32>,
      %get3A_435 = vector.shape_cast %get3A_434 : vector<1x16xf32> to vector<16xf32>
      %swap3A_436 = arith.index_cast %add3A_422 : i32 to index
      %swap3A_437 = arith.constant 16 : index
      %swap3A_438 = tpu.vector_load %arg10[%swap3A_436, %swap3A_437] {strides = array<i32>} : memref<128x128xf32, #tpu.memory_space<vmem>>, vector<1x16xf32>,
      %swap3A_439 = vector.shape_cast %swap3A_438 : vector<1x16xf32> to vector<16xf32>
      %swap3A_440 = vector.shape_cast %get3A_435 : vector<16xf32> to vector<1x16xf32>
      tpu.vector_store %arg10[%swap3A_436, %swap3A_437], %swap3A_440 {add = true, strides = array<i32>} : memref<128x128xf32, #tpu.memory_space<vmem>>, vector<1x16xf32>,
      %get3A_441 = arith.index_cast %add3A_422 : i32 to index
      %get3A_442 = arith.constant 32 : index
      %get3A_443 = tpu.vector_load %arg12[%get3A_441, %get3A_442] {strides = array<i32>} : memref<128x128xf32, #tpu.memory_space<vmem>>, vector<1x16xf32>,
      %get3A_444 = vector.shape_cast %get3A_443 : vector<1x16xf32> to vector<16xf32>
      %swap3A_445 = arith.index_cast %add3A_422 : i32 to index
      %swap3A_446 = arith.constant 32 : index
      %swap3A_447 = tpu.vector_load %arg10[%swap3A_445, %swap3A_446] {strides = array<i32>} : memref<128x128xf32, #tpu.memory_space<vmem>>, vector<1x16xf32>,
      %swap3A_448 = vector.shape_cast %swap3A_447 : vector<1x16xf32> to vector<16xf32>
      %swap3A_449 = vector.shape_cast %get3A_444 : vector<16xf32> to vector<1x16xf32>
      tpu.vector_store %arg10[%swap3A_445, %swap3A_446], %swap3A_449 {add = true, strides = array<i32>} : memref<128x128xf32, #tpu.memory_space<vmem>>, vector<1x16xf32>,
      %get3A_450 = arith.index_cast %add3A_422 : i32 to index
      %get3A_451 = arith.constant 48 : index
      %get3A_452 = tpu.vector_load %arg12[%get3A_450, %get3A_451] {strides = array<i32>} : memref<128x128xf32, #tpu.memory_space<vmem>>, vector<1x16xf32>,
      %get3A_453 = vector.shape_cast %get3A_452 : vector<1x16xf32> to vector<16xf32>
      %swap3A_454 = arith.index_cast %add3A_422 : i32 to index
      %swap3A_455 = arith.constant 48 : index
      %swap3A_456 = tpu.vector_load %arg10[%swap3A_454, %swap3A_455] {strides = array<i32>} : memref<128x128xf32, #tpu.memory_space<vmem>>, vector<1x16xf32>,
      %swap3A_457 = vector.shape_cast %swap3A_456 : vector<1x16xf32> to vector<16xf32>
      %swap3A_458 = vector.shape_cast %get3A_453 : vector<16xf32> to vector<1x16xf32>
      tpu.vector_store %arg10[%swap3A_454, %swap3A_455], %swap3A_458 {add = true, strides = array<i32>} : memref<128x128xf32, #tpu.memory_space<vmem>>, vector<1x16xf32>,
      %get3A_459 = arith.index_cast %add3A_422 : i32 to index
      %get3A_460 = arith.constant 64 : index
      %get3A_461 = tpu.vector_load %arg12[%get3A_459, %get3A_460] {strides = array<i32>} : memref<128x128xf32, #tpu.memory_space<vmem>>, vector<1x16xf32>,
      %get3A_462 = vector.shape_cast %get3A_461 : vector<1x16xf32> to vector<16xf32>
      %swap3A_463 = arith.index_cast %add3A_422 : i32 to index
      %swap3A_464 = arith.constant 64 : index
      %swap3A_465 = tpu.vector_load %arg10[%swap3A_463, %swap3A_464] {strides = array<i32>} : memref<128x128xf32, #tpu.memory_space<vmem>>, vector<1x16xf32>,
      %swap3A_466 = vector.shape_cast %swap3A_465 : vector<1x16xf32> to vector<16xf32>
      %swap3A_467 = vector.shape_cast %get3A_462 : vector<16xf32> to vector<1x16xf32>
      tpu.vector_store %arg10[%swap3A_463, %swap3A_464], %swap3A_467 {add = true, strides = array<i32>} : memref<128x128xf32, #tpu.memory_space<vmem>>, vector<1x16xf32>,
      %get3A_468 = arith.index_cast %add3A_422 : i32 to index
      %get3A_469 = arith.constant 80 : index
      %get3A_470 = tpu.vector_load %arg12[%get3A_468, %get3A_469] {strides = array<i32>} : memref<128x128xf32, #tpu.memory_space<vmem>>, vector<1x16xf32>,
      %get3A_471 = vector.shape_cast %get3A_470 : vector<1x16xf32> to vector<16xf32>
      %swap3A_472 = arith.index_cast %add3A_422 : i32 to index
      %swap3A_473 = arith.constant 80 : index
      %swap3A_474 = tpu.vector_load %arg10[%swap3A_472, %swap3A_473] {strides = array<i32>} : memref<128x128xf32, #tpu.memory_space<vmem>>, vector<1x16xf32>,
      %swap3A_475 = vector.shape_cast %swap3A_474 : vector<1x16xf32> to vector<16xf32>
      %swap3A_476 = vector.shape_cast %get3A_471 : vector<16xf32> to vector<1x16xf32>
      tpu.vector_store %arg10[%swap3A_472, %swap3A_473], %swap3A_476 {add = true, strides = array<i32>} : memref<128x128xf32, #tpu.memory_space<vmem>>, vector<1x16xf32>,
      %get3A_477 = arith.index_cast %add3A_422 : i32 to index
      %get3A_478 = arith.constant 96 : index
      %get3A_479 = tpu.vector_load %arg12[%get3A_477, %get3A_478] {strides = array<i32>} : memref<128x128xf32, #tpu.memory_space<vmem>>, vector<1x16xf32>,
      %get3A_480 = vector.shape_cast %get3A_479 : vector<1x16xf32> to vector<16xf32>
      %swap3A_481 = arith.index_cast %add3A_422 : i32 to index
      %swap3A_482 = arith.constant 96 : index
      %swap3A_483 = tpu.vector_load %arg10[%swap3A_481, %swap3A_482] {strides = array<i32>} : memref<128x128xf32, #tpu.memory_space<vmem>>, vector<1x16xf32>,
      %swap3A_484 = vector.shape_cast %swap3A_483 : vector<1x16xf32> to vector<16xf32>
      %swap3A_485 = vector.shape_cast %get3A_480 : vector<16xf32> to vector<1x16xf32>
      tpu.vector_store %arg10[%swap3A_481, %swap3A_482], %swap3A_485 {add = true, strides = array<i32>} : memref<128x128xf32, #tpu.memory_space<vmem>>, vector<1x16xf32>,
      %get3A_486 = arith.index_cast %add3A_422 : i32 to index
      %get3A_487 = arith.constant 112 : index
      %get3A_488 = tpu.vector_load %arg12[%get3A_486, %get3A_487] {strides = array<i32>} : memref<128x128xf32, #tpu.memory_space<vmem>>, vector<1x16xf32>,
      %get3A_489 = vector.shape_cast %get3A_488 : vector<1x16xf32> to vector<16xf32>
      %swap3A_490 = arith.index_cast %add3A_422 : i32 to index
      %swap3A_491 = arith.constant 112 : index
      %swap3A_492 = tpu.vector_load %arg10[%swap3A_490, %swap3A_491] {strides = array<i32>} : memref<128x128xf32, #tpu.memory_space<vmem>>, vector<1x16xf32>,
      %swap3A_493 = vector.shape_cast %swap3A_492 : vector<1x16xf32> to vector<16xf32>
      %swap3A_494 = vector.shape_cast %get3A_489 : vector<16xf32> to vector<1x16xf32>
      tpu.vector_store %arg10[%swap3A_490, %swap3A_491], %swap3A_494 {add = true, strides = array<i32>} : memref<128x128xf32, #tpu.memory_space<vmem>>, vector<1x16xf32>,
      %mul3A_495 = arith.constant 4 : i32
      %mul3A_496 = arith.muli %scan3A_344, %mul3A_495 : i32
      %add3A_497 = arith.constant 2 : i32
      %add3A_498 = arith.addi %mul3A_496, %add3A_497 : i32
      %get3A_499 = arith.index_cast %add3A_498 : i32 to index
      %get3A_500 = arith.constant 0 : index
      %get3A_501 = tpu.vector_load %arg12[%get3A_499, %get3A_500] {strides = array<i32>} : memref<128x128xf32, #tpu.memory_space<vmem>>, vector<1x16xf32>,
      %get3A_502 = vector.shape_cast %get3A_501 : vector<1x16xf32> to vector<16xf32>
      %swap3A_503 = arith.index_cast %add3A_498 : i32 to index
      %swap3A_504 = arith.constant 0 : index
      %swap3A_505 = tpu.vector_load %arg10[%swap3A_503, %swap3A_504] {strides = array<i32>} : memref<128x128xf32, #tpu.memory_space<vmem>>, vector<1x16xf32>,
      %swap3A_506 = vector.shape_cast %swap3A_505 : vector<1x16xf32> to vector<16xf32>
      %swap3A_507 = vector.shape_cast %get3A_502 : vector<16xf32> to vector<1x16xf32>
      tpu.vector_store %arg10[%swap3A_503, %swap3A_504], %swap3A_507 {add = true, strides = array<i32>} : memref<128x128xf32, #tpu.memory_space<vmem>>, vector<1x16xf32>,
      %get3A_508 = arith.index_cast %add3A_498 : i32 to index
      %get3A_509 = arith.constant 16 : index
      %get3A_510 = tpu.vector_load %arg12[%get3A_508, %get3A_509] {strides = array<i32>} : memref<128x128xf32, #tpu.memory_space<vmem>>, vector<1x16xf32>,
      %get3A_511 = vector.shape_cast %get3A_510 : vector<1x16xf32> to vector<16xf32>
      %swap3A_512 = arith.index_cast %add3A_498 : i32 to index
      %swap3A_513 = arith.constant 16 : index
      %swap3A_514 = tpu.vector_load %arg10[%swap3A_512, %swap3A_513] {strides = array<i32>} : memref<128x128xf32, #tpu.memory_space<vmem>>, vector<1x16xf32>,
      %swap3A_515 = vector.shape_cast %swap3A_514 : vector<1x16xf32> to vector<16xf32>
      %swap3A_516 = vector.shape_cast %get3A_511 : vector<16xf32> to vector<1x16xf32>
      tpu.vector_store %arg10[%swap3A_512, %swap3A_513], %swap3A_516 {add = true, strides = array<i32>} : memref<128x128xf32, #tpu.memory_space<vmem>>, vector<1x16xf32>,
      %get3A_517 = arith.index_cast %add3A_498 : i32 to index
      %get3A_518 = arith.constant 32 : index
      %get3A_519 = tpu.vector_load %arg12[%get3A_517, %get3A_518] {strides = array<i32>} : memref<128x128xf32, #tpu.memory_space<vmem>>, vector<1x16xf32>,
      %get3A_520 = vector.shape_cast %get3A_519 : vector<1x16xf32> to vector<16xf32>
      %swap3A_521 = arith.index_cast %add3A_498 : i32 to index
      %swap3A_522 = arith.constant 32 : index
      %swap3A_523 = tpu.vector_load %arg10[%swap3A_521, %swap3A_522] {strides = array<i32>} : memref<128x128xf32, #tpu.memory_space<vmem>>, vector<1x16xf32>,
      %swap3A_524 = vector.shape_cast %swap3A_523 : vector<1x16xf32> to vector<16xf32>
      %swap3A_525 = vector.shape_cast %get3A_520 : vector<16xf32> to vector<1x16xf32>
      tpu.vector_store %arg10[%swap3A_521, %swap3A_522], %swap3A_525 {add = true, strides = array<i32>} : memref<128x128xf32, #tpu.memory_space<vmem>>, vector<1x16xf32>,
      %get3A_526 = arith.index_cast %add3A_498 : i32 to index
      %get3A_527 = arith.constant 48 : index
      %get3A_528 = tpu.vector_load %arg12[%get3A_526, %get3A_527] {strides = array<i32>} : memref<128x128xf32, #tpu.memory_space<vmem>>, vector<1x16xf32>,
      %get3A_529 = vector.shape_cast %get3A_528 : vector<1x16xf32> to vector<16xf32>
      %swap3A_530 = arith.index_cast %add3A_498 : i32 to index
      %swap3A_531 = arith.constant 48 : index
      %swap3A_532 = tpu.vector_load %arg10[%swap3A_530, %swap3A_531] {strides = array<i32>} : memref<128x128xf32, #tpu.memory_space<vmem>>, vector<1x16xf32>,
      %swap3A_533 = vector.shape_cast %swap3A_532 : vector<1x16xf32> to vector<16xf32>
      %swap3A_534 = vector.shape_cast %get3A_529 : vector<16xf32> to vector<1x16xf32>
      tpu.vector_store %arg10[%swap3A_530, %swap3A_531], %swap3A_534 {add = true, strides = array<i32>} : memref<128x128xf32, #tpu.memory_space<vmem>>, vector<1x16xf32>,
      %get3A_535 = arith.index_cast %add3A_498 : i32 to index
      %get3A_536 = arith.constant 64 : index
      %get3A_537 = tpu.vector_load %arg12[%get3A_535, %get3A_536] {strides = array<i32>} : memref<128x128xf32, #tpu.memory_space<vmem>>, vector<1x16xf32>,
      %get3A_538 = vector.shape_cast %get3A_537 : vector<1x16xf32> to vector<16xf32>
      %swap3A_539 = arith.index_cast %add3A_498 : i32 to index
      %swap3A_540 = arith.constant 64 : index
      %swap3A_541 = tpu.vector_load %arg10[%swap3A_539, %swap3A_540] {strides = array<i32>} : memref<128x128xf32, #tpu.memory_space<vmem>>, vector<1x16xf32>,
      %swap3A_542 = vector.shape_cast %swap3A_541 : vector<1x16xf32> to vector<16xf32>
      %swap3A_543 = vector.shape_cast %get3A_538 : vector<16xf32> to vector<1x16xf32>
      tpu.vector_store %arg10[%swap3A_539, %swap3A_540], %swap3A_543 {add = true, strides = array<i32>} : memref<128x128xf32, #tpu.memory_space<vmem>>, vector<1x16xf32>,
      %get3A_544 = arith.index_cast %add3A_498 : i32 to index
      %get3A_545 = arith.constant 80 : index
      %get3A_546 = tpu.vector_load %arg12[%get3A_544, %get3A_545] {strides = array<i32>} : memref<128x128xf32, #tpu.memory_space<vmem>>, vector<1x16xf32>,
      %get3A_547 = vector.shape_cast %get3A_546 : vector<1x16xf32> to vector<16xf32>
      %swap3A_548 = arith.index_cast %add3A_498 : i32 to index
      %swap3A_549 = arith.constant 80 : index
      %swap3A_550 = tpu.vector_load %arg10[%swap3A_548, %swap3A_549] {strides = array<i32>} : memref<128x128xf32, #tpu.memory_space<vmem>>, vector<1x16xf32>,
      %swap3A_551 = vector.shape_cast %swap3A_550 : vector<1x16xf32> to vector<16xf32>
      %swap3A_552 = vector.shape_cast %get3A_547 : vector<16xf32> to vector<1x16xf32>
      tpu.vector_store %arg10[%swap3A_548, %swap3A_549], %swap3A_552 {add = true, strides = array<i32>} : memref<128x128xf32, #tpu.memory_space<vmem>>, vector<1x16xf32>,
      %get3A_553 = arith.index_cast %add3A_498 : i32 to index
      %get3A_554 = arith.constant 96 : index
      %get3A_555 = tpu.vector_load %arg12[%get3A_553, %get3A_554] {strides = array<i32>} : memref<128x128xf32, #tpu.memory_space<vmem>>, vector<1x16xf32>,
      %get3A_556 = vector.shape_cast %get3A_555 : vector<1x16xf32> to vector<16xf32>
      %swap3A_557 = arith.index_cast %add3A_498 : i32 to index
      %swap3A_558 = arith.constant 96 : index
      %swap3A_559 = tpu.vector_load %arg10[%swap3A_557, %swap3A_558] {strides = array<i32>} : memref<128x128xf32, #tpu.memory_space<vmem>>, vector<1x16xf32>,
      %swap3A_560 = vector.shape_cast %swap3A_559 : vector<1x16xf32> to vector<16xf32>
      %swap3A_561 = vector.shape_cast %get3A_556 : vector<16xf32> to vector<1x16xf32>
      tpu.vector_store %arg10[%swap3A_557, %swap3A_558], %swap3A_561 {add = true, strides = array<i32>} : memref<128x128xf32, #tpu.memory_space<vmem>>, vector<1x16xf32>,
      %get3A_562 = arith.index_cast %add3A_498 : i32 to index
      %get3A_563 = arith.constant 112 : index
      %get3A_564 = tpu.vector_load %arg12[%get3A_562, %get3A_563] {strides = array<i32>} : memref<128x128xf32, #tpu.memory_space<vmem>>, vector<1x16xf32>,
      %get3A_565 = vector.shape_cast %get3A_564 : vector<1x16xf32> to vector<16xf32>
      %swap3A_566 = arith.index_cast %add3A_498 : i32 to index
      %swap3A_567 = arith.constant 112 : index
      %swap3A_568 = tpu.vector_load %arg10[%swap3A_566, %swap3A_567] {strides = array<i32>} : memref<128x128xf32, #tpu.memory_space<vmem>>, vector<1x16xf32>,
      %swap3A_569 = vector.shape_cast %swap3A_568 : vector<1x16xf32> to vector<16xf32>
      %swap3A_570 = vector.shape_cast %get3A_565 : vector<16xf32> to vector<1x16xf32>
      tpu.vector_store %arg10[%swap3A_566, %swap3A_567], %swap3A_570 {add = true, strides = array<i32>} : memref<128x128xf32, #tpu.memory_space<vmem>>, vector<1x16xf32>,
      %mul3A_571 = arith.constant 4 : i32
      %mul3A_572 = arith.muli %scan3A_344, %mul3A_571 : i32
      %add3A_573 = arith.constant 3 : i32
      %add3A_574 = arith.addi %mul3A_572, %add3A_573 : i32
      %get3A_575 = arith.index_cast %add3A_574 : i32 to index
      %get3A_576 = arith.constant 0 : index
      %get3A_577 = tpu.vector_load %arg12[%get3A_575, %get3A_576] {strides = array<i32>} : memref<128x128xf32, #tpu.memory_space<vmem>>, vector<1x16xf32>,
      %get3A_578 = vector.shape_cast %get3A_577 : vector<1x16xf32> to vector<16xf32>
      %swap3A_579 = arith.index_cast %add3A_574 : i32 to index
      %swap3A_580 = arith.constant 0 : index
      %swap3A_581 = tpu.vector_load %arg10[%swap3A_579, %swap3A_580] {strides = array<i32>} : memref<128x128xf32, #tpu.memory_space<vmem>>, vector<1x16xf32>,
      %swap3A_582 = vector.shape_cast %swap3A_581 : vector<1x16xf32> to vector<16xf32>
      %swap3A_583 = vector.shape_cast %get3A_578 : vector<16xf32> to vector<1x16xf32>
      tpu.vector_store %arg10[%swap3A_579, %swap3A_580], %swap3A_583 {add = true, strides = array<i32>} : memref<128x128xf32, #tpu.memory_space<vmem>>, vector<1x16xf32>,
      %get3A_584 = arith.index_cast %add3A_574 : i32 to index
      %get3A_585 = arith.constant 16 : index
      %get3A_586 = tpu.vector_load %arg12[%get3A_584, %get3A_585] {strides = array<i32>} : memref<128x128xf32, #tpu.memory_space<vmem>>, vector<1x16xf32>,
      %get3A_587 = vector.shape_cast %get3A_586 : vector<1x16xf32> to vector<16xf32>
      %swap3A_588 = arith.index_cast %add3A_574 : i32 to index
      %swap3A_589 = arith.constant 16 : index
      %swap3A_590 = tpu.vector_load %arg10[%swap3A_588, %swap3A_589] {strides = array<i32>} : memref<128x128xf32, #tpu.memory_space<vmem>>, vector<1x16xf32>,
      %swap3A_591 = vector.shape_cast %swap3A_590 : vector<1x16xf32> to vector<16xf32>
      %swap3A_592 = vector.shape_cast %get3A_587 : vector<16xf32> to vector<1x16xf32>
      tpu.vector_store %arg10[%swap3A_588, %swap3A_589], %swap3A_592 {add = true, strides = array<i32>} : memref<128x128xf32, #tpu.memory_space<vmem>>, vector<1x16xf32>,
      %get3A_593 = arith.index_cast %add3A_574 : i32 to index
      %get3A_594 = arith.constant 32 : index
      %get3A_595 = tpu.vector_load %arg12[%get3A_593, %get3A_594] {strides = array<i32>} : memref<128x128xf32, #tpu.memory_space<vmem>>, vector<1x16xf32>,
      %get3A_596 = vector.shape_cast %get3A_595 : vector<1x16xf32> to vector<16xf32>
      %swap3A_597 = arith.index_cast %add3A_574 : i32 to index
      %swap3A_598 = arith.constant 32 : index
      %swap3A_599 = tpu.vector_load %arg10[%swap3A_597, %swap3A_598] {strides = array<i32>} : memref<128x128xf32, #tpu.memory_space<vmem>>, vector<1x16xf32>,
      %swap3A_600 = vector.shape_cast %swap3A_599 : vector<1x16xf32> to vector<16xf32>
      %swap3A_601 = vector.shape_cast %get3A_596 : vector<16xf32> to vector<1x16xf32>
      tpu.vector_store %arg10[%swap3A_597, %swap3A_598], %swap3A_601 {add = true, strides = array<i32>} : memref<128x128xf32, #tpu.memory_space<vmem>>, vector<1x16xf32>,
      %get3A_602 = arith.index_cast %add3A_574 : i32 to index
      %get3A_603 = arith.constant 48 : index
      %get3A_604 = tpu.vector_load %arg12[%get3A_602, %get3A_603] {strides = array<i32>} : memref<128x128xf32, #tpu.memory_space<vmem>>, vector<1x16xf32>,
      %get3A_605 = vector.shape_cast %get3A_604 : vector<1x16xf32> to vector<16xf32>
      %swap3A_606 = arith.index_cast %add3A_574 : i32 to index
      %swap3A_607 = arith.constant 48 : index
      %swap3A_608 = tpu.vector_load %arg10[%swap3A_606, %swap3A_607] {strides = array<i32>} : memref<128x128xf32, #tpu.memory_space<vmem>>, vector<1x16xf32>,
      %swap3A_609 = vector.shape_cast %swap3A_608 : vector<1x16xf32> to vector<16xf32>
      %swap3A_610 = vector.shape_cast %get3A_605 : vector<16xf32> to vector<1x16xf32>
      tpu.vector_store %arg10[%swap3A_606, %swap3A_607], %swap3A_610 {add = true, strides = array<i32>} : memref<128x128xf32, #tpu.memory_space<vmem>>, vector<1x16xf32>,
      %get3A_611 = arith.index_cast %add3A_574 : i32 to index
      %get3A_612 = arith.constant 64 : index
      %get3A_613 = tpu.vector_load %arg12[%get3A_611, %get3A_612] {strides = array<i32>} : memref<128x128xf32, #tpu.memory_space<vmem>>, vector<1x16xf32>,
      %get3A_614 = vector.shape_cast %get3A_613 : vector<1x16xf32> to vector<16xf32>
      %swap3A_615 = arith.index_cast %add3A_574 : i32 to index
      %swap3A_616 = arith.constant 64 : index
      %swap3A_617 = tpu.vector_load %arg10[%swap3A_615, %swap3A_616] {strides = array<i32>} : memref<128x128xf32, #tpu.memory_space<vmem>>, vector<1x16xf32>,
      %swap3A_618 = vector.shape_cast %swap3A_617 : vector<1x16xf32> to vector<16xf32>
      %swap3A_619 = vector.shape_cast %get3A_614 : vector<16xf32> to vector<1x16xf32>
      tpu.vector_store %arg10[%swap3A_615, %swap3A_616], %swap3A_619 {add = true, strides = array<i32>} : memref<128x128xf32, #tpu.memory_space<vmem>>, vector<1x16xf32>,
      %get3A_620 = arith.index_cast %add3A_574 : i32 to index
      %get3A_621 = arith.constant 80 : index
      %get3A_622 = tpu.vector_load %arg12[%get3A_620, %get3A_621] {strides = array<i32>} : memref<128x128xf32, #tpu.memory_space<vmem>>, vector<1x16xf32>,
      %get3A_623 = vector.shape_cast %get3A_622 : vector<1x16xf32> to vector<16xf32>
      %swap3A_624 = arith.index_cast %add3A_574 : i32 to index
      %swap3A_625 = arith.constant 80 : index
      %swap3A_626 = tpu.vector_load %arg10[%swap3A_624, %swap3A_625] {strides = array<i32>} : memref<128x128xf32, #tpu.memory_space<vmem>>, vector<1x16xf32>,
      %swap3A_627 = vector.shape_cast %swap3A_626 : vector<1x16xf32> to vector<16xf32>
      %swap3A_628 = vector.shape_cast %get3A_623 : vector<16xf32> to vector<1x16xf32>
      tpu.vector_store %arg10[%swap3A_624, %swap3A_625], %swap3A_628 {add = true, strides = array<i32>} : memref<128x128xf32, #tpu.memory_space<vmem>>, vector<1x16xf32>,
      %get3A_629 = arith.index_cast %add3A_574 : i32 to index
      %get3A_630 = arith.constant 96 : index
      %get3A_631 = tpu.vector_load %arg12[%get3A_629, %get3A_630] {strides = array<i32>} : memref<128x128xf32, #tpu.memory_space<vmem>>, vector<1x16xf32>,
      %get3A_632 = vector.shape_cast %get3A_631 : vector<1x16xf32> to vector<16xf32>
      %swap3A_633 = arith.index_cast %add3A_574 : i32 to index
      %swap3A_634 = arith.constant 96 : index
      %swap3A_635 = tpu.vector_load %arg10[%swap3A_633, %swap3A_634] {strides = array<i32>} : memref<128x128xf32, #tpu.memory_space<vmem>>, vector<1x16xf32>,
      %swap3A_636 = vector.shape_cast %swap3A_635 : vector<1x16xf32> to vector<16xf32>
      %swap3A_637 = vector.shape_cast %get3A_632 : vector<16xf32> to vector<1x16xf32>
      tpu.vector_store %arg10[%swap3A_633, %swap3A_634], %swap3A_637 {add = true, strides = array<i32>} : memref<128x128xf32, #tpu.memory_space<vmem>>, vector<1x16xf32>,
      %get3A_638 = arith.index_cast %add3A_574 : i32 to index
      %get3A_639 = arith.constant 112 : index
      %get3A_640 = tpu.vector_load %arg12[%get3A_638, %get3A_639] {strides = array<i32>} : memref<128x128xf32, #tpu.memory_space<vmem>>, vector<1x16xf32>,
      %get3A_641 = vector.shape_cast %get3A_640 : vector<1x16xf32> to vector<16xf32>
      %swap3A_642 = arith.index_cast %add3A_574 : i32 to index
      %swap3A_643 = arith.constant 112 : index
      %swap3A_644 = tpu.vector_load %arg10[%swap3A_642, %swap3A_643] {strides = array<i32>} : memref<128x128xf32, #tpu.memory_space<vmem>>, vector<1x16xf32>,
      %swap3A_645 = vector.shape_cast %swap3A_644 : vector<1x16xf32> to vector<16xf32>
      %swap3A_646 = vector.shape_cast %get3A_641 : vector<16xf32> to vector<1x16xf32>
      tpu.vector_store %arg10[%swap3A_642, %swap3A_643], %swap3A_646 {add = true, strides = array<i32>} : memref<128x128xf32, #tpu.memory_space<vmem>>, vector<1x16xf32>,
    }
    %scan3A_321 = arith.constant 32 : i32
    %add3A_322 = arith.constant 896 : i32
    %add3A_323 = arith.addi %mul3A_4, %add3A_322 : i32
    %dma_start3A_324 = arith.constant 0 : i32
    %dma_start3A_325 = tpu.memref_slice %arg5[%add3A_323, %dma_start3A_324] : memref<32768x128xf32, #tpu.memory_space<hbm>> -> memref<128x128xf32, #tpu.memory_space<hbm>>
    %dma_start3A_326 = arith.constant 0 : i32
    %dma_start3A_327 = tpu.memref_slice %arg5[%add3A_323, %dma_start3A_326] : memref<32768x128xf32, #tpu.memory_space<hbm>> -> memref<128x128xf32, #tpu.memory_space<hbm>>
    tpu.enqueue_dma source(%arg10 : memref<128x128xf32, #tpu.memory_space<vmem>>) target(%dma_start3A_327 : memref<128x128xf32, #tpu.memory_space<hbm>>) target_semaphore(%arg22 : memref<!tpu.dma_semaphore, #tpu.memory_space<semaphore_mem>>)
    %dma_wait3A_328 = arith.constant 0 : i32
    %dma_wait3A_329 = tpu.memref_slice %arg5[%add3A_242, %dma_wait3A_328] : memref<32768x128xf32, #tpu.memory_space<hbm>> -> memref<128x128xf32, #tpu.memory_space<hbm>>
    %dma_wait3A_330 = arith.constant 0 : i32
    %dma_wait3A_331 = tpu.memref_slice %arg5[%add3A_242, %dma_wait3A_330] : memref<32768x128xf32, #tpu.memory_space<hbm>> -> memref<128x128xf32, #tpu.memory_space<hbm>>
    tpu.wait_dma2 semaphore(%arg19 : memref<!tpu.dma_semaphore, #tpu.memory_space<semaphore_mem>>) src(%arg7 : memref<128x128xf32, #tpu.memory_space<vmem>>) dst(%dma_wait3A_331 : memref<128x128xf32, #tpu.memory_space<hbm>>)
    %dma_wait3A_332 = arith.constant 0 : i32
    %dma_wait3A_333 = tpu.memref_slice %arg5[%add3A_273, %dma_wait3A_332] : memref<32768x128xf32, #tpu.memory_space<hbm>> -> memref<128x128xf32, #tpu.memory_space<hbm>>
    %dma_wait3A_334 = arith.constant 0 : i32
    %dma_wait3A_335 = tpu.memref_slice %arg5[%add3A_273, %dma_wait3A_334] : memref<32768x128xf32, #tpu.memory_space<hbm>> -> memref<128x128xf32, #tpu.memory_space<hbm>>
    tpu.wait_dma2 semaphore(%arg20 : memref<!tpu.dma_semaphore, #tpu.memory_space<semaphore_mem>>) src(%arg8 : memref<128x128xf32, #tpu.memory_space<vmem>>) dst(%dma_wait3A_335 : memref<128x128xf32, #tpu.memory_space<hbm>>)
    %dma_wait3A_336 = arith.constant 0 : i32
    %dma_wait3A_337 = tpu.memref_slice %arg5[%add3A_298, %dma_wait3A_336] : memref<32768x128xf32, #tpu.memory_space<hbm>> -> memref<128x128xf32, #tpu.memory_space<hbm>>
    %dma_wait3A_338 = arith.constant 0 : i32
    %dma_wait3A_339 = tpu.memref_slice %arg5[%add3A_298, %dma_wait3A_338] : memref<32768x128xf32, #tpu.memory_space<hbm>> -> memref<128x128xf32, #tpu.memory_space<hbm>>
    tpu.wait_dma2 semaphore(%arg21 : memref<!tpu.dma_semaphore, #tpu.memory_space<semaphore_mem>>) src(%arg9 : memref<128x128xf32, #tpu.memory_space<vmem>>) dst(%dma_wait3A_339 : memref<128x128xf32, #tpu.memory_space<hbm>>)
    %dma_wait3A_340 = arith.constant 0 : i32
    %dma_wait3A_341 = tpu.memref_slice %arg5[%add3A_323, %dma_wait3A_340] : memref<32768x128xf32, #tpu.memory_space<hbm>> -> memref<128x128xf32, #tpu.memory_space<hbm>>
    %dma_wait3A_342 = arith.constant 0 : i32
    %dma_wait3A_343 = tpu.memref_slice %arg5[%add3A_323, %dma_wait3A_342] : memref<32768x128xf32, #tpu.memory_space<hbm>> -> memref<128x128xf32, #tpu.memory_space<hbm>>
    tpu.wait_dma2 semaphore(%arg22 : memref<!tpu.dma_semaphore, #tpu.memory_space<semaphore_mem>>) src(%arg10 : memref<128x128xf32, #tpu.memory_space<vmem>>) dst(%dma_wait3A_343 : memref<128x128xf32, #tpu.memory_space<hbm>>)
    return
  }
}

</mosaic_0001>

<sc_bundles>
// kernel: kernel.3.cloned.1.call-start
scs
__scs_entry_jumppad:
0x0: {  	(pc) =	sbr.rel $0x88, $3  }
0x1: {  	(tag) =	ssettag $0x0;
	lr =	simm.s32 $0x1  }
0x2: {  	[smem:$0x3F9E] =	sst lr;
	_ =	strace $0xD0000000  }
0x3: {  	_ = 	snop  }
0x4: {  	_ = 	snop  }
0x5: {  	_ = 	snop  }
0x6: {  	_ = 	snop  }
0x7: {  	_ = 	snop  }
__scs_overlays_trampoline_lowered:
0x8: {  	[smem:$0x3FAD] =	sst s0  }
0x9: {  	[smem:$0x3FAE] =	sst s1  }
0xa: {  	[smem:$0x3FAF] =	sst s2  }
0xb: {  	[smem:$0x3FB0] =	sst s3  }
0xc: {  	[smem:$0x3FB1] =	sst s4  }
0xd: {  	[smem:$0x3FB2] =	sst s5  }
0xe: {  	[smem:$0x3FB3] =	sst s6  }
0xf: {  	[smem:$0x3FB4] =	sst s7  }
0x10: {  	[smem:$0x3FB5] =	sst s8  }
0x11: {  	[smem:$0x3FB6] =	sst s9;
	s0 =	simm.s32 @!p0 $0x0  }
0x12: {  	s1 =	sld [smem:$0x3F9C];
	s0 =	simm.s32 @p0 $0x1  }
0x13: {  	[smem:$0x3FB7] =	sst s0;
	s0 =	simm.s32 @!p1 $0x0  }
0x14: {  	s2 =	sld [smem:$0x3F9B];
	s0 =	simm.s32 @p1 $0x1  }
0x15: {  	[smem:$0x3FB8] =	sst s0;
	s0 =	simm.s32 @!p2 $0x0  }
0x16: {  	s3 =	sld [smem:$0x3FDB];
	s0 =	simm.s32 @p2 $0x1  }
0x17: {  	s4 =	simm.s32 $0x1BF5;
	[smem:$0x3FBA] =	sst s0  }
0x18: {  	s0 =	sld [smem:$0x3F9D];
	_ =	swait.ge [sflag:s4], $0x0  }
0x19: {  	s7 =	sld [smem:$0x3F9E]  }
0x1a: {  	s8 =	sadd.s32 $0xFFFFE003, lr  }
0x1b: {  	s9 =	sadd.s32 $0xFFFFFEF7, lr;
	s5 =	simm.s32 $0xFFFFFFFF;
	p2 =	slt.u32 s8, $0xFFFFF086  }
0x1c: {  	p1 =	slt.u32 s9, $0xF7A;
	s5 =	simm.s32 @!p2 $0x0  }
0x1d: {  	s5 =	simm.s32 @p1 $0x1;
	p0 =	seq.s32 s7, s2  }
0x1e: {  	s7 =	smul.u32 @!p0 $0xF7A, s2;
	p2 =	seq.s32 @!p0 s5, $0x0  }
0x1f: {  	s9 =	smul.u32 $0xF7A, s1;
	s8 =	simm.s32 @!p0 $0x1BF5;
	p2 =	por !p2, p0  }
0x20: {  	[sflag:s8] =	ssyncset.s32 @!p0 $0xFFFFF086;
	s6 =	sadd.s32 @!p0 s3, s7;
	s7 =	simm.s32 @!p0 $0x108  }
0x21: {  	s3 =	sadd.s32 s3, s9;
	s6 =	sadd.s32 @!p0 $0x88, s6;
	s7 =	simm.s32 @p2 $0x1082  }
0x22: {  	[simem:s7], [sflag:s8] =	dma.local @!p0 [hbm:s6], $0xF7A  }
0x23: {  	s9 =	sor.u32 $0xD0000000, s2;
	s6 =	simm.s32 $0x108;
	_ =	swait.ge @!p0 [sflag:s8], $0x0  }
0x24: {  	s3 =	sadd.s32 $0x88, s3;
	s6 =	simm.s32 @!p1 $0x1082;
	[sflag:s4] =	ssyncset.s32 $0xFFFFF086  }
0x25: {  	[simem:s6], [sflag:s4] =	dma.local [hbm:s3], $0xF7A  }
0x26: {  	[smem:$0x3F9E] =	sst s1;
	(tag) =	ssettag s2;
	_ =	strace s9  }
0x27: {  	s1 =	sld [smem:$0x3FAE]  }
0x28: {  	s2 =	sld [smem:$0x3FAF]  }
0x29: {  	s4 =	sld [smem:$0x3FB1]  }
0x2a: {  	p0 =	seq.s32 s5, $0x0;
	s5 =	sld [smem:$0x3FB2]  }
0x2b: {  	s6 =	sld [smem:$0x3FB3]  }
0x2c: {  	s7 =	sld [smem:$0x3FB4]  }
0x2d: {  	s3 =	simm.s32 $0x108;
	s8 =	sld [smem:$0x3FB5]  }
0x2e: {  	s3 =	simm.s32 @!p0 $0x1082;
	s9 =	sld [smem:$0x3FB6]  }
0x2f: {  	lr =	sadd.s32 s0, s3;
	s0 =	sld [smem:$0x3FAD]  }
0x30: {  	s3 =	sld [smem:$0x3FB0]  }
0x31: {  	[smem:$0x3FB9] =	sst s10  }
0x32: {  	s10 =	sld [smem:$0x3FB7];
	_ =	sdelay $0x3  }
0x33: {  	p0 =	seq.s32 s10, $0x1;
	s10 =	sld [smem:$0x3FB9];
	_ =	sdelay $0x3  }
0x34: {  	[smem:$0x3FB9] =	sst s10  }
0x35: {  	s10 =	sld [smem:$0x3FB8];
	_ =	sdelay $0x3  }
0x36: {  	p1 =	seq.s32 s10, $0x1;
	s10 =	sld [smem:$0x3FB9];
	_ =	sdelay $0x3  }
0x37: {  	[smem:$0x3FB9] =	sst s10  }
0x38: {  	s10 =	sld [smem:$0x3FBA]  }
0x39: {  	_ = 	snop;
	(pc) =	sbr.ind lr, $3  }
0x3a: {  	_ = 	snop  }
0x3b: {  	_ = 	snop  }
0x3c: {  	p2 =	seq.s32 s10, $0x1;
	s10 =	sld [smem:$0x3FB9]  }
0x3d: {  	_ =	shalt  }
0x3e: {  	_ =	shalt  }
0x3f: {  	_ =	shalt  }
0x40: {  	_ =	shalt  }
0x41: {  	_ =	shalt  }
0x42: {  	_ =	shalt  }
0x43: {  	_ =	shalt  }
0x44: {  	_ =	shalt  }
0x45: {  	_ =	shalt  }
0x46: {  	_ =	shalt  }
0x47: {  	_ =	shalt  }
0x48: {  	_ =	shalt  }
0x49: {  	_ =	shalt  }
0x4a: {  	_ =	shalt  }
0x4b: {  	_ =	shalt  }
0x4c: {  	_ =	shalt  }
0x4d: {  	_ =	shalt  }
0x4e: {  	_ =	shalt  }
0x4f: {  	_ =	shalt  }
0x50: {  	_ =	shalt  }
0x51: {  	_ =	shalt  }
0x52: {  	_ =	shalt  }
0x53: {  	_ =	shalt  }
0x54: {  	_ =	shalt  }
0x55: {  	_ =	shalt  }
0x56: {  	_ =	shalt  }
0x57: {  	_ =	shalt  }
0x58: {  	_ =	shalt  }
0x59: {  	_ =	shalt  }
0x5a: {  	_ =	shalt  }
0x5b: {  	_ =	shalt  }
0x5c: {  	_ =	shalt  }
0x5d: {  	_ =	shalt  }
0x5e: {  	_ =	shalt  }
0x5f: {  	_ =	shalt  }
0x60: {  	_ =	shalt  }
0x61: {  	_ =	shalt  }
0x62: {  	_ =	shalt  }
0x63: {  	_ =	shalt  }
0x64: {  	_ =	shalt  }
0x65: {  	_ =	shalt  }
0x66: {  	_ =	shalt  }
0x67: {  	_ =	shalt  }
0x68: {  	_ =	shalt  }
0x69: {  	_ =	shalt  }
0x6a: {  	_ =	shalt  }
0x6b: {  	_ =	shalt  }
0x6c: {  	_ =	shalt  }
0x6d: {  	_ =	shalt  }
0x6e: {  	_ =	shalt  }
0x6f: {  	_ =	shalt  }
0x70: {  	_ =	shalt  }
0x71: {  	_ =	shalt  }
0x72: {  	_ =	shalt  }
0x73: {  	_ =	shalt  }
0x74: {  	_ =	shalt  }
0x75: {  	_ =	shalt  }
0x76: {  	_ =	shalt  }
0x77: {  	_ =	shalt  }
0x78: {  	_ =	shalt  }
0x79: {  	_ =	shalt  }
0x7a: {  	_ =	shalt  }
0x7b: {  	_ =	shalt  }
0x7c: {  	_ =	shalt  }
0x7d: {  	_ =	shalt  }
0x7e: {  	_ =	shalt  }
0x7f: {  	_ =	shalt  }
0x80: {  	_ =	shalt  }
0x81: {  	_ =	shalt  }
0x82: {  	_ =	shalt  }
0x83: {  	_ =	shalt  }
0x84: {  	_ =	shalt  }
0x85: {  	_ =	shalt  }
0x86: {  	_ =	shalt  }
0x87: {  	_ =	shalt  }
.Lfunc_end0:
.L_simem_size_0:
called_computation_lowered:
.L_overlay_start_0:
0x88: {  	s2 =	sld [smem:$0x3FD9]  }
0x89: {  	s3 =	sld [smem:$0x3FFE];
	_ =	sdelay $0x1  }
0x8a: {  	s1 =	srdreg.scid  }
0x8b: {  	s0 =	sand.u32 $0x1, s1  }
0x8c: {  	s18 =	sshll.u32 s0, $0xA;
	s2 =	sadd.s32 s3, s2  }
0x8d: {  	s2 =	sadd.s32 s2, s18  }
0x8e: {  	[smem:$0x3FC5] =	sst s2  }
0x8f: {  	_ = 	snop  }
0x90: {  	s2 =	sld [smem:$0x3FC9]  }
0x91: {  	s19 =	sld [smem:$0x3FC8]  }
0x92: {  	s4 =	sld [smem:$0x3FC7]  }
0x93: {  	s5 =	sld [smem:$0x3FD0];
	(tm) =	ssettm $0x1  }
0x94: {  	s6 =	sld [smem:$0x3FFB];
	_ =	sdelay $0x3  }
0x95: {  	_ =	strace s6  }
0x96: {  	s6 =	sld [smem:$0x3FFC];
	_ =	sdelay $0x3  }
0x97: {  	_ =	strace s6  }
0x98: {  	s6 =	sld [smem:$0x3FFD];
	_ =	sdelay $0x3  }
0x99: {  	_ =	strace s6  }
0x9a: {  	_ =	strace $0x8FFFFFFF  }
0x9b: {  	s20 =	sld [smem:$0x3FDB];
	_ =	sdelay $0x1  }
0x9c: {  	s7 =	simm.s32 $_scs_section_size  }
0x9d: {  	s8 =	simm.s32 $_size__tile_overlayer_lowered;
	s9 =	simm.s32 $_tile_overlayer_lowered  }
0x9e: {  	s23 =	simm.s32 $0x1BFF;
	s22 =	sshll.u32 s9, $0x1;
	s6 =	sadd.s32 s7, s20  }
0x9f: {  	s10 =	simm.s32 $0x0;
	s21 =	sshll.u32 s8, $0x1;
	s8 =	sadd.s32 s22, s6  }
0xa0: {  	[timem:s10], [sflag:s23] =	dma.local [hbm:s8], s21  }
0xa1: {  	_ =	swait.ge [sflag:s23], s21  }
0xa2: {  	s7 =	ssub.s32 $0x0, s21;
	[sflag:s23] =	ssyncset.done $0x0  }
0xa3: {  	[sflag:s23] =	ssyncadd.s32 s7;
	_ =	sdelay $0x1  }
0xa4: {  	s24 =	simm.s32 $0x1B8B  }
0xa5: {  	_ =	swait.ge [sflag:s24], $0x1  }
0xa6: {  	[sflag:s24] =	ssyncset.done $0x0  }
0xa7: {  	s25 =	simm.s32 $0x1B8E;
	[sflag:s24] =	ssyncadd.s32 $0xFFFFFFFF  }
0xa8: {  	s26 =	simm.s32 $execute0_lowered;
	[smem:$0x3FD2] =	sst s25  }
0xa9: {  	s7 =	sshll.u32 s26, $0x1;
	_ =	strace $0x80000046;
	[dreg:$0x1] =	wrdreg $0xFFFFFFFF  }
0xaa: {  	s28 =	simm.s32 $_size_execute0_lowered;
	s6 =	sadd.s32 s6, s7;
	[dreg:$0x0] =	wrdreg $0x0  }
0xab: {  	s7 =	sshll.u32 s28, $0x1;
	[dreg:$0x2] =	wrdreg s6  }
0xac: {  	[dreg:$0x3] =	wrdreg s7  }
0xad: {  	[dreg:$0x4] =	wrdreg $0xC0  }
0xae: {  	_ =	task [dreg:s10], $0x5FFFF  }
0xaf: {  	[dreg:$0x1] =	wrdreg $0xFFFFFFFF  }
0xb0: {  	[dreg:$0x0] =	wrdreg $0x60  }
0xb1: {  	[dreg:$0x2] =	wrdreg s2  }
0xb2: {  	[dreg:$0x3] =	wrdreg s19  }
0xb3: {  	[dreg:$0x4] =	wrdreg s4  }
0xb4: {  	[dreg:$0x5] =	wrdreg s5  }
0xb5: {  	[dreg:$0x6] =	wrdreg $0x1C4000  }
0xb6: {  	[dreg:$0x7] =	wrdreg $0x9  }
0xb7: {  	_ =	task.clear_ibuf [dreg:s10], $0x8FFFF;
	_ =	strace $0x90000046  }
0xb8: {  	s29 =	simm.s32 $0x9;
	_ =	strace $0x80000048  }
0xb9: {  	_ =	swait.ge [sflag:s29], $0x1  }
0xba: {  	[sflag:s29] =	ssyncadd.s32 $0xFFFFFFFF  }
0xbb: {  	_ =	strace $0x90000048  }
0xbc: {  	_ =	sfence  }
0xbd: {  	s30 =	sld [smem:$0x0];
	_ =	sdelay $0x2  }
0xbe: {  	s31 =	sshll.u32 s1, $0xD;
	s1 =	sshrl.u32 s1, $0x2  }
0xbf: {  	s3 =	sand.u32 $0x4000, s31;
	s1 =	sadd.s32 s1, s30  }
0xc0: {  	s0 =	sor.u32 s3, s0;
	s1 =	sshll.u32 s1, $0x11  }
0xc1: {  	s0 =	sor.u32 s1, s0  }
0xc2: {  	s0 =	sadd.s32 $0x8F2B, s0  }
0xc3: {  	[sflag:s0] =	ssyncadd.remote.s32 $0x1  }
0xc4: {  	_ =	sfence.sel $0xFFFF  }
0xc5: {  	[dreg:$0x0] =	wrdreg $0xFFFFFFFF;
	(pc) =	sbr.abs _section_cstart, $3  }
0xc6: {  	[dreg:$0x1] =	wrdreg $0xFFFFFFFF  }
0xc7: {  	_ =	task.clear_ibuf [dreg:s10], $0x2FFFF;
	_ =	strace $0x9FFFFFFF  }
0xc8: {  	(tm) =	ssettm $0x7FFFFFFF  }
0xc9: {  	_ =	shalt  }
tec
execute0_lowered:
.L_overlay_start_1:
0x0: {  	(tag) =	ssettag $0x1  }
0x1: {  	s0 =	rddreg [dreg:$0x0]  }
0x2: {  	s1 =	rddreg [dreg:$0x1]  }
0x3: {  	s3 =	rddreg [dreg:$0x2]  }
0x4: {  	s5 =	rddreg [dreg:$0x3]  }
0x5: {  	s2 =	rddreg [dreg:$0x4];
	s4 =	simm.s32 $0x0  }
0x6: {  	s6 =	srdreg.scid;
	s12 =	stileid.u32;
	s28 =	simm.s32 $0x8400  }
0x7: {  	s29 =	simm.s32 $0x10400;
	s30 =	simm.s32 $0x14400;
	s31 =	simm.s32 $0x1  }
0x8: {  	s13 =	simm.s32 $0x4;
	[smem:$0x7FF] =	sst s4;
	s6 =	sand.u32 $0x1, s6  }
0x9: {  	s7 =	sshll.u32 s12, $0x1;
	s14 =	sshll.u32 s12, $0x8;
	s16 =	sshll.u32 s12, $0xC  }
0xa: {  	s17 =	sshll.u32 s12, $0x9;
	s26 =	sshll.u32 s12, $0x6;
	s12 =	simm.s32 $0xB  }
0xb: {  	_ =	strace $0x80000047;
	s8 =	ssub.s32 $0x2, s6;
	s6 =	sor.u32 s6, s7  }
0xc: {  	s7 =	sand.u32 $0xE00, s14;
	s3 =	sadd.s32 s3, s17;
	s14 =	simm.s32 $0x7  }
0xd: {  	s9 =	sshrl.u32 s8, $0x1;
	s10 =	sshll.u32 s6, $0x5;
	s0 =	sadd.s32 s0, s7  }
0xe: {  	[dreg:$0x7] =	wrdreg s3;
	s18 =	sshll.u32 s6, $0xE;
	s15 =	sand.u32 $0x60, s10  }
0xf: {  	s11 =	ssub.s32 s8, s9;
	s9 =	sadd.s32 s5, s18;
	s0 =	sadd.s32 s15, s0  }
0x10: {  	s7 =	sadd.s32 $0x4000, s2;
	s3 =	sadd.s32 $0x800, s9;
	[dreg:$0x6] =	wrdreg s0  }
0x11: {  	s6 =	simm.s32 $0xA;
	s19 =	sadd.s32 $0x1000, s9;
	[dreg:$0x8] =	wrdreg s3  }
0x12: {  	s8 =	sadd.s32 $0x8000, s2;
	s20 =	sadd.s32 $0x1800, s9;
	[dreg:$0x9] =	wrdreg s19  }
0x13: {  	s10 =	sadd.s32 $0xC000, s2;
	s21 =	sadd.s32 $0x2000, s9;
	[dreg:$0xa] =	wrdreg s20  }
0x14: {  	s5 =	simm.s32 $0x5;
	s22 =	sadd.s32 $0x2800, s9;
	[dreg:$0xb] =	wrdreg s21  }
0x15: {  	s23 =	sadd.s32 $0x3000, s9;
	s24 =	sadd.s32 $0x3800, s9;
	[dreg:$0xc] =	wrdreg s22  }
0x16: {  	s25 =	smax.u32 s11, $0x1;
	s11 =	simm.s32 $0x6;
	[dreg:$0xd] =	wrdreg s23  }
0x17: {  	s15 =	simm.s32 $0x8;
	s0 =	sadd.s32 s16, s2;
	[dreg:$0xe] =	wrdreg s24  }
0x18: {  	[dreg:$0xf] =	wrdreg s25;
	s20 =	simm.s32 $0x400;
	s21 =	simm.s32 $0xC  }
0x19: {  	s22 =	simm.s32 $0x80;
	s23 =	simm.s32 $0x4400;
	s24 =	sor.u32 $0x1C0C, s26  }
0x1a: {  	s3 =	simm.s32 $0xC400;
	s19 =	simm.s32 $0x2;
	s26 =	simm.s32 $0x3  }
0x1b: {  	s16 =	simm.s32 $0x0;
	s25 =	sshrl.u32 s0, $0x3;
	s0 =	simm.s32 $0x9  }
.LBB2_1:
0x1c: {  	s17 =	rddreg [dreg:$0x6];
	s18 =	simm.s32 $0x100  }
0x1d: {  	[tilespmem:s4], [sflag:$0xC] =	stream.strided.gather [hbm4b:s17+s18], $0x400, s20, s18, $0x38;
	[tilespmem:$0x1D400] =	vst v63  }
0x1e: {  	_ =	swait.ge [sflag:s21], $0x400  }
0x1f: {  	[sflag:s21] =	ssyncset.done $0x0  }
0x20: {  	[sflag:s21] =	ssyncadd.s32 $0xFFFFFC00  }
0x21: {  	[tilespmem:s20], [sflag:$0x1] =	stream.indirect.gather [hbm4b:s1+s22], $0x80, s4, s22, $0xb8;
	[tilespmem:$0x1D400] =	vst v63  }
0x22: {  	_ = 	snop  }
0x23: {  	[tilespmem:s23], [sflag:$0x2] =	stream.indirect.gather [hbm4b:s1+s22], $0x80, s18, s22, $0xb8;
	[tilespmem:$0x1D400] =	vst v63  }
0x24: {  	s18 =	simm.s32 $0x200  }
0x25: {  	[tilespmem:s28], [sflag:$0x3] =	stream.indirect.gather [hbm4b:s1+s22], $0x80, s18, s22, $0xb8;
	[tilespmem:$0x1D400] =	vst v63  }
0x26: {  	s18 =	rddreg [dreg:$0x7]  }
0x27: {  	[spmem:s25], [sflag:s24] =	dma.local [hbm:s18], $0x200  }
0x28: {  	_ =	swait.ge [sflag:s21], $0x200  }
0x29: {  	[sflag:s21] =	ssyncset.done $0x0  }
0x2a: {  	[sflag:s21] =	ssyncadd.s32 $0xFFFFFE00  }
0x2b: {  	[bflag:$0x0] =	sbarrier.arrive $0xFFFF  }
0x2c: {  	[tilespmem:s29], [sflag:$0x9] =	stream.linear.gather [spmem:s2], $0x4000, $0x38;
	[tilespmem:$0x1D400] =	vst v63  }
0x2d: {  	_ = 	snop  }
0x2e: {  	[tilespmem:s30], [sflag:$0xA] =	stream.linear.gather [spmem:s7], $0x4000, $0x38;
	[tilespmem:$0x1D400] =	vst v63  }
0x2f: {  	_ =	swait.ge [sflag:s31], $0x4000  }
0x30: {  	[sflag:s31] =	ssyncset.done $0x0  }
0x31: {  	s18 =	simm.s32 $0x300;
	[sflag:s31] =	ssyncadd.s32 $0xFFFFC000  }
0x32: {  	[tilespmem:s3], [sflag:$0x4] =	stream.indirect.gather [hbm4b:s1+s22], $0x80, s18, s22, $0xb8;
	[tilespmem:$0x1D400] =	vst v63  }
0x33: {  	s18 =	simm.s32 $0x18400  }
0x34: {  	[tilespmem:s18], [sflag:$0xB] =	stream.linear.gather [spmem:s8], $0x4000, $0x38;
	[tilespmem:$0x1D400] =	vst v63  }
0x35: {  	_ =	swait.ge [sflag:s0], $0x4000  }
0x36: {  	[sflag:s0] =	ssyncset.done $0x0  }
0x37: {  	s17 =	simm.s32 $0x0;
	s18 =	simm.s32 $0x800;
	[sflag:s0] =	ssyncadd.s32 $0xFFFFC000  }
.LBB2_2:
0x38: {  	p0 =	sne.s32 s18, $0xF800;
	v0 =	vld [tilespmem:s17+$0x105F0]  }
0x39: {  	v1 =	vld [tilespmem:s17+$0x10400]  }
0x3a: {  	v2 =	vld [tilespmem:s17+$0x10410]  }
0x3b: {  	v3 =	vld [tilespmem:s17+$0x10420]  }
0x3c: {  	v4 =	vld [tilespmem:s17+$0x10430]  }
0x3d: {  	[tilespmem:s17+$0x5F0] =	vst.add.f32.msk $0xffff, v0  }
0x3e: {  	v0 =	vld [tilespmem:s17+$0x10440]  }
0x3f: {  	v5 =	vld [tilespmem:s17+$0x10450]  }
0x40: {  	v6 =	vld [tilespmem:s17+$0x10460]  }
0x41: {  	v7 =	vld [tilespmem:s17+$0x10470]  }
0x42: {  	v8 =	vld [tilespmem:s17+$0x10480]  }
0x43: {  	v9 =	vld [tilespmem:s17+$0x10490]  }
0x44: {  	v10 =	vld [tilespmem:s17+$0x104A0]  }
0x45: {  	v11 =	vld [tilespmem:s17+$0x104B0]  }
0x46: {  	v12 =	vld [tilespmem:s17+$0x104C0]  }
0x47: {  	v13 =	vld [tilespmem:s17+$0x104D0]  }
0x48: {  	v14 =	vld [tilespmem:s17+$0x104E0]  }
0x49: {  	v15 =	vld [tilespmem:s17+$0x104F0]  }
0x4a: {  	v16 =	vld [tilespmem:s17+$0x10500]  }
0x4b: {  	v17 =	vld [tilespmem:s17+$0x10510]  }
0x4c: {  	v18 =	vld [tilespmem:s17+$0x10520]  }
0x4d: {  	v19 =	vld [tilespmem:s17+$0x10530]  }
0x4e: {  	v20 =	vld [tilespmem:s17+$0x10540]  }
0x4f: {  	v21 =	vld [tilespmem:s17+$0x10550]  }
0x50: {  	v22 =	vld [tilespmem:s17+$0x10560]  }
0x51: {  	v23 =	vld [tilespmem:s17+$0x10570]  }
0x52: {  	v24 =	vld [tilespmem:s17+$0x10580]  }
0x53: {  	v25 =	vld [tilespmem:s17+$0x10590]  }
0x54: {  	v26 =	vld [tilespmem:s17+$0x105A0]  }
0x55: {  	v27 =	vld [tilespmem:s17+$0x105B0]  }
0x56: {  	v28 =	vld [tilespmem:s17+$0x105C0]  }
0x57: {  	v29 =	vld [tilespmem:s17+$0x105D0]  }
0x58: {  	v30 =	vld [tilespmem:s17+$0x105E0]  }
0x59: {  	[tilespmem:s17+$0x400] =	vst.add.f32.msk $0xffff, v1  }
0x5a: {  	[tilespmem:s17+$0x410] =	vst.add.f32.msk $0xffff, v2  }
0x5b: {  	[tilespmem:s17+$0x420] =	vst.add.f32.msk $0xffff, v3  }
0x5c: {  	[tilespmem:s17+$0x430] =	vst.add.f32.msk $0xffff, v4  }
0x5d: {  	[tilespmem:s17+$0x440] =	vst.add.f32.msk $0xffff, v0  }
0x5e: {  	[tilespmem:s17+$0x450] =	vst.add.f32.msk $0xffff, v5  }
0x5f: {  	[tilespmem:s17+$0x460] =	vst.add.f32.msk $0xffff, v6  }
0x60: {  	[tilespmem:s17+$0x470] =	vst.add.f32.msk $0xffff, v7  }
0x61: {  	[tilespmem:s17+$0x480] =	vst.add.f32.msk $0xffff, v8  }
0x62: {  	[tilespmem:s17+$0x490] =	vst.add.f32.msk $0xffff, v9  }
0x63: {  	[tilespmem:s17+$0x4A0] =	vst.add.f32.msk $0xffff, v10  }
0x64: {  	[tilespmem:s17+$0x4B0] =	vst.add.f32.msk $0xffff, v11  }
0x65: {  	[tilespmem:s17+$0x4C0] =	vst.add.f32.msk $0xffff, v12  }
0x66: {  	[tilespmem:s17+$0x4D0] =	vst.add.f32.msk $0xffff, v13  }
0x67: {  	[tilespmem:s17+$0x4E0] =	vst.add.f32.msk $0xffff, v14  }
0x68: {  	[tilespmem:s17+$0x4F0] =	vst.add.f32.msk $0xffff, v15  }
0x69: {  	[tilespmem:s17+$0x500] =	vst.add.f32.msk $0xffff, v16  }
0x6a: {  	[tilespmem:s17+$0x510] =	vst.add.f32.msk $0xffff, v17  }
0x6b: {  	[tilespmem:s17+$0x520] =	vst.add.f32.msk $0xffff, v18  }
0x6c: {  	[tilespmem:s17+$0x530] =	vst.add.f32.msk $0xffff, v19  }
0x6d: {  	[tilespmem:s17+$0x540] =	vst.add.f32.msk $0xffff, v20  }
0x6e: {  	[tilespmem:s17+$0x550] =	vst.add.f32.msk $0xffff, v21  }
0x6f: {  	[tilespmem:s17+$0x560] =	vst.add.f32.msk $0xffff, v22  }
0x70: {  	[tilespmem:s17+$0x570] =	vst.add.f32.msk $0xffff, v23  }
0x71: {  	[tilespmem:s17+$0x580] =	vst.add.f32.msk $0xffff, v24  }
0x72: {  	[tilespmem:s17+$0x590] =	vst.add.f32.msk $0xffff, v25  }
.Ltmp0:
0x73: {  	[tilespmem:s17+$0x5A0] =	vst.add.f32.msk $0xffff, v26;
	(pc) =	sbr.rel @p0 .LBB2_2-.Ltmp0, $4  }
0x74: {  	[tilespmem:s17+$0x5B0] =	vst.add.f32.msk $0xffff, v27  }
0x75: {  	[tilespmem:s17+$0x5C0] =	vst.add.f32.msk $0xffff, v28  }
0x76: {  	[tilespmem:s17+$0x5D0] =	vst.add.f32.msk $0xffff, v29  }
0x77: {  	[tilespmem:s17+$0x5E0] =	vst.add.f32.msk $0xffff, v30;
	s17 =	sshra.s32 s18, $0x2;
	s18 =	sadd.s32 $0x800, s18  }
0x78: {  	v0 =	vld [tilespmem:s17+$0x105F0]  }
0x79: {  	v1 =	vld [tilespmem:s17+$0x10400]  }
0x7a: {  	v2 =	vld [tilespmem:s17+$0x10410]  }
0x7b: {  	v3 =	vld [tilespmem:s17+$0x10420]  }
0x7c: {  	v4 =	vld [tilespmem:s17+$0x10430]  }
0x7d: {  	v63 =	vld [tilespmem:s17+$0x10440]  }
0x7e: {  	v5 =	vld [tilespmem:s17+$0x10450]  }
0x7f: {  	v6 =	vld [tilespmem:s17+$0x10460]  }
0x80: {  	v7 =	vld [tilespmem:s17+$0x10470]  }
0x81: {  	v8 =	vld [tilespmem:s17+$0x10480]  }
0x82: {  	v9 =	vld [tilespmem:s17+$0x10490]  }
0x83: {  	v10 =	vld [tilespmem:s17+$0x104A0]  }
0x84: {  	v11 =	vld [tilespmem:s17+$0x104B0]  }
0x85: {  	v12 =	vld [tilespmem:s17+$0x104C0]  }
0x86: {  	v13 =	vld [tilespmem:s17+$0x104D0]  }
0x87: {  	v14 =	vld [tilespmem:s17+$0x104E0]  }
0x88: {  	v15 =	vld [tilespmem:s17+$0x104F0]  }
0x89: {  	v16 =	vld [tilespmem:s17+$0x10500]  }
0x8a: {  	v17 =	vld [tilespmem:s17+$0x10510]  }
0x8b: {  	v18 =	vld [tilespmem:s17+$0x10520]  }
0x8c: {  	v19 =	vld [tilespmem:s17+$0x10530]  }
0x8d: {  	v20 =	vld [tilespmem:s17+$0x10540]  }
0x8e: {  	v21 =	vld [tilespmem:s17+$0x10550]  }
0x8f: {  	v22 =	vld [tilespmem:s17+$0x10560]  }
0x90: {  	v23 =	vld [tilespmem:s17+$0x10570]  }
0x91: {  	v24 =	vld [tilespmem:s17+$0x10580]  }
0x92: {  	v25 =	vld [tilespmem:s17+$0x10590]  }
0x93: {  	v26 =	vld [tilespmem:s17+$0x105A0]  }
0x94: {  	v27 =	vld [tilespmem:s17+$0x105B0]  }
0x95: {  	v28 =	vld [tilespmem:s17+$0x105C0]  }
0x96: {  	v29 =	vld [tilespmem:s17+$0x105D0]  }
0x97: {  	v30 =	vld [tilespmem:s17+$0x105E0]  }
0x98: {  	[tilespmem:s17+$0x5F0] =	vst.add.f32.msk $0xffff, v0  }
0x99: {  	[tilespmem:s17+$0x400] =	vst.add.f32.msk $0xffff, v1  }
0x9a: {  	[tilespmem:s17+$0x410] =	vst.add.f32.msk $0xffff, v2  }
0x9b: {  	[tilespmem:s17+$0x420] =	vst.add.f32.msk $0xffff, v3  }
0x9c: {  	[tilespmem:s17+$0x430] =	vst.add.f32.msk $0xffff, v4  }
0x9d: {  	[tilespmem:s17+$0x440] =	vst.add.f32.msk $0xffff, v63  }
0x9e: {  	[tilespmem:s17+$0x450] =	vst.add.f32.msk $0xffff, v5  }
0x9f: {  	[tilespmem:s17+$0x460] =	vst.add.f32.msk $0xffff, v6  }
0xa0: {  	[tilespmem:s17+$0x470] =	vst.add.f32.msk $0xffff, v7  }
0xa1: {  	[tilespmem:s17+$0x480] =	vst.add.f32.msk $0xffff, v8  }
0xa2: {  	[tilespmem:s17+$0x490] =	vst.add.f32.msk $0xffff, v9  }
0xa3: {  	[tilespmem:s17+$0x4A0] =	vst.add.f32.msk $0xffff, v10  }
0xa4: {  	[tilespmem:s17+$0x4B0] =	vst.add.f32.msk $0xffff, v11  }
0xa5: {  	[tilespmem:s17+$0x4C0] =	vst.add.f32.msk $0xffff, v12  }
0xa6: {  	[tilespmem:s17+$0x4D0] =	vst.add.f32.msk $0xffff, v13  }
0xa7: {  	[tilespmem:s17+$0x4E0] =	vst.add.f32.msk $0xffff, v14  }
0xa8: {  	[tilespmem:s17+$0x4F0] =	vst.add.f32.msk $0xffff, v15  }
0xa9: {  	[tilespmem:s17+$0x500] =	vst.add.f32.msk $0xffff, v16  }
0xaa: {  	[tilespmem:s17+$0x510] =	vst.add.f32.msk $0xffff, v17  }
0xab: {  	[tilespmem:s17+$0x520] =	vst.add.f32.msk $0xffff, v18  }
0xac: {  	[tilespmem:s17+$0x530] =	vst.add.f32.msk $0xffff, v19  }
0xad: {  	[tilespmem:s17+$0x540] =	vst.add.f32.msk $0xffff, v20  }
0xae: {  	[tilespmem:s17+$0x550] =	vst.add.f32.msk $0xffff, v21  }
0xaf: {  	[tilespmem:s17+$0x560] =	vst.add.f32.msk $0xffff, v22  }
0xb0: {  	[tilespmem:s17+$0x570] =	vst.add.f32.msk $0xffff, v23  }
0xb1: {  	[tilespmem:s17+$0x580] =	vst.add.f32.msk $0xffff, v24  }
0xb2: {  	[tilespmem:s17+$0x590] =	vst.add.f32.msk $0xffff, v25  }
0xb3: {  	[tilespmem:s17+$0x5A0] =	vst.add.f32.msk $0xffff, v26  }
0xb4: {  	[tilespmem:s17+$0x5B0] =	vst.add.f32.msk $0xffff, v27  }
0xb5: {  	[tilespmem:s17+$0x5C0] =	vst.add.f32.msk $0xffff, v28  }
0xb6: {  	[tilespmem:s17+$0x5D0] =	vst.add.f32.msk $0xffff, v29  }
0xb7: {  	s18 =	simm.s32 $0x0;
	[tilespmem:s17+$0x5E0] =	vst.add.f32.msk $0xffff, v30  }
0xb8: {  	[hbm4b:s9+s18] =	stream.linear.scatter [tilespmem:s20], [sflag:$0x5], $0x4000, $0x38;
	[tilespmem:$0x1D400] =	vst v63  }
0xb9: {  	_ =	swait.ge [sflag:s19], $0x4000  }
0xba: {  	[sflag:s19] =	ssyncset.done $0x0  }
0xbb: {  	[sflag:s19] =	ssyncadd.s32 $0xFFFFC000  }
0xbc: {  	_ =	swait.ge [sflag:s5], $0x4000  }
0xbd: {  	[sflag:s5] =	ssyncset.done $0x0  }
0xbe: {  	[sflag:s5] =	ssyncadd.s32 $0xFFFFC000  }
0xbf: {  	[tilespmem:s20], [sflag:$0x1] =	stream.indirect.gather [hbm4b:s1+s22], $0x80, s22, s22, $0xb8;
	[tilespmem:$0x1D400] =	vst v63  }
0xc0: {  	_ = 	snop  }
0xc1: {  	[tilespmem:s29], [sflag:$0x9] =	stream.linear.gather [spmem:s10], $0x4000, $0x38;
	[tilespmem:$0x1D400] =	vst v63  }
0xc2: {  	_ =	swait.ge [sflag:s6], $0x4000  }
0xc3: {  	[sflag:s6] =	ssyncset.done $0x0  }
0xc4: {  	s17 =	simm.s32 $0x0;
	s18 =	simm.s32 $0x800;
	[sflag:s6] =	ssyncadd.s32 $0xFFFFC000  }
.LBB2_4:
0xc5: {  	p0 =	sne.s32 s18, $0xF800;
	v0 =	vld [tilespmem:s17+$0x145F0]  }
0xc6: {  	v1 =	vld [tilespmem:s17+$0x14400]  }
0xc7: {  	v2 =	vld [tilespmem:s17+$0x14410]  }
0xc8: {  	v3 =	vld [tilespmem:s17+$0x14420]  }
0xc9: {  	v4 =	vld [tilespmem:s17+$0x14430]  }
0xca: {  	[tilespmem:s17+$0x45F0] =	vst.add.f32.msk $0xffff, v0  }
0xcb: {  	v0 =	vld [tilespmem:s17+$0x14440]  }
0xcc: {  	v5 =	vld [tilespmem:s17+$0x14450]  }
0xcd: {  	v6 =	vld [tilespmem:s17+$0x14460]  }
0xce: {  	v7 =	vld [tilespmem:s17+$0x14470]  }
0xcf: {  	v8 =	vld [tilespmem:s17+$0x14480]  }
0xd0: {  	v9 =	vld [tilespmem:s17+$0x14490]  }
0xd1: {  	v10 =	vld [tilespmem:s17+$0x144A0]  }
0xd2: {  	v11 =	vld [tilespmem:s17+$0x144B0]  }
0xd3: {  	v12 =	vld [tilespmem:s17+$0x144C0]  }
0xd4: {  	v13 =	vld [tilespmem:s17+$0x144D0]  }
0xd5: {  	v14 =	vld [tilespmem:s17+$0x144E0]  }
0xd6: {  	v15 =	vld [tilespmem:s17+$0x144F0]  }
0xd7: {  	v16 =	vld [tilespmem:s17+$0x14500]  }
0xd8: {  	v17 =	vld [tilespmem:s17+$0x14510]  }
0xd9: {  	v18 =	vld [tilespmem:s17+$0x14520]  }
0xda: {  	v19 =	vld [tilespmem:s17+$0x14530]  }
0xdb: {  	v20 =	vld [tilespmem:s17+$0x14540]  }
0xdc: {  	v21 =	vld [tilespmem:s17+$0x14550]  }
0xdd: {  	v22 =	vld [tilespmem:s17+$0x14560]  }
0xde: {  	v23 =	vld [tilespmem:s17+$0x14570]  }
0xdf: {  	v24 =	vld [tilespmem:s17+$0x14580]  }
0xe0: {  	v25 =	vld [tilespmem:s17+$0x14590]  }
0xe1: {  	v26 =	vld [tilespmem:s17+$0x145A0]  }
0xe2: {  	v27 =	vld [tilespmem:s17+$0x145B0]  }
0xe3: {  	v28 =	vld [tilespmem:s17+$0x145C0]  }
0xe4: {  	v29 =	vld [tilespmem:s17+$0x145D0]  }
0xe5: {  	v30 =	vld [tilespmem:s17+$0x145E0]  }
0xe6: {  	[tilespmem:s17+$0x4400] =	vst.add.f32.msk $0xffff, v1  }
0xe7: {  	[tilespmem:s17+$0x4410] =	vst.add.f32.msk $0xffff, v2  }
0xe8: {  	[tilespmem:s17+$0x4420] =	vst.add.f32.msk $0xffff, v3  }
0xe9: {  	[tilespmem:s17+$0x4430] =	vst.add.f32.msk $0xffff, v4  }
0xea: {  	[tilespmem:s17+$0x4440] =	vst.add.f32.msk $0xffff, v0  }
0xeb: {  	[tilespmem:s17+$0x4450] =	vst.add.f32.msk $0xffff, v5  }
0xec: {  	[tilespmem:s17+$0x4460] =	vst.add.f32.msk $0xffff, v6  }
0xed: {  	[tilespmem:s17+$0x4470] =	vst.add.f32.msk $0xffff, v7  }
0xee: {  	[tilespmem:s17+$0x4480] =	vst.add.f32.msk $0xffff, v8  }
0xef: {  	[tilespmem:s17+$0x4490] =	vst.add.f32.msk $0xffff, v9  }
0xf0: {  	[tilespmem:s17+$0x44A0] =	vst.add.f32.msk $0xffff, v10  }
0xf1: {  	[tilespmem:s17+$0x44B0] =	vst.add.f32.msk $0xffff, v11  }
0xf2: {  	[tilespmem:s17+$0x44C0] =	vst.add.f32.msk $0xffff, v12  }
0xf3: {  	[tilespmem:s17+$0x44D0] =	vst.add.f32.msk $0xffff, v13  }
0xf4: {  	[tilespmem:s17+$0x44E0] =	vst.add.f32.msk $0xffff, v14  }
0xf5: {  	[tilespmem:s17+$0x44F0] =	vst.add.f32.msk $0xffff, v15  }
0xf6: {  	[tilespmem:s17+$0x4500] =	vst.add.f32.msk $0xffff, v16  }
0xf7: {  	[tilespmem:s17+$0x4510] =	vst.add.f32.msk $0xffff, v17  }
0xf8: {  	[tilespmem:s17+$0x4520] =	vst.add.f32.msk $0xffff, v18  }
0xf9: {  	[tilespmem:s17+$0x4530] =	vst.add.f32.msk $0xffff, v19  }
0xfa: {  	[tilespmem:s17+$0x4540] =	vst.add.f32.msk $0xffff, v20  }
0xfb: {  	[tilespmem:s17+$0x4550] =	vst.add.f32.msk $0xffff, v21  }
0xfc: {  	[tilespmem:s17+$0x4560] =	vst.add.f32.msk $0xffff, v22  }
0xfd: {  	[tilespmem:s17+$0x4570] =	vst.add.f32.msk $0xffff, v23  }
0xfe: {  	[tilespmem:s17+$0x4580] =	vst.add.f32.msk $0xffff, v24  }
0xff: {  	[tilespmem:s17+$0x4590] =	vst.add.f32.msk $0xffff, v25  }
.Ltmp1:
0x100: {  	[tilespmem:s17+$0x45A0] =	vst.add.f32.msk $0xffff, v26;
	(pc) =	sbr.rel @p0 .LBB2_4-.Ltmp1, $4  }
0x101: {  	[tilespmem:s17+$0x45B0] =	vst.add.f32.msk $0xffff, v27  }
0x102: {  	[tilespmem:s17+$0x45C0] =	vst.add.f32.msk $0xffff, v28  }
0x103: {  	[tilespmem:s17+$0x45D0] =	vst.add.f32.msk $0xffff, v29  }
0x104: {  	[tilespmem:s17+$0x45E0] =	vst.add.f32.msk $0xffff, v30;
	s17 =	sshra.s32 s18, $0x2;
	s18 =	sadd.s32 $0x800, s18  }
0x105: {  	v0 =	vld [tilespmem:s17+$0x145F0]  }
0x106: {  	v1 =	vld [tilespmem:s17+$0x14400]  }
0x107: {  	v2 =	vld [tilespmem:s17+$0x14410]  }
0x108: {  	v3 =	vld [tilespmem:s17+$0x14420]  }
0x109: {  	v4 =	vld [tilespmem:s17+$0x14430]  }
0x10a: {  	v63 =	vld [tilespmem:s17+$0x14440]  }
0x10b: {  	v5 =	vld [tilespmem:s17+$0x14450]  }
0x10c: {  	v6 =	vld [tilespmem:s17+$0x14460]  }
0x10d: {  	v7 =	vld [tilespmem:s17+$0x14470]  }
0x10e: {  	v8 =	vld [tilespmem:s17+$0x14480]  }
0x10f: {  	v9 =	vld [tilespmem:s17+$0x14490]  }
0x110: {  	v10 =	vld [tilespmem:s17+$0x144A0]  }
0x111: {  	v11 =	vld [tilespmem:s17+$0x144B0]  }
0x112: {  	v12 =	vld [tilespmem:s17+$0x144C0]  }
0x113: {  	v13 =	vld [tilespmem:s17+$0x144D0]  }
0x114: {  	v14 =	vld [tilespmem:s17+$0x144E0]  }
0x115: {  	v15 =	vld [tilespmem:s17+$0x144F0]  }
0x116: {  	v16 =	vld [tilespmem:s17+$0x14500]  }
0x117: {  	v17 =	vld [tilespmem:s17+$0x14510]  }
0x118: {  	v18 =	vld [tilespmem:s17+$0x14520]  }
0x119: {  	v19 =	vld [tilespmem:s17+$0x14530]  }
0x11a: {  	v20 =	vld [tilespmem:s17+$0x14540]  }
0x11b: {  	v21 =	vld [tilespmem:s17+$0x14550]  }
0x11c: {  	v22 =	vld [tilespmem:s17+$0x14560]  }
0x11d: {  	v23 =	vld [tilespmem:s17+$0x14570]  }
0x11e: {  	v24 =	vld [tilespmem:s17+$0x14580]  }
0x11f: {  	v25 =	vld [tilespmem:s17+$0x14590]  }
0x120: {  	v26 =	vld [tilespmem:s17+$0x145A0]  }
0x121: {  	v27 =	vld [tilespmem:s17+$0x145B0]  }
0x122: {  	v28 =	vld [tilespmem:s17+$0x145C0]  }
0x123: {  	v29 =	vld [tilespmem:s17+$0x145D0]  }
0x124: {  	v30 =	vld [tilespmem:s17+$0x145E0]  }
0x125: {  	[tilespmem:s17+$0x45F0] =	vst.add.f32.msk $0xffff, v0  }
0x126: {  	[tilespmem:s17+$0x4400] =	vst.add.f32.msk $0xffff, v1  }
0x127: {  	[tilespmem:s17+$0x4410] =	vst.add.f32.msk $0xffff, v2  }
0x128: {  	[tilespmem:s17+$0x4420] =	vst.add.f32.msk $0xffff, v3  }
0x129: {  	[tilespmem:s17+$0x4430] =	vst.add.f32.msk $0xffff, v4  }
0x12a: {  	[tilespmem:s17+$0x4440] =	vst.add.f32.msk $0xffff, v63  }
0x12b: {  	[tilespmem:s17+$0x4450] =	vst.add.f32.msk $0xffff, v5  }
0x12c: {  	[tilespmem:s17+$0x4460] =	vst.add.f32.msk $0xffff, v6  }
0x12d: {  	[tilespmem:s17+$0x4470] =	vst.add.f32.msk $0xffff, v7  }
0x12e: {  	[tilespmem:s17+$0x4480] =	vst.add.f32.msk $0xffff, v8  }
0x12f: {  	[tilespmem:s17+$0x4490] =	vst.add.f32.msk $0xffff, v9  }
0x130: {  	[tilespmem:s17+$0x44A0] =	vst.add.f32.msk $0xffff, v10  }
0x131: {  	[tilespmem:s17+$0x44B0] =	vst.add.f32.msk $0xffff, v11  }
0x132: {  	[tilespmem:s17+$0x44C0] =	vst.add.f32.msk $0xffff, v12  }
0x133: {  	[tilespmem:s17+$0x44D0] =	vst.add.f32.msk $0xffff, v13  }
0x134: {  	[tilespmem:s17+$0x44E0] =	vst.add.f32.msk $0xffff, v14  }
0x135: {  	[tilespmem:s17+$0x44F0] =	vst.add.f32.msk $0xffff, v15  }
0x136: {  	[tilespmem:s17+$0x4500] =	vst.add.f32.msk $0xffff, v16  }
0x137: {  	[tilespmem:s17+$0x4510] =	vst.add.f32.msk $0xffff, v17  }
0x138: {  	[tilespmem:s17+$0x4520] =	vst.add.f32.msk $0xffff, v18  }
0x139: {  	[tilespmem:s17+$0x4530] =	vst.add.f32.msk $0xffff, v19  }
0x13a: {  	[tilespmem:s17+$0x4540] =	vst.add.f32.msk $0xffff, v20  }
0x13b: {  	[tilespmem:s17+$0x4550] =	vst.add.f32.msk $0xffff, v21  }
0x13c: {  	[tilespmem:s17+$0x4560] =	vst.add.f32.msk $0xffff, v22  }
0x13d: {  	[tilespmem:s17+$0x4570] =	vst.add.f32.msk $0xffff, v23  }
0x13e: {  	[tilespmem:s17+$0x4580] =	vst.add.f32.msk $0xffff, v24  }
0x13f: {  	[tilespmem:s17+$0x4590] =	vst.add.f32.msk $0xffff, v25  }
0x140: {  	[tilespmem:s17+$0x45A0] =	vst.add.f32.msk $0xffff, v26  }
0x141: {  	[tilespmem:s17+$0x45B0] =	vst.add.f32.msk $0xffff, v27  }
0x142: {  	[tilespmem:s17+$0x45C0] =	vst.add.f32.msk $0xffff, v28  }
0x143: {  	[tilespmem:s17+$0x45D0] =	vst.add.f32.msk $0xffff, v29  }
0x144: {  	s18 =	rddreg [dreg:$0x8];
	[tilespmem:s17+$0x45E0] =	vst.add.f32.msk $0xffff, v30;
	s17 =	simm.s32 $0x0  }
0x145: {  	[hbm4b:s18+s17] =	stream.linear.scatter [tilespmem:s23], [sflag:$0x6], $0x4000, $0x38;
	[tilespmem:$0x1D400] =	vst v63  }
0x146: {  	_ =	swait.ge [sflag:s26], $0x4000  }
0x147: {  	[sflag:s26] =	ssyncset.done $0x0  }
0x148: {  	[sflag:s26] =	ssyncadd.s32 $0xFFFFC000  }
0x149: {  	_ =	swait.ge [sflag:s11], $0x4000  }
0x14a: {  	[sflag:s11] =	ssyncset.done $0x0  }
0x14b: {  	s18 =	simm.s32 $0x180;
	[sflag:s11] =	ssyncadd.s32 $0xFFFFC000  }
0x14c: {  	[tilespmem:s23], [sflag:$0x2] =	stream.indirect.gather [hbm4b:s1+s22], $0x80, s18, s22, $0xb8;
	[tilespmem:$0x1D400] =	vst v63  }
0x14d: {  	_ = 	snop  }
0x14e: {  	[tilespmem:s30], [sflag:$0xA] =	stream.linear.gather [spmem:s2], $0x4000, $0x38;
	[tilespmem:$0x1D400] =	vst v63  }
0x14f: {  	_ =	swait.ge [sflag:s12], $0x4000  }
0x150: {  	[sflag:s12] =	ssyncset.done $0x0  }
0x151: {  	s17 =	simm.s32 $0x0;
	s18 =	simm.s32 $0x800;
	[sflag:s12] =	ssyncadd.s32 $0xFFFFC000  }
.LBB2_6:
0x152: {  	p0 =	sne.s32 s18, $0xF800;
	v0 =	vld [tilespmem:s17+$0x185F0]  }
0x153: {  	v1 =	vld [tilespmem:s17+$0x18400]  }
0x154: {  	v2 =	vld [tilespmem:s17+$0x18410]  }
0x155: {  	v3 =	vld [tilespmem:s17+$0x18420]  }
0x156: {  	v4 =	vld [tilespmem:s17+$0x18430]  }
0x157: {  	[tilespmem:s17+$0x85F0] =	vst.add.f32.msk $0xffff, v0  }
0x158: {  	v0 =	vld [tilespmem:s17+$0x18440]  }
0x159: {  	v5 =	vld [tilespmem:s17+$0x18450]  }
0x15a: {  	v6 =	vld [tilespmem:s17+$0x18460]  }
0x15b: {  	v7 =	vld [tilespmem:s17+$0x18470]  }
0x15c: {  	v8 =	vld [tilespmem:s17+$0x18480]  }
0x15d: {  	v9 =	vld [tilespmem:s17+$0x18490]  }
0x15e: {  	v10 =	vld [tilespmem:s17+$0x184A0]  }
0x15f: {  	v11 =	vld [tilespmem:s17+$0x184B0]  }
0x160: {  	v12 =	vld [tilespmem:s17+$0x184C0]  }
0x161: {  	v13 =	vld [tilespmem:s17+$0x184D0]  }
0x162: {  	v14 =	vld [tilespmem:s17+$0x184E0]  }
0x163: {  	v15 =	vld [tilespmem:s17+$0x184F0]  }
0x164: {  	v16 =	vld [tilespmem:s17+$0x18500]  }
0x165: {  	v17 =	vld [tilespmem:s17+$0x18510]  }
0x166: {  	v18 =	vld [tilespmem:s17+$0x18520]  }
0x167: {  	v19 =	vld [tilespmem:s17+$0x18530]  }
0x168: {  	v20 =	vld [tilespmem:s17+$0x18540]  }
0x169: {  	v21 =	vld [tilespmem:s17+$0x18550]  }
0x16a: {  	v22 =	vld [tilespmem:s17+$0x18560]  }
0x16b: {  	v23 =	vld [tilespmem:s17+$0x18570]  }
0x16c: {  	v24 =	vld [tilespmem:s17+$0x18580]  }
0x16d: {  	v25 =	vld [tilespmem:s17+$0x18590]  }
0x16e: {  	v26 =	vld [tilespmem:s17+$0x185A0]  }
0x16f: {  	v27 =	vld [tilespmem:s17+$0x185B0]  }
0x170: {  	v28 =	vld [tilespmem:s17+$0x185C0]  }
0x171: {  	v29 =	vld [tilespmem:s17+$0x185D0]  }
0x172: {  	v30 =	vld [tilespmem:s17+$0x185E0]  }
0x173: {  	[tilespmem:s17+$0x8400] =	vst.add.f32.msk $0xffff, v1  }
0x174: {  	[tilespmem:s17+$0x8410] =	vst.add.f32.msk $0xffff, v2  }
0x175: {  	[tilespmem:s17+$0x8420] =	vst.add.f32.msk $0xffff, v3  }
0x176: {  	[tilespmem:s17+$0x8430] =	vst.add.f32.msk $0xffff, v4  }
0x177: {  	[tilespmem:s17+$0x8440] =	vst.add.f32.msk $0xffff, v0  }
0x178: {  	[tilespmem:s17+$0x8450] =	vst.add.f32.msk $0xffff, v5  }
0x179: {  	[tilespmem:s17+$0x8460] =	vst.add.f32.msk $0xffff, v6  }
0x17a: {  	[tilespmem:s17+$0x8470] =	vst.add.f32.msk $0xffff, v7  }
0x17b: {  	[tilespmem:s17+$0x8480] =	vst.add.f32.msk $0xffff, v8  }
0x17c: {  	[tilespmem:s17+$0x8490] =	vst.add.f32.msk $0xffff, v9  }
0x17d: {  	[tilespmem:s17+$0x84A0] =	vst.add.f32.msk $0xffff, v10  }
0x17e: {  	[tilespmem:s17+$0x84B0] =	vst.add.f32.msk $0xffff, v11  }
0x17f: {  	[tilespmem:s17+$0x84C0] =	vst.add.f32.msk $0xffff, v12  }
0x180: {  	[tilespmem:s17+$0x84D0] =	vst.add.f32.msk $0xffff, v13  }
0x181: {  	[tilespmem:s17+$0x84E0] =	vst.add.f32.msk $0xffff, v14  }
0x182: {  	[tilespmem:s17+$0x84F0] =	vst.add.f32.msk $0xffff, v15  }
0x183: {  	[tilespmem:s17+$0x8500] =	vst.add.f32.msk $0xffff, v16  }
0x184: {  	[tilespmem:s17+$0x8510] =	vst.add.f32.msk $0xffff, v17  }
0x185: {  	[tilespmem:s17+$0x8520] =	vst.add.f32.msk $0xffff, v18  }
0x186: {  	[tilespmem:s17+$0x8530] =	vst.add.f32.msk $0xffff, v19  }
0x187: {  	[tilespmem:s17+$0x8540] =	vst.add.f32.msk $0xffff, v20  }
0x188: {  	[tilespmem:s17+$0x8550] =	vst.add.f32.msk $0xffff, v21  }
0x189: {  	[tilespmem:s17+$0x8560] =	vst.add.f32.msk $0xffff, v22  }
0x18a: {  	[tilespmem:s17+$0x8570] =	vst.add.f32.msk $0xffff, v23  }
0x18b: {  	[tilespmem:s17+$0x8580] =	vst.add.f32.msk $0xffff, v24  }
0x18c: {  	[tilespmem:s17+$0x8590] =	vst.add.f32.msk $0xffff, v25  }
.Ltmp2:
0x18d: {  	[tilespmem:s17+$0x85A0] =	vst.add.f32.msk $0xffff, v26;
	(pc) =	sbr.rel @p0 .LBB2_6-.Ltmp2, $4  }
0x18e: {  	[tilespmem:s17+$0x85B0] =	vst.add.f32.msk $0xffff, v27  }
0x18f: {  	[tilespmem:s17+$0x85C0] =	vst.add.f32.msk $0xffff, v28  }
0x190: {  	[tilespmem:s17+$0x85D0] =	vst.add.f32.msk $0xffff, v29  }
0x191: {  	[tilespmem:s17+$0x85E0] =	vst.add.f32.msk $0xffff, v30;
	s17 =	sshra.s32 s18, $0x2;
	s18 =	sadd.s32 $0x800, s18  }
0x192: {  	v0 =	vld [tilespmem:s17+$0x185F0]  }
0x193: {  	v1 =	vld [tilespmem:s17+$0x18400]  }
0x194: {  	v2 =	vld [tilespmem:s17+$0x18410]  }
0x195: {  	v3 =	vld [tilespmem:s17+$0x18420]  }
0x196: {  	v4 =	vld [tilespmem:s17+$0x18430]  }
0x197: {  	v63 =	vld [tilespmem:s17+$0x18440]  }
0x198: {  	v5 =	vld [tilespmem:s17+$0x18450]  }
0x199: {  	v6 =	vld [tilespmem:s17+$0x18460]  }
0x19a: {  	v7 =	vld [tilespmem:s17+$0x18470]  }
0x19b: {  	v8 =	vld [tilespmem:s17+$0x18480]  }
0x19c: {  	v9 =	vld [tilespmem:s17+$0x18490]  }
0x19d: {  	v10 =	vld [tilespmem:s17+$0x184A0]  }
0x19e: {  	v11 =	vld [tilespmem:s17+$0x184B0]  }
0x19f: {  	v12 =	vld [tilespmem:s17+$0x184C0]  }
0x1a0: {  	v13 =	vld [tilespmem:s17+$0x184D0]  }
0x1a1: {  	v14 =	vld [tilespmem:s17+$0x184E0]  }
0x1a2: {  	v15 =	vld [tilespmem:s17+$0x184F0]  }
0x1a3: {  	v16 =	vld [tilespmem:s17+$0x18500]  }
0x1a4: {  	v17 =	vld [tilespmem:s17+$0x18510]  }
0x1a5: {  	v18 =	vld [tilespmem:s17+$0x18520]  }
0x1a6: {  	v19 =	vld [tilespmem:s17+$0x18530]  }
0x1a7: {  	v20 =	vld [tilespmem:s17+$0x18540]  }
0x1a8: {  	v21 =	vld [tilespmem:s17+$0x18550]  }
0x1a9: {  	v22 =	vld [tilespmem:s17+$0x18560]  }
0x1aa: {  	v23 =	vld [tilespmem:s17+$0x18570]  }
0x1ab: {  	v24 =	vld [tilespmem:s17+$0x18580]  }
0x1ac: {  	v25 =	vld [tilespmem:s17+$0x18590]  }
0x1ad: {  	v26 =	vld [tilespmem:s17+$0x185A0]  }
0x1ae: {  	v27 =	vld [tilespmem:s17+$0x185B0]  }
0x1af: {  	v28 =	vld [tilespmem:s17+$0x185C0]  }
0x1b0: {  	v29 =	vld [tilespmem:s17+$0x185D0]  }
0x1b1: {  	v30 =	vld [tilespmem:s17+$0x185E0]  }
0x1b2: {  	[tilespmem:s17+$0x85F0] =	vst.add.f32.msk $0xffff, v0  }
0x1b3: {  	[tilespmem:s17+$0x8400] =	vst.add.f32.msk $0xffff, v1  }
0x1b4: {  	[tilespmem:s17+$0x8410] =	vst.add.f32.msk $0xffff, v2  }
0x1b5: {  	[tilespmem:s17+$0x8420] =	vst.add.f32.msk $0xffff, v3  }
0x1b6: {  	[tilespmem:s17+$0x8430] =	vst.add.f32.msk $0xffff, v4  }
0x1b7: {  	[tilespmem:s17+$0x8440] =	vst.add.f32.msk $0xffff, v63  }
0x1b8: {  	[tilespmem:s17+$0x8450] =	vst.add.f32.msk $0xffff, v5  }
0x1b9: {  	[tilespmem:s17+$0x8460] =	vst.add.f32.msk $0xffff, v6  }
0x1ba: {  	[tilespmem:s17+$0x8470] =	vst.add.f32.msk $0xffff, v7  }
0x1bb: {  	[tilespmem:s17+$0x8480] =	vst.add.f32.msk $0xffff, v8  }
0x1bc: {  	[tilespmem:s17+$0x8490] =	vst.add.f32.msk $0xffff, v9  }
0x1bd: {  	[tilespmem:s17+$0x84A0] =	vst.add.f32.msk $0xffff, v10  }
0x1be: {  	[tilespmem:s17+$0x84B0] =	vst.add.f32.msk $0xffff, v11  }
0x1bf: {  	[tilespmem:s17+$0x84C0] =	vst.add.f32.msk $0xffff, v12  }
0x1c0: {  	[tilespmem:s17+$0x84D0] =	vst.add.f32.msk $0xffff, v13  }
0x1c1: {  	[tilespmem:s17+$0x84E0] =	vst.add.f32.msk $0xffff, v14  }
0x1c2: {  	[tilespmem:s17+$0x84F0] =	vst.add.f32.msk $0xffff, v15  }
0x1c3: {  	[tilespmem:s17+$0x8500] =	vst.add.f32.msk $0xffff, v16  }
0x1c4: {  	[tilespmem:s17+$0x8510] =	vst.add.f32.msk $0xffff, v17  }
0x1c5: {  	[tilespmem:s17+$0x8520] =	vst.add.f32.msk $0xffff, v18  }
0x1c6: {  	[tilespmem:s17+$0x8530] =	vst.add.f32.msk $0xffff, v19  }
0x1c7: {  	[tilespmem:s17+$0x8540] =	vst.add.f32.msk $0xffff, v20  }
0x1c8: {  	[tilespmem:s17+$0x8550] =	vst.add.f32.msk $0xffff, v21  }
0x1c9: {  	[tilespmem:s17+$0x8560] =	vst.add.f32.msk $0xffff, v22  }
0x1ca: {  	[tilespmem:s17+$0x8570] =	vst.add.f32.msk $0xffff, v23  }
0x1cb: {  	[tilespmem:s17+$0x8580] =	vst.add.f32.msk $0xffff, v24  }
0x1cc: {  	[tilespmem:s17+$0x8590] =	vst.add.f32.msk $0xffff, v25  }
0x1cd: {  	[tilespmem:s17+$0x85A0] =	vst.add.f32.msk $0xffff, v26  }
0x1ce: {  	[tilespmem:s17+$0x85B0] =	vst.add.f32.msk $0xffff, v27  }
0x1cf: {  	[tilespmem:s17+$0x85C0] =	vst.add.f32.msk $0xffff, v28  }
0x1d0: {  	[tilespmem:s17+$0x85D0] =	vst.add.f32.msk $0xffff, v29  }
0x1d1: {  	s18 =	rddreg [dreg:$0x9];
	[tilespmem:s17+$0x85E0] =	vst.add.f32.msk $0xffff, v30;
	s17 =	simm.s32 $0x0  }
0x1d2: {  	[hbm4b:s18+s17] =	stream.linear.scatter [tilespmem:s28], [sflag:$0x7], $0x4000, $0x38;
	[tilespmem:$0x1D400] =	vst v63  }
0x1d3: {  	_ =	swait.ge [sflag:s13], $0x4000  }
0x1d4: {  	[sflag:s13] =	ssyncset.done $0x0  }
0x1d5: {  	[sflag:s13] =	ssyncadd.s32 $0xFFFFC000  }
0x1d6: {  	_ =	swait.ge [sflag:s14], $0x4000  }
0x1d7: {  	[sflag:s14] =	ssyncset.done $0x0  }
0x1d8: {  	s18 =	simm.s32 $0x280;
	[sflag:s14] =	ssyncadd.s32 $0xFFFFC000  }
0x1d9: {  	[tilespmem:s28], [sflag:$0x3] =	stream.indirect.gather [hbm4b:s1+s22], $0x80, s18, s22, $0xb8;
	[tilespmem:$0x1D400] =	vst v63  }
0x1da: {  	s18 =	simm.s32 $0x18400  }
0x1db: {  	[tilespmem:s18], [sflag:$0xB] =	stream.linear.gather [spmem:s7], $0x4000, $0x38;
	[tilespmem:$0x1D400] =	vst v63  }
0x1dc: {  	_ =	swait.ge [sflag:s0], $0x4000  }
0x1dd: {  	[sflag:s0] =	ssyncset.done $0x0  }
0x1de: {  	s17 =	simm.s32 $0x0;
	s18 =	simm.s32 $0x800;
	[sflag:s0] =	ssyncadd.s32 $0xFFFFC000  }
.LBB2_8:
0x1df: {  	p0 =	sne.s32 s18, $0xF800;
	v0 =	vld [tilespmem:s17+$0x105F0]  }
0x1e0: {  	v1 =	vld [tilespmem:s17+$0x10400]  }
0x1e1: {  	v2 =	vld [tilespmem:s17+$0x10410]  }
0x1e2: {  	v3 =	vld [tilespmem:s17+$0x10420]  }
0x1e3: {  	v4 =	vld [tilespmem:s17+$0x10430]  }
0x1e4: {  	[tilespmem:s17+$0xC5F0] =	vst.add.f32.msk $0xffff, v0  }
0x1e5: {  	v0 =	vld [tilespmem:s17+$0x10440]  }
0x1e6: {  	v5 =	vld [tilespmem:s17+$0x10450]  }
0x1e7: {  	v6 =	vld [tilespmem:s17+$0x10460]  }
0x1e8: {  	v7 =	vld [tilespmem:s17+$0x10470]  }
0x1e9: {  	v8 =	vld [tilespmem:s17+$0x10480]  }
0x1ea: {  	v9 =	vld [tilespmem:s17+$0x10490]  }
0x1eb: {  	v10 =	vld [tilespmem:s17+$0x104A0]  }
0x1ec: {  	v11 =	vld [tilespmem:s17+$0x104B0]  }
0x1ed: {  	v12 =	vld [tilespmem:s17+$0x104C0]  }
0x1ee: {  	v13 =	vld [tilespmem:s17+$0x104D0]  }
0x1ef: {  	v14 =	vld [tilespmem:s17+$0x104E0]  }
0x1f0: {  	v15 =	vld [tilespmem:s17+$0x104F0]  }
0x1f1: {  	v16 =	vld [tilespmem:s17+$0x10500]  }
0x1f2: {  	v17 =	vld [tilespmem:s17+$0x10510]  }
0x1f3: {  	v18 =	vld [tilespmem:s17+$0x10520]  }
0x1f4: {  	v19 =	vld [tilespmem:s17+$0x10530]  }
0x1f5: {  	v20 =	vld [tilespmem:s17+$0x10540]  }
0x1f6: {  	v21 =	vld [tilespmem:s17+$0x10550]  }
0x1f7: {  	v22 =	vld [tilespmem:s17+$0x10560]  }
0x1f8: {  	v23 =	vld [tilespmem:s17+$0x10570]  }
0x1f9: {  	v24 =	vld [tilespmem:s17+$0x10580]  }
0x1fa: {  	v25 =	vld [tilespmem:s17+$0x10590]  }
0x1fb: {  	v26 =	vld [tilespmem:s17+$0x105A0]  }
0x1fc: {  	v27 =	vld [tilespmem:s17+$0x105B0]  }
0x1fd: {  	v28 =	vld [tilespmem:s17+$0x105C0]  }
0x1fe: {  	v29 =	vld [tilespmem:s17+$0x105D0]  }
0x1ff: {  	v30 =	vld [tilespmem:s17+$0x105E0]  }
0x200: {  	[tilespmem:s17+$0xC400] =	vst.add.f32.msk $0xffff, v1  }
0x201: {  	[tilespmem:s17+$0xC410] =	vst.add.f32.msk $0xffff, v2  }
0x202: {  	[tilespmem:s17+$0xC420] =	vst.add.f32.msk $0xffff, v3  }
0x203: {  	[tilespmem:s17+$0xC430] =	vst.add.f32.msk $0xffff, v4  }
0x204: {  	[tilespmem:s17+$0xC440] =	vst.add.f32.msk $0xffff, v0  }
0x205: {  	[tilespmem:s17+$0xC450] =	vst.add.f32.msk $0xffff, v5  }
0x206: {  	[tilespmem:s17+$0xC460] =	vst.add.f32.msk $0xffff, v6  }
0x207: {  	[tilespmem:s17+$0xC470] =	vst.add.f32.msk $0xffff, v7  }
0x208: {  	[tilespmem:s17+$0xC480] =	vst.add.f32.msk $0xffff, v8  }
0x209: {  	[tilespmem:s17+$0xC490] =	vst.add.f32.msk $0xffff, v9  }
0x20a: {  	[tilespmem:s17+$0xC4A0] =	vst.add.f32.msk $0xffff, v10  }
0x20b: {  	[tilespmem:s17+$0xC4B0] =	vst.add.f32.msk $0xffff, v11  }
0x20c: {  	[tilespmem:s17+$0xC4C0] =	vst.add.f32.msk $0xffff, v12  }
0x20d: {  	[tilespmem:s17+$0xC4D0] =	vst.add.f32.msk $0xffff, v13  }
0x20e: {  	[tilespmem:s17+$0xC4E0] =	vst.add.f32.msk $0xffff, v14  }
0x20f: {  	[tilespmem:s17+$0xC4F0] =	vst.add.f32.msk $0xffff, v15  }
0x210: {  	[tilespmem:s17+$0xC500] =	vst.add.f32.msk $0xffff, v16  }
0x211: {  	[tilespmem:s17+$0xC510] =	vst.add.f32.msk $0xffff, v17  }
0x212: {  	[tilespmem:s17+$0xC520] =	vst.add.f32.msk $0xffff, v18  }
0x213: {  	[tilespmem:s17+$0xC530] =	vst.add.f32.msk $0xffff, v19  }
0x214: {  	[tilespmem:s17+$0xC540] =	vst.add.f32.msk $0xffff, v20  }
0x215: {  	[tilespmem:s17+$0xC550] =	vst.add.f32.msk $0xffff, v21  }
0x216: {  	[tilespmem:s17+$0xC560] =	vst.add.f32.msk $0xffff, v22  }
0x217: {  	[tilespmem:s17+$0xC570] =	vst.add.f32.msk $0xffff, v23  }
0x218: {  	[tilespmem:s17+$0xC580] =	vst.add.f32.msk $0xffff, v24  }
0x219: {  	[tilespmem:s17+$0xC590] =	vst.add.f32.msk $0xffff, v25  }
.Ltmp3:
0x21a: {  	[tilespmem:s17+$0xC5A0] =	vst.add.f32.msk $0xffff, v26;
	(pc) =	sbr.rel @p0 .LBB2_8-.Ltmp3, $4  }
0x21b: {  	[tilespmem:s17+$0xC5B0] =	vst.add.f32.msk $0xffff, v27  }
0x21c: {  	[tilespmem:s17+$0xC5C0] =	vst.add.f32.msk $0xffff, v28  }
0x21d: {  	[tilespmem:s17+$0xC5D0] =	vst.add.f32.msk $0xffff, v29  }
0x21e: {  	[tilespmem:s17+$0xC5E0] =	vst.add.f32.msk $0xffff, v30;
	s17 =	sshra.s32 s18, $0x2;
	s18 =	sadd.s32 $0x800, s18  }
0x21f: {  	v0 =	vld [tilespmem:s17+$0x105F0]  }
0x220: {  	v1 =	vld [tilespmem:s17+$0x10400]  }
0x221: {  	v2 =	vld [tilespmem:s17+$0x10410]  }
0x222: {  	v3 =	vld [tilespmem:s17+$0x10420]  }
0x223: {  	v4 =	vld [tilespmem:s17+$0x10430]  }
0x224: {  	v63 =	vld [tilespmem:s17+$0x10440]  }
0x225: {  	v5 =	vld [tilespmem:s17+$0x10450]  }
0x226: {  	v6 =	vld [tilespmem:s17+$0x10460]  }
0x227: {  	v7 =	vld [tilespmem:s17+$0x10470]  }
0x228: {  	v8 =	vld [tilespmem:s17+$0x10480]  }
0x229: {  	v9 =	vld [tilespmem:s17+$0x10490]  }
0x22a: {  	v10 =	vld [tilespmem:s17+$0x104A0]  }
0x22b: {  	v11 =	vld [tilespmem:s17+$0x104B0]  }
0x22c: {  	v12 =	vld [tilespmem:s17+$0x104C0]  }
0x22d: {  	v13 =	vld [tilespmem:s17+$0x104D0]  }
0x22e: {  	v14 =	vld [tilespmem:s17+$0x104E0]  }
0x22f: {  	v15 =	vld [tilespmem:s17+$0x104F0]  }
0x230: {  	v16 =	vld [tilespmem:s17+$0x10500]  }
0x231: {  	v17 =	vld [tilespmem:s17+$0x10510]  }
0x232: {  	v18 =	vld [tilespmem:s17+$0x10520]  }
0x233: {  	v19 =	vld [tilespmem:s17+$0x10530]  }
0x234: {  	v20 =	vld [tilespmem:s17+$0x10540]  }
0x235: {  	v21 =	vld [tilespmem:s17+$0x10550]  }
0x236: {  	v22 =	vld [tilespmem:s17+$0x10560]  }
0x237: {  	v23 =	vld [tilespmem:s17+$0x10570]  }
0x238: {  	v24 =	vld [tilespmem:s17+$0x10580]  }
0x239: {  	v25 =	vld [tilespmem:s17+$0x10590]  }
0x23a: {  	v26 =	vld [tilespmem:s17+$0x105A0]  }
0x23b: {  	v27 =	vld [tilespmem:s17+$0x105B0]  }
0x23c: {  	v28 =	vld [tilespmem:s17+$0x105C0]  }
0x23d: {  	v29 =	vld [tilespmem:s17+$0x105D0]  }
0x23e: {  	v30 =	vld [tilespmem:s17+$0x105E0]  }
0x23f: {  	[tilespmem:s17+$0xC5F0] =	vst.add.f32.msk $0xffff, v0  }
0x240: {  	[tilespmem:s17+$0xC400] =	vst.add.f32.msk $0xffff, v1  }
0x241: {  	[tilespmem:s17+$0xC410] =	vst.add.f32.msk $0xffff, v2  }
0x242: {  	[tilespmem:s17+$0xC420] =	vst.add.f32.msk $0xffff, v3  }
0x243: {  	[tilespmem:s17+$0xC430] =	vst.add.f32.msk $0xffff, v4  }
0x244: {  	[tilespmem:s17+$0xC440] =	vst.add.f32.msk $0xffff, v63  }
0x245: {  	[tilespmem:s17+$0xC450] =	vst.add.f32.msk $0xffff, v5  }
0x246: {  	[tilespmem:s17+$0xC460] =	vst.add.f32.msk $0xffff, v6  }
0x247: {  	[tilespmem:s17+$0xC470] =	vst.add.f32.msk $0xffff, v7  }
0x248: {  	[tilespmem:s17+$0xC480] =	vst.add.f32.msk $0xffff, v8  }
0x249: {  	[tilespmem:s17+$0xC490] =	vst.add.f32.msk $0xffff, v9  }
0x24a: {  	[tilespmem:s17+$0xC4A0] =	vst.add.f32.msk $0xffff, v10  }
0x24b: {  	[tilespmem:s17+$0xC4B0] =	vst.add.f32.msk $0xffff, v11  }
0x24c: {  	[tilespmem:s17+$0xC4C0] =	vst.add.f32.msk $0xffff, v12  }
0x24d: {  	[tilespmem:s17+$0xC4D0] =	vst.add.f32.msk $0xffff, v13  }
0x24e: {  	[tilespmem:s17+$0xC4E0] =	vst.add.f32.msk $0xffff, v14  }
0x24f: {  	[tilespmem:s17+$0xC4F0] =	vst.add.f32.msk $0xffff, v15  }
0x250: {  	[tilespmem:s17+$0xC500] =	vst.add.f32.msk $0xffff, v16  }
0x251: {  	[tilespmem:s17+$0xC510] =	vst.add.f32.msk $0xffff, v17  }
0x252: {  	[tilespmem:s17+$0xC520] =	vst.add.f32.msk $0xffff, v18  }
0x253: {  	[tilespmem:s17+$0xC530] =	vst.add.f32.msk $0xffff, v19  }
0x254: {  	[tilespmem:s17+$0xC540] =	vst.add.f32.msk $0xffff, v20  }
0x255: {  	[tilespmem:s17+$0xC550] =	vst.add.f32.msk $0xffff, v21  }
0x256: {  	[tilespmem:s17+$0xC560] =	vst.add.f32.msk $0xffff, v22  }
0x257: {  	[tilespmem:s17+$0xC570] =	vst.add.f32.msk $0xffff, v23  }
0x258: {  	[tilespmem:s17+$0xC580] =	vst.add.f32.msk $0xffff, v24  }
0x259: {  	[tilespmem:s17+$0xC590] =	vst.add.f32.msk $0xffff, v25  }
0x25a: {  	[tilespmem:s17+$0xC5A0] =	vst.add.f32.msk $0xffff, v26  }
0x25b: {  	[tilespmem:s17+$0xC5B0] =	vst.add.f32.msk $0xffff, v27  }
0x25c: {  	[tilespmem:s17+$0xC5C0] =	vst.add.f32.msk $0xffff, v28  }
0x25d: {  	[tilespmem:s17+$0xC5D0] =	vst.add.f32.msk $0xffff, v29  }
0x25e: {  	s18 =	rddreg [dreg:$0xa];
	[tilespmem:s17+$0xC5E0] =	vst.add.f32.msk $0xffff, v30;
	s17 =	simm.s32 $0x0  }
0x25f: {  	[hbm4b:s18+s17] =	stream.linear.scatter [tilespmem:s3], [sflag:$0x8], $0x4000, $0x38;
	[tilespmem:$0x1D400] =	vst v63  }
0x260: {  	_ =	swait.ge [sflag:s31], $0x4000  }
0x261: {  	[sflag:s31] =	ssyncset.done $0x0  }
0x262: {  	[sflag:s31] =	ssyncadd.s32 $0xFFFFC000  }
0x263: {  	_ =	swait.ge [sflag:s15], $0x4000  }
0x264: {  	[sflag:s15] =	ssyncset.done $0x0  }
0x265: {  	s18 =	simm.s32 $0x380;
	[sflag:s15] =	ssyncadd.s32 $0xFFFFC000  }
0x266: {  	[tilespmem:s3], [sflag:$0x4] =	stream.indirect.gather [hbm4b:s1+s22], $0x80, s18, s22, $0xb8;
	[tilespmem:$0x1D400] =	vst v63  }
0x267: {  	_ = 	snop  }
0x268: {  	[tilespmem:s29], [sflag:$0x9] =	stream.linear.gather [spmem:s8], $0x4000, $0x38;
	[tilespmem:$0x1D400] =	vst v63  }
0x269: {  	_ =	swait.ge [sflag:s6], $0x4000  }
0x26a: {  	[sflag:s6] =	ssyncset.done $0x0  }
0x26b: {  	s17 =	simm.s32 $0x0;
	s18 =	simm.s32 $0x800;
	[sflag:s6] =	ssyncadd.s32 $0xFFFFC000  }
.LBB2_10:
0x26c: {  	p0 =	sne.s32 s18, $0xF800;
	v0 =	vld [tilespmem:s17+$0x145F0]  }
0x26d: {  	v1 =	vld [tilespmem:s17+$0x14400]  }
0x26e: {  	v2 =	vld [tilespmem:s17+$0x14410]  }
0x26f: {  	v3 =	vld [tilespmem:s17+$0x14420]  }
0x270: {  	v4 =	vld [tilespmem:s17+$0x14430]  }
0x271: {  	[tilespmem:s17+$0x5F0] =	vst.add.f32.msk $0xffff, v0  }
0x272: {  	v0 =	vld [tilespmem:s17+$0x14440]  }
0x273: {  	v5 =	vld [tilespmem:s17+$0x14450]  }
0x274: {  	v6 =	vld [tilespmem:s17+$0x14460]  }
0x275: {  	v7 =	vld [tilespmem:s17+$0x14470]  }
0x276: {  	v8 =	vld [tilespmem:s17+$0x14480]  }
0x277: {  	v9 =	vld [tilespmem:s17+$0x14490]  }
0x278: {  	v10 =	vld [tilespmem:s17+$0x144A0]  }
0x279: {  	v11 =	vld [tilespmem:s17+$0x144B0]  }
0x27a: {  	v12 =	vld [tilespmem:s17+$0x144C0]  }
0x27b: {  	v13 =	vld [tilespmem:s17+$0x144D0]  }
0x27c: {  	v14 =	vld [tilespmem:s17+$0x144E0]  }
0x27d: {  	v15 =	vld [tilespmem:s17+$0x144F0]  }
0x27e: {  	v16 =	vld [tilespmem:s17+$0x14500]  }
0x27f: {  	v17 =	vld [tilespmem:s17+$0x14510]  }
0x280: {  	v18 =	vld [tilespmem:s17+$0x14520]  }
0x281: {  	v19 =	vld [tilespmem:s17+$0x14530]  }
0x282: {  	v20 =	vld [tilespmem:s17+$0x14540]  }
0x283: {  	v21 =	vld [tilespmem:s17+$0x14550]  }
0x284: {  	v22 =	vld [tilespmem:s17+$0x14560]  }
0x285: {  	v23 =	vld [tilespmem:s17+$0x14570]  }
0x286: {  	v24 =	vld [tilespmem:s17+$0x14580]  }
0x287: {  	v25 =	vld [tilespmem:s17+$0x14590]  }
0x288: {  	v26 =	vld [tilespmem:s17+$0x145A0]  }
0x289: {  	v27 =	vld [tilespmem:s17+$0x145B0]  }
0x28a: {  	v28 =	vld [tilespmem:s17+$0x145C0]  }
0x28b: {  	v29 =	vld [tilespmem:s17+$0x145D0]  }
0x28c: {  	v30 =	vld [tilespmem:s17+$0x145E0]  }
0x28d: {  	[tilespmem:s17+$0x400] =	vst.add.f32.msk $0xffff, v1  }
0x28e: {  	[tilespmem:s17+$0x410] =	vst.add.f32.msk $0xffff, v2  }
0x28f: {  	[tilespmem:s17+$0x420] =	vst.add.f32.msk $0xffff, v3  }
0x290: {  	[tilespmem:s17+$0x430] =	vst.add.f32.msk $0xffff, v4  }
0x291: {  	[tilespmem:s17+$0x440] =	vst.add.f32.msk $0xffff, v0  }
0x292: {  	[tilespmem:s17+$0x450] =	vst.add.f32.msk $0xffff, v5  }
0x293: {  	[tilespmem:s17+$0x460] =	vst.add.f32.msk $0xffff, v6  }
0x294: {  	[tilespmem:s17+$0x470] =	vst.add.f32.msk $0xffff, v7  }
0x295: {  	[tilespmem:s17+$0x480] =	vst.add.f32.msk $0xffff, v8  }
0x296: {  	[tilespmem:s17+$0x490] =	vst.add.f32.msk $0xffff, v9  }
0x297: {  	[tilespmem:s17+$0x4A0] =	vst.add.f32.msk $0xffff, v10  }
0x298: {  	[tilespmem:s17+$0x4B0] =	vst.add.f32.msk $0xffff, v11  }
0x299: {  	[tilespmem:s17+$0x4C0] =	vst.add.f32.msk $0xffff, v12  }
0x29a: {  	[tilespmem:s17+$0x4D0] =	vst.add.f32.msk $0xffff, v13  }
0x29b: {  	[tilespmem:s17+$0x4E0] =	vst.add.f32.msk $0xffff, v14  }
0x29c: {  	[tilespmem:s17+$0x4F0] =	vst.add.f32.msk $0xffff, v15  }
0x29d: {  	[tilespmem:s17+$0x500] =	vst.add.f32.msk $0xffff, v16  }
0x29e: {  	[tilespmem:s17+$0x510] =	vst.add.f32.msk $0xffff, v17  }
0x29f: {  	[tilespmem:s17+$0x520] =	vst.add.f32.msk $0xffff, v18  }
0x2a0: {  	[tilespmem:s17+$0x530] =	vst.add.f32.msk $0xffff, v19  }
0x2a1: {  	[tilespmem:s17+$0x540] =	vst.add.f32.msk $0xffff, v20  }
0x2a2: {  	[tilespmem:s17+$0x550] =	vst.add.f32.msk $0xffff, v21  }
0x2a3: {  	[tilespmem:s17+$0x560] =	vst.add.f32.msk $0xffff, v22  }
0x2a4: {  	[tilespmem:s17+$0x570] =	vst.add.f32.msk $0xffff, v23  }
0x2a5: {  	[tilespmem:s17+$0x580] =	vst.add.f32.msk $0xffff, v24  }
0x2a6: {  	[tilespmem:s17+$0x590] =	vst.add.f32.msk $0xffff, v25  }
.Ltmp4:
0x2a7: {  	[tilespmem:s17+$0x5A0] =	vst.add.f32.msk $0xffff, v26;
	(pc) =	sbr.rel @p0 .LBB2_10-.Ltmp4, $4  }
0x2a8: {  	[tilespmem:s17+$0x5B0] =	vst.add.f32.msk $0xffff, v27  }
0x2a9: {  	[tilespmem:s17+$0x5C0] =	vst.add.f32.msk $0xffff, v28  }
0x2aa: {  	[tilespmem:s17+$0x5D0] =	vst.add.f32.msk $0xffff, v29  }
0x2ab: {  	[tilespmem:s17+$0x5E0] =	vst.add.f32.msk $0xffff, v30;
	s17 =	sshra.s32 s18, $0x2;
	s18 =	sadd.s32 $0x800, s18  }
0x2ac: {  	v0 =	vld [tilespmem:s17+$0x145F0]  }
0x2ad: {  	v1 =	vld [tilespmem:s17+$0x14400]  }
0x2ae: {  	v2 =	vld [tilespmem:s17+$0x14410]  }
0x2af: {  	v3 =	vld [tilespmem:s17+$0x14420]  }
0x2b0: {  	v4 =	vld [tilespmem:s17+$0x14430]  }
0x2b1: {  	v63 =	vld [tilespmem:s17+$0x14440]  }
0x2b2: {  	v5 =	vld [tilespmem:s17+$0x14450]  }
0x2b3: {  	v6 =	vld [tilespmem:s17+$0x14460]  }
0x2b4: {  	v7 =	vld [tilespmem:s17+$0x14470]  }
0x2b5: {  	v8 =	vld [tilespmem:s17+$0x14480]  }
0x2b6: {  	v9 =	vld [tilespmem:s17+$0x14490]  }
0x2b7: {  	v10 =	vld [tilespmem:s17+$0x144A0]  }
0x2b8: {  	v11 =	vld [tilespmem:s17+$0x144B0]  }
0x2b9: {  	v12 =	vld [tilespmem:s17+$0x144C0]  }
0x2ba: {  	v13 =	vld [tilespmem:s17+$0x144D0]  }
0x2bb: {  	v14 =	vld [tilespmem:s17+$0x144E0]  }
0x2bc: {  	v15 =	vld [tilespmem:s17+$0x144F0]  }
0x2bd: {  	v16 =	vld [tilespmem:s17+$0x14500]  }
0x2be: {  	v17 =	vld [tilespmem:s17+$0x14510]  }
0x2bf: {  	v18 =	vld [tilespmem:s17+$0x14520]  }
0x2c0: {  	v19 =	vld [tilespmem:s17+$0x14530]  }
0x2c1: {  	v20 =	vld [tilespmem:s17+$0x14540]  }
0x2c2: {  	v21 =	vld [tilespmem:s17+$0x14550]  }
0x2c3: {  	v22 =	vld [tilespmem:s17+$0x14560]  }
0x2c4: {  	v23 =	vld [tilespmem:s17+$0x14570]  }
0x2c5: {  	v24 =	vld [tilespmem:s17+$0x14580]  }
0x2c6: {  	v25 =	vld [tilespmem:s17+$0x14590]  }
0x2c7: {  	v26 =	vld [tilespmem:s17+$0x145A0]  }
0x2c8: {  	v27 =	vld [tilespmem:s17+$0x145B0]  }
0x2c9: {  	v28 =	vld [tilespmem:s17+$0x145C0]  }
0x2ca: {  	v29 =	vld [tilespmem:s17+$0x145D0]  }
0x2cb: {  	v30 =	vld [tilespmem:s17+$0x145E0]  }
0x2cc: {  	[tilespmem:s17+$0x5F0] =	vst.add.f32.msk $0xffff, v0  }
0x2cd: {  	[tilespmem:s17+$0x400] =	vst.add.f32.msk $0xffff, v1  }
0x2ce: {  	[tilespmem:s17+$0x410] =	vst.add.f32.msk $0xffff, v2  }
0x2cf: {  	[tilespmem:s17+$0x420] =	vst.add.f32.msk $0xffff, v3  }
0x2d0: {  	[tilespmem:s17+$0x430] =	vst.add.f32.msk $0xffff, v4  }
0x2d1: {  	[tilespmem:s17+$0x440] =	vst.add.f32.msk $0xffff, v63  }
0x2d2: {  	[tilespmem:s17+$0x450] =	vst.add.f32.msk $0xffff, v5  }
0x2d3: {  	[tilespmem:s17+$0x460] =	vst.add.f32.msk $0xffff, v6  }
0x2d4: {  	[tilespmem:s17+$0x470] =	vst.add.f32.msk $0xffff, v7  }
0x2d5: {  	[tilespmem:s17+$0x480] =	vst.add.f32.msk $0xffff, v8  }
0x2d6: {  	[tilespmem:s17+$0x490] =	vst.add.f32.msk $0xffff, v9  }
0x2d7: {  	[tilespmem:s17+$0x4A0] =	vst.add.f32.msk $0xffff, v10  }
0x2d8: {  	[tilespmem:s17+$0x4B0] =	vst.add.f32.msk $0xffff, v11  }
0x2d9: {  	[tilespmem:s17+$0x4C0] =	vst.add.f32.msk $0xffff, v12  }
0x2da: {  	[tilespmem:s17+$0x4D0] =	vst.add.f32.msk $0xffff, v13  }
0x2db: {  	[tilespmem:s17+$0x4E0] =	vst.add.f32.msk $0xffff, v14  }
0x2dc: {  	[tilespmem:s17+$0x4F0] =	vst.add.f32.msk $0xffff, v15  }
0x2dd: {  	[tilespmem:s17+$0x500] =	vst.add.f32.msk $0xffff, v16  }
0x2de: {  	[tilespmem:s17+$0x510] =	vst.add.f32.msk $0xffff, v17  }
0x2df: {  	[tilespmem:s17+$0x520] =	vst.add.f32.msk $0xffff, v18  }
0x2e0: {  	[tilespmem:s17+$0x530] =	vst.add.f32.msk $0xffff, v19  }
0x2e1: {  	[tilespmem:s17+$0x540] =	vst.add.f32.msk $0xffff, v20  }
0x2e2: {  	[tilespmem:s17+$0x550] =	vst.add.f32.msk $0xffff, v21  }
0x2e3: {  	[tilespmem:s17+$0x560] =	vst.add.f32.msk $0xffff, v22  }
0x2e4: {  	[tilespmem:s17+$0x570] =	vst.add.f32.msk $0xffff, v23  }
0x2e5: {  	[tilespmem:s17+$0x580] =	vst.add.f32.msk $0xffff, v24  }
0x2e6: {  	[tilespmem:s17+$0x590] =	vst.add.f32.msk $0xffff, v25  }
0x2e7: {  	[tilespmem:s17+$0x5A0] =	vst.add.f32.msk $0xffff, v26  }
0x2e8: {  	[tilespmem:s17+$0x5B0] =	vst.add.f32.msk $0xffff, v27  }
0x2e9: {  	[tilespmem:s17+$0x5C0] =	vst.add.f32.msk $0xffff, v28  }
0x2ea: {  	[tilespmem:s17+$0x5D0] =	vst.add.f32.msk $0xffff, v29  }
0x2eb: {  	s18 =	rddreg [dreg:$0xb];
	[tilespmem:s17+$0x5E0] =	vst.add.f32.msk $0xffff, v30;
	s17 =	simm.s32 $0x0  }
0x2ec: {  	[hbm4b:s18+s17] =	stream.linear.scatter [tilespmem:s20], [sflag:$0x5], $0x4000, $0x38;
	[tilespmem:$0x1D400] =	vst v63  }
0x2ed: {  	_ =	swait.ge [sflag:s19], $0x4000  }
0x2ee: {  	[sflag:s19] =	ssyncset.done $0x0  }
0x2ef: {  	[sflag:s19] =	ssyncadd.s32 $0xFFFFC000  }
0x2f0: {  	[tilespmem:s30], [sflag:$0xA] =	stream.linear.gather [spmem:s10], $0x4000, $0x38;
	[tilespmem:$0x1D400] =	vst v63  }
0x2f1: {  	_ =	swait.ge [sflag:s12], $0x4000  }
0x2f2: {  	[sflag:s12] =	ssyncset.done $0x0  }
0x2f3: {  	s17 =	simm.s32 $0x0;
	s18 =	simm.s32 $0x800;
	[sflag:s12] =	ssyncadd.s32 $0xFFFFC000  }
.LBB2_12:
0x2f4: {  	p0 =	sne.s32 s18, $0xF800;
	v0 =	vld [tilespmem:s17+$0x185F0]  }
0x2f5: {  	v1 =	vld [tilespmem:s17+$0x18400]  }
0x2f6: {  	v2 =	vld [tilespmem:s17+$0x18410]  }
0x2f7: {  	v3 =	vld [tilespmem:s17+$0x18420]  }
0x2f8: {  	v4 =	vld [tilespmem:s17+$0x18430]  }
0x2f9: {  	[tilespmem:s17+$0x45F0] =	vst.add.f32.msk $0xffff, v0  }
0x2fa: {  	v0 =	vld [tilespmem:s17+$0x18440]  }
0x2fb: {  	v5 =	vld [tilespmem:s17+$0x18450]  }
0x2fc: {  	v6 =	vld [tilespmem:s17+$0x18460]  }
0x2fd: {  	v7 =	vld [tilespmem:s17+$0x18470]  }
0x2fe: {  	v8 =	vld [tilespmem:s17+$0x18480]  }
0x2ff: {  	v9 =	vld [tilespmem:s17+$0x18490]  }
0x300: {  	v10 =	vld [tilespmem:s17+$0x184A0]  }
0x301: {  	v11 =	vld [tilespmem:s17+$0x184B0]  }
0x302: {  	v12 =	vld [tilespmem:s17+$0x184C0]  }
0x303: {  	v13 =	vld [tilespmem:s17+$0x184D0]  }
0x304: {  	v14 =	vld [tilespmem:s17+$0x184E0]  }
0x305: {  	v15 =	vld [tilespmem:s17+$0x184F0]  }
0x306: {  	v16 =	vld [tilespmem:s17+$0x18500]  }
0x307: {  	v17 =	vld [tilespmem:s17+$0x18510]  }
0x308: {  	v18 =	vld [tilespmem:s17+$0x18520]  }
0x309: {  	v19 =	vld [tilespmem:s17+$0x18530]  }
0x30a: {  	v20 =	vld [tilespmem:s17+$0x18540]  }
0x30b: {  	v21 =	vld [tilespmem:s17+$0x18550]  }
0x30c: {  	v22 =	vld [tilespmem:s17+$0x18560]  }
0x30d: {  	v23 =	vld [tilespmem:s17+$0x18570]  }
0x30e: {  	v24 =	vld [tilespmem:s17+$0x18580]  }
0x30f: {  	v25 =	vld [tilespmem:s17+$0x18590]  }
0x310: {  	v26 =	vld [tilespmem:s17+$0x185A0]  }
0x311: {  	v27 =	vld [tilespmem:s17+$0x185B0]  }
0x312: {  	v28 =	vld [tilespmem:s17+$0x185C0]  }
0x313: {  	v29 =	vld [tilespmem:s17+$0x185D0]  }
0x314: {  	v30 =	vld [tilespmem:s17+$0x185E0]  }
0x315: {  	[tilespmem:s17+$0x4400] =	vst.add.f32.msk $0xffff, v1  }
0x316: {  	[tilespmem:s17+$0x4410] =	vst.add.f32.msk $0xffff, v2  }
0x317: {  	[tilespmem:s17+$0x4420] =	vst.add.f32.msk $0xffff, v3  }
0x318: {  	[tilespmem:s17+$0x4430] =	vst.add.f32.msk $0xffff, v4  }
0x319: {  	[tilespmem:s17+$0x4440] =	vst.add.f32.msk $0xffff, v0  }
0x31a: {  	[tilespmem:s17+$0x4450] =	vst.add.f32.msk $0xffff, v5  }
0x31b: {  	[tilespmem:s17+$0x4460] =	vst.add.f32.msk $0xffff, v6  }
0x31c: {  	[tilespmem:s17+$0x4470] =	vst.add.f32.msk $0xffff, v7  }
0x31d: {  	[tilespmem:s17+$0x4480] =	vst.add.f32.msk $0xffff, v8  }
0x31e: {  	[tilespmem:s17+$0x4490] =	vst.add.f32.msk $0xffff, v9  }
0x31f: {  	[tilespmem:s17+$0x44A0] =	vst.add.f32.msk $0xffff, v10  }
0x320: {  	[tilespmem:s17+$0x44B0] =	vst.add.f32.msk $0xffff, v11  }
0x321: {  	[tilespmem:s17+$0x44C0] =	vst.add.f32.msk $0xffff, v12  }
0x322: {  	[tilespmem:s17+$0x44D0] =	vst.add.f32.msk $0xffff, v13  }
0x323: {  	[tilespmem:s17+$0x44E0] =	vst.add.f32.msk $0xffff, v14  }
0x324: {  	[tilespmem:s17+$0x44F0] =	vst.add.f32.msk $0xffff, v15  }
0x325: {  	[tilespmem:s17+$0x4500] =	vst.add.f32.msk $0xffff, v16  }
0x326: {  	[tilespmem:s17+$0x4510] =	vst.add.f32.msk $0xffff, v17  }
0x327: {  	[tilespmem:s17+$0x4520] =	vst.add.f32.msk $0xffff, v18  }
0x328: {  	[tilespmem:s17+$0x4530] =	vst.add.f32.msk $0xffff, v19  }
0x329: {  	[tilespmem:s17+$0x4540] =	vst.add.f32.msk $0xffff, v20  }
0x32a: {  	[tilespmem:s17+$0x4550] =	vst.add.f32.msk $0xffff, v21  }
0x32b: {  	[tilespmem:s17+$0x4560] =	vst.add.f32.msk $0xffff, v22  }
0x32c: {  	[tilespmem:s17+$0x4570] =	vst.add.f32.msk $0xffff, v23  }
0x32d: {  	[tilespmem:s17+$0x4580] =	vst.add.f32.msk $0xffff, v24  }
0x32e: {  	[tilespmem:s17+$0x4590] =	vst.add.f32.msk $0xffff, v25  }
.Ltmp5:
0x32f: {  	[tilespmem:s17+$0x45A0] =	vst.add.f32.msk $0xffff, v26;
	(pc) =	sbr.rel @p0 .LBB2_12-.Ltmp5, $4  }
0x330: {  	[tilespmem:s17+$0x45B0] =	vst.add.f32.msk $0xffff, v27  }
0x331: {  	[tilespmem:s17+$0x45C0] =	vst.add.f32.msk $0xffff, v28  }
0x332: {  	[tilespmem:s17+$0x45D0] =	vst.add.f32.msk $0xffff, v29  }
0x333: {  	[tilespmem:s17+$0x45E0] =	vst.add.f32.msk $0xffff, v30;
	s17 =	sshra.s32 s18, $0x2;
	s18 =	sadd.s32 $0x800, s18  }
0x334: {  	v0 =	vld [tilespmem:s17+$0x185F0]  }
0x335: {  	v1 =	vld [tilespmem:s17+$0x18400]  }
0x336: {  	v2 =	vld [tilespmem:s17+$0x18410]  }
0x337: {  	v3 =	vld [tilespmem:s17+$0x18420]  }
0x338: {  	v4 =	vld [tilespmem:s17+$0x18430]  }
0x339: {  	v63 =	vld [tilespmem:s17+$0x18440]  }
0x33a: {  	v5 =	vld [tilespmem:s17+$0x18450]  }
0x33b: {  	v6 =	vld [tilespmem:s17+$0x18460]  }
0x33c: {  	v7 =	vld [tilespmem:s17+$0x18470]  }
0x33d: {  	v8 =	vld [tilespmem:s17+$0x18480]  }
0x33e: {  	v9 =	vld [tilespmem:s17+$0x18490]  }
0x33f: {  	v10 =	vld [tilespmem:s17+$0x184A0]  }
0x340: {  	v11 =	vld [tilespmem:s17+$0x184B0]  }
0x341: {  	v12 =	vld [tilespmem:s17+$0x184C0]  }
0x342: {  	v13 =	vld [tilespmem:s17+$0x184D0]  }
0x343: {  	v14 =	vld [tilespmem:s17+$0x184E0]  }
0x344: {  	v15 =	vld [tilespmem:s17+$0x184F0]  }
0x345: {  	v16 =	vld [tilespmem:s17+$0x18500]  }
0x346: {  	v17 =	vld [tilespmem:s17+$0x18510]  }
0x347: {  	v18 =	vld [tilespmem:s17+$0x18520]  }
0x348: {  	v19 =	vld [tilespmem:s17+$0x18530]  }
0x349: {  	v20 =	vld [tilespmem:s17+$0x18540]  }
0x34a: {  	v21 =	vld [tilespmem:s17+$0x18550]  }
0x34b: {  	v22 =	vld [tilespmem:s17+$0x18560]  }
0x34c: {  	v23 =	vld [tilespmem:s17+$0x18570]  }
0x34d: {  	v24 =	vld [tilespmem:s17+$0x18580]  }
0x34e: {  	v25 =	vld [tilespmem:s17+$0x18590]  }
0x34f: {  	v26 =	vld [tilespmem:s17+$0x185A0]  }
0x350: {  	v27 =	vld [tilespmem:s17+$0x185B0]  }
0x351: {  	v28 =	vld [tilespmem:s17+$0x185C0]  }
0x352: {  	v29 =	vld [tilespmem:s17+$0x185D0]  }
0x353: {  	v30 =	vld [tilespmem:s17+$0x185E0]  }
0x354: {  	[tilespmem:s17+$0x45F0] =	vst.add.f32.msk $0xffff, v0  }
0x355: {  	[tilespmem:s17+$0x4400] =	vst.add.f32.msk $0xffff, v1  }
0x356: {  	[tilespmem:s17+$0x4410] =	vst.add.f32.msk $0xffff, v2  }
0x357: {  	[tilespmem:s17+$0x4420] =	vst.add.f32.msk $0xffff, v3  }
0x358: {  	[tilespmem:s17+$0x4430] =	vst.add.f32.msk $0xffff, v4  }
0x359: {  	[tilespmem:s17+$0x4440] =	vst.add.f32.msk $0xffff, v63  }
0x35a: {  	[tilespmem:s17+$0x4450] =	vst.add.f32.msk $0xffff, v5  }
0x35b: {  	[tilespmem:s17+$0x4460] =	vst.add.f32.msk $0xffff, v6  }
0x35c: {  	[tilespmem:s17+$0x4470] =	vst.add.f32.msk $0xffff, v7  }
0x35d: {  	[tilespmem:s17+$0x4480] =	vst.add.f32.msk $0xffff, v8  }
0x35e: {  	[tilespmem:s17+$0x4490] =	vst.add.f32.msk $0xffff, v9  }
0x35f: {  	[tilespmem:s17+$0x44A0] =	vst.add.f32.msk $0xffff, v10  }
0x360: {  	[tilespmem:s17+$0x44B0] =	vst.add.f32.msk $0xffff, v11  }
0x361: {  	[tilespmem:s17+$0x44C0] =	vst.add.f32.msk $0xffff, v12  }
0x362: {  	[tilespmem:s17+$0x44D0] =	vst.add.f32.msk $0xffff, v13  }
0x363: {  	[tilespmem:s17+$0x44E0] =	vst.add.f32.msk $0xffff, v14  }
0x364: {  	[tilespmem:s17+$0x44F0] =	vst.add.f32.msk $0xffff, v15  }
0x365: {  	[tilespmem:s17+$0x4500] =	vst.add.f32.msk $0xffff, v16  }
0x366: {  	[tilespmem:s17+$0x4510] =	vst.add.f32.msk $0xffff, v17  }
0x367: {  	[tilespmem:s17+$0x4520] =	vst.add.f32.msk $0xffff, v18  }
0x368: {  	[tilespmem:s17+$0x4530] =	vst.add.f32.msk $0xffff, v19  }
0x369: {  	[tilespmem:s17+$0x4540] =	vst.add.f32.msk $0xffff, v20  }
0x36a: {  	[tilespmem:s17+$0x4550] =	vst.add.f32.msk $0xffff, v21  }
0x36b: {  	[tilespmem:s17+$0x4560] =	vst.add.f32.msk $0xffff, v22  }
0x36c: {  	[tilespmem:s17+$0x4570] =	vst.add.f32.msk $0xffff, v23  }
0x36d: {  	[tilespmem:s17+$0x4580] =	vst.add.f32.msk $0xffff, v24  }
0x36e: {  	[tilespmem:s17+$0x4590] =	vst.add.f32.msk $0xffff, v25  }
0x36f: {  	[tilespmem:s17+$0x45A0] =	vst.add.f32.msk $0xffff, v26  }
0x370: {  	[tilespmem:s17+$0x45B0] =	vst.add.f32.msk $0xffff, v27  }
0x371: {  	[tilespmem:s17+$0x45C0] =	vst.add.f32.msk $0xffff, v28  }
0x372: {  	[tilespmem:s17+$0x45D0] =	vst.add.f32.msk $0xffff, v29  }
0x373: {  	s18 =	rddreg [dreg:$0xc];
	[tilespmem:s17+$0x45E0] =	vst.add.f32.msk $0xffff, v30;
	s17 =	simm.s32 $0x0  }
0x374: {  	[hbm4b:s18+s17] =	stream.linear.scatter [tilespmem:s23], [sflag:$0x6], $0x4000, $0x38;
	[tilespmem:$0x1D400] =	vst v63  }
0x375: {  	_ =	swait.ge [sflag:s26], $0x4000  }
0x376: {  	[sflag:s26] =	ssyncset.done $0x0  }
0x377: {  	[sflag:s26] =	ssyncadd.s32 $0xFFFFC000  }
0x378: {  	_ =	swait.ge [sflag:s0], $0x4000  }
0x379: {  	[sflag:s0] =	ssyncset.done $0x0  }
0x37a: {  	s17 =	simm.s32 $0x0;
	s18 =	simm.s32 $0x800;
	[sflag:s0] =	ssyncadd.s32 $0xFFFFC000  }
.LBB2_14:
0x37b: {  	p0 =	sne.s32 s18, $0xF800;
	v0 =	vld [tilespmem:s17+$0x105F0]  }
0x37c: {  	v1 =	vld [tilespmem:s17+$0x10400]  }
0x37d: {  	v2 =	vld [tilespmem:s17+$0x10410]  }
0x37e: {  	v3 =	vld [tilespmem:s17+$0x10420]  }
0x37f: {  	v4 =	vld [tilespmem:s17+$0x10430]  }
0x380: {  	[tilespmem:s17+$0x85F0] =	vst.add.f32.msk $0xffff, v0  }
0x381: {  	v0 =	vld [tilespmem:s17+$0x10440]  }
0x382: {  	v5 =	vld [tilespmem:s17+$0x10450]  }
0x383: {  	v6 =	vld [tilespmem:s17+$0x10460]  }
0x384: {  	v7 =	vld [tilespmem:s17+$0x10470]  }
0x385: {  	v8 =	vld [tilespmem:s17+$0x10480]  }
0x386: {  	v9 =	vld [tilespmem:s17+$0x10490]  }
0x387: {  	v10 =	vld [tilespmem:s17+$0x104A0]  }
0x388: {  	v11 =	vld [tilespmem:s17+$0x104B0]  }
0x389: {  	v12 =	vld [tilespmem:s17+$0x104C0]  }
0x38a: {  	v13 =	vld [tilespmem:s17+$0x104D0]  }
0x38b: {  	v14 =	vld [tilespmem:s17+$0x104E0]  }
0x38c: {  	v15 =	vld [tilespmem:s17+$0x104F0]  }
0x38d: {  	v16 =	vld [tilespmem:s17+$0x10500]  }
0x38e: {  	v17 =	vld [tilespmem:s17+$0x10510]  }
0x38f: {  	v18 =	vld [tilespmem:s17+$0x10520]  }
0x390: {  	v19 =	vld [tilespmem:s17+$0x10530]  }
0x391: {  	v20 =	vld [tilespmem:s17+$0x10540]  }
0x392: {  	v21 =	vld [tilespmem:s17+$0x10550]  }
0x393: {  	v22 =	vld [tilespmem:s17+$0x10560]  }
0x394: {  	v23 =	vld [tilespmem:s17+$0x10570]  }
0x395: {  	v24 =	vld [tilespmem:s17+$0x10580]  }
0x396: {  	v25 =	vld [tilespmem:s17+$0x10590]  }
0x397: {  	v26 =	vld [tilespmem:s17+$0x105A0]  }
0x398: {  	v27 =	vld [tilespmem:s17+$0x105B0]  }
0x399: {  	v28 =	vld [tilespmem:s17+$0x105C0]  }
0x39a: {  	v29 =	vld [tilespmem:s17+$0x105D0]  }
0x39b: {  	v30 =	vld [tilespmem:s17+$0x105E0]  }
0x39c: {  	[tilespmem:s17+$0x8400] =	vst.add.f32.msk $0xffff, v1  }
0x39d: {  	[tilespmem:s17+$0x8410] =	vst.add.f32.msk $0xffff, v2  }
0x39e: {  	[tilespmem:s17+$0x8420] =	vst.add.f32.msk $0xffff, v3  }
0x39f: {  	[tilespmem:s17+$0x8430] =	vst.add.f32.msk $0xffff, v4  }
0x3a0: {  	[tilespmem:s17+$0x8440] =	vst.add.f32.msk $0xffff, v0  }
0x3a1: {  	[tilespmem:s17+$0x8450] =	vst.add.f32.msk $0xffff, v5  }
0x3a2: {  	[tilespmem:s17+$0x8460] =	vst.add.f32.msk $0xffff, v6  }
0x3a3: {  	[tilespmem:s17+$0x8470] =	vst.add.f32.msk $0xffff, v7  }
0x3a4: {  	[tilespmem:s17+$0x8480] =	vst.add.f32.msk $0xffff, v8  }
0x3a5: {  	[tilespmem:s17+$0x8490] =	vst.add.f32.msk $0xffff, v9  }
0x3a6: {  	[tilespmem:s17+$0x84A0] =	vst.add.f32.msk $0xffff, v10  }
0x3a7: {  	[tilespmem:s17+$0x84B0] =	vst.add.f32.msk $0xffff, v11  }
0x3a8: {  	[tilespmem:s17+$0x84C0] =	vst.add.f32.msk $0xffff, v12  }
0x3a9: {  	[tilespmem:s17+$0x84D0] =	vst.add.f32.msk $0xffff, v13  }
0x3aa: {  	[tilespmem:s17+$0x84E0] =	vst.add.f32.msk $0xffff, v14  }
0x3ab: {  	[tilespmem:s17+$0x84F0] =	vst.add.f32.msk $0xffff, v15  }
0x3ac: {  	[tilespmem:s17+$0x8500] =	vst.add.f32.msk $0xffff, v16  }
0x3ad: {  	[tilespmem:s17+$0x8510] =	vst.add.f32.msk $0xffff, v17  }
0x3ae: {  	[tilespmem:s17+$0x8520] =	vst.add.f32.msk $0xffff, v18  }
0x3af: {  	[tilespmem:s17+$0x8530] =	vst.add.f32.msk $0xffff, v19  }
0x3b0: {  	[tilespmem:s17+$0x8540] =	vst.add.f32.msk $0xffff, v20  }
0x3b1: {  	[tilespmem:s17+$0x8550] =	vst.add.f32.msk $0xffff, v21  }
0x3b2: {  	[tilespmem:s17+$0x8560] =	vst.add.f32.msk $0xffff, v22  }
0x3b3: {  	[tilespmem:s17+$0x8570] =	vst.add.f32.msk $0xffff, v23  }
0x3b4: {  	[tilespmem:s17+$0x8580] =	vst.add.f32.msk $0xffff, v24  }
0x3b5: {  	[tilespmem:s17+$0x8590] =	vst.add.f32.msk $0xffff, v25  }
.Ltmp6:
0x3b6: {  	[tilespmem:s17+$0x85A0] =	vst.add.f32.msk $0xffff, v26;
	(pc) =	sbr.rel @p0 .LBB2_14-.Ltmp6, $4  }
0x3b7: {  	[tilespmem:s17+$0x85B0] =	vst.add.f32.msk $0xffff, v27  }
0x3b8: {  	[tilespmem:s17+$0x85C0] =	vst.add.f32.msk $0xffff, v28  }
0x3b9: {  	[tilespmem:s17+$0x85D0] =	vst.add.f32.msk $0xffff, v29  }
0x3ba: {  	[tilespmem:s17+$0x85E0] =	vst.add.f32.msk $0xffff, v30;
	s17 =	sshra.s32 s18, $0x2;
	s18 =	sadd.s32 $0x800, s18  }
0x3bb: {  	v0 =	vld [tilespmem:s17+$0x105F0]  }
0x3bc: {  	v1 =	vld [tilespmem:s17+$0x10400]  }
0x3bd: {  	v2 =	vld [tilespmem:s17+$0x10410]  }
0x3be: {  	v3 =	vld [tilespmem:s17+$0x10420]  }
0x3bf: {  	v4 =	vld [tilespmem:s17+$0x10430]  }
0x3c0: {  	v63 =	vld [tilespmem:s17+$0x10440]  }
0x3c1: {  	v5 =	vld [tilespmem:s17+$0x10450]  }
0x3c2: {  	v6 =	vld [tilespmem:s17+$0x10460]  }
0x3c3: {  	v7 =	vld [tilespmem:s17+$0x10470]  }
0x3c4: {  	v8 =	vld [tilespmem:s17+$0x10480]  }
0x3c5: {  	v9 =	vld [tilespmem:s17+$0x10490]  }
0x3c6: {  	v10 =	vld [tilespmem:s17+$0x104A0]  }
0x3c7: {  	v11 =	vld [tilespmem:s17+$0x104B0]  }
0x3c8: {  	v12 =	vld [tilespmem:s17+$0x104C0]  }
0x3c9: {  	v13 =	vld [tilespmem:s17+$0x104D0]  }
0x3ca: {  	v14 =	vld [tilespmem:s17+$0x104E0]  }
0x3cb: {  	v15 =	vld [tilespmem:s17+$0x104F0]  }
0x3cc: {  	v16 =	vld [tilespmem:s17+$0x10500]  }
0x3cd: {  	v17 =	vld [tilespmem:s17+$0x10510]  }
0x3ce: {  	v18 =	vld [tilespmem:s17+$0x10520]  }
0x3cf: {  	v19 =	vld [tilespmem:s17+$0x10530]  }
0x3d0: {  	v20 =	vld [tilespmem:s17+$0x10540]  }
0x3d1: {  	v21 =	vld [tilespmem:s17+$0x10550]  }
0x3d2: {  	v22 =	vld [tilespmem:s17+$0x10560]  }
0x3d3: {  	v23 =	vld [tilespmem:s17+$0x10570]  }
0x3d4: {  	v24 =	vld [tilespmem:s17+$0x10580]  }
0x3d5: {  	v25 =	vld [tilespmem:s17+$0x10590]  }
0x3d6: {  	v26 =	vld [tilespmem:s17+$0x105A0]  }
0x3d7: {  	v27 =	vld [tilespmem:s17+$0x105B0]  }
0x3d8: {  	v28 =	vld [tilespmem:s17+$0x105C0]  }
0x3d9: {  	v29 =	vld [tilespmem:s17+$0x105D0]  }
0x3da: {  	v30 =	vld [tilespmem:s17+$0x105E0]  }
0x3db: {  	[tilespmem:s17+$0x85F0] =	vst.add.f32.msk $0xffff, v0  }
0x3dc: {  	[tilespmem:s17+$0x8400] =	vst.add.f32.msk $0xffff, v1  }
0x3dd: {  	[tilespmem:s17+$0x8410] =	vst.add.f32.msk $0xffff, v2  }
0x3de: {  	[tilespmem:s17+$0x8420] =	vst.add.f32.msk $0xffff, v3  }
0x3df: {  	[tilespmem:s17+$0x8430] =	vst.add.f32.msk $0xffff, v4  }
0x3e0: {  	[tilespmem:s17+$0x8440] =	vst.add.f32.msk $0xffff, v63  }
0x3e1: {  	[tilespmem:s17+$0x8450] =	vst.add.f32.msk $0xffff, v5  }
0x3e2: {  	[tilespmem:s17+$0x8460] =	vst.add.f32.msk $0xffff, v6  }
0x3e3: {  	[tilespmem:s17+$0x8470] =	vst.add.f32.msk $0xffff, v7  }
0x3e4: {  	[tilespmem:s17+$0x8480] =	vst.add.f32.msk $0xffff, v8  }
0x3e5: {  	[tilespmem:s17+$0x8490] =	vst.add.f32.msk $0xffff, v9  }
0x3e6: {  	[tilespmem:s17+$0x84A0] =	vst.add.f32.msk $0xffff, v10  }
0x3e7: {  	[tilespmem:s17+$0x84B0] =	vst.add.f32.msk $0xffff, v11  }
0x3e8: {  	[tilespmem:s17+$0x84C0] =	vst.add.f32.msk $0xffff, v12  }
0x3e9: {  	[tilespmem:s17+$0x84D0] =	vst.add.f32.msk $0xffff, v13  }
0x3ea: {  	[tilespmem:s17+$0x84E0] =	vst.add.f32.msk $0xffff, v14  }
0x3eb: {  	[tilespmem:s17+$0x84F0] =	vst.add.f32.msk $0xffff, v15  }
0x3ec: {  	[tilespmem:s17+$0x8500] =	vst.add.f32.msk $0xffff, v16  }
0x3ed: {  	[tilespmem:s17+$0x8510] =	vst.add.f32.msk $0xffff, v17  }
0x3ee: {  	[tilespmem:s17+$0x8520] =	vst.add.f32.msk $0xffff, v18  }
0x3ef: {  	[tilespmem:s17+$0x8530] =	vst.add.f32.msk $0xffff, v19  }
0x3f0: {  	[tilespmem:s17+$0x8540] =	vst.add.f32.msk $0xffff, v20  }
0x3f1: {  	[tilespmem:s17+$0x8550] =	vst.add.f32.msk $0xffff, v21  }
0x3f2: {  	[tilespmem:s17+$0x8560] =	vst.add.f32.msk $0xffff, v22  }
0x3f3: {  	[tilespmem:s17+$0x8570] =	vst.add.f32.msk $0xffff, v23  }
0x3f4: {  	[tilespmem:s17+$0x8580] =	vst.add.f32.msk $0xffff, v24  }
0x3f5: {  	[tilespmem:s17+$0x8590] =	vst.add.f32.msk $0xffff, v25  }
0x3f6: {  	[tilespmem:s17+$0x85A0] =	vst.add.f32.msk $0xffff, v26  }
0x3f7: {  	[tilespmem:s17+$0x85B0] =	vst.add.f32.msk $0xffff, v27  }
0x3f8: {  	[tilespmem:s17+$0x85C0] =	vst.add.f32.msk $0xffff, v28  }
0x3f9: {  	[tilespmem:s17+$0x85D0] =	vst.add.f32.msk $0xffff, v29  }
0x3fa: {  	s18 =	rddreg [dreg:$0xd];
	[tilespmem:s17+$0x85E0] =	vst.add.f32.msk $0xffff, v30;
	s17 =	simm.s32 $0x0  }
0x3fb: {  	[hbm4b:s18+s17] =	stream.linear.scatter [tilespmem:s28], [sflag:$0x7], $0x4000, $0x38;
	[tilespmem:$0x1D400] =	vst v63  }
0x3fc: {  	_ =	swait.ge [sflag:s13], $0x4000  }
0x3fd: {  	[sflag:s13] =	ssyncset.done $0x0  }
0x3fe: {  	[sflag:s13] =	ssyncadd.s32 $0xFFFFC000  }
0x3ff: {  	_ =	swait.ge [sflag:s6], $0x4000  }
0x400: {  	[sflag:s6] =	ssyncset.done $0x0  }
0x401: {  	s17 =	simm.s32 $0x0;
	s18 =	simm.s32 $0x800;
	[sflag:s6] =	ssyncadd.s32 $0xFFFFC000  }
.LBB2_16:
0x402: {  	p0 =	sne.s32 s18, $0xF800;
	v0 =	vld [tilespmem:s17+$0x145F0]  }
0x403: {  	v1 =	vld [tilespmem:s17+$0x14400]  }
0x404: {  	v2 =	vld [tilespmem:s17+$0x14410]  }
0x405: {  	v3 =	vld [tilespmem:s17+$0x14420]  }
0x406: {  	v4 =	vld [tilespmem:s17+$0x14430]  }
0x407: {  	[tilespmem:s17+$0xC5F0] =	vst.add.f32.msk $0xffff, v0  }
0x408: {  	v0 =	vld [tilespmem:s17+$0x14440]  }
0x409: {  	v5 =	vld [tilespmem:s17+$0x14450]  }
0x40a: {  	v6 =	vld [tilespmem:s17+$0x14460]  }
0x40b: {  	v7 =	vld [tilespmem:s17+$0x14470]  }
0x40c: {  	v8 =	vld [tilespmem:s17+$0x14480]  }
0x40d: {  	v9 =	vld [tilespmem:s17+$0x14490]  }
0x40e: {  	v10 =	vld [tilespmem:s17+$0x144A0]  }
0x40f: {  	v11 =	vld [tilespmem:s17+$0x144B0]  }
0x410: {  	v12 =	vld [tilespmem:s17+$0x144C0]  }
0x411: {  	v13 =	vld [tilespmem:s17+$0x144D0]  }
0x412: {  	v14 =	vld [tilespmem:s17+$0x144E0]  }
0x413: {  	v15 =	vld [tilespmem:s17+$0x144F0]  }
0x414: {  	v16 =	vld [tilespmem:s17+$0x14500]  }
0x415: {  	v17 =	vld [tilespmem:s17+$0x14510]  }
0x416: {  	v18 =	vld [tilespmem:s17+$0x14520]  }
0x417: {  	v19 =	vld [tilespmem:s17+$0x14530]  }
0x418: {  	v20 =	vld [tilespmem:s17+$0x14540]  }
0x419: {  	v21 =	vld [tilespmem:s17+$0x14550]  }
0x41a: {  	v22 =	vld [tilespmem:s17+$0x14560]  }
0x41b: {  	v23 =	vld [tilespmem:s17+$0x14570]  }
0x41c: {  	v24 =	vld [tilespmem:s17+$0x14580]  }
0x41d: {  	v25 =	vld [tilespmem:s17+$0x14590]  }
0x41e: {  	v26 =	vld [tilespmem:s17+$0x145A0]  }
0x41f: {  	v27 =	vld [tilespmem:s17+$0x145B0]  }
0x420: {  	v28 =	vld [tilespmem:s17+$0x145C0]  }
0x421: {  	v29 =	vld [tilespmem:s17+$0x145D0]  }
0x422: {  	v30 =	vld [tilespmem:s17+$0x145E0]  }
0x423: {  	[tilespmem:s17+$0xC400] =	vst.add.f32.msk $0xffff, v1  }
0x424: {  	[tilespmem:s17+$0xC410] =	vst.add.f32.msk $0xffff, v2  }
0x425: {  	[tilespmem:s17+$0xC420] =	vst.add.f32.msk $0xffff, v3  }
0x426: {  	[tilespmem:s17+$0xC430] =	vst.add.f32.msk $0xffff, v4  }
0x427: {  	[tilespmem:s17+$0xC440] =	vst.add.f32.msk $0xffff, v0  }
0x428: {  	[tilespmem:s17+$0xC450] =	vst.add.f32.msk $0xffff, v5  }
0x429: {  	[tilespmem:s17+$0xC460] =	vst.add.f32.msk $0xffff, v6  }
0x42a: {  	[tilespmem:s17+$0xC470] =	vst.add.f32.msk $0xffff, v7  }
0x42b: {  	[tilespmem:s17+$0xC480] =	vst.add.f32.msk $0xffff, v8  }
0x42c: {  	[tilespmem:s17+$0xC490] =	vst.add.f32.msk $0xffff, v9  }
0x42d: {  	[tilespmem:s17+$0xC4A0] =	vst.add.f32.msk $0xffff, v10  }
0x42e: {  	[tilespmem:s17+$0xC4B0] =	vst.add.f32.msk $0xffff, v11  }
0x42f: {  	[tilespmem:s17+$0xC4C0] =	vst.add.f32.msk $0xffff, v12  }
0x430: {  	[tilespmem:s17+$0xC4D0] =	vst.add.f32.msk $0xffff, v13  }
0x431: {  	[tilespmem:s17+$0xC4E0] =	vst.add.f32.msk $0xffff, v14  }
0x432: {  	[tilespmem:s17+$0xC4F0] =	vst.add.f32.msk $0xffff, v15  }
0x433: {  	[tilespmem:s17+$0xC500] =	vst.add.f32.msk $0xffff, v16  }
0x434: {  	[tilespmem:s17+$0xC510] =	vst.add.f32.msk $0xffff, v17  }
0x435: {  	[tilespmem:s17+$0xC520] =	vst.add.f32.msk $0xffff, v18  }
0x436: {  	[tilespmem:s17+$0xC530] =	vst.add.f32.msk $0xffff, v19  }
0x437: {  	[tilespmem:s17+$0xC540] =	vst.add.f32.msk $0xffff, v20  }
0x438: {  	[tilespmem:s17+$0xC550] =	vst.add.f32.msk $0xffff, v21  }
0x439: {  	[tilespmem:s17+$0xC560] =	vst.add.f32.msk $0xffff, v22  }
0x43a: {  	[tilespmem:s17+$0xC570] =	vst.add.f32.msk $0xffff, v23  }
0x43b: {  	[tilespmem:s17+$0xC580] =	vst.add.f32.msk $0xffff, v24  }
0x43c: {  	[tilespmem:s17+$0xC590] =	vst.add.f32.msk $0xffff, v25  }
.Ltmp7:
0x43d: {  	[tilespmem:s17+$0xC5A0] =	vst.add.f32.msk $0xffff, v26;
	(pc) =	sbr.rel @p0 .LBB2_16-.Ltmp7, $4  }
0x43e: {  	[tilespmem:s17+$0xC5B0] =	vst.add.f32.msk $0xffff, v27  }
0x43f: {  	[tilespmem:s17+$0xC5C0] =	vst.add.f32.msk $0xffff, v28  }
0x440: {  	[tilespmem:s17+$0xC5D0] =	vst.add.f32.msk $0xffff, v29  }
0x441: {  	[tilespmem:s17+$0xC5E0] =	vst.add.f32.msk $0xffff, v30;
	s17 =	sshra.s32 s18, $0x2;
	s18 =	sadd.s32 $0x800, s18  }
0x442: {  	v0 =	vld [tilespmem:s17+$0x145F0]  }
0x443: {  	v1 =	vld [tilespmem:s17+$0x14400]  }
0x444: {  	v2 =	vld [tilespmem:s17+$0x14410]  }
0x445: {  	v3 =	vld [tilespmem:s17+$0x14420]  }
0x446: {  	v4 =	vld [tilespmem:s17+$0x14430]  }
0x447: {  	v63 =	vld [tilespmem:s17+$0x14440]  }
0x448: {  	v5 =	vld [tilespmem:s17+$0x14450]  }
0x449: {  	v6 =	vld [tilespmem:s17+$0x14460]  }
0x44a: {  	v7 =	vld [tilespmem:s17+$0x14470]  }
0x44b: {  	v8 =	vld [tilespmem:s17+$0x14480]  }
0x44c: {  	v9 =	vld [tilespmem:s17+$0x14490]  }
0x44d: {  	v10 =	vld [tilespmem:s17+$0x144A0]  }
0x44e: {  	v11 =	vld [tilespmem:s17+$0x144B0]  }
0x44f: {  	v12 =	vld [tilespmem:s17+$0x144C0]  }
0x450: {  	v13 =	vld [tilespmem:s17+$0x144D0]  }
0x451: {  	v14 =	vld [tilespmem:s17+$0x144E0]  }
0x452: {  	v15 =	vld [tilespmem:s17+$0x144F0]  }
0x453: {  	v16 =	vld [tilespmem:s17+$0x14500]  }
0x454: {  	v17 =	vld [tilespmem:s17+$0x14510]  }
0x455: {  	v18 =	vld [tilespmem:s17+$0x14520]  }
0x456: {  	v19 =	vld [tilespmem:s17+$0x14530]  }
0x457: {  	v20 =	vld [tilespmem:s17+$0x14540]  }
0x458: {  	v21 =	vld [tilespmem:s17+$0x14550]  }
0x459: {  	v22 =	vld [tilespmem:s17+$0x14560]  }
0x45a: {  	v23 =	vld [tilespmem:s17+$0x14570]  }
0x45b: {  	v24 =	vld [tilespmem:s17+$0x14580]  }
0x45c: {  	v25 =	vld [tilespmem:s17+$0x14590]  }
0x45d: {  	v26 =	vld [tilespmem:s17+$0x145A0]  }
0x45e: {  	v27 =	vld [tilespmem:s17+$0x145B0]  }
0x45f: {  	v28 =	vld [tilespmem:s17+$0x145C0]  }
0x460: {  	v29 =	vld [tilespmem:s17+$0x145D0]  }
0x461: {  	v30 =	vld [tilespmem:s17+$0x145E0]  }
0x462: {  	[tilespmem:s17+$0xC5F0] =	vst.add.f32.msk $0xffff, v0  }
0x463: {  	[tilespmem:s17+$0xC400] =	vst.add.f32.msk $0xffff, v1  }
0x464: {  	[tilespmem:s17+$0xC410] =	vst.add.f32.msk $0xffff, v2  }
0x465: {  	[tilespmem:s17+$0xC420] =	vst.add.f32.msk $0xffff, v3  }
0x466: {  	[tilespmem:s17+$0xC430] =	vst.add.f32.msk $0xffff, v4  }
0x467: {  	[tilespmem:s17+$0xC440] =	vst.add.f32.msk $0xffff, v63  }
0x468: {  	[tilespmem:s17+$0xC450] =	vst.add.f32.msk $0xffff, v5  }
0x469: {  	[tilespmem:s17+$0xC460] =	vst.add.f32.msk $0xffff, v6  }
0x46a: {  	[tilespmem:s17+$0xC470] =	vst.add.f32.msk $0xffff, v7  }
0x46b: {  	[tilespmem:s17+$0xC480] =	vst.add.f32.msk $0xffff, v8  }
0x46c: {  	[tilespmem:s17+$0xC490] =	vst.add.f32.msk $0xffff, v9  }
0x46d: {  	[tilespmem:s17+$0xC4A0] =	vst.add.f32.msk $0xffff, v10  }
0x46e: {  	[tilespmem:s17+$0xC4B0] =	vst.add.f32.msk $0xffff, v11  }
0x46f: {  	[tilespmem:s17+$0xC4C0] =	vst.add.f32.msk $0xffff, v12  }
0x470: {  	[tilespmem:s17+$0xC4D0] =	vst.add.f32.msk $0xffff, v13  }
0x471: {  	[tilespmem:s17+$0xC4E0] =	vst.add.f32.msk $0xffff, v14  }
0x472: {  	[tilespmem:s17+$0xC4F0] =	vst.add.f32.msk $0xffff, v15  }
0x473: {  	[tilespmem:s17+$0xC500] =	vst.add.f32.msk $0xffff, v16  }
0x474: {  	[tilespmem:s17+$0xC510] =	vst.add.f32.msk $0xffff, v17  }
0x475: {  	[tilespmem:s17+$0xC520] =	vst.add.f32.msk $0xffff, v18  }
0x476: {  	[tilespmem:s17+$0xC530] =	vst.add.f32.msk $0xffff, v19  }
0x477: {  	[tilespmem:s17+$0xC540] =	vst.add.f32.msk $0xffff, v20  }
0x478: {  	[tilespmem:s17+$0xC550] =	vst.add.f32.msk $0xffff, v21  }
0x479: {  	[tilespmem:s17+$0xC560] =	vst.add.f32.msk $0xffff, v22  }
0x47a: {  	[tilespmem:s17+$0xC570] =	vst.add.f32.msk $0xffff, v23  }
0x47b: {  	[tilespmem:s17+$0xC580] =	vst.add.f32.msk $0xffff, v24  }
0x47c: {  	[tilespmem:s17+$0xC590] =	vst.add.f32.msk $0xffff, v25  }
0x47d: {  	[tilespmem:s17+$0xC5A0] =	vst.add.f32.msk $0xffff, v26  }
0x47e: {  	[tilespmem:s17+$0xC5B0] =	vst.add.f32.msk $0xffff, v27  }
0x47f: {  	[tilespmem:s17+$0xC5C0] =	vst.add.f32.msk $0xffff, v28  }
0x480: {  	[tilespmem:s17+$0xC5D0] =	vst.add.f32.msk $0xffff, v29  }
0x481: {  	s18 =	rddreg [dreg:$0xe];
	[tilespmem:s17+$0xC5E0] =	vst.add.f32.msk $0xffff, v30  }
0x482: {  	[hbm4b:s18+s4] =	stream.linear.scatter [tilespmem:s3], [sflag:$0x8], $0x4000, $0x38;
	[tilespmem:$0x1D400] =	vst v63  }
0x483: {  	_ =	swait.ge [sflag:s5], $0x4000  }
0x484: {  	[sflag:s5] =	ssyncset.done $0x0  }
0x485: {  	[sflag:s5] =	ssyncadd.s32 $0xFFFFC000  }
0x486: {  	_ =	swait.ge [sflag:s11], $0x4000  }
0x487: {  	[sflag:s11] =	ssyncset.done $0x0  }
0x488: {  	[sflag:s11] =	ssyncadd.s32 $0xFFFFC000  }
0x489: {  	_ =	swait.ge [sflag:s14], $0x4000  }
0x48a: {  	[sflag:s14] =	ssyncset.done $0x0  }
0x48b: {  	[sflag:s14] =	ssyncadd.s32 $0xFFFFC000  }
0x48c: {  	_ =	swait.ge [sflag:s15], $0x4000  }
0x48d: {  	s16 =	sadd.s32 $0x1, s16;
	s18 =	rddreg [dreg:$0xf]  }
0x48e: {  	p0 =	sne.s32 s16, s18  }
.Ltmp8:
0x48f: {  	_ = 	snop;
	(pc) =	sbr.rel @p0 .LBB2_1-.Ltmp8, $3  }
0x490: {  	_ =	sdelay $0x1  }
0x491: {  	[sflag:s15] =	ssyncset.done $0x0  }
0x492: {  	[sflag:s15] =	ssyncadd.s32 $0xFFFFC000  }
0x493: {  	_ =	sfence.sel $0x180000  }
0x494: {  	[bflag:$0x0] =	sbarrier.arrive $0xFFFF  }
0x495: {  	_ =	strace $0x90000047  }
0x496: {  	s0 =	stileid.u32;
	[bflag:$0x2] =	sbarrier.arrive $0xFFFF  }
0x497: {  	p0 =	sne.s32 s0, $0x0;
	s0 =	rddreg [dreg:$0x5]  }
0x498: {  	s0 =	sadd.s32 @!p0 $0x100000, s0  }
0x499: {  	[sflag:s0] =	ssyncadd.tile.s32 @!p0 $0x1;
	_ =	shalt  }
.Lfunc_end2:
_tile_overlayer_lowered:
.L_overlay_start_2:
0x49a: {  	(tag) =	ssettag $0x2  }
0x49b: {  	s0 =	rddreg [dreg:$0x0];
	s2 =	stileid.u32  }
0x49c: {  	s1 =	rddreg [dreg:$0x1];
	p0 =	sne.s32 s2, $0x0  }
0x49d: {  	s3 =	rddreg [dreg:$0x2];
	[bflag:$0x3] =	sbarrier.arrive $0xFFFF;
	s2 =	simm.s32 @!p0 $0x1C0C  }
0x49e: {  	[timem:s3], [sflag:s2] =	dma.local @!p0 [hbm:s0], s1  }
0x49f: {  	s0 =	simm.s32 @!p0 $0xC  }
0x4a0: {  	_ =	swait.ge @!p0 [sflag:s0], s1  }
0x4a1: {  	s1 =	ssub.s32 @!p0 $0x0, s1;
	[sflag:s0] =	ssyncset.done @!p0 $0x0  }
0x4a2: {  	[sflag:s0] =	ssyncadd.s32 @!p0 s1  }
0x4a3: {  	[bflag:$0x3] =	sbarrier.arrive $0xFFFF  }
0x4a4: {  	_ =	shalt  }

</sc_bundles>
